<compile_context>
chip_gen: v7x
topology: tpu7x:2x2x1
jax: 0.10.2.dev20260603
libtpu: 0.0.44.dev20260713+nightly
codegen_flags: <defaults>
</compile_context>

<pallas_src>
import functools

import jax
import jax.numpy as jnp
from jax import lax
from jax.experimental import pallas as pl
from jax.experimental.pallas import tpu as pltpu
from jax.experimental.pallas import tpu_sc as plsc

D = 512
T_TOK = 32768
N_SLOTS = 65536
APE_MASK = 127
NW = 32
SPW = N_SLOTS // NW
SEG = 2048
NSEG = T_TOK // SEG
C = 64
NCH = SPW // C


def _sc_scatter(kv, score, ape, positions, slot_mapping, out_ref):
    mesh = plsc.VectorSubcoreMesh(core_axis_name="c", subcore_axis_name="s")

    @functools.partial(
        pl.kernel,
        mesh=mesh,
        compiler_params=pltpu.CompilerParams(needs_layout_passes=False),
        scratch_types=[
            pltpu.VMEM((SEG,), jnp.int32),
            pltpu.VMEM((SEG,), jnp.int32),
            pltpu.VMEM((SEG + 16,), jnp.int32),
            pltpu.VMEM((SEG + 16,), jnp.int32),
            pltpu.VMEM((SEG + 16,), jnp.int32),
            pltpu.VMEM((SPW + 16,), jnp.int32),
            pltpu.VMEM((SPW + 16,), jnp.int32),
            pltpu.VMEM((SPW + 80,), jnp.int32),
            pltpu.VMEM((SPW + 80,), jnp.int32),
            pltpu.VMEM((SPW + 80,), jnp.int32),
            pltpu.VMEM((NCH, C), jnp.int32),
            pltpu.VMEM((C, 2 * D), jnp.float32),
            pltpu.VMEM((C, D), jnp.float32),
            pltpu.SemaphoreType.DMA,
            pltpu.SemaphoreType.DMA,
        ],
    )
    def body(kv_hbm, score_hbm, ape_hbm, pos_hbm, slot_hbm, out_hbm,
             slots_v, pos_v, hit_t, hit_sl, hit_r, win_t, win_r,
             cmp_t, cmp_r, cmp_s, idx_s, row_buf, ape_buf, gsem, ssem):
        wid = lax.axis_index("s") * 2 + lax.axis_index("c")
        base = wid * SPW
        iota = lax.iota(jnp.int32, 16)
        neg1 = jnp.full((16,), -1, jnp.int32)

        @pl.loop(0, SPW // 16)
        def _(j):
            win_t[pl.ds(j * 16, 16)] = neg1

        @pl.loop(0, NSEG)
        def _(s):
            off = s * SEG
            pltpu.sync_copy(slot_hbm.at[pl.ds(off, SEG)], slots_v)
            pltpu.sync_copy(pos_hbm.at[pl.ds(off, SEG)], pos_v)

            def scan_body(j, cur):
                sl = slots_v[pl.ds(j * 16, 16)]
                in_rng = (sl >= base) & (sl < base + SPW)
                tvec = iota + (off + j * 16)
                rvec = pos_v[pl.ds(j * 16, 16)] & APE_MASK
                pos = plsc.cumsum(in_rng.astype(jnp.int32))
                widx = jnp.where(in_rng, cur + pos - 1, SEG)
                plsc.store_scatter(hit_t, [widx], tvec)
                plsc.store_scatter(hit_sl, [widx], sl - base)
                plsc.store_scatter(hit_r, [widx], rvec)
                return cur + plsc.all_reduce_population_count(in_rng)[0]

            nhits = lax.fori_loop(0, SEG // 16, scan_body, jnp.int32(0))

            def dedup_body(jv, _):
                sv = hit_sl[pl.ds(jv * 16, 16)]
                tv = hit_t[pl.ds(jv * 16, 16)]
                rv = hit_r[pl.ds(jv * 16, 16)]
                nvalid = jnp.minimum(jnp.int32(16), nhits - jv * 16)
                keep = iota < nvalid
                for k in range(1, 16):
                    rot = sv.at[(iota + k) & 15].get(
                        mode="promise_in_bounds")
                    later = (iota + k) < nvalid
                    keep = keep & ~((rot == sv) & later)
                sidx = jnp.where(keep, sv, SPW)
                plsc.store_scatter(win_t, [sidx], tv)
                plsc.store_scatter(win_r, [sidx], rv)
                return 0

            lax.fori_loop(0, (nhits + 15) // 16, dedup_body, 0)

        DUMP = SPW + 64

        def cmp_body(j, cur):
            wt = win_t[pl.ds(j * 16, 16)]
            m = wt >= 0
            svec = iota + (base + j * 16)
            pos = plsc.cumsum(m.astype(jnp.int32))
            widx = jnp.where(m, cur + pos - 1, DUMP)
            plsc.store_scatter(cmp_t, [widx], wt)
            plsc.store_scatter(cmp_r, [widx], win_r[pl.ds(j * 16, 16)])
            plsc.store_scatter(cmp_s, [widx], svec)
            return cur + plsc.all_reduce_population_count(m)[0]

        n_win = lax.fori_loop(0, SPW // 16, cmp_body, jnp.int32(0))
        nch = (n_win + C - 1) // C
        npad = nch * C - n_win

        last_off = jnp.maximum(n_win - 1, 0)
        last_t = jnp.full((16,), cmp_t[pl.ds(last_off, 16)][0], jnp.int32)
        last_r = jnp.full((16,), cmp_r[pl.ds(last_off, 16)][0], jnp.int32)
        last_s = jnp.full((16,), cmp_s[pl.ds(last_off, 16)][0], jnp.int32)
        for jk in range(C // 16):
            m = (iota + jk * 16) < npad
            pidx = jnp.where(m, n_win + jk * 16 + iota, DUMP)
            plsc.store_scatter(cmp_t, [pidx], last_t)
            plsc.store_scatter(cmp_r, [pidx], last_r)
            plsc.store_scatter(cmp_s, [pidx], last_s)

        for j in range(SPW // 16):
            svec = cmp_s[pl.ds(j * 16, 16)]
            row, col = j // (C // 16), (j % (C // 16)) * 16
            idx_s[row, pl.ds(col, 16)] = svec

        def data_body(c, _):
            co = c * C
            g1 = pltpu.async_copy(kv_hbm.at[cmp_t.at[pl.ds(co, C)]],
                                  row_buf.at[:, pl.ds(0, D)], gsem)
            g2 = pltpu.async_copy(score_hbm.at[cmp_t.at[pl.ds(co, C)]],
                                  row_buf.at[:, pl.ds(D, D)], gsem)
            g3 = pltpu.async_copy(ape_hbm.at[cmp_r.at[pl.ds(co, C)]],
                                  ape_buf, gsem)
            g1.wait()
            g2.wait()
            g3.wait()

            def add_body(i, _):
                for v in range(D // 16):
                    row_buf[i, pl.ds(D + v * 16, 16)] = (
                        row_buf[i, pl.ds(D + v * 16, 16)]
                        + ape_buf[i, pl.ds(v * 16, 16)])
                return 0

            lax.fori_loop(0, C, add_body, 0)

            s1 = pltpu.async_copy(row_buf, out_hbm.at[idx_s.at[c]], ssem)
            s1.wait()
            return 0

        lax.fori_loop(0, nch, data_body, 0)

    body(kv, score, ape, positions, slot_mapping, out_ref)


def kernel(kv, score, ape, state_cache, positions, slot_mapping):
    flat = state_cache.reshape(N_SLOTS, 2 * D)
    ref = jax.new_ref(flat)
    _sc_scatter(kv, score, ape, positions.astype(jnp.int32),
                slot_mapping.astype(jnp.int32), ref)
    return ref[...].reshape(state_cache.shape)

# --- scband reference (transcript-rebuilt; emitter-appended) ---
"""Pipeline reference for scband-deepseek-compressor-51359218925904 (READ-ONLY COPY).

The authoritative reference and input builder live on the scoring server;
editing this copy changes nothing except your own understanding.
"""

import jax, jax.numpy as jnp
import numpy as np

COMPRESS_RATIO = 128
BLOCK_SIZE = 8
HEAD_DIM = 512
NUM_BLOCKS = 8192
T = 32768


def setup_inputs(seed: int = 0) -> dict:
    key = jax.random.key(seed)
    k1, k2, k3, k4, k5 = jax.random.split(key, 5)
    kv = jax.random.normal(k1, (T, HEAD_DIM), dtype=jnp.float32)
    score = jax.random.normal(k2, (T, HEAD_DIM), dtype=jnp.float32)
    ape = jax.random.normal(k3, (COMPRESS_RATIO, HEAD_DIM), dtype=jnp.float32)
    state_cache = jnp.zeros((NUM_BLOCKS, BLOCK_SIZE, 2 * HEAD_DIM), dtype=jnp.float32)
    positions = jax.random.randint(k4, (T,), 0, 8192, dtype=jnp.int64 if jax.config.read('jax_enable_x64') else jnp.int32)
    slot_mapping = jax.random.randint(k5, (T,), 0, NUM_BLOCKS * BLOCK_SIZE, dtype=jnp.int64 if jax.config.read('jax_enable_x64') else jnp.int32)
    return {"kv": kv, "score": score, "ape": ape, "state_cache": state_cache,
            "positions": positions, "slot_mapping": slot_mapping}


def reference(kv, score, ape, state_cache, positions, slot_mapping):
    # Faithful translation of _save_partial_states_kernel (DeepseekCompressor state save):
    # for each token t with slot s = slot_mapping[t] (skip if s < 0):
    #   block_idx = s // block_size; pos_in_block = s % block_size
    #   state_cache[block_idx, pos_in_block, :HEAD_DIM] = kv[t]
    #   state_cache[block_idx, pos_in_block, HEAD_DIM:] = score[t] + ape[positions[t] % COMPRESS_RATIO]
    D = kv.shape[1]
    valid = slot_mapping >= 0
    # route invalid slots out-of-bounds so scatter mode='drop' skips them
    big = jnp.asarray(NUM_BLOCKS * BLOCK_SIZE * 4, dtype=slot_mapping.dtype)
    slots = jnp.where(valid, slot_mapping, big)
    block_idx = slots // BLOCK_SIZE
    pos_in_block = slots % BLOCK_SIZE
    ape_rows = jnp.take(ape, positions % COMPRESS_RATIO, axis=0)
    second = score + ape_rows
    cache = state_cache.at[block_idx, pos_in_block, :D].set(kv, mode='drop')
    cache = cache.at[block_idx, pos_in_block, D:].set(second, mode='drop')
    return cache

if __name__ == "__main__":
    import jax
    _d = setup_inputs()
    print(jax.jit(kernel)(*tuple(_d.values())))

</pallas_src>

<mosaic_0001>
#map = affine_map<(d0, d1) -> (0, 0)>
#map1 = affine_map<(d0, d1) -> (0)>
module attributes {stable_mosaic.version = 14 : i64} {
  func.func @new_body(%arg0: i32, %arg1: i32, %arg2: memref<32768x512xf32, #tpu.memory_space<hbm>>, %arg3: memref<32768x512xf32, #tpu.memory_space<hbm>>, %arg4: memref<128x512xf32, #tpu.memory_space<hbm>>, %arg5: memref<32768xi32, #tpu.memory_space<hbm>>, %arg6: memref<32768xi32, #tpu.memory_space<hbm>>, %arg7: memref<65536x1024xf32, #tpu.memory_space<hbm>>, %arg8: memref<65536x1024xf32, #tpu.memory_space<hbm>>, %arg9: memref<2048xi32, #tpu.memory_space<vmem>>, %arg10: memref<2048xi32, #tpu.memory_space<vmem>>, %arg11: memref<2064xi32, #tpu.memory_space<vmem>>, %arg12: memref<2064xi32, #tpu.memory_space<vmem>>, %arg13: memref<2064xi32, #tpu.memory_space<vmem>>, %arg14: memref<2064xi32, #tpu.memory_space<vmem>>, %arg15: memref<2064xi32, #tpu.memory_space<vmem>>, %arg16: memref<2128xi32, #tpu.memory_space<vmem>>, %arg17: memref<2128xi32, #tpu.memory_space<vmem>>, %arg18: memref<2128xi32, #tpu.memory_space<vmem>>, %arg19: memref<32x64xi32, #tpu.memory_space<vmem>>, %arg20: memref<64x1024xf32, #tpu.memory_space<vmem>>, %arg21: memref<64x512xf32, #tpu.memory_space<vmem>>, %arg22: memref<!tpu.dma_semaphore, #tpu.memory_space<semaphore_mem>>, %arg23: memref<!tpu.dma_semaphore, #tpu.memory_space<semaphore_mem>>) attributes {dimension_semantics = [#tpu.dimension_semantics<core_parallel>, #tpu.dimension_semantics<subcore_parallel>], iteration_bounds = array<i64: 2, 16>, scalar_prefetch = 0 : i64, scratch_operands = 15 : i64, tpu.core_type = #tpu.core_type<sc_vector_subcore>, window_params = [{transform_indices = #map}, {transform_indices = #map}, {transform_indices = #map}, {transform_indices = #map1}, {transform_indices = #map1}, {transform_indices = #map}, {transform_indices = #map}]} {
    %mul3A = arith.constant 2 : i32
    %mul3A_0 = arith.muli %arg1, %mul3A : i32
    %add3A = arith.addi %mul3A_0, %arg0 : i32
    %mul3A_1 = arith.constant 2048 : i32
    %mul3A_2 = arith.muli %add3A, %mul3A_1 : i32
    %iota3A = tpu.iota {dimensions = array<i32: 0>} : vector<16xi32>
    %broadcast_in_dim3A = arith.constant -1 : i32
    %broadcast_in_dim3A_3 = vector.broadcast %broadcast_in_dim3A : i32 to vector<16xi32>
    %scan3A = arith.constant 0 : i32
    %scan3A_4 = arith.constant 128 : i32
    %scan3A_5 = arith.addi %scan3A, %scan3A_4 : i32
    %scan3A_6 = arith.constant 1 : i32
    scf.for %scan3A_883 = %scan3A to %scan3A_5 step %scan3A_6  : i32 {
      %mul3A_884 = arith.constant 1 : i32
      %mul3A_885 = arith.muli %scan3A_883, %mul3A_884 : i32
      %add3A_886 = arith.constant 0 : i32
      %add3A_887 = arith.addi %add3A_886, %mul3A_885 : i32
      %mul3A_888 = arith.constant 16 : i32
      %mul3A_889 = arith.muli %add3A_887, %mul3A_888 : i32
      %swap3A_890 = arith.index_cast %mul3A_889 : i32 to index
      %swap3A_891 = tpu.vector_load %arg14[%swap3A_890] {strides = array<i32>} : memref<2064xi32, #tpu.memory_space<vmem>>, vector<16xi32>,
      tpu.vector_store %arg14[%swap3A_890], %broadcast_in_dim3A_3 {strides = array<i32>} : memref<2064xi32, #tpu.memory_space<vmem>>, vector<16xi32>,
    }
    %scan3A_7 = arith.constant 128 : i32
    %scan3A_8 = arith.constant 0 : i32
    %scan3A_9 = arith.constant 16 : i32
    %scan3A_10 = arith.addi %scan3A_8, %scan3A_9 : i32
    %scan3A_11 = arith.constant 1 : i32
    scf.for %scan3A_883 = %scan3A_8 to %scan3A_10 step %scan3A_11  : i32 {
      %mul3A_884 = arith.constant 1 : i32
      %mul3A_885 = arith.muli %scan3A_883, %mul3A_884 : i32
      %add3A_886 = arith.constant 0 : i32
      %add3A_887 = arith.addi %add3A_886, %mul3A_885 : i32
      %mul3A_888 = arith.constant 2048 : i32
      %mul3A_889 = arith.muli %add3A_887, %mul3A_888 : i32
      "tpu.region"() ({
        %run_scoped3A = tpu.sem_alloc : memref<!tpu.dma_semaphore, #tpu.memory_space<semaphore_mem>>
        %dma_start3A = tpu.memref_slice %arg6[%mul3A_889] : memref<32768xi32, #tpu.memory_space<hbm>> -> memref<2048xi32, #tpu.memory_space<hbm>>
        %dma_start3A_935 = tpu.memref_slice %arg6[%mul3A_889] : memref<32768xi32, #tpu.memory_space<hbm>> -> memref<2048xi32, #tpu.memory_space<hbm>>
        tpu.enqueue_dma source(%dma_start3A_935 : memref<2048xi32, #tpu.memory_space<hbm>>) target(%arg9 : memref<2048xi32, #tpu.memory_space<vmem>>) target_semaphore(%run_scoped3A : memref<!tpu.dma_semaphore, #tpu.memory_space<semaphore_mem>>)
        %dma_wait3A = tpu.memref_slice %arg6[%mul3A_889] : memref<32768xi32, #tpu.memory_space<hbm>> -> memref<2048xi32, #tpu.memory_space<hbm>>
        %dma_wait3A_936 = tpu.memref_slice %arg6[%mul3A_889] : memref<32768xi32, #tpu.memory_space<hbm>> -> memref<2048xi32, #tpu.memory_space<hbm>>
        tpu.wait_dma2 semaphore(%run_scoped3A : memref<!tpu.dma_semaphore, #tpu.memory_space<semaphore_mem>>) src(%dma_wait3A_936 : memref<2048xi32, #tpu.memory_space<hbm>>) dst(%arg9 : memref<2048xi32, #tpu.memory_space<vmem>>)
        tpu.yield
      }) : () -> ()
      "tpu.region"() ({
        %run_scoped3A = tpu.sem_alloc : memref<!tpu.dma_semaphore, #tpu.memory_space<semaphore_mem>>
        %dma_start3A = tpu.memref_slice %arg5[%mul3A_889] : memref<32768xi32, #tpu.memory_space<hbm>> -> memref<2048xi32, #tpu.memory_space<hbm>>
        %dma_start3A_935 = tpu.memref_slice %arg5[%mul3A_889] : memref<32768xi32, #tpu.memory_space<hbm>> -> memref<2048xi32, #tpu.memory_space<hbm>>
        tpu.enqueue_dma source(%dma_start3A_935 : memref<2048xi32, #tpu.memory_space<hbm>>) target(%arg10 : memref<2048xi32, #tpu.memory_space<vmem>>) target_semaphore(%run_scoped3A : memref<!tpu.dma_semaphore, #tpu.memory_space<semaphore_mem>>)
        %dma_wait3A = tpu.memref_slice %arg5[%mul3A_889] : memref<32768xi32, #tpu.memory_space<hbm>> -> memref<2048xi32, #tpu.memory_space<hbm>>
        %dma_wait3A_936 = tpu.memref_slice %arg5[%mul3A_889] : memref<32768xi32, #tpu.memory_space<hbm>> -> memref<2048xi32, #tpu.memory_space<hbm>>
        tpu.wait_dma2 semaphore(%run_scoped3A : memref<!tpu.dma_semaphore, #tpu.memory_space<semaphore_mem>>) src(%dma_wait3A_936 : memref<2048xi32, #tpu.memory_space<hbm>>) dst(%arg10 : memref<2048xi32, #tpu.memory_space<vmem>>)
        tpu.yield
      }) : () -> ()
      %scan3A_890 = arith.constant 0 : i32
      %scan3A_891 = arith.constant 0 : i32
      %scan3A_892 = arith.constant 128 : i32
      %scan3A_893 = arith.addi %scan3A_891, %scan3A_892 : i32
      %scan3A_894 = arith.constant 1 : i32
      %scan3A_895 = scf.for %scan3A_935 = %scan3A_891 to %scan3A_893 step %scan3A_894 iter_args(%scan3A_936 = %scan3A_890) -> (i32)  : i32 {
        %mul3A_937 = arith.constant 16 : i32
        %mul3A_938 = arith.muli %scan3A_935, %mul3A_937 : i32
        %get3A_939 = arith.index_cast %mul3A_938 : i32 to index
        %get3A_940 = tpu.vector_load %arg9[%get3A_939] {strides = array<i32>} : memref<2048xi32, #tpu.memory_space<vmem>>, vector<16xi32>,
        %ge3A = vector.broadcast %mul3A_2 : i32 to vector<16xi32>
        %ge3A_941 = arith.cmpi sge, %get3A_940, %ge3A : vector<16xi32>
        %add3A_942 = arith.constant 2048 : i32
        %add3A_943 = arith.addi %mul3A_2, %add3A_942 : i32
        %lt3A_944 = vector.broadcast %add3A_943 : i32 to vector<16xi32>
        %lt3A_945 = arith.cmpi slt, %get3A_940, %lt3A_944 : vector<16xi32>
        %and3A_946 = arith.andi %ge3A_941, %lt3A_945 : vector<16xi1>
        %mul3A_947 = arith.constant 16 : i32
        %mul3A_948 = arith.muli %scan3A_935, %mul3A_947 : i32
        %add3A_949 = arith.addi %mul3A_889, %mul3A_948 : i32
        %add3A_950 = vector.broadcast %add3A_949 : i32 to vector<16xi32>
        %add3A_951 = arith.addi %iota3A, %add3A_950 : vector<16xi32>
        %mul3A_952 = arith.constant 16 : i32
        %mul3A_953 = arith.muli %scan3A_935, %mul3A_952 : i32
        %get3A_954 = arith.index_cast %mul3A_953 : i32 to index
        %get3A_955 = tpu.vector_load %arg10[%get3A_954] {strides = array<i32>} : memref<2048xi32, #tpu.memory_space<vmem>>, vector<16xi32>,
        %and3A_956 = arith.constant 127 : i32
        %and3A_957 = vector.broadcast %and3A_956 : i32 to vector<16xi32>
        %and3A_958 = arith.andi %get3A_955, %and3A_957 : vector<16xi32>
        %convert_element_type3A = arith.extui %and3A_946 : vector<16xi1> to vector<16xi32>
        %broadcast_in_dim3A_959 = arith.constant true
        %broadcast_in_dim3A_960 = vector.broadcast %broadcast_in_dim3A_959 : i1 to vector<16xi1>
        %masked_cumsum3A = tpu.scan <sum>, %convert_element_type3A masked %broadcast_in_dim3A_960 : vector<16xi32>, vector<16xi1> -> vector<16xi32>
        %add3A_961 = vector.broadcast %scan3A_936 : i32 to vector<16xi32>
        %add3A_962 = arith.addi %add3A_961, %masked_cumsum3A : vector<16xi32>
        %sub3A_963 = arith.constant 1 : i32
        %sub3A_964 = vector.broadcast %sub3A_963 : i32 to vector<16xi32>
        %sub3A_965 = arith.subi %add3A_962, %sub3A_964 : vector<16xi32>
        %jit3A_966 = arith.constant 2048 : i32
        %broadcast_in_dim3A_967 = vector.broadcast %jit3A_966 : i32 to vector<16xi32>
        %select_n3A_968 = arith.select %and3A_946, %sub3A_965, %broadcast_in_dim3A_967 : vector<16xi1>, vector<16xi32>
        tpu.vector_store_idx %arg11[%select_n3A_968], %add3A_951 : memref<2064xi32, #tpu.memory_space<vmem>>[vector<16xi32>], vector<16xi32>,
        %sub3A_969 = vector.broadcast %mul3A_2 : i32 to vector<16xi32>
        %sub3A_970 = arith.subi %get3A_940, %sub3A_969 : vector<16xi32>
        tpu.vector_store_idx %arg12[%select_n3A_968], %sub3A_970 : memref<2064xi32, #tpu.memory_space<vmem>>[vector<16xi32>], vector<16xi32>,
        tpu.vector_store_idx %arg13[%select_n3A_968], %and3A_958 : memref<2064xi32, #tpu.memory_space<vmem>>[vector<16xi32>], vector<16xi32>,
        %all_reduce_population_count3A = tpu.all_reduce %and3A_946 {dim = 0 : i64, kind = #tpu.reduction_kind<sum>} : vector<16xi1> -> vector<16xi32>
        %slice3A_971 = vector.extract_strided_slice %all_reduce_population_count3A {offsets = [0], sizes = [1], strides = [1]} : vector<16xi32> to vector<1xi32>
        %squeeze3A_972 = vector.extract %slice3A_971[0] : i32 from vector<1xi32>
        %add3A_973 = arith.addi %scan3A_936, %squeeze3A_972 : i32
        scf.yield %add3A_973 : i32
      }
      %scan3A_896 = arith.constant 128 : i32
      %add3A_897 = arith.constant 15 : i32
      %add3A_898 = arith.addi %scan3A_895, %add3A_897 : i32
      %jit3A_899 = arith.constant 16 : i32
      %div3A_900 = arith.divsi %add3A_898, %jit3A_899 : i32
      %sign3A_901 = arith.constant 0 : i32
      %sign3A_902 = arith.cmpi sgt, %add3A_898, %sign3A_901 : i32
      %sign3A_903 = arith.extui %sign3A_902 : i1 to i32
      %sign3A_904 = arith.constant 0 : i32
      %sign3A_905 = arith.cmpi slt, %add3A_898, %sign3A_904 : i32
      %sign3A_906 = arith.extui %sign3A_905 : i1 to i32
      %sign3A_907 = arith.subi %sign3A_903, %sign3A_906 : i32
      %sign3A_908 = arith.constant 0 : i32
      %sign3A_909 = arith.cmpi sgt, %jit3A_899, %sign3A_908 : i32
      %sign3A_910 = arith.extui %sign3A_909 : i1 to i32
      %sign3A_911 = arith.constant 0 : i32
      %sign3A_912 = arith.cmpi slt, %jit3A_899, %sign3A_911 : i32
      %sign3A_913 = arith.extui %sign3A_912 : i1 to i32
      %sign3A_914 = arith.subi %sign3A_910, %sign3A_913 : i32
      %ne3A_915 = arith.cmpi ne, %sign3A_907, %sign3A_914 : i32
      %rem3A_916 = arith.remsi %add3A_898, %jit3A_899 : i32
      %ne3A_917 = arith.constant 0 : i32
      %ne3A_918 = arith.cmpi ne, %rem3A_916, %ne3A_917 : i32
      %and3A_919 = arith.andi %ne3A_915, %ne3A_918 : i1
      %sub3A_920 = arith.constant 1 : i32
      %sub3A_921 = arith.subi %div3A_900, %sub3A_920 : i32
      %select_n3A_922 = arith.select %and3A_919, %sub3A_921, %div3A_900 : i32
      %while3A_923 = arith.constant 0 : i32
      %while3A_924 = arith.constant 0 : i32
      %while3A_925 = arith.subi %select_n3A_922, %while3A_923 : i32
      %while3A_926 = arith.addi %while3A_923, %while3A_925 : i32
      %while3A_927 = arith.constant 1 : i32
      %while3A_928 = arith.divsi %while3A_925, %while3A_927 : i32
      %while3A_929 = arith.muli %while3A_928, %while3A_927 : i32
      %while3A_930 = arith.addi %while3A_923, %while3A_929 : i32
      %while3A_931 = arith.constant 1 : i32
      %while3A_932 = scf.for %while3A_935 = %while3A_923 to %while3A_930 step %while3A_931 iter_args(%while3A_936 = %while3A_924) -> (i32)  : i32 {
        %mul3A_937 = arith.constant 16 : i32
        %mul3A_938 = arith.muli %while3A_935, %mul3A_937 : i32
        %get3A_939 = arith.index_cast %mul3A_938 : i32 to index
        %get3A_940 = tpu.vector_load %arg12[%get3A_939] {strides = array<i32>} : memref<2064xi32, #tpu.memory_space<vmem>>, vector<16xi32>,
        %mul3A_941 = arith.constant 16 : i32
        %mul3A_942 = arith.muli %while3A_935, %mul3A_941 : i32
        %get3A_943 = arith.index_cast %mul3A_942 : i32 to index
        %get3A_944 = tpu.vector_load %arg11[%get3A_943] {strides = array<i32>} : memref<2064xi32, #tpu.memory_space<vmem>>, vector<16xi32>,
        %mul3A_945 = arith.constant 16 : i32
        %mul3A_946 = arith.muli %while3A_935, %mul3A_945 : i32
        %get3A_947 = arith.index_cast %mul3A_946 : i32 to index
        %get3A_948 = tpu.vector_load %arg13[%get3A_947] {strides = array<i32>} : memref<2064xi32, #tpu.memory_space<vmem>>, vector<16xi32>,
        %mul3A_949 = arith.constant 16 : i32
        %mul3A_950 = arith.muli %while3A_935, %mul3A_949 : i32
        %sub3A_951 = arith.subi %scan3A_895, %mul3A_950 : i32
        %min3A = arith.constant 16 : i32
        %min3A_952 = arith.minsi %min3A, %sub3A_951 : i32
        %lt3A_953 = vector.broadcast %min3A_952 : i32 to vector<16xi32>
        %lt3A_954 = arith.cmpi slt, %iota3A, %lt3A_953 : vector<16xi32>
        %add3A_955 = arith.constant 1 : i32
        %add3A_956 = vector.broadcast %add3A_955 : i32 to vector<16xi32>
        %add3A_957 = arith.addi %iota3A, %add3A_956 : vector<16xi32>
        %and3A_958 = arith.constant 15 : i32
        %and3A_959 = vector.broadcast %and3A_958 : i32 to vector<16xi32>
        %and3A_960 = arith.andi %add3A_957, %and3A_959 : vector<16xi32>
        %lt3A_961 = arith.constant 0 : i32
        %lt3A_962 = vector.broadcast %lt3A_961 : i32 to vector<16xi32>
        %lt3A_963 = arith.cmpi slt, %and3A_960, %lt3A_962 : vector<16xi32>
        %add3A_964 = arith.constant 16 : i32
        %add3A_965 = vector.broadcast %add3A_964 : i32 to vector<16xi32>
        %add3A_966 = arith.addi %and3A_960, %add3A_965 : vector<16xi32>
        %select_n3A_967 = arith.select %lt3A_963, %add3A_966, %and3A_960 : vector<16xi1>, vector<16xi32>
        %broadcast_in_dim3A_968 = vector.shape_cast %select_n3A_967 : vector<16xi32> to vector<16x1xi32>
        %gather3A = vector.shape_cast %broadcast_in_dim3A_968 : vector<16x1xi32> to vector<16xi32>
        %gather3A_969 = tpu.dynamic_gather %get3A_940[%gather3A] in [0] : vector<16xi32>, vector<16xi32> -> vector<16xi32>
        %add3A_970 = arith.constant 1 : i32
        %add3A_971 = vector.broadcast %add3A_970 : i32 to vector<16xi32>
        %add3A_972 = arith.addi %iota3A, %add3A_971 : vector<16xi32>
        %lt3A_973 = vector.broadcast %min3A_952 : i32 to vector<16xi32>
        %lt3A_974 = arith.cmpi slt, %add3A_972, %lt3A_973 : vector<16xi32>
        %eq3A = arith.cmpi eq, %gather3A_969, %get3A_940 : vector<16xi32>
        %and3A_975 = arith.andi %eq3A, %lt3A_974 : vector<16xi1>
        %not3A = arith.constant dense<true> : vector<16xi1>
        %not3A_976 = arith.xori %and3A_975, %not3A : vector<16xi1>
        %and3A_977 = arith.andi %lt3A_954, %not3A_976 : vector<16xi1>
        %add3A_978 = arith.constant 2 : i32
        %add3A_979 = vector.broadcast %add3A_978 : i32 to vector<16xi32>
        %add3A_980 = arith.addi %iota3A, %add3A_979 : vector<16xi32>
        %and3A_981 = arith.constant 15 : i32
        %and3A_982 = vector.broadcast %and3A_981 : i32 to vector<16xi32>
        %and3A_983 = arith.andi %add3A_980, %and3A_982 : vector<16xi32>
        %lt3A_984 = arith.constant 0 : i32
        %lt3A_985 = vector.broadcast %lt3A_984 : i32 to vector<16xi32>
        %lt3A_986 = arith.cmpi slt, %and3A_983, %lt3A_985 : vector<16xi32>
        %add3A_987 = arith.constant 16 : i32
        %add3A_988 = vector.broadcast %add3A_987 : i32 to vector<16xi32>
        %add3A_989 = arith.addi %and3A_983, %add3A_988 : vector<16xi32>
        %select_n3A_990 = arith.select %lt3A_986, %add3A_989, %and3A_983 : vector<16xi1>, vector<16xi32>
        %broadcast_in_dim3A_991 = vector.shape_cast %select_n3A_990 : vector<16xi32> to vector<16x1xi32>
        %gather3A_992 = vector.shape_cast %broadcast_in_dim3A_991 : vector<16x1xi32> to vector<16xi32>
        %gather3A_993 = tpu.dynamic_gather %get3A_940[%gather3A_992] in [0] : vector<16xi32>, vector<16xi32> -> vector<16xi32>
        %add3A_994 = arith.constant 2 : i32
        %add3A_995 = vector.broadcast %add3A_994 : i32 to vector<16xi32>
        %add3A_996 = arith.addi %iota3A, %add3A_995 : vector<16xi32>
        %lt3A_997 = vector.broadcast %min3A_952 : i32 to vector<16xi32>
        %lt3A_998 = arith.cmpi slt, %add3A_996, %lt3A_997 : vector<16xi32>
        %eq3A_999 = arith.cmpi eq, %gather3A_993, %get3A_940 : vector<16xi32>
        %and3A_1000 = arith.andi %eq3A_999, %lt3A_998 : vector<16xi1>
        %not3A_1001 = arith.constant dense<true> : vector<16xi1>
        %not3A_1002 = arith.xori %and3A_1000, %not3A_1001 : vector<16xi1>
        %and3A_1003 = arith.andi %and3A_977, %not3A_1002 : vector<16xi1>
        %add3A_1004 = arith.constant 3 : i32
        %add3A_1005 = vector.broadcast %add3A_1004 : i32 to vector<16xi32>
        %add3A_1006 = arith.addi %iota3A, %add3A_1005 : vector<16xi32>
        %and3A_1007 = arith.constant 15 : i32
        %and3A_1008 = vector.broadcast %and3A_1007 : i32 to vector<16xi32>
        %and3A_1009 = arith.andi %add3A_1006, %and3A_1008 : vector<16xi32>
        %lt3A_1010 = arith.constant 0 : i32
        %lt3A_1011 = vector.broadcast %lt3A_1010 : i32 to vector<16xi32>
        %lt3A_1012 = arith.cmpi slt, %and3A_1009, %lt3A_1011 : vector<16xi32>
        %add3A_1013 = arith.constant 16 : i32
        %add3A_1014 = vector.broadcast %add3A_1013 : i32 to vector<16xi32>
        %add3A_1015 = arith.addi %and3A_1009, %add3A_1014 : vector<16xi32>
        %select_n3A_1016 = arith.select %lt3A_1012, %add3A_1015, %and3A_1009 : vector<16xi1>, vector<16xi32>
        %broadcast_in_dim3A_1017 = vector.shape_cast %select_n3A_1016 : vector<16xi32> to vector<16x1xi32>
        %gather3A_1018 = vector.shape_cast %broadcast_in_dim3A_1017 : vector<16x1xi32> to vector<16xi32>
        %gather3A_1019 = tpu.dynamic_gather %get3A_940[%gather3A_1018] in [0] : vector<16xi32>, vector<16xi32> -> vector<16xi32>
        %add3A_1020 = arith.constant 3 : i32
        %add3A_1021 = vector.broadcast %add3A_1020 : i32 to vector<16xi32>
        %add3A_1022 = arith.addi %iota3A, %add3A_1021 : vector<16xi32>
        %lt3A_1023 = vector.broadcast %min3A_952 : i32 to vector<16xi32>
        %lt3A_1024 = arith.cmpi slt, %add3A_1022, %lt3A_1023 : vector<16xi32>
        %eq3A_1025 = arith.cmpi eq, %gather3A_1019, %get3A_940 : vector<16xi32>
        %and3A_1026 = arith.andi %eq3A_1025, %lt3A_1024 : vector<16xi1>
        %not3A_1027 = arith.constant dense<true> : vector<16xi1>
        %not3A_1028 = arith.xori %and3A_1026, %not3A_1027 : vector<16xi1>
        %and3A_1029 = arith.andi %and3A_1003, %not3A_1028 : vector<16xi1>
        %add3A_1030 = arith.constant 4 : i32
        %add3A_1031 = vector.broadcast %add3A_1030 : i32 to vector<16xi32>
        %add3A_1032 = arith.addi %iota3A, %add3A_1031 : vector<16xi32>
        %and3A_1033 = arith.constant 15 : i32
        %and3A_1034 = vector.broadcast %and3A_1033 : i32 to vector<16xi32>
        %and3A_1035 = arith.andi %add3A_1032, %and3A_1034 : vector<16xi32>
        %lt3A_1036 = arith.constant 0 : i32
        %lt3A_1037 = vector.broadcast %lt3A_1036 : i32 to vector<16xi32>
        %lt3A_1038 = arith.cmpi slt, %and3A_1035, %lt3A_1037 : vector<16xi32>
        %add3A_1039 = arith.constant 16 : i32
        %add3A_1040 = vector.broadcast %add3A_1039 : i32 to vector<16xi32>
        %add3A_1041 = arith.addi %and3A_1035, %add3A_1040 : vector<16xi32>
        %select_n3A_1042 = arith.select %lt3A_1038, %add3A_1041, %and3A_1035 : vector<16xi1>, vector<16xi32>
        %broadcast_in_dim3A_1043 = vector.shape_cast %select_n3A_1042 : vector<16xi32> to vector<16x1xi32>
        %gather3A_1044 = vector.shape_cast %broadcast_in_dim3A_1043 : vector<16x1xi32> to vector<16xi32>
        %gather3A_1045 = tpu.dynamic_gather %get3A_940[%gather3A_1044] in [0] : vector<16xi32>, vector<16xi32> -> vector<16xi32>
        %add3A_1046 = arith.constant 4 : i32
        %add3A_1047 = vector.broadcast %add3A_1046 : i32 to vector<16xi32>
        %add3A_1048 = arith.addi %iota3A, %add3A_1047 : vector<16xi32>
        %lt3A_1049 = vector.broadcast %min3A_952 : i32 to vector<16xi32>
        %lt3A_1050 = arith.cmpi slt, %add3A_1048, %lt3A_1049 : vector<16xi32>
        %eq3A_1051 = arith.cmpi eq, %gather3A_1045, %get3A_940 : vector<16xi32>
        %and3A_1052 = arith.andi %eq3A_1051, %lt3A_1050 : vector<16xi1>
        %not3A_1053 = arith.constant dense<true> : vector<16xi1>
        %not3A_1054 = arith.xori %and3A_1052, %not3A_1053 : vector<16xi1>
        %and3A_1055 = arith.andi %and3A_1029, %not3A_1054 : vector<16xi1>
        %add3A_1056 = arith.constant 5 : i32
        %add3A_1057 = vector.broadcast %add3A_1056 : i32 to vector<16xi32>
        %add3A_1058 = arith.addi %iota3A, %add3A_1057 : vector<16xi32>
        %and3A_1059 = arith.constant 15 : i32
        %and3A_1060 = vector.broadcast %and3A_1059 : i32 to vector<16xi32>
        %and3A_1061 = arith.andi %add3A_1058, %and3A_1060 : vector<16xi32>
        %lt3A_1062 = arith.constant 0 : i32
        %lt3A_1063 = vector.broadcast %lt3A_1062 : i32 to vector<16xi32>
        %lt3A_1064 = arith.cmpi slt, %and3A_1061, %lt3A_1063 : vector<16xi32>
        %add3A_1065 = arith.constant 16 : i32
        %add3A_1066 = vector.broadcast %add3A_1065 : i32 to vector<16xi32>
        %add3A_1067 = arith.addi %and3A_1061, %add3A_1066 : vector<16xi32>
        %select_n3A_1068 = arith.select %lt3A_1064, %add3A_1067, %and3A_1061 : vector<16xi1>, vector<16xi32>
        %broadcast_in_dim3A_1069 = vector.shape_cast %select_n3A_1068 : vector<16xi32> to vector<16x1xi32>
        %gather3A_1070 = vector.shape_cast %broadcast_in_dim3A_1069 : vector<16x1xi32> to vector<16xi32>
        %gather3A_1071 = tpu.dynamic_gather %get3A_940[%gather3A_1070] in [0] : vector<16xi32>, vector<16xi32> -> vector<16xi32>
        %add3A_1072 = arith.constant 5 : i32
        %add3A_1073 = vector.broadcast %add3A_1072 : i32 to vector<16xi32>
        %add3A_1074 = arith.addi %iota3A, %add3A_1073 : vector<16xi32>
        %lt3A_1075 = vector.broadcast %min3A_952 : i32 to vector<16xi32>
        %lt3A_1076 = arith.cmpi slt, %add3A_1074, %lt3A_1075 : vector<16xi32>
        %eq3A_1077 = arith.cmpi eq, %gather3A_1071, %get3A_940 : vector<16xi32>
        %and3A_1078 = arith.andi %eq3A_1077, %lt3A_1076 : vector<16xi1>
        %not3A_1079 = arith.constant dense<true> : vector<16xi1>
        %not3A_1080 = arith.xori %and3A_1078, %not3A_1079 : vector<16xi1>
        %and3A_1081 = arith.andi %and3A_1055, %not3A_1080 : vector<16xi1>
        %add3A_1082 = arith.constant 6 : i32
        %add3A_1083 = vector.broadcast %add3A_1082 : i32 to vector<16xi32>
        %add3A_1084 = arith.addi %iota3A, %add3A_1083 : vector<16xi32>
        %and3A_1085 = arith.constant 15 : i32
        %and3A_1086 = vector.broadcast %and3A_1085 : i32 to vector<16xi32>
        %and3A_1087 = arith.andi %add3A_1084, %and3A_1086 : vector<16xi32>
        %lt3A_1088 = arith.constant 0 : i32
        %lt3A_1089 = vector.broadcast %lt3A_1088 : i32 to vector<16xi32>
        %lt3A_1090 = arith.cmpi slt, %and3A_1087, %lt3A_1089 : vector<16xi32>
        %add3A_1091 = arith.constant 16 : i32
        %add3A_1092 = vector.broadcast %add3A_1091 : i32 to vector<16xi32>
        %add3A_1093 = arith.addi %and3A_1087, %add3A_1092 : vector<16xi32>
        %select_n3A_1094 = arith.select %lt3A_1090, %add3A_1093, %and3A_1087 : vector<16xi1>, vector<16xi32>
        %broadcast_in_dim3A_1095 = vector.shape_cast %select_n3A_1094 : vector<16xi32> to vector<16x1xi32>
        %gather3A_1096 = vector.shape_cast %broadcast_in_dim3A_1095 : vector<16x1xi32> to vector<16xi32>
        %gather3A_1097 = tpu.dynamic_gather %get3A_940[%gather3A_1096] in [0] : vector<16xi32>, vector<16xi32> -> vector<16xi32>
        %add3A_1098 = arith.constant 6 : i32
        %add3A_1099 = vector.broadcast %add3A_1098 : i32 to vector<16xi32>
        %add3A_1100 = arith.addi %iota3A, %add3A_1099 : vector<16xi32>
        %lt3A_1101 = vector.broadcast %min3A_952 : i32 to vector<16xi32>
        %lt3A_1102 = arith.cmpi slt, %add3A_1100, %lt3A_1101 : vector<16xi32>
        %eq3A_1103 = arith.cmpi eq, %gather3A_1097, %get3A_940 : vector<16xi32>
        %and3A_1104 = arith.andi %eq3A_1103, %lt3A_1102 : vector<16xi1>
        %not3A_1105 = arith.constant dense<true> : vector<16xi1>
        %not3A_1106 = arith.xori %and3A_1104, %not3A_1105 : vector<16xi1>
        %and3A_1107 = arith.andi %and3A_1081, %not3A_1106 : vector<16xi1>
        %add3A_1108 = arith.constant 7 : i32
        %add3A_1109 = vector.broadcast %add3A_1108 : i32 to vector<16xi32>
        %add3A_1110 = arith.addi %iota3A, %add3A_1109 : vector<16xi32>
        %and3A_1111 = arith.constant 15 : i32
        %and3A_1112 = vector.broadcast %and3A_1111 : i32 to vector<16xi32>
        %and3A_1113 = arith.andi %add3A_1110, %and3A_1112 : vector<16xi32>
        %lt3A_1114 = arith.constant 0 : i32
        %lt3A_1115 = vector.broadcast %lt3A_1114 : i32 to vector<16xi32>
        %lt3A_1116 = arith.cmpi slt, %and3A_1113, %lt3A_1115 : vector<16xi32>
        %add3A_1117 = arith.constant 16 : i32
        %add3A_1118 = vector.broadcast %add3A_1117 : i32 to vector<16xi32>
        %add3A_1119 = arith.addi %and3A_1113, %add3A_1118 : vector<16xi32>
        %select_n3A_1120 = arith.select %lt3A_1116, %add3A_1119, %and3A_1113 : vector<16xi1>, vector<16xi32>
        %broadcast_in_dim3A_1121 = vector.shape_cast %select_n3A_1120 : vector<16xi32> to vector<16x1xi32>
        %gather3A_1122 = vector.shape_cast %broadcast_in_dim3A_1121 : vector<16x1xi32> to vector<16xi32>
        %gather3A_1123 = tpu.dynamic_gather %get3A_940[%gather3A_1122] in [0] : vector<16xi32>, vector<16xi32> -> vector<16xi32>
        %add3A_1124 = arith.constant 7 : i32
        %add3A_1125 = vector.broadcast %add3A_1124 : i32 to vector<16xi32>
        %add3A_1126 = arith.addi %iota3A, %add3A_1125 : vector<16xi32>
        %lt3A_1127 = vector.broadcast %min3A_952 : i32 to vector<16xi32>
        %lt3A_1128 = arith.cmpi slt, %add3A_1126, %lt3A_1127 : vector<16xi32>
        %eq3A_1129 = arith.cmpi eq, %gather3A_1123, %get3A_940 : vector<16xi32>
        %and3A_1130 = arith.andi %eq3A_1129, %lt3A_1128 : vector<16xi1>
        %not3A_1131 = arith.constant dense<true> : vector<16xi1>
        %not3A_1132 = arith.xori %and3A_1130, %not3A_1131 : vector<16xi1>
        %and3A_1133 = arith.andi %and3A_1107, %not3A_1132 : vector<16xi1>
        %add3A_1134 = arith.constant 8 : i32
        %add3A_1135 = vector.broadcast %add3A_1134 : i32 to vector<16xi32>
        %add3A_1136 = arith.addi %iota3A, %add3A_1135 : vector<16xi32>
        %and3A_1137 = arith.constant 15 : i32
        %and3A_1138 = vector.broadcast %and3A_1137 : i32 to vector<16xi32>
        %and3A_1139 = arith.andi %add3A_1136, %and3A_1138 : vector<16xi32>
        %lt3A_1140 = arith.constant 0 : i32
        %lt3A_1141 = vector.broadcast %lt3A_1140 : i32 to vector<16xi32>
        %lt3A_1142 = arith.cmpi slt, %and3A_1139, %lt3A_1141 : vector<16xi32>
        %add3A_1143 = arith.constant 16 : i32
        %add3A_1144 = vector.broadcast %add3A_1143 : i32 to vector<16xi32>
        %add3A_1145 = arith.addi %and3A_1139, %add3A_1144 : vector<16xi32>
        %select_n3A_1146 = arith.select %lt3A_1142, %add3A_1145, %and3A_1139 : vector<16xi1>, vector<16xi32>
        %broadcast_in_dim3A_1147 = vector.shape_cast %select_n3A_1146 : vector<16xi32> to vector<16x1xi32>
        %gather3A_1148 = vector.shape_cast %broadcast_in_dim3A_1147 : vector<16x1xi32> to vector<16xi32>
        %gather3A_1149 = tpu.dynamic_gather %get3A_940[%gather3A_1148] in [0] : vector<16xi32>, vector<16xi32> -> vector<16xi32>
        %add3A_1150 = arith.constant 8 : i32
        %add3A_1151 = vector.broadcast %add3A_1150 : i32 to vector<16xi32>
        %add3A_1152 = arith.addi %iota3A, %add3A_1151 : vector<16xi32>
        %lt3A_1153 = vector.broadcast %min3A_952 : i32 to vector<16xi32>
        %lt3A_1154 = arith.cmpi slt, %add3A_1152, %lt3A_1153 : vector<16xi32>
        %eq3A_1155 = arith.cmpi eq, %gather3A_1149, %get3A_940 : vector<16xi32>
        %and3A_1156 = arith.andi %eq3A_1155, %lt3A_1154 : vector<16xi1>
        %not3A_1157 = arith.constant dense<true> : vector<16xi1>
        %not3A_1158 = arith.xori %and3A_1156, %not3A_1157 : vector<16xi1>
        %and3A_1159 = arith.andi %and3A_1133, %not3A_1158 : vector<16xi1>
        %add3A_1160 = arith.constant 9 : i32
        %add3A_1161 = vector.broadcast %add3A_1160 : i32 to vector<16xi32>
        %add3A_1162 = arith.addi %iota3A, %add3A_1161 : vector<16xi32>
        %and3A_1163 = arith.constant 15 : i32
        %and3A_1164 = vector.broadcast %and3A_1163 : i32 to vector<16xi32>
        %and3A_1165 = arith.andi %add3A_1162, %and3A_1164 : vector<16xi32>
        %lt3A_1166 = arith.constant 0 : i32
        %lt3A_1167 = vector.broadcast %lt3A_1166 : i32 to vector<16xi32>
        %lt3A_1168 = arith.cmpi slt, %and3A_1165, %lt3A_1167 : vector<16xi32>
        %add3A_1169 = arith.constant 16 : i32
        %add3A_1170 = vector.broadcast %add3A_1169 : i32 to vector<16xi32>
        %add3A_1171 = arith.addi %and3A_1165, %add3A_1170 : vector<16xi32>
        %select_n3A_1172 = arith.select %lt3A_1168, %add3A_1171, %and3A_1165 : vector<16xi1>, vector<16xi32>
        %broadcast_in_dim3A_1173 = vector.shape_cast %select_n3A_1172 : vector<16xi32> to vector<16x1xi32>
        %gather3A_1174 = vector.shape_cast %broadcast_in_dim3A_1173 : vector<16x1xi32> to vector<16xi32>
        %gather3A_1175 = tpu.dynamic_gather %get3A_940[%gather3A_1174] in [0] : vector<16xi32>, vector<16xi32> -> vector<16xi32>
        %add3A_1176 = arith.constant 9 : i32
        %add3A_1177 = vector.broadcast %add3A_1176 : i32 to vector<16xi32>
        %add3A_1178 = arith.addi %iota3A, %add3A_1177 : vector<16xi32>
        %lt3A_1179 = vector.broadcast %min3A_952 : i32 to vector<16xi32>
        %lt3A_1180 = arith.cmpi slt, %add3A_1178, %lt3A_1179 : vector<16xi32>
        %eq3A_1181 = arith.cmpi eq, %gather3A_1175, %get3A_940 : vector<16xi32>
        %and3A_1182 = arith.andi %eq3A_1181, %lt3A_1180 : vector<16xi1>
        %not3A_1183 = arith.constant dense<true> : vector<16xi1>
        %not3A_1184 = arith.xori %and3A_1182, %not3A_1183 : vector<16xi1>
        %and3A_1185 = arith.andi %and3A_1159, %not3A_1184 : vector<16xi1>
        %add3A_1186 = arith.constant 10 : i32
        %add3A_1187 = vector.broadcast %add3A_1186 : i32 to vector<16xi32>
        %add3A_1188 = arith.addi %iota3A, %add3A_1187 : vector<16xi32>
        %and3A_1189 = arith.constant 15 : i32
        %and3A_1190 = vector.broadcast %and3A_1189 : i32 to vector<16xi32>
        %and3A_1191 = arith.andi %add3A_1188, %and3A_1190 : vector<16xi32>
        %lt3A_1192 = arith.constant 0 : i32
        %lt3A_1193 = vector.broadcast %lt3A_1192 : i32 to vector<16xi32>
        %lt3A_1194 = arith.cmpi slt, %and3A_1191, %lt3A_1193 : vector<16xi32>
        %add3A_1195 = arith.constant 16 : i32
        %add3A_1196 = vector.broadcast %add3A_1195 : i32 to vector<16xi32>
        %add3A_1197 = arith.addi %and3A_1191, %add3A_1196 : vector<16xi32>
        %select_n3A_1198 = arith.select %lt3A_1194, %add3A_1197, %and3A_1191 : vector<16xi1>, vector<16xi32>
        %broadcast_in_dim3A_1199 = vector.shape_cast %select_n3A_1198 : vector<16xi32> to vector<16x1xi32>
        %gather3A_1200 = vector.shape_cast %broadcast_in_dim3A_1199 : vector<16x1xi32> to vector<16xi32>
        %gather3A_1201 = tpu.dynamic_gather %get3A_940[%gather3A_1200] in [0] : vector<16xi32>, vector<16xi32> -> vector<16xi32>
        %add3A_1202 = arith.constant 10 : i32
        %add3A_1203 = vector.broadcast %add3A_1202 : i32 to vector<16xi32>
        %add3A_1204 = arith.addi %iota3A, %add3A_1203 : vector<16xi32>
        %lt3A_1205 = vector.broadcast %min3A_952 : i32 to vector<16xi32>
        %lt3A_1206 = arith.cmpi slt, %add3A_1204, %lt3A_1205 : vector<16xi32>
        %eq3A_1207 = arith.cmpi eq, %gather3A_1201, %get3A_940 : vector<16xi32>
        %and3A_1208 = arith.andi %eq3A_1207, %lt3A_1206 : vector<16xi1>
        %not3A_1209 = arith.constant dense<true> : vector<16xi1>
        %not3A_1210 = arith.xori %and3A_1208, %not3A_1209 : vector<16xi1>
        %and3A_1211 = arith.andi %and3A_1185, %not3A_1210 : vector<16xi1>
        %add3A_1212 = arith.constant 11 : i32
        %add3A_1213 = vector.broadcast %add3A_1212 : i32 to vector<16xi32>
        %add3A_1214 = arith.addi %iota3A, %add3A_1213 : vector<16xi32>
        %and3A_1215 = arith.constant 15 : i32
        %and3A_1216 = vector.broadcast %and3A_1215 : i32 to vector<16xi32>
        %and3A_1217 = arith.andi %add3A_1214, %and3A_1216 : vector<16xi32>
        %lt3A_1218 = arith.constant 0 : i32
        %lt3A_1219 = vector.broadcast %lt3A_1218 : i32 to vector<16xi32>
        %lt3A_1220 = arith.cmpi slt, %and3A_1217, %lt3A_1219 : vector<16xi32>
        %add3A_1221 = arith.constant 16 : i32
        %add3A_1222 = vector.broadcast %add3A_1221 : i32 to vector<16xi32>
        %add3A_1223 = arith.addi %and3A_1217, %add3A_1222 : vector<16xi32>
        %select_n3A_1224 = arith.select %lt3A_1220, %add3A_1223, %and3A_1217 : vector<16xi1>, vector<16xi32>
        %broadcast_in_dim3A_1225 = vector.shape_cast %select_n3A_1224 : vector<16xi32> to vector<16x1xi32>
        %gather3A_1226 = vector.shape_cast %broadcast_in_dim3A_1225 : vector<16x1xi32> to vector<16xi32>
        %gather3A_1227 = tpu.dynamic_gather %get3A_940[%gather3A_1226] in [0] : vector<16xi32>, vector<16xi32> -> vector<16xi32>
        %add3A_1228 = arith.constant 11 : i32
        %add3A_1229 = vector.broadcast %add3A_1228 : i32 to vector<16xi32>
        %add3A_1230 = arith.addi %iota3A, %add3A_1229 : vector<16xi32>
        %lt3A_1231 = vector.broadcast %min3A_952 : i32 to vector<16xi32>
        %lt3A_1232 = arith.cmpi slt, %add3A_1230, %lt3A_1231 : vector<16xi32>
        %eq3A_1233 = arith.cmpi eq, %gather3A_1227, %get3A_940 : vector<16xi32>
        %and3A_1234 = arith.andi %eq3A_1233, %lt3A_1232 : vector<16xi1>
        %not3A_1235 = arith.constant dense<true> : vector<16xi1>
        %not3A_1236 = arith.xori %and3A_1234, %not3A_1235 : vector<16xi1>
        %and3A_1237 = arith.andi %and3A_1211, %not3A_1236 : vector<16xi1>
        %add3A_1238 = arith.constant 12 : i32
        %add3A_1239 = vector.broadcast %add3A_1238 : i32 to vector<16xi32>
        %add3A_1240 = arith.addi %iota3A, %add3A_1239 : vector<16xi32>
        %and3A_1241 = arith.constant 15 : i32
        %and3A_1242 = vector.broadcast %and3A_1241 : i32 to vector<16xi32>
        %and3A_1243 = arith.andi %add3A_1240, %and3A_1242 : vector<16xi32>
        %lt3A_1244 = arith.constant 0 : i32
        %lt3A_1245 = vector.broadcast %lt3A_1244 : i32 to vector<16xi32>
        %lt3A_1246 = arith.cmpi slt, %and3A_1243, %lt3A_1245 : vector<16xi32>
        %add3A_1247 = arith.constant 16 : i32
        %add3A_1248 = vector.broadcast %add3A_1247 : i32 to vector<16xi32>
        %add3A_1249 = arith.addi %and3A_1243, %add3A_1248 : vector<16xi32>
        %select_n3A_1250 = arith.select %lt3A_1246, %add3A_1249, %and3A_1243 : vector<16xi1>, vector<16xi32>
        %broadcast_in_dim3A_1251 = vector.shape_cast %select_n3A_1250 : vector<16xi32> to vector<16x1xi32>
        %gather3A_1252 = vector.shape_cast %broadcast_in_dim3A_1251 : vector<16x1xi32> to vector<16xi32>
        %gather3A_1253 = tpu.dynamic_gather %get3A_940[%gather3A_1252] in [0] : vector<16xi32>, vector<16xi32> -> vector<16xi32>
        %add3A_1254 = arith.constant 12 : i32
        %add3A_1255 = vector.broadcast %add3A_1254 : i32 to vector<16xi32>
        %add3A_1256 = arith.addi %iota3A, %add3A_1255 : vector<16xi32>
        %lt3A_1257 = vector.broadcast %min3A_952 : i32 to vector<16xi32>
        %lt3A_1258 = arith.cmpi slt, %add3A_1256, %lt3A_1257 : vector<16xi32>
        %eq3A_1259 = arith.cmpi eq, %gather3A_1253, %get3A_940 : vector<16xi32>
        %and3A_1260 = arith.andi %eq3A_1259, %lt3A_1258 : vector<16xi1>
        %not3A_1261 = arith.constant dense<true> : vector<16xi1>
        %not3A_1262 = arith.xori %and3A_1260, %not3A_1261 : vector<16xi1>
        %and3A_1263 = arith.andi %and3A_1237, %not3A_1262 : vector<16xi1>
        %add3A_1264 = arith.constant 13 : i32
        %add3A_1265 = vector.broadcast %add3A_1264 : i32 to vector<16xi32>
        %add3A_1266 = arith.addi %iota3A, %add3A_1265 : vector<16xi32>
        %and3A_1267 = arith.constant 15 : i32
        %and3A_1268 = vector.broadcast %and3A_1267 : i32 to vector<16xi32>
        %and3A_1269 = arith.andi %add3A_1266, %and3A_1268 : vector<16xi32>
        %lt3A_1270 = arith.constant 0 : i32
        %lt3A_1271 = vector.broadcast %lt3A_1270 : i32 to vector<16xi32>
        %lt3A_1272 = arith.cmpi slt, %and3A_1269, %lt3A_1271 : vector<16xi32>
        %add3A_1273 = arith.constant 16 : i32
        %add3A_1274 = vector.broadcast %add3A_1273 : i32 to vector<16xi32>
        %add3A_1275 = arith.addi %and3A_1269, %add3A_1274 : vector<16xi32>
        %select_n3A_1276 = arith.select %lt3A_1272, %add3A_1275, %and3A_1269 : vector<16xi1>, vector<16xi32>
        %broadcast_in_dim3A_1277 = vector.shape_cast %select_n3A_1276 : vector<16xi32> to vector<16x1xi32>
        %gather3A_1278 = vector.shape_cast %broadcast_in_dim3A_1277 : vector<16x1xi32> to vector<16xi32>
        %gather3A_1279 = tpu.dynamic_gather %get3A_940[%gather3A_1278] in [0] : vector<16xi32>, vector<16xi32> -> vector<16xi32>
        %add3A_1280 = arith.constant 13 : i32
        %add3A_1281 = vector.broadcast %add3A_1280 : i32 to vector<16xi32>
        %add3A_1282 = arith.addi %iota3A, %add3A_1281 : vector<16xi32>
        %lt3A_1283 = vector.broadcast %min3A_952 : i32 to vector<16xi32>
        %lt3A_1284 = arith.cmpi slt, %add3A_1282, %lt3A_1283 : vector<16xi32>
        %eq3A_1285 = arith.cmpi eq, %gather3A_1279, %get3A_940 : vector<16xi32>
        %and3A_1286 = arith.andi %eq3A_1285, %lt3A_1284 : vector<16xi1>
        %not3A_1287 = arith.constant dense<true> : vector<16xi1>
        %not3A_1288 = arith.xori %and3A_1286, %not3A_1287 : vector<16xi1>
        %and3A_1289 = arith.andi %and3A_1263, %not3A_1288 : vector<16xi1>
        %add3A_1290 = arith.constant 14 : i32
        %add3A_1291 = vector.broadcast %add3A_1290 : i32 to vector<16xi32>
        %add3A_1292 = arith.addi %iota3A, %add3A_1291 : vector<16xi32>
        %and3A_1293 = arith.constant 15 : i32
        %and3A_1294 = vector.broadcast %and3A_1293 : i32 to vector<16xi32>
        %and3A_1295 = arith.andi %add3A_1292, %and3A_1294 : vector<16xi32>
        %lt3A_1296 = arith.constant 0 : i32
        %lt3A_1297 = vector.broadcast %lt3A_1296 : i32 to vector<16xi32>
        %lt3A_1298 = arith.cmpi slt, %and3A_1295, %lt3A_1297 : vector<16xi32>
        %add3A_1299 = arith.constant 16 : i32
        %add3A_1300 = vector.broadcast %add3A_1299 : i32 to vector<16xi32>
        %add3A_1301 = arith.addi %and3A_1295, %add3A_1300 : vector<16xi32>
        %select_n3A_1302 = arith.select %lt3A_1298, %add3A_1301, %and3A_1295 : vector<16xi1>, vector<16xi32>
        %broadcast_in_dim3A_1303 = vector.shape_cast %select_n3A_1302 : vector<16xi32> to vector<16x1xi32>
        %gather3A_1304 = vector.shape_cast %broadcast_in_dim3A_1303 : vector<16x1xi32> to vector<16xi32>
        %gather3A_1305 = tpu.dynamic_gather %get3A_940[%gather3A_1304] in [0] : vector<16xi32>, vector<16xi32> -> vector<16xi32>
        %add3A_1306 = arith.constant 14 : i32
        %add3A_1307 = vector.broadcast %add3A_1306 : i32 to vector<16xi32>
        %add3A_1308 = arith.addi %iota3A, %add3A_1307 : vector<16xi32>
        %lt3A_1309 = vector.broadcast %min3A_952 : i32 to vector<16xi32>
        %lt3A_1310 = arith.cmpi slt, %add3A_1308, %lt3A_1309 : vector<16xi32>
        %eq3A_1311 = arith.cmpi eq, %gather3A_1305, %get3A_940 : vector<16xi32>
        %and3A_1312 = arith.andi %eq3A_1311, %lt3A_1310 : vector<16xi1>
        %not3A_1313 = arith.constant dense<true> : vector<16xi1>
        %not3A_1314 = arith.xori %and3A_1312, %not3A_1313 : vector<16xi1>
        %and3A_1315 = arith.andi %and3A_1289, %not3A_1314 : vector<16xi1>
        %add3A_1316 = arith.constant 15 : i32
        %add3A_1317 = vector.broadcast %add3A_1316 : i32 to vector<16xi32>
        %add3A_1318 = arith.addi %iota3A, %add3A_1317 : vector<16xi32>
        %and3A_1319 = arith.constant 15 : i32
        %and3A_1320 = vector.broadcast %and3A_1319 : i32 to vector<16xi32>
        %and3A_1321 = arith.andi %add3A_1318, %and3A_1320 : vector<16xi32>
        %lt3A_1322 = arith.constant 0 : i32
        %lt3A_1323 = vector.broadcast %lt3A_1322 : i32 to vector<16xi32>
        %lt3A_1324 = arith.cmpi slt, %and3A_1321, %lt3A_1323 : vector<16xi32>
        %add3A_1325 = arith.constant 16 : i32
        %add3A_1326 = vector.broadcast %add3A_1325 : i32 to vector<16xi32>
        %add3A_1327 = arith.addi %and3A_1321, %add3A_1326 : vector<16xi32>
        %select_n3A_1328 = arith.select %lt3A_1324, %add3A_1327, %and3A_1321 : vector<16xi1>, vector<16xi32>
        %broadcast_in_dim3A_1329 = vector.shape_cast %select_n3A_1328 : vector<16xi32> to vector<16x1xi32>
        %gather3A_1330 = vector.shape_cast %broadcast_in_dim3A_1329 : vector<16x1xi32> to vector<16xi32>
        %gather3A_1331 = tpu.dynamic_gather %get3A_940[%gather3A_1330] in [0] : vector<16xi32>, vector<16xi32> -> vector<16xi32>
        %add3A_1332 = arith.constant 15 : i32
        %add3A_1333 = vector.broadcast %add3A_1332 : i32 to vector<16xi32>
        %add3A_1334 = arith.addi %iota3A, %add3A_1333 : vector<16xi32>
        %lt3A_1335 = vector.broadcast %min3A_952 : i32 to vector<16xi32>
        %lt3A_1336 = arith.cmpi slt, %add3A_1334, %lt3A_1335 : vector<16xi32>
        %eq3A_1337 = arith.cmpi eq, %gather3A_1331, %get3A_940 : vector<16xi32>
        %and3A_1338 = arith.andi %eq3A_1337, %lt3A_1336 : vector<16xi1>
        %not3A_1339 = arith.constant dense<true> : vector<16xi1>
        %not3A_1340 = arith.xori %and3A_1338, %not3A_1339 : vector<16xi1>
        %and3A_1341 = arith.andi %and3A_1315, %not3A_1340 : vector<16xi1>
        %jit3A_1342 = arith.constant 2048 : i32
        %broadcast_in_dim3A_1343 = vector.broadcast %jit3A_1342 : i32 to vector<16xi32>
        %select_n3A_1344 = arith.select %and3A_1341, %get3A_940, %broadcast_in_dim3A_1343 : vector<16xi1>, vector<16xi32>
        tpu.vector_store_idx %arg14[%select_n3A_1344], %get3A_944 : memref<2064xi32, #tpu.memory_space<vmem>>[vector<16xi32>], vector<16xi32>,
        tpu.vector_store_idx %arg15[%select_n3A_1344], %get3A_948 : memref<2064xi32, #tpu.memory_space<vmem>>[vector<16xi32>], vector<16xi32>,
        %while3A_1345 = arith.constant 0 : i32
        scf.yield %while3A_1345 : i32
      }
      %while3A_933 = arith.constant 1 : i32
      %while3A_934 = scf.for %while3A_935 = %while3A_930 to %while3A_926 step %while3A_933 iter_args(%while3A_936 = %while3A_932) -> (i32)  : i32 {
        %mul3A_937 = arith.constant 16 : i32
        %mul3A_938 = arith.muli %while3A_935, %mul3A_937 : i32
        %get3A_939 = arith.index_cast %mul3A_938 : i32 to index
        %get3A_940 = tpu.vector_load %arg12[%get3A_939] {strides = array<i32>} : memref<2064xi32, #tpu.memory_space<vmem>>, vector<16xi32>,
        %mul3A_941 = arith.constant 16 : i32
        %mul3A_942 = arith.muli %while3A_935, %mul3A_941 : i32
        %get3A_943 = arith.index_cast %mul3A_942 : i32 to index
        %get3A_944 = tpu.vector_load %arg11[%get3A_943] {strides = array<i32>} : memref<2064xi32, #tpu.memory_space<vmem>>, vector<16xi32>,
        %mul3A_945 = arith.constant 16 : i32
        %mul3A_946 = arith.muli %while3A_935, %mul3A_945 : i32
        %get3A_947 = arith.index_cast %mul3A_946 : i32 to index
        %get3A_948 = tpu.vector_load %arg13[%get3A_947] {strides = array<i32>} : memref<2064xi32, #tpu.memory_space<vmem>>, vector<16xi32>,
        %mul3A_949 = arith.constant 16 : i32
        %mul3A_950 = arith.muli %while3A_935, %mul3A_949 : i32
        %sub3A_951 = arith.subi %scan3A_895, %mul3A_950 : i32
        %min3A = arith.constant 16 : i32
        %min3A_952 = arith.minsi %min3A, %sub3A_951 : i32
        %lt3A_953 = vector.broadcast %min3A_952 : i32 to vector<16xi32>
        %lt3A_954 = arith.cmpi slt, %iota3A, %lt3A_953 : vector<16xi32>
        %add3A_955 = arith.constant 1 : i32
        %add3A_956 = vector.broadcast %add3A_955 : i32 to vector<16xi32>
        %add3A_957 = arith.addi %iota3A, %add3A_956 : vector<16xi32>
        %and3A_958 = arith.constant 15 : i32
        %and3A_959 = vector.broadcast %and3A_958 : i32 to vector<16xi32>
        %and3A_960 = arith.andi %add3A_957, %and3A_959 : vector<16xi32>
        %lt3A_961 = arith.constant 0 : i32
        %lt3A_962 = vector.broadcast %lt3A_961 : i32 to vector<16xi32>
        %lt3A_963 = arith.cmpi slt, %and3A_960, %lt3A_962 : vector<16xi32>
        %add3A_964 = arith.constant 16 : i32
        %add3A_965 = vector.broadcast %add3A_964 : i32 to vector<16xi32>
        %add3A_966 = arith.addi %and3A_960, %add3A_965 : vector<16xi32>
        %select_n3A_967 = arith.select %lt3A_963, %add3A_966, %and3A_960 : vector<16xi1>, vector<16xi32>
        %broadcast_in_dim3A_968 = vector.shape_cast %select_n3A_967 : vector<16xi32> to vector<16x1xi32>
        %gather3A = vector.shape_cast %broadcast_in_dim3A_968 : vector<16x1xi32> to vector<16xi32>
        %gather3A_969 = tpu.dynamic_gather %get3A_940[%gather3A] in [0] : vector<16xi32>, vector<16xi32> -> vector<16xi32>
        %add3A_970 = arith.constant 1 : i32
        %add3A_971 = vector.broadcast %add3A_970 : i32 to vector<16xi32>
        %add3A_972 = arith.addi %iota3A, %add3A_971 : vector<16xi32>
        %lt3A_973 = vector.broadcast %min3A_952 : i32 to vector<16xi32>
        %lt3A_974 = arith.cmpi slt, %add3A_972, %lt3A_973 : vector<16xi32>
        %eq3A = arith.cmpi eq, %gather3A_969, %get3A_940 : vector<16xi32>
        %and3A_975 = arith.andi %eq3A, %lt3A_974 : vector<16xi1>
        %not3A = arith.constant dense<true> : vector<16xi1>
        %not3A_976 = arith.xori %and3A_975, %not3A : vector<16xi1>
        %and3A_977 = arith.andi %lt3A_954, %not3A_976 : vector<16xi1>
        %add3A_978 = arith.constant 2 : i32
        %add3A_979 = vector.broadcast %add3A_978 : i32 to vector<16xi32>
        %add3A_980 = arith.addi %iota3A, %add3A_979 : vector<16xi32>
        %and3A_981 = arith.constant 15 : i32
        %and3A_982 = vector.broadcast %and3A_981 : i32 to vector<16xi32>
        %and3A_983 = arith.andi %add3A_980, %and3A_982 : vector<16xi32>
        %lt3A_984 = arith.constant 0 : i32
        %lt3A_985 = vector.broadcast %lt3A_984 : i32 to vector<16xi32>
        %lt3A_986 = arith.cmpi slt, %and3A_983, %lt3A_985 : vector<16xi32>
        %add3A_987 = arith.constant 16 : i32
        %add3A_988 = vector.broadcast %add3A_987 : i32 to vector<16xi32>
        %add3A_989 = arith.addi %and3A_983, %add3A_988 : vector<16xi32>
        %select_n3A_990 = arith.select %lt3A_986, %add3A_989, %and3A_983 : vector<16xi1>, vector<16xi32>
        %broadcast_in_dim3A_991 = vector.shape_cast %select_n3A_990 : vector<16xi32> to vector<16x1xi32>
        %gather3A_992 = vector.shape_cast %broadcast_in_dim3A_991 : vector<16x1xi32> to vector<16xi32>
        %gather3A_993 = tpu.dynamic_gather %get3A_940[%gather3A_992] in [0] : vector<16xi32>, vector<16xi32> -> vector<16xi32>
        %add3A_994 = arith.constant 2 : i32
        %add3A_995 = vector.broadcast %add3A_994 : i32 to vector<16xi32>
        %add3A_996 = arith.addi %iota3A, %add3A_995 : vector<16xi32>
        %lt3A_997 = vector.broadcast %min3A_952 : i32 to vector<16xi32>
        %lt3A_998 = arith.cmpi slt, %add3A_996, %lt3A_997 : vector<16xi32>
        %eq3A_999 = arith.cmpi eq, %gather3A_993, %get3A_940 : vector<16xi32>
        %and3A_1000 = arith.andi %eq3A_999, %lt3A_998 : vector<16xi1>
        %not3A_1001 = arith.constant dense<true> : vector<16xi1>
        %not3A_1002 = arith.xori %and3A_1000, %not3A_1001 : vector<16xi1>
        %and3A_1003 = arith.andi %and3A_977, %not3A_1002 : vector<16xi1>
        %add3A_1004 = arith.constant 3 : i32
        %add3A_1005 = vector.broadcast %add3A_1004 : i32 to vector<16xi32>
        %add3A_1006 = arith.addi %iota3A, %add3A_1005 : vector<16xi32>
        %and3A_1007 = arith.constant 15 : i32
        %and3A_1008 = vector.broadcast %and3A_1007 : i32 to vector<16xi32>
        %and3A_1009 = arith.andi %add3A_1006, %and3A_1008 : vector<16xi32>
        %lt3A_1010 = arith.constant 0 : i32
        %lt3A_1011 = vector.broadcast %lt3A_1010 : i32 to vector<16xi32>
        %lt3A_1012 = arith.cmpi slt, %and3A_1009, %lt3A_1011 : vector<16xi32>
        %add3A_1013 = arith.constant 16 : i32
        %add3A_1014 = vector.broadcast %add3A_1013 : i32 to vector<16xi32>
        %add3A_1015 = arith.addi %and3A_1009, %add3A_1014 : vector<16xi32>
        %select_n3A_1016 = arith.select %lt3A_1012, %add3A_1015, %and3A_1009 : vector<16xi1>, vector<16xi32>
        %broadcast_in_dim3A_1017 = vector.shape_cast %select_n3A_1016 : vector<16xi32> to vector<16x1xi32>
        %gather3A_1018 = vector.shape_cast %broadcast_in_dim3A_1017 : vector<16x1xi32> to vector<16xi32>
        %gather3A_1019 = tpu.dynamic_gather %get3A_940[%gather3A_1018] in [0] : vector<16xi32>, vector<16xi32> -> vector<16xi32>
        %add3A_1020 = arith.constant 3 : i32
        %add3A_1021 = vector.broadcast %add3A_1020 : i32 to vector<16xi32>
        %add3A_1022 = arith.addi %iota3A, %add3A_1021 : vector<16xi32>
        %lt3A_1023 = vector.broadcast %min3A_952 : i32 to vector<16xi32>
        %lt3A_1024 = arith.cmpi slt, %add3A_1022, %lt3A_1023 : vector<16xi32>
        %eq3A_1025 = arith.cmpi eq, %gather3A_1019, %get3A_940 : vector<16xi32>
        %and3A_1026 = arith.andi %eq3A_1025, %lt3A_1024 : vector<16xi1>
        %not3A_1027 = arith.constant dense<true> : vector<16xi1>
        %not3A_1028 = arith.xori %and3A_1026, %not3A_1027 : vector<16xi1>
        %and3A_1029 = arith.andi %and3A_1003, %not3A_1028 : vector<16xi1>
        %add3A_1030 = arith.constant 4 : i32
        %add3A_1031 = vector.broadcast %add3A_1030 : i32 to vector<16xi32>
        %add3A_1032 = arith.addi %iota3A, %add3A_1031 : vector<16xi32>
        %and3A_1033 = arith.constant 15 : i32
        %and3A_1034 = vector.broadcast %and3A_1033 : i32 to vector<16xi32>
        %and3A_1035 = arith.andi %add3A_1032, %and3A_1034 : vector<16xi32>
        %lt3A_1036 = arith.constant 0 : i32
        %lt3A_1037 = vector.broadcast %lt3A_1036 : i32 to vector<16xi32>
        %lt3A_1038 = arith.cmpi slt, %and3A_1035, %lt3A_1037 : vector<16xi32>
        %add3A_1039 = arith.constant 16 : i32
        %add3A_1040 = vector.broadcast %add3A_1039 : i32 to vector<16xi32>
        %add3A_1041 = arith.addi %and3A_1035, %add3A_1040 : vector<16xi32>
        %select_n3A_1042 = arith.select %lt3A_1038, %add3A_1041, %and3A_1035 : vector<16xi1>, vector<16xi32>
        %broadcast_in_dim3A_1043 = vector.shape_cast %select_n3A_1042 : vector<16xi32> to vector<16x1xi32>
        %gather3A_1044 = vector.shape_cast %broadcast_in_dim3A_1043 : vector<16x1xi32> to vector<16xi32>
        %gather3A_1045 = tpu.dynamic_gather %get3A_940[%gather3A_1044] in [0] : vector<16xi32>, vector<16xi32> -> vector<16xi32>
        %add3A_1046 = arith.constant 4 : i32
        %add3A_1047 = vector.broadcast %add3A_1046 : i32 to vector<16xi32>
        %add3A_1048 = arith.addi %iota3A, %add3A_1047 : vector<16xi32>
        %lt3A_1049 = vector.broadcast %min3A_952 : i32 to vector<16xi32>
        %lt3A_1050 = arith.cmpi slt, %add3A_1048, %lt3A_1049 : vector<16xi32>
        %eq3A_1051 = arith.cmpi eq, %gather3A_1045, %get3A_940 : vector<16xi32>
        %and3A_1052 = arith.andi %eq3A_1051, %lt3A_1050 : vector<16xi1>
        %not3A_1053 = arith.constant dense<true> : vector<16xi1>
        %not3A_1054 = arith.xori %and3A_1052, %not3A_1053 : vector<16xi1>
        %and3A_1055 = arith.andi %and3A_1029, %not3A_1054 : vector<16xi1>
        %add3A_1056 = arith.constant 5 : i32
        %add3A_1057 = vector.broadcast %add3A_1056 : i32 to vector<16xi32>
        %add3A_1058 = arith.addi %iota3A, %add3A_1057 : vector<16xi32>
        %and3A_1059 = arith.constant 15 : i32
        %and3A_1060 = vector.broadcast %and3A_1059 : i32 to vector<16xi32>
        %and3A_1061 = arith.andi %add3A_1058, %and3A_1060 : vector<16xi32>
        %lt3A_1062 = arith.constant 0 : i32
        %lt3A_1063 = vector.broadcast %lt3A_1062 : i32 to vector<16xi32>
        %lt3A_1064 = arith.cmpi slt, %and3A_1061, %lt3A_1063 : vector<16xi32>
        %add3A_1065 = arith.constant 16 : i32
        %add3A_1066 = vector.broadcast %add3A_1065 : i32 to vector<16xi32>
        %add3A_1067 = arith.addi %and3A_1061, %add3A_1066 : vector<16xi32>
        %select_n3A_1068 = arith.select %lt3A_1064, %add3A_1067, %and3A_1061 : vector<16xi1>, vector<16xi32>
        %broadcast_in_dim3A_1069 = vector.shape_cast %select_n3A_1068 : vector<16xi32> to vector<16x1xi32>
        %gather3A_1070 = vector.shape_cast %broadcast_in_dim3A_1069 : vector<16x1xi32> to vector<16xi32>
        %gather3A_1071 = tpu.dynamic_gather %get3A_940[%gather3A_1070] in [0] : vector<16xi32>, vector<16xi32> -> vector<16xi32>
        %add3A_1072 = arith.constant 5 : i32
        %add3A_1073 = vector.broadcast %add3A_1072 : i32 to vector<16xi32>
        %add3A_1074 = arith.addi %iota3A, %add3A_1073 : vector<16xi32>
        %lt3A_1075 = vector.broadcast %min3A_952 : i32 to vector<16xi32>
        %lt3A_1076 = arith.cmpi slt, %add3A_1074, %lt3A_1075 : vector<16xi32>
        %eq3A_1077 = arith.cmpi eq, %gather3A_1071, %get3A_940 : vector<16xi32>
        %and3A_1078 = arith.andi %eq3A_1077, %lt3A_1076 : vector<16xi1>
        %not3A_1079 = arith.constant dense<true> : vector<16xi1>
        %not3A_1080 = arith.xori %and3A_1078, %not3A_1079 : vector<16xi1>
        %and3A_1081 = arith.andi %and3A_1055, %not3A_1080 : vector<16xi1>
        %add3A_1082 = arith.constant 6 : i32
        %add3A_1083 = vector.broadcast %add3A_1082 : i32 to vector<16xi32>
        %add3A_1084 = arith.addi %iota3A, %add3A_1083 : vector<16xi32>
        %and3A_1085 = arith.constant 15 : i32
        %and3A_1086 = vector.broadcast %and3A_1085 : i32 to vector<16xi32>
        %and3A_1087 = arith.andi %add3A_1084, %and3A_1086 : vector<16xi32>
        %lt3A_1088 = arith.constant 0 : i32
        %lt3A_1089 = vector.broadcast %lt3A_1088 : i32 to vector<16xi32>
        %lt3A_1090 = arith.cmpi slt, %and3A_1087, %lt3A_1089 : vector<16xi32>
        %add3A_1091 = arith.constant 16 : i32
        %add3A_1092 = vector.broadcast %add3A_1091 : i32 to vector<16xi32>
        %add3A_1093 = arith.addi %and3A_1087, %add3A_1092 : vector<16xi32>
        %select_n3A_1094 = arith.select %lt3A_1090, %add3A_1093, %and3A_1087 : vector<16xi1>, vector<16xi32>
        %broadcast_in_dim3A_1095 = vector.shape_cast %select_n3A_1094 : vector<16xi32> to vector<16x1xi32>
        %gather3A_1096 = vector.shape_cast %broadcast_in_dim3A_1095 : vector<16x1xi32> to vector<16xi32>
        %gather3A_1097 = tpu.dynamic_gather %get3A_940[%gather3A_1096] in [0] : vector<16xi32>, vector<16xi32> -> vector<16xi32>
        %add3A_1098 = arith.constant 6 : i32
        %add3A_1099 = vector.broadcast %add3A_1098 : i32 to vector<16xi32>
        %add3A_1100 = arith.addi %iota3A, %add3A_1099 : vector<16xi32>
        %lt3A_1101 = vector.broadcast %min3A_952 : i32 to vector<16xi32>
        %lt3A_1102 = arith.cmpi slt, %add3A_1100, %lt3A_1101 : vector<16xi32>
        %eq3A_1103 = arith.cmpi eq, %gather3A_1097, %get3A_940 : vector<16xi32>
        %and3A_1104 = arith.andi %eq3A_1103, %lt3A_1102 : vector<16xi1>
        %not3A_1105 = arith.constant dense<true> : vector<16xi1>
        %not3A_1106 = arith.xori %and3A_1104, %not3A_1105 : vector<16xi1>
        %and3A_1107 = arith.andi %and3A_1081, %not3A_1106 : vector<16xi1>
        %add3A_1108 = arith.constant 7 : i32
        %add3A_1109 = vector.broadcast %add3A_1108 : i32 to vector<16xi32>
        %add3A_1110 = arith.addi %iota3A, %add3A_1109 : vector<16xi32>
        %and3A_1111 = arith.constant 15 : i32
        %and3A_1112 = vector.broadcast %and3A_1111 : i32 to vector<16xi32>
        %and3A_1113 = arith.andi %add3A_1110, %and3A_1112 : vector<16xi32>
        %lt3A_1114 = arith.constant 0 : i32
        %lt3A_1115 = vector.broadcast %lt3A_1114 : i32 to vector<16xi32>
        %lt3A_1116 = arith.cmpi slt, %and3A_1113, %lt3A_1115 : vector<16xi32>
        %add3A_1117 = arith.constant 16 : i32
        %add3A_1118 = vector.broadcast %add3A_1117 : i32 to vector<16xi32>
        %add3A_1119 = arith.addi %and3A_1113, %add3A_1118 : vector<16xi32>
        %select_n3A_1120 = arith.select %lt3A_1116, %add3A_1119, %and3A_1113 : vector<16xi1>, vector<16xi32>
        %broadcast_in_dim3A_1121 = vector.shape_cast %select_n3A_1120 : vector<16xi32> to vector<16x1xi32>
        %gather3A_1122 = vector.shape_cast %broadcast_in_dim3A_1121 : vector<16x1xi32> to vector<16xi32>
        %gather3A_1123 = tpu.dynamic_gather %get3A_940[%gather3A_1122] in [0] : vector<16xi32>, vector<16xi32> -> vector<16xi32>
        %add3A_1124 = arith.constant 7 : i32
        %add3A_1125 = vector.broadcast %add3A_1124 : i32 to vector<16xi32>
        %add3A_1126 = arith.addi %iota3A, %add3A_1125 : vector<16xi32>
        %lt3A_1127 = vector.broadcast %min3A_952 : i32 to vector<16xi32>
        %lt3A_1128 = arith.cmpi slt, %add3A_1126, %lt3A_1127 : vector<16xi32>
        %eq3A_1129 = arith.cmpi eq, %gather3A_1123, %get3A_940 : vector<16xi32>
        %and3A_1130 = arith.andi %eq3A_1129, %lt3A_1128 : vector<16xi1>
        %not3A_1131 = arith.constant dense<true> : vector<16xi1>
        %not3A_1132 = arith.xori %and3A_1130, %not3A_1131 : vector<16xi1>
        %and3A_1133 = arith.andi %and3A_1107, %not3A_1132 : vector<16xi1>
        %add3A_1134 = arith.constant 8 : i32
        %add3A_1135 = vector.broadcast %add3A_1134 : i32 to vector<16xi32>
        %add3A_1136 = arith.addi %iota3A, %add3A_1135 : vector<16xi32>
        %and3A_1137 = arith.constant 15 : i32
        %and3A_1138 = vector.broadcast %and3A_1137 : i32 to vector<16xi32>
        %and3A_1139 = arith.andi %add3A_1136, %and3A_1138 : vector<16xi32>
        %lt3A_1140 = arith.constant 0 : i32
        %lt3A_1141 = vector.broadcast %lt3A_1140 : i32 to vector<16xi32>
        %lt3A_1142 = arith.cmpi slt, %and3A_1139, %lt3A_1141 : vector<16xi32>
        %add3A_1143 = arith.constant 16 : i32
        %add3A_1144 = vector.broadcast %add3A_1143 : i32 to vector<16xi32>
        %add3A_1145 = arith.addi %and3A_1139, %add3A_1144 : vector<16xi32>
        %select_n3A_1146 = arith.select %lt3A_1142, %add3A_1145, %and3A_1139 : vector<16xi1>, vector<16xi32>
        %broadcast_in_dim3A_1147 = vector.shape_cast %select_n3A_1146 : vector<16xi32> to vector<16x1xi32>
        %gather3A_1148 = vector.shape_cast %broadcast_in_dim3A_1147 : vector<16x1xi32> to vector<16xi32>
        %gather3A_1149 = tpu.dynamic_gather %get3A_940[%gather3A_1148] in [0] : vector<16xi32>, vector<16xi32> -> vector<16xi32>
        %add3A_1150 = arith.constant 8 : i32
        %add3A_1151 = vector.broadcast %add3A_1150 : i32 to vector<16xi32>
        %add3A_1152 = arith.addi %iota3A, %add3A_1151 : vector<16xi32>
        %lt3A_1153 = vector.broadcast %min3A_952 : i32 to vector<16xi32>
        %lt3A_1154 = arith.cmpi slt, %add3A_1152, %lt3A_1153 : vector<16xi32>
        %eq3A_1155 = arith.cmpi eq, %gather3A_1149, %get3A_940 : vector<16xi32>
        %and3A_1156 = arith.andi %eq3A_1155, %lt3A_1154 : vector<16xi1>
        %not3A_1157 = arith.constant dense<true> : vector<16xi1>
        %not3A_1158 = arith.xori %and3A_1156, %not3A_1157 : vector<16xi1>
        %and3A_1159 = arith.andi %and3A_1133, %not3A_1158 : vector<16xi1>
        %add3A_1160 = arith.constant 9 : i32
        %add3A_1161 = vector.broadcast %add3A_1160 : i32 to vector<16xi32>
        %add3A_1162 = arith.addi %iota3A, %add3A_1161 : vector<16xi32>
        %and3A_1163 = arith.constant 15 : i32
        %and3A_1164 = vector.broadcast %and3A_1163 : i32 to vector<16xi32>
        %and3A_1165 = arith.andi %add3A_1162, %and3A_1164 : vector<16xi32>
        %lt3A_1166 = arith.constant 0 : i32
        %lt3A_1167 = vector.broadcast %lt3A_1166 : i32 to vector<16xi32>
        %lt3A_1168 = arith.cmpi slt, %and3A_1165, %lt3A_1167 : vector<16xi32>
        %add3A_1169 = arith.constant 16 : i32
        %add3A_1170 = vector.broadcast %add3A_1169 : i32 to vector<16xi32>
        %add3A_1171 = arith.addi %and3A_1165, %add3A_1170 : vector<16xi32>
        %select_n3A_1172 = arith.select %lt3A_1168, %add3A_1171, %and3A_1165 : vector<16xi1>, vector<16xi32>
        %broadcast_in_dim3A_1173 = vector.shape_cast %select_n3A_1172 : vector<16xi32> to vector<16x1xi32>
        %gather3A_1174 = vector.shape_cast %broadcast_in_dim3A_1173 : vector<16x1xi32> to vector<16xi32>
        %gather3A_1175 = tpu.dynamic_gather %get3A_940[%gather3A_1174] in [0] : vector<16xi32>, vector<16xi32> -> vector<16xi32>
        %add3A_1176 = arith.constant 9 : i32
        %add3A_1177 = vector.broadcast %add3A_1176 : i32 to vector<16xi32>
        %add3A_1178 = arith.addi %iota3A, %add3A_1177 : vector<16xi32>
        %lt3A_1179 = vector.broadcast %min3A_952 : i32 to vector<16xi32>
        %lt3A_1180 = arith.cmpi slt, %add3A_1178, %lt3A_1179 : vector<16xi32>
        %eq3A_1181 = arith.cmpi eq, %gather3A_1175, %get3A_940 : vector<16xi32>
        %and3A_1182 = arith.andi %eq3A_1181, %lt3A_1180 : vector<16xi1>
        %not3A_1183 = arith.constant dense<true> : vector<16xi1>
        %not3A_1184 = arith.xori %and3A_1182, %not3A_1183 : vector<16xi1>
        %and3A_1185 = arith.andi %and3A_1159, %not3A_1184 : vector<16xi1>
        %add3A_1186 = arith.constant 10 : i32
        %add3A_1187 = vector.broadcast %add3A_1186 : i32 to vector<16xi32>
        %add3A_1188 = arith.addi %iota3A, %add3A_1187 : vector<16xi32>
        %and3A_1189 = arith.constant 15 : i32
        %and3A_1190 = vector.broadcast %and3A_1189 : i32 to vector<16xi32>
        %and3A_1191 = arith.andi %add3A_1188, %and3A_1190 : vector<16xi32>
        %lt3A_1192 = arith.constant 0 : i32
        %lt3A_1193 = vector.broadcast %lt3A_1192 : i32 to vector<16xi32>
        %lt3A_1194 = arith.cmpi slt, %and3A_1191, %lt3A_1193 : vector<16xi32>
        %add3A_1195 = arith.constant 16 : i32
        %add3A_1196 = vector.broadcast %add3A_1195 : i32 to vector<16xi32>
        %add3A_1197 = arith.addi %and3A_1191, %add3A_1196 : vector<16xi32>
        %select_n3A_1198 = arith.select %lt3A_1194, %add3A_1197, %and3A_1191 : vector<16xi1>, vector<16xi32>
        %broadcast_in_dim3A_1199 = vector.shape_cast %select_n3A_1198 : vector<16xi32> to vector<16x1xi32>
        %gather3A_1200 = vector.shape_cast %broadcast_in_dim3A_1199 : vector<16x1xi32> to vector<16xi32>
        %gather3A_1201 = tpu.dynamic_gather %get3A_940[%gather3A_1200] in [0] : vector<16xi32>, vector<16xi32> -> vector<16xi32>
        %add3A_1202 = arith.constant 10 : i32
        %add3A_1203 = vector.broadcast %add3A_1202 : i32 to vector<16xi32>
        %add3A_1204 = arith.addi %iota3A, %add3A_1203 : vector<16xi32>
        %lt3A_1205 = vector.broadcast %min3A_952 : i32 to vector<16xi32>
        %lt3A_1206 = arith.cmpi slt, %add3A_1204, %lt3A_1205 : vector<16xi32>
        %eq3A_1207 = arith.cmpi eq, %gather3A_1201, %get3A_940 : vector<16xi32>
        %and3A_1208 = arith.andi %eq3A_1207, %lt3A_1206 : vector<16xi1>
        %not3A_1209 = arith.constant dense<true> : vector<16xi1>
        %not3A_1210 = arith.xori %and3A_1208, %not3A_1209 : vector<16xi1>
        %and3A_1211 = arith.andi %and3A_1185, %not3A_1210 : vector<16xi1>
        %add3A_1212 = arith.constant 11 : i32
        %add3A_1213 = vector.broadcast %add3A_1212 : i32 to vector<16xi32>
        %add3A_1214 = arith.addi %iota3A, %add3A_1213 : vector<16xi32>
        %and3A_1215 = arith.constant 15 : i32
        %and3A_1216 = vector.broadcast %and3A_1215 : i32 to vector<16xi32>
        %and3A_1217 = arith.andi %add3A_1214, %and3A_1216 : vector<16xi32>
        %lt3A_1218 = arith.constant 0 : i32
        %lt3A_1219 = vector.broadcast %lt3A_1218 : i32 to vector<16xi32>
        %lt3A_1220 = arith.cmpi slt, %and3A_1217, %lt3A_1219 : vector<16xi32>
        %add3A_1221 = arith.constant 16 : i32
        %add3A_1222 = vector.broadcast %add3A_1221 : i32 to vector<16xi32>
        %add3A_1223 = arith.addi %and3A_1217, %add3A_1222 : vector<16xi32>
        %select_n3A_1224 = arith.select %lt3A_1220, %add3A_1223, %and3A_1217 : vector<16xi1>, vector<16xi32>
        %broadcast_in_dim3A_1225 = vector.shape_cast %select_n3A_1224 : vector<16xi32> to vector<16x1xi32>
        %gather3A_1226 = vector.shape_cast %broadcast_in_dim3A_1225 : vector<16x1xi32> to vector<16xi32>
        %gather3A_1227 = tpu.dynamic_gather %get3A_940[%gather3A_1226] in [0] : vector<16xi32>, vector<16xi32> -> vector<16xi32>
        %add3A_1228 = arith.constant 11 : i32
        %add3A_1229 = vector.broadcast %add3A_1228 : i32 to vector<16xi32>
        %add3A_1230 = arith.addi %iota3A, %add3A_1229 : vector<16xi32>
        %lt3A_1231 = vector.broadcast %min3A_952 : i32 to vector<16xi32>
        %lt3A_1232 = arith.cmpi slt, %add3A_1230, %lt3A_1231 : vector<16xi32>
        %eq3A_1233 = arith.cmpi eq, %gather3A_1227, %get3A_940 : vector<16xi32>
        %and3A_1234 = arith.andi %eq3A_1233, %lt3A_1232 : vector<16xi1>
        %not3A_1235 = arith.constant dense<true> : vector<16xi1>
        %not3A_1236 = arith.xori %and3A_1234, %not3A_1235 : vector<16xi1>
        %and3A_1237 = arith.andi %and3A_1211, %not3A_1236 : vector<16xi1>
        %add3A_1238 = arith.constant 12 : i32
        %add3A_1239 = vector.broadcast %add3A_1238 : i32 to vector<16xi32>
        %add3A_1240 = arith.addi %iota3A, %add3A_1239 : vector<16xi32>
        %and3A_1241 = arith.constant 15 : i32
        %and3A_1242 = vector.broadcast %and3A_1241 : i32 to vector<16xi32>
        %and3A_1243 = arith.andi %add3A_1240, %and3A_1242 : vector<16xi32>
        %lt3A_1244 = arith.constant 0 : i32
        %lt3A_1245 = vector.broadcast %lt3A_1244 : i32 to vector<16xi32>
        %lt3A_1246 = arith.cmpi slt, %and3A_1243, %lt3A_1245 : vector<16xi32>
        %add3A_1247 = arith.constant 16 : i32
        %add3A_1248 = vector.broadcast %add3A_1247 : i32 to vector<16xi32>
        %add3A_1249 = arith.addi %and3A_1243, %add3A_1248 : vector<16xi32>
        %select_n3A_1250 = arith.select %lt3A_1246, %add3A_1249, %and3A_1243 : vector<16xi1>, vector<16xi32>
        %broadcast_in_dim3A_1251 = vector.shape_cast %select_n3A_1250 : vector<16xi32> to vector<16x1xi32>
        %gather3A_1252 = vector.shape_cast %broadcast_in_dim3A_1251 : vector<16x1xi32> to vector<16xi32>
        %gather3A_1253 = tpu.dynamic_gather %get3A_940[%gather3A_1252] in [0] : vector<16xi32>, vector<16xi32> -> vector<16xi32>
        %add3A_1254 = arith.constant 12 : i32
        %add3A_1255 = vector.broadcast %add3A_1254 : i32 to vector<16xi32>
        %add3A_1256 = arith.addi %iota3A, %add3A_1255 : vector<16xi32>
        %lt3A_1257 = vector.broadcast %min3A_952 : i32 to vector<16xi32>
        %lt3A_1258 = arith.cmpi slt, %add3A_1256, %lt3A_1257 : vector<16xi32>
        %eq3A_1259 = arith.cmpi eq, %gather3A_1253, %get3A_940 : vector<16xi32>
        %and3A_1260 = arith.andi %eq3A_1259, %lt3A_1258 : vector<16xi1>
        %not3A_1261 = arith.constant dense<true> : vector<16xi1>
        %not3A_1262 = arith.xori %and3A_1260, %not3A_1261 : vector<16xi1>
        %and3A_1263 = arith.andi %and3A_1237, %not3A_1262 : vector<16xi1>
        %add3A_1264 = arith.constant 13 : i32
        %add3A_1265 = vector.broadcast %add3A_1264 : i32 to vector<16xi32>
        %add3A_1266 = arith.addi %iota3A, %add3A_1265 : vector<16xi32>
        %and3A_1267 = arith.constant 15 : i32
        %and3A_1268 = vector.broadcast %and3A_1267 : i32 to vector<16xi32>
        %and3A_1269 = arith.andi %add3A_1266, %and3A_1268 : vector<16xi32>
        %lt3A_1270 = arith.constant 0 : i32
        %lt3A_1271 = vector.broadcast %lt3A_1270 : i32 to vector<16xi32>
        %lt3A_1272 = arith.cmpi slt, %and3A_1269, %lt3A_1271 : vector<16xi32>
        %add3A_1273 = arith.constant 16 : i32
        %add3A_1274 = vector.broadcast %add3A_1273 : i32 to vector<16xi32>
        %add3A_1275 = arith.addi %and3A_1269, %add3A_1274 : vector<16xi32>
        %select_n3A_1276 = arith.select %lt3A_1272, %add3A_1275, %and3A_1269 : vector<16xi1>, vector<16xi32>
        %broadcast_in_dim3A_1277 = vector.shape_cast %select_n3A_1276 : vector<16xi32> to vector<16x1xi32>
        %gather3A_1278 = vector.shape_cast %broadcast_in_dim3A_1277 : vector<16x1xi32> to vector<16xi32>
        %gather3A_1279 = tpu.dynamic_gather %get3A_940[%gather3A_1278] in [0] : vector<16xi32>, vector<16xi32> -> vector<16xi32>
        %add3A_1280 = arith.constant 13 : i32
        %add3A_1281 = vector.broadcast %add3A_1280 : i32 to vector<16xi32>
        %add3A_1282 = arith.addi %iota3A, %add3A_1281 : vector<16xi32>
        %lt3A_1283 = vector.broadcast %min3A_952 : i32 to vector<16xi32>
        %lt3A_1284 = arith.cmpi slt, %add3A_1282, %lt3A_1283 : vector<16xi32>
        %eq3A_1285 = arith.cmpi eq, %gather3A_1279, %get3A_940 : vector<16xi32>
        %and3A_1286 = arith.andi %eq3A_1285, %lt3A_1284 : vector<16xi1>
        %not3A_1287 = arith.constant dense<true> : vector<16xi1>
        %not3A_1288 = arith.xori %and3A_1286, %not3A_1287 : vector<16xi1>
        %and3A_1289 = arith.andi %and3A_1263, %not3A_1288 : vector<16xi1>
        %add3A_1290 = arith.constant 14 : i32
        %add3A_1291 = vector.broadcast %add3A_1290 : i32 to vector<16xi32>
        %add3A_1292 = arith.addi %iota3A, %add3A_1291 : vector<16xi32>
        %and3A_1293 = arith.constant 15 : i32
        %and3A_1294 = vector.broadcast %and3A_1293 : i32 to vector<16xi32>
        %and3A_1295 = arith.andi %add3A_1292, %and3A_1294 : vector<16xi32>
        %lt3A_1296 = arith.constant 0 : i32
        %lt3A_1297 = vector.broadcast %lt3A_1296 : i32 to vector<16xi32>
        %lt3A_1298 = arith.cmpi slt, %and3A_1295, %lt3A_1297 : vector<16xi32>
        %add3A_1299 = arith.constant 16 : i32
        %add3A_1300 = vector.broadcast %add3A_1299 : i32 to vector<16xi32>
        %add3A_1301 = arith.addi %and3A_1295, %add3A_1300 : vector<16xi32>
        %select_n3A_1302 = arith.select %lt3A_1298, %add3A_1301, %and3A_1295 : vector<16xi1>, vector<16xi32>
        %broadcast_in_dim3A_1303 = vector.shape_cast %select_n3A_1302 : vector<16xi32> to vector<16x1xi32>
        %gather3A_1304 = vector.shape_cast %broadcast_in_dim3A_1303 : vector<16x1xi32> to vector<16xi32>
        %gather3A_1305 = tpu.dynamic_gather %get3A_940[%gather3A_1304] in [0] : vector<16xi32>, vector<16xi32> -> vector<16xi32>
        %add3A_1306 = arith.constant 14 : i32
        %add3A_1307 = vector.broadcast %add3A_1306 : i32 to vector<16xi32>
        %add3A_1308 = arith.addi %iota3A, %add3A_1307 : vector<16xi32>
        %lt3A_1309 = vector.broadcast %min3A_952 : i32 to vector<16xi32>
        %lt3A_1310 = arith.cmpi slt, %add3A_1308, %lt3A_1309 : vector<16xi32>
        %eq3A_1311 = arith.cmpi eq, %gather3A_1305, %get3A_940 : vector<16xi32>
        %and3A_1312 = arith.andi %eq3A_1311, %lt3A_1310 : vector<16xi1>
        %not3A_1313 = arith.constant dense<true> : vector<16xi1>
        %not3A_1314 = arith.xori %and3A_1312, %not3A_1313 : vector<16xi1>
        %and3A_1315 = arith.andi %and3A_1289, %not3A_1314 : vector<16xi1>
        %add3A_1316 = arith.constant 15 : i32
        %add3A_1317 = vector.broadcast %add3A_1316 : i32 to vector<16xi32>
        %add3A_1318 = arith.addi %iota3A, %add3A_1317 : vector<16xi32>
        %and3A_1319 = arith.constant 15 : i32
        %and3A_1320 = vector.broadcast %and3A_1319 : i32 to vector<16xi32>
        %and3A_1321 = arith.andi %add3A_1318, %and3A_1320 : vector<16xi32>
        %lt3A_1322 = arith.constant 0 : i32
        %lt3A_1323 = vector.broadcast %lt3A_1322 : i32 to vector<16xi32>
        %lt3A_1324 = arith.cmpi slt, %and3A_1321, %lt3A_1323 : vector<16xi32>
        %add3A_1325 = arith.constant 16 : i32
        %add3A_1326 = vector.broadcast %add3A_1325 : i32 to vector<16xi32>
        %add3A_1327 = arith.addi %and3A_1321, %add3A_1326 : vector<16xi32>
        %select_n3A_1328 = arith.select %lt3A_1324, %add3A_1327, %and3A_1321 : vector<16xi1>, vector<16xi32>
        %broadcast_in_dim3A_1329 = vector.shape_cast %select_n3A_1328 : vector<16xi32> to vector<16x1xi32>
        %gather3A_1330 = vector.shape_cast %broadcast_in_dim3A_1329 : vector<16x1xi32> to vector<16xi32>
        %gather3A_1331 = tpu.dynamic_gather %get3A_940[%gather3A_1330] in [0] : vector<16xi32>, vector<16xi32> -> vector<16xi32>
        %add3A_1332 = arith.constant 15 : i32
        %add3A_1333 = vector.broadcast %add3A_1332 : i32 to vector<16xi32>
        %add3A_1334 = arith.addi %iota3A, %add3A_1333 : vector<16xi32>
        %lt3A_1335 = vector.broadcast %min3A_952 : i32 to vector<16xi32>
        %lt3A_1336 = arith.cmpi slt, %add3A_1334, %lt3A_1335 : vector<16xi32>
        %eq3A_1337 = arith.cmpi eq, %gather3A_1331, %get3A_940 : vector<16xi32>
        %and3A_1338 = arith.andi %eq3A_1337, %lt3A_1336 : vector<16xi1>
        %not3A_1339 = arith.constant dense<true> : vector<16xi1>
        %not3A_1340 = arith.xori %and3A_1338, %not3A_1339 : vector<16xi1>
        %and3A_1341 = arith.andi %and3A_1315, %not3A_1340 : vector<16xi1>
        %jit3A_1342 = arith.constant 2048 : i32
        %broadcast_in_dim3A_1343 = vector.broadcast %jit3A_1342 : i32 to vector<16xi32>
        %select_n3A_1344 = arith.select %and3A_1341, %get3A_940, %broadcast_in_dim3A_1343 : vector<16xi1>, vector<16xi32>
        tpu.vector_store_idx %arg14[%select_n3A_1344], %get3A_944 : memref<2064xi32, #tpu.memory_space<vmem>>[vector<16xi32>], vector<16xi32>,
        tpu.vector_store_idx %arg15[%select_n3A_1344], %get3A_948 : memref<2064xi32, #tpu.memory_space<vmem>>[vector<16xi32>], vector<16xi32>,
        %while3A_1345 = arith.constant 0 : i32
        scf.yield %while3A_1345 : i32
      }
    }
    %scan3A_12 = arith.constant 16 : i32
    %scan3A_13 = arith.constant 0 : i32
    %scan3A_14 = arith.constant 0 : i32
    %scan3A_15 = arith.constant 128 : i32
    %scan3A_16 = arith.addi %scan3A_14, %scan3A_15 : i32
    %scan3A_17 = arith.constant 1 : i32
    %scan3A_18 = scf.for %scan3A_883 = %scan3A_14 to %scan3A_16 step %scan3A_17 iter_args(%scan3A_884 = %scan3A_13) -> (i32)  : i32 {
      %mul3A_885 = arith.constant 16 : i32
      %mul3A_886 = arith.muli %scan3A_883, %mul3A_885 : i32
      %get3A_887 = arith.index_cast %mul3A_886 : i32 to index
      %get3A_888 = tpu.vector_load %arg14[%get3A_887] {strides = array<i32>} : memref<2064xi32, #tpu.memory_space<vmem>>, vector<16xi32>,
      %ge3A = arith.constant 0 : i32
      %ge3A_889 = vector.broadcast %ge3A : i32 to vector<16xi32>
      %ge3A_890 = arith.cmpi sge, %get3A_888, %ge3A_889 : vector<16xi32>
      %mul3A_891 = arith.constant 16 : i32
      %mul3A_892 = arith.muli %scan3A_883, %mul3A_891 : i32
      %add3A_893 = arith.addi %mul3A_2, %mul3A_892 : i32
      %add3A_894 = vector.broadcast %add3A_893 : i32 to vector<16xi32>
      %add3A_895 = arith.addi %iota3A, %add3A_894 : vector<16xi32>
      %convert_element_type3A = arith.extui %ge3A_890 : vector<16xi1> to vector<16xi32>
      %broadcast_in_dim3A_896 = arith.constant true
      %broadcast_in_dim3A_897 = vector.broadcast %broadcast_in_dim3A_896 : i1 to vector<16xi1>
      %masked_cumsum3A = tpu.scan <sum>, %convert_element_type3A masked %broadcast_in_dim3A_897 : vector<16xi32>, vector<16xi1> -> vector<16xi32>
      %add3A_898 = vector.broadcast %scan3A_884 : i32 to vector<16xi32>
      %add3A_899 = arith.addi %add3A_898, %masked_cumsum3A : vector<16xi32>
      %sub3A_900 = arith.constant 1 : i32
      %sub3A_901 = vector.broadcast %sub3A_900 : i32 to vector<16xi32>
      %sub3A_902 = arith.subi %add3A_899, %sub3A_901 : vector<16xi32>
      %jit3A_903 = arith.constant 2112 : i32
      %broadcast_in_dim3A_904 = vector.broadcast %jit3A_903 : i32 to vector<16xi32>
      %select_n3A_905 = arith.select %ge3A_890, %sub3A_902, %broadcast_in_dim3A_904 : vector<16xi1>, vector<16xi32>
      tpu.vector_store_idx %arg16[%select_n3A_905], %get3A_888 : memref<2128xi32, #tpu.memory_space<vmem>>[vector<16xi32>], vector<16xi32>,
      %mul3A_906 = arith.constant 16 : i32
      %mul3A_907 = arith.muli %scan3A_883, %mul3A_906 : i32
      %get3A_908 = arith.index_cast %mul3A_907 : i32 to index
      %get3A_909 = tpu.vector_load %arg15[%get3A_908] {strides = array<i32>} : memref<2064xi32, #tpu.memory_space<vmem>>, vector<16xi32>,
      tpu.vector_store_idx %arg17[%select_n3A_905], %get3A_909 : memref<2128xi32, #tpu.memory_space<vmem>>[vector<16xi32>], vector<16xi32>,
      tpu.vector_store_idx %arg18[%select_n3A_905], %add3A_895 : memref<2128xi32, #tpu.memory_space<vmem>>[vector<16xi32>], vector<16xi32>,
      %all_reduce_population_count3A = tpu.all_reduce %ge3A_890 {dim = 0 : i64, kind = #tpu.reduction_kind<sum>} : vector<16xi1> -> vector<16xi32>
      %slice3A_910 = vector.extract_strided_slice %all_reduce_population_count3A {offsets = [0], sizes = [1], strides = [1]} : vector<16xi32> to vector<1xi32>
      %squeeze3A_911 = vector.extract %slice3A_910[0] : i32 from vector<1xi32>
      %add3A_912 = arith.addi %scan3A_884, %squeeze3A_911 : i32
      scf.yield %add3A_912 : i32
    }
    %scan3A_19 = arith.constant 128 : i32
    %add3A_20 = arith.constant 64 : i32
    %add3A_21 = arith.addi %scan3A_18, %add3A_20 : i32
    %sub3A = arith.constant 1 : i32
    %sub3A_22 = arith.subi %add3A_21, %sub3A : i32
    %jit3A = arith.constant 64 : i32
    %div3A = arith.divsi %sub3A_22, %jit3A : i32
    %sign3A = arith.constant 0 : i32
    %sign3A_23 = arith.cmpi sgt, %sub3A_22, %sign3A : i32
    %sign3A_24 = arith.extui %sign3A_23 : i1 to i32
    %sign3A_25 = arith.constant 0 : i32
    %sign3A_26 = arith.cmpi slt, %sub3A_22, %sign3A_25 : i32
    %sign3A_27 = arith.extui %sign3A_26 : i1 to i32
    %sign3A_28 = arith.subi %sign3A_24, %sign3A_27 : i32
    %sign3A_29 = arith.constant 0 : i32
    %sign3A_30 = arith.cmpi sgt, %jit3A, %sign3A_29 : i32
    %sign3A_31 = arith.extui %sign3A_30 : i1 to i32
    %sign3A_32 = arith.constant 0 : i32
    %sign3A_33 = arith.cmpi slt, %jit3A, %sign3A_32 : i32
    %sign3A_34 = arith.extui %sign3A_33 : i1 to i32
    %sign3A_35 = arith.subi %sign3A_31, %sign3A_34 : i32
    %ne3A = arith.cmpi ne, %sign3A_28, %sign3A_35 : i32
    %rem3A = arith.remsi %sub3A_22, %jit3A : i32
    %ne3A_36 = arith.constant 0 : i32
    %ne3A_37 = arith.cmpi ne, %rem3A, %ne3A_36 : i32
    %and3A = arith.andi %ne3A, %ne3A_37 : i1
    %sub3A_38 = arith.constant 1 : i32
    %sub3A_39 = arith.subi %div3A, %sub3A_38 : i32
    %select_n3A = arith.select %and3A, %sub3A_39, %div3A : i32
    %mul3A_40 = arith.constant 64 : i32
    %mul3A_41 = arith.muli %select_n3A, %mul3A_40 : i32
    %sub3A_42 = arith.subi %mul3A_41, %scan3A_18 : i32
    %sub3A_43 = arith.constant 1 : i32
    %sub3A_44 = arith.subi %scan3A_18, %sub3A_43 : i32
    %max3A = arith.constant 0 : i32
    %max3A_45 = arith.maxsi %sub3A_44, %max3A : i32
    %get3A = arith.index_cast %max3A_45 : i32 to index
    %get3A_46 = tpu.vector_load %arg16[%get3A] {strides = array<i32>} : memref<2128xi32, #tpu.memory_space<vmem>>, vector<16xi32>,
    %slice3A = vector.extract_strided_slice %get3A_46 {offsets = [0], sizes = [1], strides = [1]} : vector<16xi32> to vector<1xi32>
    %squeeze3A = vector.extract %slice3A[0] : i32 from vector<1xi32>
    %broadcast_in_dim3A_47 = vector.broadcast %squeeze3A : i32 to vector<16xi32>
    %get3A_48 = arith.index_cast %max3A_45 : i32 to index
    %get3A_49 = tpu.vector_load %arg17[%get3A_48] {strides = array<i32>} : memref<2128xi32, #tpu.memory_space<vmem>>, vector<16xi32>,
    %slice3A_50 = vector.extract_strided_slice %get3A_49 {offsets = [0], sizes = [1], strides = [1]} : vector<16xi32> to vector<1xi32>
    %squeeze3A_51 = vector.extract %slice3A_50[0] : i32 from vector<1xi32>
    %broadcast_in_dim3A_52 = vector.broadcast %squeeze3A_51 : i32 to vector<16xi32>
    %get3A_53 = arith.index_cast %max3A_45 : i32 to index
    %get3A_54 = tpu.vector_load %arg18[%get3A_53] {strides = array<i32>} : memref<2128xi32, #tpu.memory_space<vmem>>, vector<16xi32>,
    %slice3A_55 = vector.extract_strided_slice %get3A_54 {offsets = [0], sizes = [1], strides = [1]} : vector<16xi32> to vector<1xi32>
    %squeeze3A_56 = vector.extract %slice3A_55[0] : i32 from vector<1xi32>
    %broadcast_in_dim3A_57 = vector.broadcast %squeeze3A_56 : i32 to vector<16xi32>
    %add3A_58 = arith.constant 0 : i32
    %add3A_59 = vector.broadcast %add3A_58 : i32 to vector<16xi32>
    %add3A_60 = arith.addi %iota3A, %add3A_59 : vector<16xi32>
    %lt3A = vector.broadcast %sub3A_42 : i32 to vector<16xi32>
    %lt3A_61 = arith.cmpi slt, %add3A_60, %lt3A : vector<16xi32>
    %add3A_62 = arith.constant 0 : i32
    %add3A_63 = arith.addi %scan3A_18, %add3A_62 : i32
    %add3A_64 = vector.broadcast %add3A_63 : i32 to vector<16xi32>
    %add3A_65 = arith.addi %add3A_64, %iota3A : vector<16xi32>
    %jit3A_66 = arith.constant 2112 : i32
    %broadcast_in_dim3A_67 = vector.broadcast %jit3A_66 : i32 to vector<16xi32>
    %select_n3A_68 = arith.select %lt3A_61, %add3A_65, %broadcast_in_dim3A_67 : vector<16xi1>, vector<16xi32>
    tpu.vector_store_idx %arg16[%select_n3A_68], %broadcast_in_dim3A_47 : memref<2128xi32, #tpu.memory_space<vmem>>[vector<16xi32>], vector<16xi32>,
    tpu.vector_store_idx %arg17[%select_n3A_68], %broadcast_in_dim3A_52 : memref<2128xi32, #tpu.memory_space<vmem>>[vector<16xi32>], vector<16xi32>,
    tpu.vector_store_idx %arg18[%select_n3A_68], %broadcast_in_dim3A_57 : memref<2128xi32, #tpu.memory_space<vmem>>[vector<16xi32>], vector<16xi32>,
    %add3A_69 = arith.constant 16 : i32
    %add3A_70 = vector.broadcast %add3A_69 : i32 to vector<16xi32>
    %add3A_71 = arith.addi %iota3A, %add3A_70 : vector<16xi32>
    %lt3A_72 = vector.broadcast %sub3A_42 : i32 to vector<16xi32>
    %lt3A_73 = arith.cmpi slt, %add3A_71, %lt3A_72 : vector<16xi32>
    %add3A_74 = arith.constant 16 : i32
    %add3A_75 = arith.addi %scan3A_18, %add3A_74 : i32
    %add3A_76 = vector.broadcast %add3A_75 : i32 to vector<16xi32>
    %add3A_77 = arith.addi %add3A_76, %iota3A : vector<16xi32>
    %jit3A_78 = arith.constant 2112 : i32
    %broadcast_in_dim3A_79 = vector.broadcast %jit3A_78 : i32 to vector<16xi32>
    %select_n3A_80 = arith.select %lt3A_73, %add3A_77, %broadcast_in_dim3A_79 : vector<16xi1>, vector<16xi32>
    tpu.vector_store_idx %arg16[%select_n3A_80], %broadcast_in_dim3A_47 : memref<2128xi32, #tpu.memory_space<vmem>>[vector<16xi32>], vector<16xi32>,
    tpu.vector_store_idx %arg17[%select_n3A_80], %broadcast_in_dim3A_52 : memref<2128xi32, #tpu.memory_space<vmem>>[vector<16xi32>], vector<16xi32>,
    tpu.vector_store_idx %arg18[%select_n3A_80], %broadcast_in_dim3A_57 : memref<2128xi32, #tpu.memory_space<vmem>>[vector<16xi32>], vector<16xi32>,
    %add3A_81 = arith.constant 32 : i32
    %add3A_82 = vector.broadcast %add3A_81 : i32 to vector<16xi32>
    %add3A_83 = arith.addi %iota3A, %add3A_82 : vector<16xi32>
    %lt3A_84 = vector.broadcast %sub3A_42 : i32 to vector<16xi32>
    %lt3A_85 = arith.cmpi slt, %add3A_83, %lt3A_84 : vector<16xi32>
    %add3A_86 = arith.constant 32 : i32
    %add3A_87 = arith.addi %scan3A_18, %add3A_86 : i32
    %add3A_88 = vector.broadcast %add3A_87 : i32 to vector<16xi32>
    %add3A_89 = arith.addi %add3A_88, %iota3A : vector<16xi32>
    %jit3A_90 = arith.constant 2112 : i32
    %broadcast_in_dim3A_91 = vector.broadcast %jit3A_90 : i32 to vector<16xi32>
    %select_n3A_92 = arith.select %lt3A_85, %add3A_89, %broadcast_in_dim3A_91 : vector<16xi1>, vector<16xi32>
    tpu.vector_store_idx %arg16[%select_n3A_92], %broadcast_in_dim3A_47 : memref<2128xi32, #tpu.memory_space<vmem>>[vector<16xi32>], vector<16xi32>,
    tpu.vector_store_idx %arg17[%select_n3A_92], %broadcast_in_dim3A_52 : memref<2128xi32, #tpu.memory_space<vmem>>[vector<16xi32>], vector<16xi32>,
    tpu.vector_store_idx %arg18[%select_n3A_92], %broadcast_in_dim3A_57 : memref<2128xi32, #tpu.memory_space<vmem>>[vector<16xi32>], vector<16xi32>,
    %add3A_93 = arith.constant 48 : i32
    %add3A_94 = vector.broadcast %add3A_93 : i32 to vector<16xi32>
    %add3A_95 = arith.addi %iota3A, %add3A_94 : vector<16xi32>
    %lt3A_96 = vector.broadcast %sub3A_42 : i32 to vector<16xi32>
    %lt3A_97 = arith.cmpi slt, %add3A_95, %lt3A_96 : vector<16xi32>
    %add3A_98 = arith.constant 48 : i32
    %add3A_99 = arith.addi %scan3A_18, %add3A_98 : i32
    %add3A_100 = vector.broadcast %add3A_99 : i32 to vector<16xi32>
    %add3A_101 = arith.addi %add3A_100, %iota3A : vector<16xi32>
    %jit3A_102 = arith.constant 2112 : i32
    %broadcast_in_dim3A_103 = vector.broadcast %jit3A_102 : i32 to vector<16xi32>
    %select_n3A_104 = arith.select %lt3A_97, %add3A_101, %broadcast_in_dim3A_103 : vector<16xi1>, vector<16xi32>
    tpu.vector_store_idx %arg16[%select_n3A_104], %broadcast_in_dim3A_47 : memref<2128xi32, #tpu.memory_space<vmem>>[vector<16xi32>], vector<16xi32>,
    tpu.vector_store_idx %arg17[%select_n3A_104], %broadcast_in_dim3A_52 : memref<2128xi32, #tpu.memory_space<vmem>>[vector<16xi32>], vector<16xi32>,
    tpu.vector_store_idx %arg18[%select_n3A_104], %broadcast_in_dim3A_57 : memref<2128xi32, #tpu.memory_space<vmem>>[vector<16xi32>], vector<16xi32>,
    %get3A_105 = arith.constant 0 : index
    %get3A_106 = tpu.vector_load %arg18[%get3A_105] {strides = array<i32>} : memref<2128xi32, #tpu.memory_space<vmem>>, vector<16xi32>,
    %swap3A = arith.constant 0 : i32
    %swap3A_107 = arith.index_cast %swap3A : i32 to index
    %swap3A_108 = arith.constant 0 : index
    %swap3A_109 = tpu.vector_load %arg19[%swap3A_107, %swap3A_108] {strides = array<i32>} : memref<32x64xi32, #tpu.memory_space<vmem>>, vector<16xi32>,
    tpu.vector_store %arg19[%swap3A_107, %swap3A_108], %get3A_106 {strides = array<i32>} : memref<32x64xi32, #tpu.memory_space<vmem>>, vector<16xi32>,
    %get3A_110 = arith.constant 16 : index
    %get3A_111 = tpu.vector_load %arg18[%get3A_110] {strides = array<i32>} : memref<2128xi32, #tpu.memory_space<vmem>>, vector<16xi32>,
    %swap3A_112 = arith.constant 0 : i32
    %swap3A_113 = arith.index_cast %swap3A_112 : i32 to index
    %swap3A_114 = arith.constant 16 : index
    %swap3A_115 = tpu.vector_load %arg19[%swap3A_113, %swap3A_114] {strides = array<i32>} : memref<32x64xi32, #tpu.memory_space<vmem>>, vector<16xi32>,
    tpu.vector_store %arg19[%swap3A_113, %swap3A_114], %get3A_111 {strides = array<i32>} : memref<32x64xi32, #tpu.memory_space<vmem>>, vector<16xi32>,
    %get3A_116 = arith.constant 32 : index
    %get3A_117 = tpu.vector_load %arg18[%get3A_116] {strides = array<i32>} : memref<2128xi32, #tpu.memory_space<vmem>>, vector<16xi32>,
    %swap3A_118 = arith.constant 0 : i32
    %swap3A_119 = arith.index_cast %swap3A_118 : i32 to index
    %swap3A_120 = arith.constant 32 : index
    %swap3A_121 = tpu.vector_load %arg19[%swap3A_119, %swap3A_120] {strides = array<i32>} : memref<32x64xi32, #tpu.memory_space<vmem>>, vector<16xi32>,
    tpu.vector_store %arg19[%swap3A_119, %swap3A_120], %get3A_117 {strides = array<i32>} : memref<32x64xi32, #tpu.memory_space<vmem>>, vector<16xi32>,
    %get3A_122 = arith.constant 48 : index
    %get3A_123 = tpu.vector_load %arg18[%get3A_122] {strides = array<i32>} : memref<2128xi32, #tpu.memory_space<vmem>>, vector<16xi32>,
    %swap3A_124 = arith.constant 0 : i32
    %swap3A_125 = arith.index_cast %swap3A_124 : i32 to index
    %swap3A_126 = arith.constant 48 : index
    %swap3A_127 = tpu.vector_load %arg19[%swap3A_125, %swap3A_126] {strides = array<i32>} : memref<32x64xi32, #tpu.memory_space<vmem>>, vector<16xi32>,
    tpu.vector_store %arg19[%swap3A_125, %swap3A_126], %get3A_123 {strides = array<i32>} : memref<32x64xi32, #tpu.memory_space<vmem>>, vector<16xi32>,
    %get3A_128 = arith.constant 64 : index
    %get3A_129 = tpu.vector_load %arg18[%get3A_128] {strides = array<i32>} : memref<2128xi32, #tpu.memory_space<vmem>>, vector<16xi32>,
    %swap3A_130 = arith.constant 1 : i32
    %swap3A_131 = arith.index_cast %swap3A_130 : i32 to index
    %swap3A_132 = arith.constant 0 : index
    %swap3A_133 = tpu.vector_load %arg19[%swap3A_131, %swap3A_132] {strides = array<i32>} : memref<32x64xi32, #tpu.memory_space<vmem>>, vector<16xi32>,
    tpu.vector_store %arg19[%swap3A_131, %swap3A_132], %get3A_129 {strides = array<i32>} : memref<32x64xi32, #tpu.memory_space<vmem>>, vector<16xi32>,
    %get3A_134 = arith.constant 80 : index
    %get3A_135 = tpu.vector_load %arg18[%get3A_134] {strides = array<i32>} : memref<2128xi32, #tpu.memory_space<vmem>>, vector<16xi32>,
    %swap3A_136 = arith.constant 1 : i32
    %swap3A_137 = arith.index_cast %swap3A_136 : i32 to index
    %swap3A_138 = arith.constant 16 : index
    %swap3A_139 = tpu.vector_load %arg19[%swap3A_137, %swap3A_138] {strides = array<i32>} : memref<32x64xi32, #tpu.memory_space<vmem>>, vector<16xi32>,
    tpu.vector_store %arg19[%swap3A_137, %swap3A_138], %get3A_135 {strides = array<i32>} : memref<32x64xi32, #tpu.memory_space<vmem>>, vector<16xi32>,
    %get3A_140 = arith.constant 96 : index
    %get3A_141 = tpu.vector_load %arg18[%get3A_140] {strides = array<i32>} : memref<2128xi32, #tpu.memory_space<vmem>>, vector<16xi32>,
    %swap3A_142 = arith.constant 1 : i32
    %swap3A_143 = arith.index_cast %swap3A_142 : i32 to index
    %swap3A_144 = arith.constant 32 : index
    %swap3A_145 = tpu.vector_load %arg19[%swap3A_143, %swap3A_144] {strides = array<i32>} : memref<32x64xi32, #tpu.memory_space<vmem>>, vector<16xi32>,
    tpu.vector_store %arg19[%swap3A_143, %swap3A_144], %get3A_141 {strides = array<i32>} : memref<32x64xi32, #tpu.memory_space<vmem>>, vector<16xi32>,
    %get3A_146 = arith.constant 112 : index
    %get3A_147 = tpu.vector_load %arg18[%get3A_146] {strides = array<i32>} : memref<2128xi32, #tpu.memory_space<vmem>>, vector<16xi32>,
    %swap3A_148 = arith.constant 1 : i32
    %swap3A_149 = arith.index_cast %swap3A_148 : i32 to index
    %swap3A_150 = arith.constant 48 : index
    %swap3A_151 = tpu.vector_load %arg19[%swap3A_149, %swap3A_150] {strides = array<i32>} : memref<32x64xi32, #tpu.memory_space<vmem>>, vector<16xi32>,
    tpu.vector_store %arg19[%swap3A_149, %swap3A_150], %get3A_147 {strides = array<i32>} : memref<32x64xi32, #tpu.memory_space<vmem>>, vector<16xi32>,
    %get3A_152 = arith.constant 128 : index
    %get3A_153 = tpu.vector_load %arg18[%get3A_152] {strides = array<i32>} : memref<2128xi32, #tpu.memory_space<vmem>>, vector<16xi32>,
    %swap3A_154 = arith.constant 2 : i32
    %swap3A_155 = arith.index_cast %swap3A_154 : i32 to index
    %swap3A_156 = arith.constant 0 : index
    %swap3A_157 = tpu.vector_load %arg19[%swap3A_155, %swap3A_156] {strides = array<i32>} : memref<32x64xi32, #tpu.memory_space<vmem>>, vector<16xi32>,
    tpu.vector_store %arg19[%swap3A_155, %swap3A_156], %get3A_153 {strides = array<i32>} : memref<32x64xi32, #tpu.memory_space<vmem>>, vector<16xi32>,
    %get3A_158 = arith.constant 144 : index
    %get3A_159 = tpu.vector_load %arg18[%get3A_158] {strides = array<i32>} : memref<2128xi32, #tpu.memory_space<vmem>>, vector<16xi32>,
    %swap3A_160 = arith.constant 2 : i32
    %swap3A_161 = arith.index_cast %swap3A_160 : i32 to index
    %swap3A_162 = arith.constant 16 : index
    %swap3A_163 = tpu.vector_load %arg19[%swap3A_161, %swap3A_162] {strides = array<i32>} : memref<32x64xi32, #tpu.memory_space<vmem>>, vector<16xi32>,
    tpu.vector_store %arg19[%swap3A_161, %swap3A_162], %get3A_159 {strides = array<i32>} : memref<32x64xi32, #tpu.memory_space<vmem>>, vector<16xi32>,
    %get3A_164 = arith.constant 160 : index
    %get3A_165 = tpu.vector_load %arg18[%get3A_164] {strides = array<i32>} : memref<2128xi32, #tpu.memory_space<vmem>>, vector<16xi32>,
    %swap3A_166 = arith.constant 2 : i32
    %swap3A_167 = arith.index_cast %swap3A_166 : i32 to index
    %swap3A_168 = arith.constant 32 : index
    %swap3A_169 = tpu.vector_load %arg19[%swap3A_167, %swap3A_168] {strides = array<i32>} : memref<32x64xi32, #tpu.memory_space<vmem>>, vector<16xi32>,
    tpu.vector_store %arg19[%swap3A_167, %swap3A_168], %get3A_165 {strides = array<i32>} : memref<32x64xi32, #tpu.memory_space<vmem>>, vector<16xi32>,
    %get3A_170 = arith.constant 176 : index
    %get3A_171 = tpu.vector_load %arg18[%get3A_170] {strides = array<i32>} : memref<2128xi32, #tpu.memory_space<vmem>>, vector<16xi32>,
    %swap3A_172 = arith.constant 2 : i32
    %swap3A_173 = arith.index_cast %swap3A_172 : i32 to index
    %swap3A_174 = arith.constant 48 : index
    %swap3A_175 = tpu.vector_load %arg19[%swap3A_173, %swap3A_174] {strides = array<i32>} : memref<32x64xi32, #tpu.memory_space<vmem>>, vector<16xi32>,
    tpu.vector_store %arg19[%swap3A_173, %swap3A_174], %get3A_171 {strides = array<i32>} : memref<32x64xi32, #tpu.memory_space<vmem>>, vector<16xi32>,
    %get3A_176 = arith.constant 192 : index
    %get3A_177 = tpu.vector_load %arg18[%get3A_176] {strides = array<i32>} : memref<2128xi32, #tpu.memory_space<vmem>>, vector<16xi32>,
    %swap3A_178 = arith.constant 3 : i32
    %swap3A_179 = arith.index_cast %swap3A_178 : i32 to index
    %swap3A_180 = arith.constant 0 : index
    %swap3A_181 = tpu.vector_load %arg19[%swap3A_179, %swap3A_180] {strides = array<i32>} : memref<32x64xi32, #tpu.memory_space<vmem>>, vector<16xi32>,
    tpu.vector_store %arg19[%swap3A_179, %swap3A_180], %get3A_177 {strides = array<i32>} : memref<32x64xi32, #tpu.memory_space<vmem>>, vector<16xi32>,
    %get3A_182 = arith.constant 208 : index
    %get3A_183 = tpu.vector_load %arg18[%get3A_182] {strides = array<i32>} : memref<2128xi32, #tpu.memory_space<vmem>>, vector<16xi32>,
    %swap3A_184 = arith.constant 3 : i32
    %swap3A_185 = arith.index_cast %swap3A_184 : i32 to index
    %swap3A_186 = arith.constant 16 : index
    %swap3A_187 = tpu.vector_load %arg19[%swap3A_185, %swap3A_186] {strides = array<i32>} : memref<32x64xi32, #tpu.memory_space<vmem>>, vector<16xi32>,
    tpu.vector_store %arg19[%swap3A_185, %swap3A_186], %get3A_183 {strides = array<i32>} : memref<32x64xi32, #tpu.memory_space<vmem>>, vector<16xi32>,
    %get3A_188 = arith.constant 224 : index
    %get3A_189 = tpu.vector_load %arg18[%get3A_188] {strides = array<i32>} : memref<2128xi32, #tpu.memory_space<vmem>>, vector<16xi32>,
    %swap3A_190 = arith.constant 3 : i32
    %swap3A_191 = arith.index_cast %swap3A_190 : i32 to index
    %swap3A_192 = arith.constant 32 : index
    %swap3A_193 = tpu.vector_load %arg19[%swap3A_191, %swap3A_192] {strides = array<i32>} : memref<32x64xi32, #tpu.memory_space<vmem>>, vector<16xi32>,
    tpu.vector_store %arg19[%swap3A_191, %swap3A_192], %get3A_189 {strides = array<i32>} : memref<32x64xi32, #tpu.memory_space<vmem>>, vector<16xi32>,
    %get3A_194 = arith.constant 240 : index
    %get3A_195 = tpu.vector_load %arg18[%get3A_194] {strides = array<i32>} : memref<2128xi32, #tpu.memory_space<vmem>>, vector<16xi32>,
    %swap3A_196 = arith.constant 3 : i32
    %swap3A_197 = arith.index_cast %swap3A_196 : i32 to index
    %swap3A_198 = arith.constant 48 : index
    %swap3A_199 = tpu.vector_load %arg19[%swap3A_197, %swap3A_198] {strides = array<i32>} : memref<32x64xi32, #tpu.memory_space<vmem>>, vector<16xi32>,
    tpu.vector_store %arg19[%swap3A_197, %swap3A_198], %get3A_195 {strides = array<i32>} : memref<32x64xi32, #tpu.memory_space<vmem>>, vector<16xi32>,
    %get3A_200 = arith.constant 256 : index
    %get3A_201 = tpu.vector_load %arg18[%get3A_200] {strides = array<i32>} : memref<2128xi32, #tpu.memory_space<vmem>>, vector<16xi32>,
    %swap3A_202 = arith.constant 4 : i32
    %swap3A_203 = arith.index_cast %swap3A_202 : i32 to index
    %swap3A_204 = arith.constant 0 : index
    %swap3A_205 = tpu.vector_load %arg19[%swap3A_203, %swap3A_204] {strides = array<i32>} : memref<32x64xi32, #tpu.memory_space<vmem>>, vector<16xi32>,
    tpu.vector_store %arg19[%swap3A_203, %swap3A_204], %get3A_201 {strides = array<i32>} : memref<32x64xi32, #tpu.memory_space<vmem>>, vector<16xi32>,
    %get3A_206 = arith.constant 272 : index
    %get3A_207 = tpu.vector_load %arg18[%get3A_206] {strides = array<i32>} : memref<2128xi32, #tpu.memory_space<vmem>>, vector<16xi32>,
    %swap3A_208 = arith.constant 4 : i32
    %swap3A_209 = arith.index_cast %swap3A_208 : i32 to index
    %swap3A_210 = arith.constant 16 : index
    %swap3A_211 = tpu.vector_load %arg19[%swap3A_209, %swap3A_210] {strides = array<i32>} : memref<32x64xi32, #tpu.memory_space<vmem>>, vector<16xi32>,
    tpu.vector_store %arg19[%swap3A_209, %swap3A_210], %get3A_207 {strides = array<i32>} : memref<32x64xi32, #tpu.memory_space<vmem>>, vector<16xi32>,
    %get3A_212 = arith.constant 288 : index
    %get3A_213 = tpu.vector_load %arg18[%get3A_212] {strides = array<i32>} : memref<2128xi32, #tpu.memory_space<vmem>>, vector<16xi32>,
    %swap3A_214 = arith.constant 4 : i32
    %swap3A_215 = arith.index_cast %swap3A_214 : i32 to index
    %swap3A_216 = arith.constant 32 : index
    %swap3A_217 = tpu.vector_load %arg19[%swap3A_215, %swap3A_216] {strides = array<i32>} : memref<32x64xi32, #tpu.memory_space<vmem>>, vector<16xi32>,
    tpu.vector_store %arg19[%swap3A_215, %swap3A_216], %get3A_213 {strides = array<i32>} : memref<32x64xi32, #tpu.memory_space<vmem>>, vector<16xi32>,
    %get3A_218 = arith.constant 304 : index
    %get3A_219 = tpu.vector_load %arg18[%get3A_218] {strides = array<i32>} : memref<2128xi32, #tpu.memory_space<vmem>>, vector<16xi32>,
    %swap3A_220 = arith.constant 4 : i32
    %swap3A_221 = arith.index_cast %swap3A_220 : i32 to index
    %swap3A_222 = arith.constant 48 : index
    %swap3A_223 = tpu.vector_load %arg19[%swap3A_221, %swap3A_222] {strides = array<i32>} : memref<32x64xi32, #tpu.memory_space<vmem>>, vector<16xi32>,
    tpu.vector_store %arg19[%swap3A_221, %swap3A_222], %get3A_219 {strides = array<i32>} : memref<32x64xi32, #tpu.memory_space<vmem>>, vector<16xi32>,
    %get3A_224 = arith.constant 320 : index
    %get3A_225 = tpu.vector_load %arg18[%get3A_224] {strides = array<i32>} : memref<2128xi32, #tpu.memory_space<vmem>>, vector<16xi32>,
    %swap3A_226 = arith.constant 5 : i32
    %swap3A_227 = arith.index_cast %swap3A_226 : i32 to index
    %swap3A_228 = arith.constant 0 : index
    %swap3A_229 = tpu.vector_load %arg19[%swap3A_227, %swap3A_228] {strides = array<i32>} : memref<32x64xi32, #tpu.memory_space<vmem>>, vector<16xi32>,
    tpu.vector_store %arg19[%swap3A_227, %swap3A_228], %get3A_225 {strides = array<i32>} : memref<32x64xi32, #tpu.memory_space<vmem>>, vector<16xi32>,
    %get3A_230 = arith.constant 336 : index
    %get3A_231 = tpu.vector_load %arg18[%get3A_230] {strides = array<i32>} : memref<2128xi32, #tpu.memory_space<vmem>>, vector<16xi32>,
    %swap3A_232 = arith.constant 5 : i32
    %swap3A_233 = arith.index_cast %swap3A_232 : i32 to index
    %swap3A_234 = arith.constant 16 : index
    %swap3A_235 = tpu.vector_load %arg19[%swap3A_233, %swap3A_234] {strides = array<i32>} : memref<32x64xi32, #tpu.memory_space<vmem>>, vector<16xi32>,
    tpu.vector_store %arg19[%swap3A_233, %swap3A_234], %get3A_231 {strides = array<i32>} : memref<32x64xi32, #tpu.memory_space<vmem>>, vector<16xi32>,
    %get3A_236 = arith.constant 352 : index
    %get3A_237 = tpu.vector_load %arg18[%get3A_236] {strides = array<i32>} : memref<2128xi32, #tpu.memory_space<vmem>>, vector<16xi32>,
    %swap3A_238 = arith.constant 5 : i32
    %swap3A_239 = arith.index_cast %swap3A_238 : i32 to index
    %swap3A_240 = arith.constant 32 : index
    %swap3A_241 = tpu.vector_load %arg19[%swap3A_239, %swap3A_240] {strides = array<i32>} : memref<32x64xi32, #tpu.memory_space<vmem>>, vector<16xi32>,
    tpu.vector_store %arg19[%swap3A_239, %swap3A_240], %get3A_237 {strides = array<i32>} : memref<32x64xi32, #tpu.memory_space<vmem>>, vector<16xi32>,
    %get3A_242 = arith.constant 368 : index
    %get3A_243 = tpu.vector_load %arg18[%get3A_242] {strides = array<i32>} : memref<2128xi32, #tpu.memory_space<vmem>>, vector<16xi32>,
    %swap3A_244 = arith.constant 5 : i32
    %swap3A_245 = arith.index_cast %swap3A_244 : i32 to index
    %swap3A_246 = arith.constant 48 : index
    %swap3A_247 = tpu.vector_load %arg19[%swap3A_245, %swap3A_246] {strides = array<i32>} : memref<32x64xi32, #tpu.memory_space<vmem>>, vector<16xi32>,
    tpu.vector_store %arg19[%swap3A_245, %swap3A_246], %get3A_243 {strides = array<i32>} : memref<32x64xi32, #tpu.memory_space<vmem>>, vector<16xi32>,
    %get3A_248 = arith.constant 384 : index
    %get3A_249 = tpu.vector_load %arg18[%get3A_248] {strides = array<i32>} : memref<2128xi32, #tpu.memory_space<vmem>>, vector<16xi32>,
    %swap3A_250 = arith.constant 6 : i32
    %swap3A_251 = arith.index_cast %swap3A_250 : i32 to index
    %swap3A_252 = arith.constant 0 : index
    %swap3A_253 = tpu.vector_load %arg19[%swap3A_251, %swap3A_252] {strides = array<i32>} : memref<32x64xi32, #tpu.memory_space<vmem>>, vector<16xi32>,
    tpu.vector_store %arg19[%swap3A_251, %swap3A_252], %get3A_249 {strides = array<i32>} : memref<32x64xi32, #tpu.memory_space<vmem>>, vector<16xi32>,
    %get3A_254 = arith.constant 400 : index
    %get3A_255 = tpu.vector_load %arg18[%get3A_254] {strides = array<i32>} : memref<2128xi32, #tpu.memory_space<vmem>>, vector<16xi32>,
    %swap3A_256 = arith.constant 6 : i32
    %swap3A_257 = arith.index_cast %swap3A_256 : i32 to index
    %swap3A_258 = arith.constant 16 : index
    %swap3A_259 = tpu.vector_load %arg19[%swap3A_257, %swap3A_258] {strides = array<i32>} : memref<32x64xi32, #tpu.memory_space<vmem>>, vector<16xi32>,
    tpu.vector_store %arg19[%swap3A_257, %swap3A_258], %get3A_255 {strides = array<i32>} : memref<32x64xi32, #tpu.memory_space<vmem>>, vector<16xi32>,
    %get3A_260 = arith.constant 416 : index
    %get3A_261 = tpu.vector_load %arg18[%get3A_260] {strides = array<i32>} : memref<2128xi32, #tpu.memory_space<vmem>>, vector<16xi32>,
    %swap3A_262 = arith.constant 6 : i32
    %swap3A_263 = arith.index_cast %swap3A_262 : i32 to index
    %swap3A_264 = arith.constant 32 : index
    %swap3A_265 = tpu.vector_load %arg19[%swap3A_263, %swap3A_264] {strides = array<i32>} : memref<32x64xi32, #tpu.memory_space<vmem>>, vector<16xi32>,
    tpu.vector_store %arg19[%swap3A_263, %swap3A_264], %get3A_261 {strides = array<i32>} : memref<32x64xi32, #tpu.memory_space<vmem>>, vector<16xi32>,
    %get3A_266 = arith.constant 432 : index
    %get3A_267 = tpu.vector_load %arg18[%get3A_266] {strides = array<i32>} : memref<2128xi32, #tpu.memory_space<vmem>>, vector<16xi32>,
    %swap3A_268 = arith.constant 6 : i32
    %swap3A_269 = arith.index_cast %swap3A_268 : i32 to index
    %swap3A_270 = arith.constant 48 : index
    %swap3A_271 = tpu.vector_load %arg19[%swap3A_269, %swap3A_270] {strides = array<i32>} : memref<32x64xi32, #tpu.memory_space<vmem>>, vector<16xi32>,
    tpu.vector_store %arg19[%swap3A_269, %swap3A_270], %get3A_267 {strides = array<i32>} : memref<32x64xi32, #tpu.memory_space<vmem>>, vector<16xi32>,
    %get3A_272 = arith.constant 448 : index
    %get3A_273 = tpu.vector_load %arg18[%get3A_272] {strides = array<i32>} : memref<2128xi32, #tpu.memory_space<vmem>>, vector<16xi32>,
    %swap3A_274 = arith.constant 7 : i32
    %swap3A_275 = arith.index_cast %swap3A_274 : i32 to index
    %swap3A_276 = arith.constant 0 : index
    %swap3A_277 = tpu.vector_load %arg19[%swap3A_275, %swap3A_276] {strides = array<i32>} : memref<32x64xi32, #tpu.memory_space<vmem>>, vector<16xi32>,
    tpu.vector_store %arg19[%swap3A_275, %swap3A_276], %get3A_273 {strides = array<i32>} : memref<32x64xi32, #tpu.memory_space<vmem>>, vector<16xi32>,
    %get3A_278 = arith.constant 464 : index
    %get3A_279 = tpu.vector_load %arg18[%get3A_278] {strides = array<i32>} : memref<2128xi32, #tpu.memory_space<vmem>>, vector<16xi32>,
    %swap3A_280 = arith.constant 7 : i32
    %swap3A_281 = arith.index_cast %swap3A_280 : i32 to index
    %swap3A_282 = arith.constant 16 : index
    %swap3A_283 = tpu.vector_load %arg19[%swap3A_281, %swap3A_282] {strides = array<i32>} : memref<32x64xi32, #tpu.memory_space<vmem>>, vector<16xi32>,
    tpu.vector_store %arg19[%swap3A_281, %swap3A_282], %get3A_279 {strides = array<i32>} : memref<32x64xi32, #tpu.memory_space<vmem>>, vector<16xi32>,
    %get3A_284 = arith.constant 480 : index
    %get3A_285 = tpu.vector_load %arg18[%get3A_284] {strides = array<i32>} : memref<2128xi32, #tpu.memory_space<vmem>>, vector<16xi32>,
    %swap3A_286 = arith.constant 7 : i32
    %swap3A_287 = arith.index_cast %swap3A_286 : i32 to index
    %swap3A_288 = arith.constant 32 : index
    %swap3A_289 = tpu.vector_load %arg19[%swap3A_287, %swap3A_288] {strides = array<i32>} : memref<32x64xi32, #tpu.memory_space<vmem>>, vector<16xi32>,
    tpu.vector_store %arg19[%swap3A_287, %swap3A_288], %get3A_285 {strides = array<i32>} : memref<32x64xi32, #tpu.memory_space<vmem>>, vector<16xi32>,
    %get3A_290 = arith.constant 496 : index
    %get3A_291 = tpu.vector_load %arg18[%get3A_290] {strides = array<i32>} : memref<2128xi32, #tpu.memory_space<vmem>>, vector<16xi32>,
    %swap3A_292 = arith.constant 7 : i32
    %swap3A_293 = arith.index_cast %swap3A_292 : i32 to index
    %swap3A_294 = arith.constant 48 : index
    %swap3A_295 = tpu.vector_load %arg19[%swap3A_293, %swap3A_294] {strides = array<i32>} : memref<32x64xi32, #tpu.memory_space<vmem>>, vector<16xi32>,
    tpu.vector_store %arg19[%swap3A_293, %swap3A_294], %get3A_291 {strides = array<i32>} : memref<32x64xi32, #tpu.memory_space<vmem>>, vector<16xi32>,
    %get3A_296 = arith.constant 512 : index
    %get3A_297 = tpu.vector_load %arg18[%get3A_296] {strides = array<i32>} : memref<2128xi32, #tpu.memory_space<vmem>>, vector<16xi32>,
    %swap3A_298 = arith.constant 8 : i32
    %swap3A_299 = arith.index_cast %swap3A_298 : i32 to index
    %swap3A_300 = arith.constant 0 : index
    %swap3A_301 = tpu.vector_load %arg19[%swap3A_299, %swap3A_300] {strides = array<i32>} : memref<32x64xi32, #tpu.memory_space<vmem>>, vector<16xi32>,
    tpu.vector_store %arg19[%swap3A_299, %swap3A_300], %get3A_297 {strides = array<i32>} : memref<32x64xi32, #tpu.memory_space<vmem>>, vector<16xi32>,
    %get3A_302 = arith.constant 528 : index
    %get3A_303 = tpu.vector_load %arg18[%get3A_302] {strides = array<i32>} : memref<2128xi32, #tpu.memory_space<vmem>>, vector<16xi32>,
    %swap3A_304 = arith.constant 8 : i32
    %swap3A_305 = arith.index_cast %swap3A_304 : i32 to index
    %swap3A_306 = arith.constant 16 : index
    %swap3A_307 = tpu.vector_load %arg19[%swap3A_305, %swap3A_306] {strides = array<i32>} : memref<32x64xi32, #tpu.memory_space<vmem>>, vector<16xi32>,
    tpu.vector_store %arg19[%swap3A_305, %swap3A_306], %get3A_303 {strides = array<i32>} : memref<32x64xi32, #tpu.memory_space<vmem>>, vector<16xi32>,
    %get3A_308 = arith.constant 544 : index
    %get3A_309 = tpu.vector_load %arg18[%get3A_308] {strides = array<i32>} : memref<2128xi32, #tpu.memory_space<vmem>>, vector<16xi32>,
    %swap3A_310 = arith.constant 8 : i32
    %swap3A_311 = arith.index_cast %swap3A_310 : i32 to index
    %swap3A_312 = arith.constant 32 : index
    %swap3A_313 = tpu.vector_load %arg19[%swap3A_311, %swap3A_312] {strides = array<i32>} : memref<32x64xi32, #tpu.memory_space<vmem>>, vector<16xi32>,
    tpu.vector_store %arg19[%swap3A_311, %swap3A_312], %get3A_309 {strides = array<i32>} : memref<32x64xi32, #tpu.memory_space<vmem>>, vector<16xi32>,
    %get3A_314 = arith.constant 560 : index
    %get3A_315 = tpu.vector_load %arg18[%get3A_314] {strides = array<i32>} : memref<2128xi32, #tpu.memory_space<vmem>>, vector<16xi32>,
    %swap3A_316 = arith.constant 8 : i32
    %swap3A_317 = arith.index_cast %swap3A_316 : i32 to index
    %swap3A_318 = arith.constant 48 : index
    %swap3A_319 = tpu.vector_load %arg19[%swap3A_317, %swap3A_318] {strides = array<i32>} : memref<32x64xi32, #tpu.memory_space<vmem>>, vector<16xi32>,
    tpu.vector_store %arg19[%swap3A_317, %swap3A_318], %get3A_315 {strides = array<i32>} : memref<32x64xi32, #tpu.memory_space<vmem>>, vector<16xi32>,
    %get3A_320 = arith.constant 576 : index
    %get3A_321 = tpu.vector_load %arg18[%get3A_320] {strides = array<i32>} : memref<2128xi32, #tpu.memory_space<vmem>>, vector<16xi32>,
    %swap3A_322 = arith.constant 9 : i32
    %swap3A_323 = arith.index_cast %swap3A_322 : i32 to index
    %swap3A_324 = arith.constant 0 : index
    %swap3A_325 = tpu.vector_load %arg19[%swap3A_323, %swap3A_324] {strides = array<i32>} : memref<32x64xi32, #tpu.memory_space<vmem>>, vector<16xi32>,
    tpu.vector_store %arg19[%swap3A_323, %swap3A_324], %get3A_321 {strides = array<i32>} : memref<32x64xi32, #tpu.memory_space<vmem>>, vector<16xi32>,
    %get3A_326 = arith.constant 592 : index
    %get3A_327 = tpu.vector_load %arg18[%get3A_326] {strides = array<i32>} : memref<2128xi32, #tpu.memory_space<vmem>>, vector<16xi32>,
    %swap3A_328 = arith.constant 9 : i32
    %swap3A_329 = arith.index_cast %swap3A_328 : i32 to index
    %swap3A_330 = arith.constant 16 : index
    %swap3A_331 = tpu.vector_load %arg19[%swap3A_329, %swap3A_330] {strides = array<i32>} : memref<32x64xi32, #tpu.memory_space<vmem>>, vector<16xi32>,
    tpu.vector_store %arg19[%swap3A_329, %swap3A_330], %get3A_327 {strides = array<i32>} : memref<32x64xi32, #tpu.memory_space<vmem>>, vector<16xi32>,
    %get3A_332 = arith.constant 608 : index
    %get3A_333 = tpu.vector_load %arg18[%get3A_332] {strides = array<i32>} : memref<2128xi32, #tpu.memory_space<vmem>>, vector<16xi32>,
    %swap3A_334 = arith.constant 9 : i32
    %swap3A_335 = arith.index_cast %swap3A_334 : i32 to index
    %swap3A_336 = arith.constant 32 : index
    %swap3A_337 = tpu.vector_load %arg19[%swap3A_335, %swap3A_336] {strides = array<i32>} : memref<32x64xi32, #tpu.memory_space<vmem>>, vector<16xi32>,
    tpu.vector_store %arg19[%swap3A_335, %swap3A_336], %get3A_333 {strides = array<i32>} : memref<32x64xi32, #tpu.memory_space<vmem>>, vector<16xi32>,
    %get3A_338 = arith.constant 624 : index
    %get3A_339 = tpu.vector_load %arg18[%get3A_338] {strides = array<i32>} : memref<2128xi32, #tpu.memory_space<vmem>>, vector<16xi32>,
    %swap3A_340 = arith.constant 9 : i32
    %swap3A_341 = arith.index_cast %swap3A_340 : i32 to index
    %swap3A_342 = arith.constant 48 : index
    %swap3A_343 = tpu.vector_load %arg19[%swap3A_341, %swap3A_342] {strides = array<i32>} : memref<32x64xi32, #tpu.memory_space<vmem>>, vector<16xi32>,
    tpu.vector_store %arg19[%swap3A_341, %swap3A_342], %get3A_339 {strides = array<i32>} : memref<32x64xi32, #tpu.memory_space<vmem>>, vector<16xi32>,
    %get3A_344 = arith.constant 640 : index
    %get3A_345 = tpu.vector_load %arg18[%get3A_344] {strides = array<i32>} : memref<2128xi32, #tpu.memory_space<vmem>>, vector<16xi32>,
    %swap3A_346 = arith.constant 10 : i32
    %swap3A_347 = arith.index_cast %swap3A_346 : i32 to index
    %swap3A_348 = arith.constant 0 : index
    %swap3A_349 = tpu.vector_load %arg19[%swap3A_347, %swap3A_348] {strides = array<i32>} : memref<32x64xi32, #tpu.memory_space<vmem>>, vector<16xi32>,
    tpu.vector_store %arg19[%swap3A_347, %swap3A_348], %get3A_345 {strides = array<i32>} : memref<32x64xi32, #tpu.memory_space<vmem>>, vector<16xi32>,
    %get3A_350 = arith.constant 656 : index
    %get3A_351 = tpu.vector_load %arg18[%get3A_350] {strides = array<i32>} : memref<2128xi32, #tpu.memory_space<vmem>>, vector<16xi32>,
    %swap3A_352 = arith.constant 10 : i32
    %swap3A_353 = arith.index_cast %swap3A_352 : i32 to index
    %swap3A_354 = arith.constant 16 : index
    %swap3A_355 = tpu.vector_load %arg19[%swap3A_353, %swap3A_354] {strides = array<i32>} : memref<32x64xi32, #tpu.memory_space<vmem>>, vector<16xi32>,
    tpu.vector_store %arg19[%swap3A_353, %swap3A_354], %get3A_351 {strides = array<i32>} : memref<32x64xi32, #tpu.memory_space<vmem>>, vector<16xi32>,
    %get3A_356 = arith.constant 672 : index
    %get3A_357 = tpu.vector_load %arg18[%get3A_356] {strides = array<i32>} : memref<2128xi32, #tpu.memory_space<vmem>>, vector<16xi32>,
    %swap3A_358 = arith.constant 10 : i32
    %swap3A_359 = arith.index_cast %swap3A_358 : i32 to index
    %swap3A_360 = arith.constant 32 : index
    %swap3A_361 = tpu.vector_load %arg19[%swap3A_359, %swap3A_360] {strides = array<i32>} : memref<32x64xi32, #tpu.memory_space<vmem>>, vector<16xi32>,
    tpu.vector_store %arg19[%swap3A_359, %swap3A_360], %get3A_357 {strides = array<i32>} : memref<32x64xi32, #tpu.memory_space<vmem>>, vector<16xi32>,
    %get3A_362 = arith.constant 688 : index
    %get3A_363 = tpu.vector_load %arg18[%get3A_362] {strides = array<i32>} : memref<2128xi32, #tpu.memory_space<vmem>>, vector<16xi32>,
    %swap3A_364 = arith.constant 10 : i32
    %swap3A_365 = arith.index_cast %swap3A_364 : i32 to index
    %swap3A_366 = arith.constant 48 : index
    %swap3A_367 = tpu.vector_load %arg19[%swap3A_365, %swap3A_366] {strides = array<i32>} : memref<32x64xi32, #tpu.memory_space<vmem>>, vector<16xi32>,
    tpu.vector_store %arg19[%swap3A_365, %swap3A_366], %get3A_363 {strides = array<i32>} : memref<32x64xi32, #tpu.memory_space<vmem>>, vector<16xi32>,
    %get3A_368 = arith.constant 704 : index
    %get3A_369 = tpu.vector_load %arg18[%get3A_368] {strides = array<i32>} : memref<2128xi32, #tpu.memory_space<vmem>>, vector<16xi32>,
    %swap3A_370 = arith.constant 11 : i32
    %swap3A_371 = arith.index_cast %swap3A_370 : i32 to index
    %swap3A_372 = arith.constant 0 : index
    %swap3A_373 = tpu.vector_load %arg19[%swap3A_371, %swap3A_372] {strides = array<i32>} : memref<32x64xi32, #tpu.memory_space<vmem>>, vector<16xi32>,
    tpu.vector_store %arg19[%swap3A_371, %swap3A_372], %get3A_369 {strides = array<i32>} : memref<32x64xi32, #tpu.memory_space<vmem>>, vector<16xi32>,
    %get3A_374 = arith.constant 720 : index
    %get3A_375 = tpu.vector_load %arg18[%get3A_374] {strides = array<i32>} : memref<2128xi32, #tpu.memory_space<vmem>>, vector<16xi32>,
    %swap3A_376 = arith.constant 11 : i32
    %swap3A_377 = arith.index_cast %swap3A_376 : i32 to index
    %swap3A_378 = arith.constant 16 : index
    %swap3A_379 = tpu.vector_load %arg19[%swap3A_377, %swap3A_378] {strides = array<i32>} : memref<32x64xi32, #tpu.memory_space<vmem>>, vector<16xi32>,
    tpu.vector_store %arg19[%swap3A_377, %swap3A_378], %get3A_375 {strides = array<i32>} : memref<32x64xi32, #tpu.memory_space<vmem>>, vector<16xi32>,
    %get3A_380 = arith.constant 736 : index
    %get3A_381 = tpu.vector_load %arg18[%get3A_380] {strides = array<i32>} : memref<2128xi32, #tpu.memory_space<vmem>>, vector<16xi32>,
    %swap3A_382 = arith.constant 11 : i32
    %swap3A_383 = arith.index_cast %swap3A_382 : i32 to index
    %swap3A_384 = arith.constant 32 : index
    %swap3A_385 = tpu.vector_load %arg19[%swap3A_383, %swap3A_384] {strides = array<i32>} : memref<32x64xi32, #tpu.memory_space<vmem>>, vector<16xi32>,
    tpu.vector_store %arg19[%swap3A_383, %swap3A_384], %get3A_381 {strides = array<i32>} : memref<32x64xi32, #tpu.memory_space<vmem>>, vector<16xi32>,
    %get3A_386 = arith.constant 752 : index
    %get3A_387 = tpu.vector_load %arg18[%get3A_386] {strides = array<i32>} : memref<2128xi32, #tpu.memory_space<vmem>>, vector<16xi32>,
    %swap3A_388 = arith.constant 11 : i32
    %swap3A_389 = arith.index_cast %swap3A_388 : i32 to index
    %swap3A_390 = arith.constant 48 : index
    %swap3A_391 = tpu.vector_load %arg19[%swap3A_389, %swap3A_390] {strides = array<i32>} : memref<32x64xi32, #tpu.memory_space<vmem>>, vector<16xi32>,
    tpu.vector_store %arg19[%swap3A_389, %swap3A_390], %get3A_387 {strides = array<i32>} : memref<32x64xi32, #tpu.memory_space<vmem>>, vector<16xi32>,
    %get3A_392 = arith.constant 768 : index
    %get3A_393 = tpu.vector_load %arg18[%get3A_392] {strides = array<i32>} : memref<2128xi32, #tpu.memory_space<vmem>>, vector<16xi32>,
    %swap3A_394 = arith.constant 12 : i32
    %swap3A_395 = arith.index_cast %swap3A_394 : i32 to index
    %swap3A_396 = arith.constant 0 : index
    %swap3A_397 = tpu.vector_load %arg19[%swap3A_395, %swap3A_396] {strides = array<i32>} : memref<32x64xi32, #tpu.memory_space<vmem>>, vector<16xi32>,
    tpu.vector_store %arg19[%swap3A_395, %swap3A_396], %get3A_393 {strides = array<i32>} : memref<32x64xi32, #tpu.memory_space<vmem>>, vector<16xi32>,
    %get3A_398 = arith.constant 784 : index
    %get3A_399 = tpu.vector_load %arg18[%get3A_398] {strides = array<i32>} : memref<2128xi32, #tpu.memory_space<vmem>>, vector<16xi32>,
    %swap3A_400 = arith.constant 12 : i32
    %swap3A_401 = arith.index_cast %swap3A_400 : i32 to index
    %swap3A_402 = arith.constant 16 : index
    %swap3A_403 = tpu.vector_load %arg19[%swap3A_401, %swap3A_402] {strides = array<i32>} : memref<32x64xi32, #tpu.memory_space<vmem>>, vector<16xi32>,
    tpu.vector_store %arg19[%swap3A_401, %swap3A_402], %get3A_399 {strides = array<i32>} : memref<32x64xi32, #tpu.memory_space<vmem>>, vector<16xi32>,
    %get3A_404 = arith.constant 800 : index
    %get3A_405 = tpu.vector_load %arg18[%get3A_404] {strides = array<i32>} : memref<2128xi32, #tpu.memory_space<vmem>>, vector<16xi32>,
    %swap3A_406 = arith.constant 12 : i32
    %swap3A_407 = arith.index_cast %swap3A_406 : i32 to index
    %swap3A_408 = arith.constant 32 : index
    %swap3A_409 = tpu.vector_load %arg19[%swap3A_407, %swap3A_408] {strides = array<i32>} : memref<32x64xi32, #tpu.memory_space<vmem>>, vector<16xi32>,
    tpu.vector_store %arg19[%swap3A_407, %swap3A_408], %get3A_405 {strides = array<i32>} : memref<32x64xi32, #tpu.memory_space<vmem>>, vector<16xi32>,
    %get3A_410 = arith.constant 816 : index
    %get3A_411 = tpu.vector_load %arg18[%get3A_410] {strides = array<i32>} : memref<2128xi32, #tpu.memory_space<vmem>>, vector<16xi32>,
    %swap3A_412 = arith.constant 12 : i32
    %swap3A_413 = arith.index_cast %swap3A_412 : i32 to index
    %swap3A_414 = arith.constant 48 : index
    %swap3A_415 = tpu.vector_load %arg19[%swap3A_413, %swap3A_414] {strides = array<i32>} : memref<32x64xi32, #tpu.memory_space<vmem>>, vector<16xi32>,
    tpu.vector_store %arg19[%swap3A_413, %swap3A_414], %get3A_411 {strides = array<i32>} : memref<32x64xi32, #tpu.memory_space<vmem>>, vector<16xi32>,
    %get3A_416 = arith.constant 832 : index
    %get3A_417 = tpu.vector_load %arg18[%get3A_416] {strides = array<i32>} : memref<2128xi32, #tpu.memory_space<vmem>>, vector<16xi32>,
    %swap3A_418 = arith.constant 13 : i32
    %swap3A_419 = arith.index_cast %swap3A_418 : i32 to index
    %swap3A_420 = arith.constant 0 : index
    %swap3A_421 = tpu.vector_load %arg19[%swap3A_419, %swap3A_420] {strides = array<i32>} : memref<32x64xi32, #tpu.memory_space<vmem>>, vector<16xi32>,
    tpu.vector_store %arg19[%swap3A_419, %swap3A_420], %get3A_417 {strides = array<i32>} : memref<32x64xi32, #tpu.memory_space<vmem>>, vector<16xi32>,
    %get3A_422 = arith.constant 848 : index
    %get3A_423 = tpu.vector_load %arg18[%get3A_422] {strides = array<i32>} : memref<2128xi32, #tpu.memory_space<vmem>>, vector<16xi32>,
    %swap3A_424 = arith.constant 13 : i32
    %swap3A_425 = arith.index_cast %swap3A_424 : i32 to index
    %swap3A_426 = arith.constant 16 : index
    %swap3A_427 = tpu.vector_load %arg19[%swap3A_425, %swap3A_426] {strides = array<i32>} : memref<32x64xi32, #tpu.memory_space<vmem>>, vector<16xi32>,
    tpu.vector_store %arg19[%swap3A_425, %swap3A_426], %get3A_423 {strides = array<i32>} : memref<32x64xi32, #tpu.memory_space<vmem>>, vector<16xi32>,
    %get3A_428 = arith.constant 864 : index
    %get3A_429 = tpu.vector_load %arg18[%get3A_428] {strides = array<i32>} : memref<2128xi32, #tpu.memory_space<vmem>>, vector<16xi32>,
    %swap3A_430 = arith.constant 13 : i32
    %swap3A_431 = arith.index_cast %swap3A_430 : i32 to index
    %swap3A_432 = arith.constant 32 : index
    %swap3A_433 = tpu.vector_load %arg19[%swap3A_431, %swap3A_432] {strides = array<i32>} : memref<32x64xi32, #tpu.memory_space<vmem>>, vector<16xi32>,
    tpu.vector_store %arg19[%swap3A_431, %swap3A_432], %get3A_429 {strides = array<i32>} : memref<32x64xi32, #tpu.memory_space<vmem>>, vector<16xi32>,
    %get3A_434 = arith.constant 880 : index
    %get3A_435 = tpu.vector_load %arg18[%get3A_434] {strides = array<i32>} : memref<2128xi32, #tpu.memory_space<vmem>>, vector<16xi32>,
    %swap3A_436 = arith.constant 13 : i32
    %swap3A_437 = arith.index_cast %swap3A_436 : i32 to index
    %swap3A_438 = arith.constant 48 : index
    %swap3A_439 = tpu.vector_load %arg19[%swap3A_437, %swap3A_438] {strides = array<i32>} : memref<32x64xi32, #tpu.memory_space<vmem>>, vector<16xi32>,
    tpu.vector_store %arg19[%swap3A_437, %swap3A_438], %get3A_435 {strides = array<i32>} : memref<32x64xi32, #tpu.memory_space<vmem>>, vector<16xi32>,
    %get3A_440 = arith.constant 896 : index
    %get3A_441 = tpu.vector_load %arg18[%get3A_440] {strides = array<i32>} : memref<2128xi32, #tpu.memory_space<vmem>>, vector<16xi32>,
    %swap3A_442 = arith.constant 14 : i32
    %swap3A_443 = arith.index_cast %swap3A_442 : i32 to index
    %swap3A_444 = arith.constant 0 : index
    %swap3A_445 = tpu.vector_load %arg19[%swap3A_443, %swap3A_444] {strides = array<i32>} : memref<32x64xi32, #tpu.memory_space<vmem>>, vector<16xi32>,
    tpu.vector_store %arg19[%swap3A_443, %swap3A_444], %get3A_441 {strides = array<i32>} : memref<32x64xi32, #tpu.memory_space<vmem>>, vector<16xi32>,
    %get3A_446 = arith.constant 912 : index
    %get3A_447 = tpu.vector_load %arg18[%get3A_446] {strides = array<i32>} : memref<2128xi32, #tpu.memory_space<vmem>>, vector<16xi32>,
    %swap3A_448 = arith.constant 14 : i32
    %swap3A_449 = arith.index_cast %swap3A_448 : i32 to index
    %swap3A_450 = arith.constant 16 : index
    %swap3A_451 = tpu.vector_load %arg19[%swap3A_449, %swap3A_450] {strides = array<i32>} : memref<32x64xi32, #tpu.memory_space<vmem>>, vector<16xi32>,
    tpu.vector_store %arg19[%swap3A_449, %swap3A_450], %get3A_447 {strides = array<i32>} : memref<32x64xi32, #tpu.memory_space<vmem>>, vector<16xi32>,
    %get3A_452 = arith.constant 928 : index
    %get3A_453 = tpu.vector_load %arg18[%get3A_452] {strides = array<i32>} : memref<2128xi32, #tpu.memory_space<vmem>>, vector<16xi32>,
    %swap3A_454 = arith.constant 14 : i32
    %swap3A_455 = arith.index_cast %swap3A_454 : i32 to index
    %swap3A_456 = arith.constant 32 : index
    %swap3A_457 = tpu.vector_load %arg19[%swap3A_455, %swap3A_456] {strides = array<i32>} : memref<32x64xi32, #tpu.memory_space<vmem>>, vector<16xi32>,
    tpu.vector_store %arg19[%swap3A_455, %swap3A_456], %get3A_453 {strides = array<i32>} : memref<32x64xi32, #tpu.memory_space<vmem>>, vector<16xi32>,
    %get3A_458 = arith.constant 944 : index
    %get3A_459 = tpu.vector_load %arg18[%get3A_458] {strides = array<i32>} : memref<2128xi32, #tpu.memory_space<vmem>>, vector<16xi32>,
    %swap3A_460 = arith.constant 14 : i32
    %swap3A_461 = arith.index_cast %swap3A_460 : i32 to index
    %swap3A_462 = arith.constant 48 : index
    %swap3A_463 = tpu.vector_load %arg19[%swap3A_461, %swap3A_462] {strides = array<i32>} : memref<32x64xi32, #tpu.memory_space<vmem>>, vector<16xi32>,
    tpu.vector_store %arg19[%swap3A_461, %swap3A_462], %get3A_459 {strides = array<i32>} : memref<32x64xi32, #tpu.memory_space<vmem>>, vector<16xi32>,
    %get3A_464 = arith.constant 960 : index
    %get3A_465 = tpu.vector_load %arg18[%get3A_464] {strides = array<i32>} : memref<2128xi32, #tpu.memory_space<vmem>>, vector<16xi32>,
    %swap3A_466 = arith.constant 15 : i32
    %swap3A_467 = arith.index_cast %swap3A_466 : i32 to index
    %swap3A_468 = arith.constant 0 : index
    %swap3A_469 = tpu.vector_load %arg19[%swap3A_467, %swap3A_468] {strides = array<i32>} : memref<32x64xi32, #tpu.memory_space<vmem>>, vector<16xi32>,
    tpu.vector_store %arg19[%swap3A_467, %swap3A_468], %get3A_465 {strides = array<i32>} : memref<32x64xi32, #tpu.memory_space<vmem>>, vector<16xi32>,
    %get3A_470 = arith.constant 976 : index
    %get3A_471 = tpu.vector_load %arg18[%get3A_470] {strides = array<i32>} : memref<2128xi32, #tpu.memory_space<vmem>>, vector<16xi32>,
    %swap3A_472 = arith.constant 15 : i32
    %swap3A_473 = arith.index_cast %swap3A_472 : i32 to index
    %swap3A_474 = arith.constant 16 : index
    %swap3A_475 = tpu.vector_load %arg19[%swap3A_473, %swap3A_474] {strides = array<i32>} : memref<32x64xi32, #tpu.memory_space<vmem>>, vector<16xi32>,
    tpu.vector_store %arg19[%swap3A_473, %swap3A_474], %get3A_471 {strides = array<i32>} : memref<32x64xi32, #tpu.memory_space<vmem>>, vector<16xi32>,
    %get3A_476 = arith.constant 992 : index
    %get3A_477 = tpu.vector_load %arg18[%get3A_476] {strides = array<i32>} : memref<2128xi32, #tpu.memory_space<vmem>>, vector<16xi32>,
    %swap3A_478 = arith.constant 15 : i32
    %swap3A_479 = arith.index_cast %swap3A_478 : i32 to index
    %swap3A_480 = arith.constant 32 : index
    %swap3A_481 = tpu.vector_load %arg19[%swap3A_479, %swap3A_480] {strides = array<i32>} : memref<32x64xi32, #tpu.memory_space<vmem>>, vector<16xi32>,
    tpu.vector_store %arg19[%swap3A_479, %swap3A_480], %get3A_477 {strides = array<i32>} : memref<32x64xi32, #tpu.memory_space<vmem>>, vector<16xi32>,
    %get3A_482 = arith.constant 1008 : index
    %get3A_483 = tpu.vector_load %arg18[%get3A_482] {strides = array<i32>} : memref<2128xi32, #tpu.memory_space<vmem>>, vector<16xi32>,
    %swap3A_484 = arith.constant 15 : i32
    %swap3A_485 = arith.index_cast %swap3A_484 : i32 to index
    %swap3A_486 = arith.constant 48 : index
    %swap3A_487 = tpu.vector_load %arg19[%swap3A_485, %swap3A_486] {strides = array<i32>} : memref<32x64xi32, #tpu.memory_space<vmem>>, vector<16xi32>,
    tpu.vector_store %arg19[%swap3A_485, %swap3A_486], %get3A_483 {strides = array<i32>} : memref<32x64xi32, #tpu.memory_space<vmem>>, vector<16xi32>,
    %get3A_488 = arith.constant 1024 : index
    %get3A_489 = tpu.vector_load %arg18[%get3A_488] {strides = array<i32>} : memref<2128xi32, #tpu.memory_space<vmem>>, vector<16xi32>,
    %swap3A_490 = arith.constant 16 : i32
    %swap3A_491 = arith.index_cast %swap3A_490 : i32 to index
    %swap3A_492 = arith.constant 0 : index
    %swap3A_493 = tpu.vector_load %arg19[%swap3A_491, %swap3A_492] {strides = array<i32>} : memref<32x64xi32, #tpu.memory_space<vmem>>, vector<16xi32>,
    tpu.vector_store %arg19[%swap3A_491, %swap3A_492], %get3A_489 {strides = array<i32>} : memref<32x64xi32, #tpu.memory_space<vmem>>, vector<16xi32>,
    %get3A_494 = arith.constant 1040 : index
    %get3A_495 = tpu.vector_load %arg18[%get3A_494] {strides = array<i32>} : memref<2128xi32, #tpu.memory_space<vmem>>, vector<16xi32>,
    %swap3A_496 = arith.constant 16 : i32
    %swap3A_497 = arith.index_cast %swap3A_496 : i32 to index
    %swap3A_498 = arith.constant 16 : index
    %swap3A_499 = tpu.vector_load %arg19[%swap3A_497, %swap3A_498] {strides = array<i32>} : memref<32x64xi32, #tpu.memory_space<vmem>>, vector<16xi32>,
    tpu.vector_store %arg19[%swap3A_497, %swap3A_498], %get3A_495 {strides = array<i32>} : memref<32x64xi32, #tpu.memory_space<vmem>>, vector<16xi32>,
    %get3A_500 = arith.constant 1056 : index
    %get3A_501 = tpu.vector_load %arg18[%get3A_500] {strides = array<i32>} : memref<2128xi32, #tpu.memory_space<vmem>>, vector<16xi32>,
    %swap3A_502 = arith.constant 16 : i32
    %swap3A_503 = arith.index_cast %swap3A_502 : i32 to index
    %swap3A_504 = arith.constant 32 : index
    %swap3A_505 = tpu.vector_load %arg19[%swap3A_503, %swap3A_504] {strides = array<i32>} : memref<32x64xi32, #tpu.memory_space<vmem>>, vector<16xi32>,
    tpu.vector_store %arg19[%swap3A_503, %swap3A_504], %get3A_501 {strides = array<i32>} : memref<32x64xi32, #tpu.memory_space<vmem>>, vector<16xi32>,
    %get3A_506 = arith.constant 1072 : index
    %get3A_507 = tpu.vector_load %arg18[%get3A_506] {strides = array<i32>} : memref<2128xi32, #tpu.memory_space<vmem>>, vector<16xi32>,
    %swap3A_508 = arith.constant 16 : i32
    %swap3A_509 = arith.index_cast %swap3A_508 : i32 to index
    %swap3A_510 = arith.constant 48 : index
    %swap3A_511 = tpu.vector_load %arg19[%swap3A_509, %swap3A_510] {strides = array<i32>} : memref<32x64xi32, #tpu.memory_space<vmem>>, vector<16xi32>,
    tpu.vector_store %arg19[%swap3A_509, %swap3A_510], %get3A_507 {strides = array<i32>} : memref<32x64xi32, #tpu.memory_space<vmem>>, vector<16xi32>,
    %get3A_512 = arith.constant 1088 : index
    %get3A_513 = tpu.vector_load %arg18[%get3A_512] {strides = array<i32>} : memref<2128xi32, #tpu.memory_space<vmem>>, vector<16xi32>,
    %swap3A_514 = arith.constant 17 : i32
    %swap3A_515 = arith.index_cast %swap3A_514 : i32 to index
    %swap3A_516 = arith.constant 0 : index
    %swap3A_517 = tpu.vector_load %arg19[%swap3A_515, %swap3A_516] {strides = array<i32>} : memref<32x64xi32, #tpu.memory_space<vmem>>, vector<16xi32>,
    tpu.vector_store %arg19[%swap3A_515, %swap3A_516], %get3A_513 {strides = array<i32>} : memref<32x64xi32, #tpu.memory_space<vmem>>, vector<16xi32>,
    %get3A_518 = arith.constant 1104 : index
    %get3A_519 = tpu.vector_load %arg18[%get3A_518] {strides = array<i32>} : memref<2128xi32, #tpu.memory_space<vmem>>, vector<16xi32>,
    %swap3A_520 = arith.constant 17 : i32
    %swap3A_521 = arith.index_cast %swap3A_520 : i32 to index
    %swap3A_522 = arith.constant 16 : index
    %swap3A_523 = tpu.vector_load %arg19[%swap3A_521, %swap3A_522] {strides = array<i32>} : memref<32x64xi32, #tpu.memory_space<vmem>>, vector<16xi32>,
    tpu.vector_store %arg19[%swap3A_521, %swap3A_522], %get3A_519 {strides = array<i32>} : memref<32x64xi32, #tpu.memory_space<vmem>>, vector<16xi32>,
    %get3A_524 = arith.constant 1120 : index
    %get3A_525 = tpu.vector_load %arg18[%get3A_524] {strides = array<i32>} : memref<2128xi32, #tpu.memory_space<vmem>>, vector<16xi32>,
    %swap3A_526 = arith.constant 17 : i32
    %swap3A_527 = arith.index_cast %swap3A_526 : i32 to index
    %swap3A_528 = arith.constant 32 : index
    %swap3A_529 = tpu.vector_load %arg19[%swap3A_527, %swap3A_528] {strides = array<i32>} : memref<32x64xi32, #tpu.memory_space<vmem>>, vector<16xi32>,
    tpu.vector_store %arg19[%swap3A_527, %swap3A_528], %get3A_525 {strides = array<i32>} : memref<32x64xi32, #tpu.memory_space<vmem>>, vector<16xi32>,
    %get3A_530 = arith.constant 1136 : index
    %get3A_531 = tpu.vector_load %arg18[%get3A_530] {strides = array<i32>} : memref<2128xi32, #tpu.memory_space<vmem>>, vector<16xi32>,
    %swap3A_532 = arith.constant 17 : i32
    %swap3A_533 = arith.index_cast %swap3A_532 : i32 to index
    %swap3A_534 = arith.constant 48 : index
    %swap3A_535 = tpu.vector_load %arg19[%swap3A_533, %swap3A_534] {strides = array<i32>} : memref<32x64xi32, #tpu.memory_space<vmem>>, vector<16xi32>,
    tpu.vector_store %arg19[%swap3A_533, %swap3A_534], %get3A_531 {strides = array<i32>} : memref<32x64xi32, #tpu.memory_space<vmem>>, vector<16xi32>,
    %get3A_536 = arith.constant 1152 : index
    %get3A_537 = tpu.vector_load %arg18[%get3A_536] {strides = array<i32>} : memref<2128xi32, #tpu.memory_space<vmem>>, vector<16xi32>,
    %swap3A_538 = arith.constant 18 : i32
    %swap3A_539 = arith.index_cast %swap3A_538 : i32 to index
    %swap3A_540 = arith.constant 0 : index
    %swap3A_541 = tpu.vector_load %arg19[%swap3A_539, %swap3A_540] {strides = array<i32>} : memref<32x64xi32, #tpu.memory_space<vmem>>, vector<16xi32>,
    tpu.vector_store %arg19[%swap3A_539, %swap3A_540], %get3A_537 {strides = array<i32>} : memref<32x64xi32, #tpu.memory_space<vmem>>, vector<16xi32>,
    %get3A_542 = arith.constant 1168 : index
    %get3A_543 = tpu.vector_load %arg18[%get3A_542] {strides = array<i32>} : memref<2128xi32, #tpu.memory_space<vmem>>, vector<16xi32>,
    %swap3A_544 = arith.constant 18 : i32
    %swap3A_545 = arith.index_cast %swap3A_544 : i32 to index
    %swap3A_546 = arith.constant 16 : index
    %swap3A_547 = tpu.vector_load %arg19[%swap3A_545, %swap3A_546] {strides = array<i32>} : memref<32x64xi32, #tpu.memory_space<vmem>>, vector<16xi32>,
    tpu.vector_store %arg19[%swap3A_545, %swap3A_546], %get3A_543 {strides = array<i32>} : memref<32x64xi32, #tpu.memory_space<vmem>>, vector<16xi32>,
    %get3A_548 = arith.constant 1184 : index
    %get3A_549 = tpu.vector_load %arg18[%get3A_548] {strides = array<i32>} : memref<2128xi32, #tpu.memory_space<vmem>>, vector<16xi32>,
    %swap3A_550 = arith.constant 18 : i32
    %swap3A_551 = arith.index_cast %swap3A_550 : i32 to index
    %swap3A_552 = arith.constant 32 : index
    %swap3A_553 = tpu.vector_load %arg19[%swap3A_551, %swap3A_552] {strides = array<i32>} : memref<32x64xi32, #tpu.memory_space<vmem>>, vector<16xi32>,
    tpu.vector_store %arg19[%swap3A_551, %swap3A_552], %get3A_549 {strides = array<i32>} : memref<32x64xi32, #tpu.memory_space<vmem>>, vector<16xi32>,
    %get3A_554 = arith.constant 1200 : index
    %get3A_555 = tpu.vector_load %arg18[%get3A_554] {strides = array<i32>} : memref<2128xi32, #tpu.memory_space<vmem>>, vector<16xi32>,
    %swap3A_556 = arith.constant 18 : i32
    %swap3A_557 = arith.index_cast %swap3A_556 : i32 to index
    %swap3A_558 = arith.constant 48 : index
    %swap3A_559 = tpu.vector_load %arg19[%swap3A_557, %swap3A_558] {strides = array<i32>} : memref<32x64xi32, #tpu.memory_space<vmem>>, vector<16xi32>,
    tpu.vector_store %arg19[%swap3A_557, %swap3A_558], %get3A_555 {strides = array<i32>} : memref<32x64xi32, #tpu.memory_space<vmem>>, vector<16xi32>,
    %get3A_560 = arith.constant 1216 : index
    %get3A_561 = tpu.vector_load %arg18[%get3A_560] {strides = array<i32>} : memref<2128xi32, #tpu.memory_space<vmem>>, vector<16xi32>,
    %swap3A_562 = arith.constant 19 : i32
    %swap3A_563 = arith.index_cast %swap3A_562 : i32 to index
    %swap3A_564 = arith.constant 0 : index
    %swap3A_565 = tpu.vector_load %arg19[%swap3A_563, %swap3A_564] {strides = array<i32>} : memref<32x64xi32, #tpu.memory_space<vmem>>, vector<16xi32>,
    tpu.vector_store %arg19[%swap3A_563, %swap3A_564], %get3A_561 {strides = array<i32>} : memref<32x64xi32, #tpu.memory_space<vmem>>, vector<16xi32>,
    %get3A_566 = arith.constant 1232 : index
    %get3A_567 = tpu.vector_load %arg18[%get3A_566] {strides = array<i32>} : memref<2128xi32, #tpu.memory_space<vmem>>, vector<16xi32>,
    %swap3A_568 = arith.constant 19 : i32
    %swap3A_569 = arith.index_cast %swap3A_568 : i32 to index
    %swap3A_570 = arith.constant 16 : index
    %swap3A_571 = tpu.vector_load %arg19[%swap3A_569, %swap3A_570] {strides = array<i32>} : memref<32x64xi32, #tpu.memory_space<vmem>>, vector<16xi32>,
    tpu.vector_store %arg19[%swap3A_569, %swap3A_570], %get3A_567 {strides = array<i32>} : memref<32x64xi32, #tpu.memory_space<vmem>>, vector<16xi32>,
    %get3A_572 = arith.constant 1248 : index
    %get3A_573 = tpu.vector_load %arg18[%get3A_572] {strides = array<i32>} : memref<2128xi32, #tpu.memory_space<vmem>>, vector<16xi32>,
    %swap3A_574 = arith.constant 19 : i32
    %swap3A_575 = arith.index_cast %swap3A_574 : i32 to index
    %swap3A_576 = arith.constant 32 : index
    %swap3A_577 = tpu.vector_load %arg19[%swap3A_575, %swap3A_576] {strides = array<i32>} : memref<32x64xi32, #tpu.memory_space<vmem>>, vector<16xi32>,
    tpu.vector_store %arg19[%swap3A_575, %swap3A_576], %get3A_573 {strides = array<i32>} : memref<32x64xi32, #tpu.memory_space<vmem>>, vector<16xi32>,
    %get3A_578 = arith.constant 1264 : index
    %get3A_579 = tpu.vector_load %arg18[%get3A_578] {strides = array<i32>} : memref<2128xi32, #tpu.memory_space<vmem>>, vector<16xi32>,
    %swap3A_580 = arith.constant 19 : i32
    %swap3A_581 = arith.index_cast %swap3A_580 : i32 to index
    %swap3A_582 = arith.constant 48 : index
    %swap3A_583 = tpu.vector_load %arg19[%swap3A_581, %swap3A_582] {strides = array<i32>} : memref<32x64xi32, #tpu.memory_space<vmem>>, vector<16xi32>,
    tpu.vector_store %arg19[%swap3A_581, %swap3A_582], %get3A_579 {strides = array<i32>} : memref<32x64xi32, #tpu.memory_space<vmem>>, vector<16xi32>,
    %get3A_584 = arith.constant 1280 : index
    %get3A_585 = tpu.vector_load %arg18[%get3A_584] {strides = array<i32>} : memref<2128xi32, #tpu.memory_space<vmem>>, vector<16xi32>,
    %swap3A_586 = arith.constant 20 : i32
    %swap3A_587 = arith.index_cast %swap3A_586 : i32 to index
    %swap3A_588 = arith.constant 0 : index
    %swap3A_589 = tpu.vector_load %arg19[%swap3A_587, %swap3A_588] {strides = array<i32>} : memref<32x64xi32, #tpu.memory_space<vmem>>, vector<16xi32>,
    tpu.vector_store %arg19[%swap3A_587, %swap3A_588], %get3A_585 {strides = array<i32>} : memref<32x64xi32, #tpu.memory_space<vmem>>, vector<16xi32>,
    %get3A_590 = arith.constant 1296 : index
    %get3A_591 = tpu.vector_load %arg18[%get3A_590] {strides = array<i32>} : memref<2128xi32, #tpu.memory_space<vmem>>, vector<16xi32>,
    %swap3A_592 = arith.constant 20 : i32
    %swap3A_593 = arith.index_cast %swap3A_592 : i32 to index
    %swap3A_594 = arith.constant 16 : index
    %swap3A_595 = tpu.vector_load %arg19[%swap3A_593, %swap3A_594] {strides = array<i32>} : memref<32x64xi32, #tpu.memory_space<vmem>>, vector<16xi32>,
    tpu.vector_store %arg19[%swap3A_593, %swap3A_594], %get3A_591 {strides = array<i32>} : memref<32x64xi32, #tpu.memory_space<vmem>>, vector<16xi32>,
    %get3A_596 = arith.constant 1312 : index
    %get3A_597 = tpu.vector_load %arg18[%get3A_596] {strides = array<i32>} : memref<2128xi32, #tpu.memory_space<vmem>>, vector<16xi32>,
    %swap3A_598 = arith.constant 20 : i32
    %swap3A_599 = arith.index_cast %swap3A_598 : i32 to index
    %swap3A_600 = arith.constant 32 : index
    %swap3A_601 = tpu.vector_load %arg19[%swap3A_599, %swap3A_600] {strides = array<i32>} : memref<32x64xi32, #tpu.memory_space<vmem>>, vector<16xi32>,
    tpu.vector_store %arg19[%swap3A_599, %swap3A_600], %get3A_597 {strides = array<i32>} : memref<32x64xi32, #tpu.memory_space<vmem>>, vector<16xi32>,
    %get3A_602 = arith.constant 1328 : index
    %get3A_603 = tpu.vector_load %arg18[%get3A_602] {strides = array<i32>} : memref<2128xi32, #tpu.memory_space<vmem>>, vector<16xi32>,
    %swap3A_604 = arith.constant 20 : i32
    %swap3A_605 = arith.index_cast %swap3A_604 : i32 to index
    %swap3A_606 = arith.constant 48 : index
    %swap3A_607 = tpu.vector_load %arg19[%swap3A_605, %swap3A_606] {strides = array<i32>} : memref<32x64xi32, #tpu.memory_space<vmem>>, vector<16xi32>,
    tpu.vector_store %arg19[%swap3A_605, %swap3A_606], %get3A_603 {strides = array<i32>} : memref<32x64xi32, #tpu.memory_space<vmem>>, vector<16xi32>,
    %get3A_608 = arith.constant 1344 : index
    %get3A_609 = tpu.vector_load %arg18[%get3A_608] {strides = array<i32>} : memref<2128xi32, #tpu.memory_space<vmem>>, vector<16xi32>,
    %swap3A_610 = arith.constant 21 : i32
    %swap3A_611 = arith.index_cast %swap3A_610 : i32 to index
    %swap3A_612 = arith.constant 0 : index
    %swap3A_613 = tpu.vector_load %arg19[%swap3A_611, %swap3A_612] {strides = array<i32>} : memref<32x64xi32, #tpu.memory_space<vmem>>, vector<16xi32>,
    tpu.vector_store %arg19[%swap3A_611, %swap3A_612], %get3A_609 {strides = array<i32>} : memref<32x64xi32, #tpu.memory_space<vmem>>, vector<16xi32>,
    %get3A_614 = arith.constant 1360 : index
    %get3A_615 = tpu.vector_load %arg18[%get3A_614] {strides = array<i32>} : memref<2128xi32, #tpu.memory_space<vmem>>, vector<16xi32>,
    %swap3A_616 = arith.constant 21 : i32
    %swap3A_617 = arith.index_cast %swap3A_616 : i32 to index
    %swap3A_618 = arith.constant 16 : index
    %swap3A_619 = tpu.vector_load %arg19[%swap3A_617, %swap3A_618] {strides = array<i32>} : memref<32x64xi32, #tpu.memory_space<vmem>>, vector<16xi32>,
    tpu.vector_store %arg19[%swap3A_617, %swap3A_618], %get3A_615 {strides = array<i32>} : memref<32x64xi32, #tpu.memory_space<vmem>>, vector<16xi32>,
    %get3A_620 = arith.constant 1376 : index
    %get3A_621 = tpu.vector_load %arg18[%get3A_620] {strides = array<i32>} : memref<2128xi32, #tpu.memory_space<vmem>>, vector<16xi32>,
    %swap3A_622 = arith.constant 21 : i32
    %swap3A_623 = arith.index_cast %swap3A_622 : i32 to index
    %swap3A_624 = arith.constant 32 : index
    %swap3A_625 = tpu.vector_load %arg19[%swap3A_623, %swap3A_624] {strides = array<i32>} : memref<32x64xi32, #tpu.memory_space<vmem>>, vector<16xi32>,
    tpu.vector_store %arg19[%swap3A_623, %swap3A_624], %get3A_621 {strides = array<i32>} : memref<32x64xi32, #tpu.memory_space<vmem>>, vector<16xi32>,
    %get3A_626 = arith.constant 1392 : index
    %get3A_627 = tpu.vector_load %arg18[%get3A_626] {strides = array<i32>} : memref<2128xi32, #tpu.memory_space<vmem>>, vector<16xi32>,
    %swap3A_628 = arith.constant 21 : i32
    %swap3A_629 = arith.index_cast %swap3A_628 : i32 to index
    %swap3A_630 = arith.constant 48 : index
    %swap3A_631 = tpu.vector_load %arg19[%swap3A_629, %swap3A_630] {strides = array<i32>} : memref<32x64xi32, #tpu.memory_space<vmem>>, vector<16xi32>,
    tpu.vector_store %arg19[%swap3A_629, %swap3A_630], %get3A_627 {strides = array<i32>} : memref<32x64xi32, #tpu.memory_space<vmem>>, vector<16xi32>,
    %get3A_632 = arith.constant 1408 : index
    %get3A_633 = tpu.vector_load %arg18[%get3A_632] {strides = array<i32>} : memref<2128xi32, #tpu.memory_space<vmem>>, vector<16xi32>,
    %swap3A_634 = arith.constant 22 : i32
    %swap3A_635 = arith.index_cast %swap3A_634 : i32 to index
    %swap3A_636 = arith.constant 0 : index
    %swap3A_637 = tpu.vector_load %arg19[%swap3A_635, %swap3A_636] {strides = array<i32>} : memref<32x64xi32, #tpu.memory_space<vmem>>, vector<16xi32>,
    tpu.vector_store %arg19[%swap3A_635, %swap3A_636], %get3A_633 {strides = array<i32>} : memref<32x64xi32, #tpu.memory_space<vmem>>, vector<16xi32>,
    %get3A_638 = arith.constant 1424 : index
    %get3A_639 = tpu.vector_load %arg18[%get3A_638] {strides = array<i32>} : memref<2128xi32, #tpu.memory_space<vmem>>, vector<16xi32>,
    %swap3A_640 = arith.constant 22 : i32
    %swap3A_641 = arith.index_cast %swap3A_640 : i32 to index
    %swap3A_642 = arith.constant 16 : index
    %swap3A_643 = tpu.vector_load %arg19[%swap3A_641, %swap3A_642] {strides = array<i32>} : memref<32x64xi32, #tpu.memory_space<vmem>>, vector<16xi32>,
    tpu.vector_store %arg19[%swap3A_641, %swap3A_642], %get3A_639 {strides = array<i32>} : memref<32x64xi32, #tpu.memory_space<vmem>>, vector<16xi32>,
    %get3A_644 = arith.constant 1440 : index
    %get3A_645 = tpu.vector_load %arg18[%get3A_644] {strides = array<i32>} : memref<2128xi32, #tpu.memory_space<vmem>>, vector<16xi32>,
    %swap3A_646 = arith.constant 22 : i32
    %swap3A_647 = arith.index_cast %swap3A_646 : i32 to index
    %swap3A_648 = arith.constant 32 : index
    %swap3A_649 = tpu.vector_load %arg19[%swap3A_647, %swap3A_648] {strides = array<i32>} : memref<32x64xi32, #tpu.memory_space<vmem>>, vector<16xi32>,
    tpu.vector_store %arg19[%swap3A_647, %swap3A_648], %get3A_645 {strides = array<i32>} : memref<32x64xi32, #tpu.memory_space<vmem>>, vector<16xi32>,
    %get3A_650 = arith.constant 1456 : index
    %get3A_651 = tpu.vector_load %arg18[%get3A_650] {strides = array<i32>} : memref<2128xi32, #tpu.memory_space<vmem>>, vector<16xi32>,
    %swap3A_652 = arith.constant 22 : i32
    %swap3A_653 = arith.index_cast %swap3A_652 : i32 to index
    %swap3A_654 = arith.constant 48 : index
    %swap3A_655 = tpu.vector_load %arg19[%swap3A_653, %swap3A_654] {strides = array<i32>} : memref<32x64xi32, #tpu.memory_space<vmem>>, vector<16xi32>,
    tpu.vector_store %arg19[%swap3A_653, %swap3A_654], %get3A_651 {strides = array<i32>} : memref<32x64xi32, #tpu.memory_space<vmem>>, vector<16xi32>,
    %get3A_656 = arith.constant 1472 : index
    %get3A_657 = tpu.vector_load %arg18[%get3A_656] {strides = array<i32>} : memref<2128xi32, #tpu.memory_space<vmem>>, vector<16xi32>,
    %swap3A_658 = arith.constant 23 : i32
    %swap3A_659 = arith.index_cast %swap3A_658 : i32 to index
    %swap3A_660 = arith.constant 0 : index
    %swap3A_661 = tpu.vector_load %arg19[%swap3A_659, %swap3A_660] {strides = array<i32>} : memref<32x64xi32, #tpu.memory_space<vmem>>, vector<16xi32>,
    tpu.vector_store %arg19[%swap3A_659, %swap3A_660], %get3A_657 {strides = array<i32>} : memref<32x64xi32, #tpu.memory_space<vmem>>, vector<16xi32>,
    %get3A_662 = arith.constant 1488 : index
    %get3A_663 = tpu.vector_load %arg18[%get3A_662] {strides = array<i32>} : memref<2128xi32, #tpu.memory_space<vmem>>, vector<16xi32>,
    %swap3A_664 = arith.constant 23 : i32
    %swap3A_665 = arith.index_cast %swap3A_664 : i32 to index
    %swap3A_666 = arith.constant 16 : index
    %swap3A_667 = tpu.vector_load %arg19[%swap3A_665, %swap3A_666] {strides = array<i32>} : memref<32x64xi32, #tpu.memory_space<vmem>>, vector<16xi32>,
    tpu.vector_store %arg19[%swap3A_665, %swap3A_666], %get3A_663 {strides = array<i32>} : memref<32x64xi32, #tpu.memory_space<vmem>>, vector<16xi32>,
    %get3A_668 = arith.constant 1504 : index
    %get3A_669 = tpu.vector_load %arg18[%get3A_668] {strides = array<i32>} : memref<2128xi32, #tpu.memory_space<vmem>>, vector<16xi32>,
    %swap3A_670 = arith.constant 23 : i32
    %swap3A_671 = arith.index_cast %swap3A_670 : i32 to index
    %swap3A_672 = arith.constant 32 : index
    %swap3A_673 = tpu.vector_load %arg19[%swap3A_671, %swap3A_672] {strides = array<i32>} : memref<32x64xi32, #tpu.memory_space<vmem>>, vector<16xi32>,
    tpu.vector_store %arg19[%swap3A_671, %swap3A_672], %get3A_669 {strides = array<i32>} : memref<32x64xi32, #tpu.memory_space<vmem>>, vector<16xi32>,
    %get3A_674 = arith.constant 1520 : index
    %get3A_675 = tpu.vector_load %arg18[%get3A_674] {strides = array<i32>} : memref<2128xi32, #tpu.memory_space<vmem>>, vector<16xi32>,
    %swap3A_676 = arith.constant 23 : i32
    %swap3A_677 = arith.index_cast %swap3A_676 : i32 to index
    %swap3A_678 = arith.constant 48 : index
    %swap3A_679 = tpu.vector_load %arg19[%swap3A_677, %swap3A_678] {strides = array<i32>} : memref<32x64xi32, #tpu.memory_space<vmem>>, vector<16xi32>,
    tpu.vector_store %arg19[%swap3A_677, %swap3A_678], %get3A_675 {strides = array<i32>} : memref<32x64xi32, #tpu.memory_space<vmem>>, vector<16xi32>,
    %get3A_680 = arith.constant 1536 : index
    %get3A_681 = tpu.vector_load %arg18[%get3A_680] {strides = array<i32>} : memref<2128xi32, #tpu.memory_space<vmem>>, vector<16xi32>,
    %swap3A_682 = arith.constant 24 : i32
    %swap3A_683 = arith.index_cast %swap3A_682 : i32 to index
    %swap3A_684 = arith.constant 0 : index
    %swap3A_685 = tpu.vector_load %arg19[%swap3A_683, %swap3A_684] {strides = array<i32>} : memref<32x64xi32, #tpu.memory_space<vmem>>, vector<16xi32>,
    tpu.vector_store %arg19[%swap3A_683, %swap3A_684], %get3A_681 {strides = array<i32>} : memref<32x64xi32, #tpu.memory_space<vmem>>, vector<16xi32>,
    %get3A_686 = arith.constant 1552 : index
    %get3A_687 = tpu.vector_load %arg18[%get3A_686] {strides = array<i32>} : memref<2128xi32, #tpu.memory_space<vmem>>, vector<16xi32>,
    %swap3A_688 = arith.constant 24 : i32
    %swap3A_689 = arith.index_cast %swap3A_688 : i32 to index
    %swap3A_690 = arith.constant 16 : index
    %swap3A_691 = tpu.vector_load %arg19[%swap3A_689, %swap3A_690] {strides = array<i32>} : memref<32x64xi32, #tpu.memory_space<vmem>>, vector<16xi32>,
    tpu.vector_store %arg19[%swap3A_689, %swap3A_690], %get3A_687 {strides = array<i32>} : memref<32x64xi32, #tpu.memory_space<vmem>>, vector<16xi32>,
    %get3A_692 = arith.constant 1568 : index
    %get3A_693 = tpu.vector_load %arg18[%get3A_692] {strides = array<i32>} : memref<2128xi32, #tpu.memory_space<vmem>>, vector<16xi32>,
    %swap3A_694 = arith.constant 24 : i32
    %swap3A_695 = arith.index_cast %swap3A_694 : i32 to index
    %swap3A_696 = arith.constant 32 : index
    %swap3A_697 = tpu.vector_load %arg19[%swap3A_695, %swap3A_696] {strides = array<i32>} : memref<32x64xi32, #tpu.memory_space<vmem>>, vector<16xi32>,
    tpu.vector_store %arg19[%swap3A_695, %swap3A_696], %get3A_693 {strides = array<i32>} : memref<32x64xi32, #tpu.memory_space<vmem>>, vector<16xi32>,
    %get3A_698 = arith.constant 1584 : index
    %get3A_699 = tpu.vector_load %arg18[%get3A_698] {strides = array<i32>} : memref<2128xi32, #tpu.memory_space<vmem>>, vector<16xi32>,
    %swap3A_700 = arith.constant 24 : i32
    %swap3A_701 = arith.index_cast %swap3A_700 : i32 to index
    %swap3A_702 = arith.constant 48 : index
    %swap3A_703 = tpu.vector_load %arg19[%swap3A_701, %swap3A_702] {strides = array<i32>} : memref<32x64xi32, #tpu.memory_space<vmem>>, vector<16xi32>,
    tpu.vector_store %arg19[%swap3A_701, %swap3A_702], %get3A_699 {strides = array<i32>} : memref<32x64xi32, #tpu.memory_space<vmem>>, vector<16xi32>,
    %get3A_704 = arith.constant 1600 : index
    %get3A_705 = tpu.vector_load %arg18[%get3A_704] {strides = array<i32>} : memref<2128xi32, #tpu.memory_space<vmem>>, vector<16xi32>,
    %swap3A_706 = arith.constant 25 : i32
    %swap3A_707 = arith.index_cast %swap3A_706 : i32 to index
    %swap3A_708 = arith.constant 0 : index
    %swap3A_709 = tpu.vector_load %arg19[%swap3A_707, %swap3A_708] {strides = array<i32>} : memref<32x64xi32, #tpu.memory_space<vmem>>, vector<16xi32>,
    tpu.vector_store %arg19[%swap3A_707, %swap3A_708], %get3A_705 {strides = array<i32>} : memref<32x64xi32, #tpu.memory_space<vmem>>, vector<16xi32>,
    %get3A_710 = arith.constant 1616 : index
    %get3A_711 = tpu.vector_load %arg18[%get3A_710] {strides = array<i32>} : memref<2128xi32, #tpu.memory_space<vmem>>, vector<16xi32>,
    %swap3A_712 = arith.constant 25 : i32
    %swap3A_713 = arith.index_cast %swap3A_712 : i32 to index
    %swap3A_714 = arith.constant 16 : index
    %swap3A_715 = tpu.vector_load %arg19[%swap3A_713, %swap3A_714] {strides = array<i32>} : memref<32x64xi32, #tpu.memory_space<vmem>>, vector<16xi32>,
    tpu.vector_store %arg19[%swap3A_713, %swap3A_714], %get3A_711 {strides = array<i32>} : memref<32x64xi32, #tpu.memory_space<vmem>>, vector<16xi32>,
    %get3A_716 = arith.constant 1632 : index
    %get3A_717 = tpu.vector_load %arg18[%get3A_716] {strides = array<i32>} : memref<2128xi32, #tpu.memory_space<vmem>>, vector<16xi32>,
    %swap3A_718 = arith.constant 25 : i32
    %swap3A_719 = arith.index_cast %swap3A_718 : i32 to index
    %swap3A_720 = arith.constant 32 : index
    %swap3A_721 = tpu.vector_load %arg19[%swap3A_719, %swap3A_720] {strides = array<i32>} : memref<32x64xi32, #tpu.memory_space<vmem>>, vector<16xi32>,
    tpu.vector_store %arg19[%swap3A_719, %swap3A_720], %get3A_717 {strides = array<i32>} : memref<32x64xi32, #tpu.memory_space<vmem>>, vector<16xi32>,
    %get3A_722 = arith.constant 1648 : index
    %get3A_723 = tpu.vector_load %arg18[%get3A_722] {strides = array<i32>} : memref<2128xi32, #tpu.memory_space<vmem>>, vector<16xi32>,
    %swap3A_724 = arith.constant 25 : i32
    %swap3A_725 = arith.index_cast %swap3A_724 : i32 to index
    %swap3A_726 = arith.constant 48 : index
    %swap3A_727 = tpu.vector_load %arg19[%swap3A_725, %swap3A_726] {strides = array<i32>} : memref<32x64xi32, #tpu.memory_space<vmem>>, vector<16xi32>,
    tpu.vector_store %arg19[%swap3A_725, %swap3A_726], %get3A_723 {strides = array<i32>} : memref<32x64xi32, #tpu.memory_space<vmem>>, vector<16xi32>,
    %get3A_728 = arith.constant 1664 : index
    %get3A_729 = tpu.vector_load %arg18[%get3A_728] {strides = array<i32>} : memref<2128xi32, #tpu.memory_space<vmem>>, vector<16xi32>,
    %swap3A_730 = arith.constant 26 : i32
    %swap3A_731 = arith.index_cast %swap3A_730 : i32 to index
    %swap3A_732 = arith.constant 0 : index
    %swap3A_733 = tpu.vector_load %arg19[%swap3A_731, %swap3A_732] {strides = array<i32>} : memref<32x64xi32, #tpu.memory_space<vmem>>, vector<16xi32>,
    tpu.vector_store %arg19[%swap3A_731, %swap3A_732], %get3A_729 {strides = array<i32>} : memref<32x64xi32, #tpu.memory_space<vmem>>, vector<16xi32>,
    %get3A_734 = arith.constant 1680 : index
    %get3A_735 = tpu.vector_load %arg18[%get3A_734] {strides = array<i32>} : memref<2128xi32, #tpu.memory_space<vmem>>, vector<16xi32>,
    %swap3A_736 = arith.constant 26 : i32
    %swap3A_737 = arith.index_cast %swap3A_736 : i32 to index
    %swap3A_738 = arith.constant 16 : index
    %swap3A_739 = tpu.vector_load %arg19[%swap3A_737, %swap3A_738] {strides = array<i32>} : memref<32x64xi32, #tpu.memory_space<vmem>>, vector<16xi32>,
    tpu.vector_store %arg19[%swap3A_737, %swap3A_738], %get3A_735 {strides = array<i32>} : memref<32x64xi32, #tpu.memory_space<vmem>>, vector<16xi32>,
    %get3A_740 = arith.constant 1696 : index
    %get3A_741 = tpu.vector_load %arg18[%get3A_740] {strides = array<i32>} : memref<2128xi32, #tpu.memory_space<vmem>>, vector<16xi32>,
    %swap3A_742 = arith.constant 26 : i32
    %swap3A_743 = arith.index_cast %swap3A_742 : i32 to index
    %swap3A_744 = arith.constant 32 : index
    %swap3A_745 = tpu.vector_load %arg19[%swap3A_743, %swap3A_744] {strides = array<i32>} : memref<32x64xi32, #tpu.memory_space<vmem>>, vector<16xi32>,
    tpu.vector_store %arg19[%swap3A_743, %swap3A_744], %get3A_741 {strides = array<i32>} : memref<32x64xi32, #tpu.memory_space<vmem>>, vector<16xi32>,
    %get3A_746 = arith.constant 1712 : index
    %get3A_747 = tpu.vector_load %arg18[%get3A_746] {strides = array<i32>} : memref<2128xi32, #tpu.memory_space<vmem>>, vector<16xi32>,
    %swap3A_748 = arith.constant 26 : i32
    %swap3A_749 = arith.index_cast %swap3A_748 : i32 to index
    %swap3A_750 = arith.constant 48 : index
    %swap3A_751 = tpu.vector_load %arg19[%swap3A_749, %swap3A_750] {strides = array<i32>} : memref<32x64xi32, #tpu.memory_space<vmem>>, vector<16xi32>,
    tpu.vector_store %arg19[%swap3A_749, %swap3A_750], %get3A_747 {strides = array<i32>} : memref<32x64xi32, #tpu.memory_space<vmem>>, vector<16xi32>,
    %get3A_752 = arith.constant 1728 : index
    %get3A_753 = tpu.vector_load %arg18[%get3A_752] {strides = array<i32>} : memref<2128xi32, #tpu.memory_space<vmem>>, vector<16xi32>,
    %swap3A_754 = arith.constant 27 : i32
    %swap3A_755 = arith.index_cast %swap3A_754 : i32 to index
    %swap3A_756 = arith.constant 0 : index
    %swap3A_757 = tpu.vector_load %arg19[%swap3A_755, %swap3A_756] {strides = array<i32>} : memref<32x64xi32, #tpu.memory_space<vmem>>, vector<16xi32>,
    tpu.vector_store %arg19[%swap3A_755, %swap3A_756], %get3A_753 {strides = array<i32>} : memref<32x64xi32, #tpu.memory_space<vmem>>, vector<16xi32>,
    %get3A_758 = arith.constant 1744 : index
    %get3A_759 = tpu.vector_load %arg18[%get3A_758] {strides = array<i32>} : memref<2128xi32, #tpu.memory_space<vmem>>, vector<16xi32>,
    %swap3A_760 = arith.constant 27 : i32
    %swap3A_761 = arith.index_cast %swap3A_760 : i32 to index
    %swap3A_762 = arith.constant 16 : index
    %swap3A_763 = tpu.vector_load %arg19[%swap3A_761, %swap3A_762] {strides = array<i32>} : memref<32x64xi32, #tpu.memory_space<vmem>>, vector<16xi32>,
    tpu.vector_store %arg19[%swap3A_761, %swap3A_762], %get3A_759 {strides = array<i32>} : memref<32x64xi32, #tpu.memory_space<vmem>>, vector<16xi32>,
    %get3A_764 = arith.constant 1760 : index
    %get3A_765 = tpu.vector_load %arg18[%get3A_764] {strides = array<i32>} : memref<2128xi32, #tpu.memory_space<vmem>>, vector<16xi32>,
    %swap3A_766 = arith.constant 27 : i32
    %swap3A_767 = arith.index_cast %swap3A_766 : i32 to index
    %swap3A_768 = arith.constant 32 : index
    %swap3A_769 = tpu.vector_load %arg19[%swap3A_767, %swap3A_768] {strides = array<i32>} : memref<32x64xi32, #tpu.memory_space<vmem>>, vector<16xi32>,
    tpu.vector_store %arg19[%swap3A_767, %swap3A_768], %get3A_765 {strides = array<i32>} : memref<32x64xi32, #tpu.memory_space<vmem>>, vector<16xi32>,
    %get3A_770 = arith.constant 1776 : index
    %get3A_771 = tpu.vector_load %arg18[%get3A_770] {strides = array<i32>} : memref<2128xi32, #tpu.memory_space<vmem>>, vector<16xi32>,
    %swap3A_772 = arith.constant 27 : i32
    %swap3A_773 = arith.index_cast %swap3A_772 : i32 to index
    %swap3A_774 = arith.constant 48 : index
    %swap3A_775 = tpu.vector_load %arg19[%swap3A_773, %swap3A_774] {strides = array<i32>} : memref<32x64xi32, #tpu.memory_space<vmem>>, vector<16xi32>,
    tpu.vector_store %arg19[%swap3A_773, %swap3A_774], %get3A_771 {strides = array<i32>} : memref<32x64xi32, #tpu.memory_space<vmem>>, vector<16xi32>,
    %get3A_776 = arith.constant 1792 : index
    %get3A_777 = tpu.vector_load %arg18[%get3A_776] {strides = array<i32>} : memref<2128xi32, #tpu.memory_space<vmem>>, vector<16xi32>,
    %swap3A_778 = arith.constant 28 : i32
    %swap3A_779 = arith.index_cast %swap3A_778 : i32 to index
    %swap3A_780 = arith.constant 0 : index
    %swap3A_781 = tpu.vector_load %arg19[%swap3A_779, %swap3A_780] {strides = array<i32>} : memref<32x64xi32, #tpu.memory_space<vmem>>, vector<16xi32>,
    tpu.vector_store %arg19[%swap3A_779, %swap3A_780], %get3A_777 {strides = array<i32>} : memref<32x64xi32, #tpu.memory_space<vmem>>, vector<16xi32>,
    %get3A_782 = arith.constant 1808 : index
    %get3A_783 = tpu.vector_load %arg18[%get3A_782] {strides = array<i32>} : memref<2128xi32, #tpu.memory_space<vmem>>, vector<16xi32>,
    %swap3A_784 = arith.constant 28 : i32
    %swap3A_785 = arith.index_cast %swap3A_784 : i32 to index
    %swap3A_786 = arith.constant 16 : index
    %swap3A_787 = tpu.vector_load %arg19[%swap3A_785, %swap3A_786] {strides = array<i32>} : memref<32x64xi32, #tpu.memory_space<vmem>>, vector<16xi32>,
    tpu.vector_store %arg19[%swap3A_785, %swap3A_786], %get3A_783 {strides = array<i32>} : memref<32x64xi32, #tpu.memory_space<vmem>>, vector<16xi32>,
    %get3A_788 = arith.constant 1824 : index
    %get3A_789 = tpu.vector_load %arg18[%get3A_788] {strides = array<i32>} : memref<2128xi32, #tpu.memory_space<vmem>>, vector<16xi32>,
    %swap3A_790 = arith.constant 28 : i32
    %swap3A_791 = arith.index_cast %swap3A_790 : i32 to index
    %swap3A_792 = arith.constant 32 : index
    %swap3A_793 = tpu.vector_load %arg19[%swap3A_791, %swap3A_792] {strides = array<i32>} : memref<32x64xi32, #tpu.memory_space<vmem>>, vector<16xi32>,
    tpu.vector_store %arg19[%swap3A_791, %swap3A_792], %get3A_789 {strides = array<i32>} : memref<32x64xi32, #tpu.memory_space<vmem>>, vector<16xi32>,
    %get3A_794 = arith.constant 1840 : index
    %get3A_795 = tpu.vector_load %arg18[%get3A_794] {strides = array<i32>} : memref<2128xi32, #tpu.memory_space<vmem>>, vector<16xi32>,
    %swap3A_796 = arith.constant 28 : i32
    %swap3A_797 = arith.index_cast %swap3A_796 : i32 to index
    %swap3A_798 = arith.constant 48 : index
    %swap3A_799 = tpu.vector_load %arg19[%swap3A_797, %swap3A_798] {strides = array<i32>} : memref<32x64xi32, #tpu.memory_space<vmem>>, vector<16xi32>,
    tpu.vector_store %arg19[%swap3A_797, %swap3A_798], %get3A_795 {strides = array<i32>} : memref<32x64xi32, #tpu.memory_space<vmem>>, vector<16xi32>,
    %get3A_800 = arith.constant 1856 : index
    %get3A_801 = tpu.vector_load %arg18[%get3A_800] {strides = array<i32>} : memref<2128xi32, #tpu.memory_space<vmem>>, vector<16xi32>,
    %swap3A_802 = arith.constant 29 : i32
    %swap3A_803 = arith.index_cast %swap3A_802 : i32 to index
    %swap3A_804 = arith.constant 0 : index
    %swap3A_805 = tpu.vector_load %arg19[%swap3A_803, %swap3A_804] {strides = array<i32>} : memref<32x64xi32, #tpu.memory_space<vmem>>, vector<16xi32>,
    tpu.vector_store %arg19[%swap3A_803, %swap3A_804], %get3A_801 {strides = array<i32>} : memref<32x64xi32, #tpu.memory_space<vmem>>, vector<16xi32>,
    %get3A_806 = arith.constant 1872 : index
    %get3A_807 = tpu.vector_load %arg18[%get3A_806] {strides = array<i32>} : memref<2128xi32, #tpu.memory_space<vmem>>, vector<16xi32>,
    %swap3A_808 = arith.constant 29 : i32
    %swap3A_809 = arith.index_cast %swap3A_808 : i32 to index
    %swap3A_810 = arith.constant 16 : index
    %swap3A_811 = tpu.vector_load %arg19[%swap3A_809, %swap3A_810] {strides = array<i32>} : memref<32x64xi32, #tpu.memory_space<vmem>>, vector<16xi32>,
    tpu.vector_store %arg19[%swap3A_809, %swap3A_810], %get3A_807 {strides = array<i32>} : memref<32x64xi32, #tpu.memory_space<vmem>>, vector<16xi32>,
    %get3A_812 = arith.constant 1888 : index
    %get3A_813 = tpu.vector_load %arg18[%get3A_812] {strides = array<i32>} : memref<2128xi32, #tpu.memory_space<vmem>>, vector<16xi32>,
    %swap3A_814 = arith.constant 29 : i32
    %swap3A_815 = arith.index_cast %swap3A_814 : i32 to index
    %swap3A_816 = arith.constant 32 : index
    %swap3A_817 = tpu.vector_load %arg19[%swap3A_815, %swap3A_816] {strides = array<i32>} : memref<32x64xi32, #tpu.memory_space<vmem>>, vector<16xi32>,
    tpu.vector_store %arg19[%swap3A_815, %swap3A_816], %get3A_813 {strides = array<i32>} : memref<32x64xi32, #tpu.memory_space<vmem>>, vector<16xi32>,
    %get3A_818 = arith.constant 1904 : index
    %get3A_819 = tpu.vector_load %arg18[%get3A_818] {strides = array<i32>} : memref<2128xi32, #tpu.memory_space<vmem>>, vector<16xi32>,
    %swap3A_820 = arith.constant 29 : i32
    %swap3A_821 = arith.index_cast %swap3A_820 : i32 to index
    %swap3A_822 = arith.constant 48 : index
    %swap3A_823 = tpu.vector_load %arg19[%swap3A_821, %swap3A_822] {strides = array<i32>} : memref<32x64xi32, #tpu.memory_space<vmem>>, vector<16xi32>,
    tpu.vector_store %arg19[%swap3A_821, %swap3A_822], %get3A_819 {strides = array<i32>} : memref<32x64xi32, #tpu.memory_space<vmem>>, vector<16xi32>,
    %get3A_824 = arith.constant 1920 : index
    %get3A_825 = tpu.vector_load %arg18[%get3A_824] {strides = array<i32>} : memref<2128xi32, #tpu.memory_space<vmem>>, vector<16xi32>,
    %swap3A_826 = arith.constant 30 : i32
    %swap3A_827 = arith.index_cast %swap3A_826 : i32 to index
    %swap3A_828 = arith.constant 0 : index
    %swap3A_829 = tpu.vector_load %arg19[%swap3A_827, %swap3A_828] {strides = array<i32>} : memref<32x64xi32, #tpu.memory_space<vmem>>, vector<16xi32>,
    tpu.vector_store %arg19[%swap3A_827, %swap3A_828], %get3A_825 {strides = array<i32>} : memref<32x64xi32, #tpu.memory_space<vmem>>, vector<16xi32>,
    %get3A_830 = arith.constant 1936 : index
    %get3A_831 = tpu.vector_load %arg18[%get3A_830] {strides = array<i32>} : memref<2128xi32, #tpu.memory_space<vmem>>, vector<16xi32>,
    %swap3A_832 = arith.constant 30 : i32
    %swap3A_833 = arith.index_cast %swap3A_832 : i32 to index
    %swap3A_834 = arith.constant 16 : index
    %swap3A_835 = tpu.vector_load %arg19[%swap3A_833, %swap3A_834] {strides = array<i32>} : memref<32x64xi32, #tpu.memory_space<vmem>>, vector<16xi32>,
    tpu.vector_store %arg19[%swap3A_833, %swap3A_834], %get3A_831 {strides = array<i32>} : memref<32x64xi32, #tpu.memory_space<vmem>>, vector<16xi32>,
    %get3A_836 = arith.constant 1952 : index
    %get3A_837 = tpu.vector_load %arg18[%get3A_836] {strides = array<i32>} : memref<2128xi32, #tpu.memory_space<vmem>>, vector<16xi32>,
    %swap3A_838 = arith.constant 30 : i32
    %swap3A_839 = arith.index_cast %swap3A_838 : i32 to index
    %swap3A_840 = arith.constant 32 : index
    %swap3A_841 = tpu.vector_load %arg19[%swap3A_839, %swap3A_840] {strides = array<i32>} : memref<32x64xi32, #tpu.memory_space<vmem>>, vector<16xi32>,
    tpu.vector_store %arg19[%swap3A_839, %swap3A_840], %get3A_837 {strides = array<i32>} : memref<32x64xi32, #tpu.memory_space<vmem>>, vector<16xi32>,
    %get3A_842 = arith.constant 1968 : index
    %get3A_843 = tpu.vector_load %arg18[%get3A_842] {strides = array<i32>} : memref<2128xi32, #tpu.memory_space<vmem>>, vector<16xi32>,
    %swap3A_844 = arith.constant 30 : i32
    %swap3A_845 = arith.index_cast %swap3A_844 : i32 to index
    %swap3A_846 = arith.constant 48 : index
    %swap3A_847 = tpu.vector_load %arg19[%swap3A_845, %swap3A_846] {strides = array<i32>} : memref<32x64xi32, #tpu.memory_space<vmem>>, vector<16xi32>,
    tpu.vector_store %arg19[%swap3A_845, %swap3A_846], %get3A_843 {strides = array<i32>} : memref<32x64xi32, #tpu.memory_space<vmem>>, vector<16xi32>,
    %get3A_848 = arith.constant 1984 : index
    %get3A_849 = tpu.vector_load %arg18[%get3A_848] {strides = array<i32>} : memref<2128xi32, #tpu.memory_space<vmem>>, vector<16xi32>,
    %swap3A_850 = arith.constant 31 : i32
    %swap3A_851 = arith.index_cast %swap3A_850 : i32 to index
    %swap3A_852 = arith.constant 0 : index
    %swap3A_853 = tpu.vector_load %arg19[%swap3A_851, %swap3A_852] {strides = array<i32>} : memref<32x64xi32, #tpu.memory_space<vmem>>, vector<16xi32>,
    tpu.vector_store %arg19[%swap3A_851, %swap3A_852], %get3A_849 {strides = array<i32>} : memref<32x64xi32, #tpu.memory_space<vmem>>, vector<16xi32>,
    %get3A_854 = arith.constant 2000 : index
    %get3A_855 = tpu.vector_load %arg18[%get3A_854] {strides = array<i32>} : memref<2128xi32, #tpu.memory_space<vmem>>, vector<16xi32>,
    %swap3A_856 = arith.constant 31 : i32
    %swap3A_857 = arith.index_cast %swap3A_856 : i32 to index
    %swap3A_858 = arith.constant 16 : index
    %swap3A_859 = tpu.vector_load %arg19[%swap3A_857, %swap3A_858] {strides = array<i32>} : memref<32x64xi32, #tpu.memory_space<vmem>>, vector<16xi32>,
    tpu.vector_store %arg19[%swap3A_857, %swap3A_858], %get3A_855 {strides = array<i32>} : memref<32x64xi32, #tpu.memory_space<vmem>>, vector<16xi32>,
    %get3A_860 = arith.constant 2016 : index
    %get3A_861 = tpu.vector_load %arg18[%get3A_860] {strides = array<i32>} : memref<2128xi32, #tpu.memory_space<vmem>>, vector<16xi32>,
    %swap3A_862 = arith.constant 31 : i32
    %swap3A_863 = arith.index_cast %swap3A_862 : i32 to index
    %swap3A_864 = arith.constant 32 : index
    %swap3A_865 = tpu.vector_load %arg19[%swap3A_863, %swap3A_864] {strides = array<i32>} : memref<32x64xi32, #tpu.memory_space<vmem>>, vector<16xi32>,
    tpu.vector_store %arg19[%swap3A_863, %swap3A_864], %get3A_861 {strides = array<i32>} : memref<32x64xi32, #tpu.memory_space<vmem>>, vector<16xi32>,
    %get3A_866 = arith.constant 2032 : index
    %get3A_867 = tpu.vector_load %arg18[%get3A_866] {strides = array<i32>} : memref<2128xi32, #tpu.memory_space<vmem>>, vector<16xi32>,
    %swap3A_868 = arith.constant 31 : i32
    %swap3A_869 = arith.index_cast %swap3A_868 : i32 to index
    %swap3A_870 = arith.constant 48 : index
    %swap3A_871 = tpu.vector_load %arg19[%swap3A_869, %swap3A_870] {strides = array<i32>} : memref<32x64xi32, #tpu.memory_space<vmem>>, vector<16xi32>,
    tpu.vector_store %arg19[%swap3A_869, %swap3A_870], %get3A_867 {strides = array<i32>} : memref<32x64xi32, #tpu.memory_space<vmem>>, vector<16xi32>,
    %while3A = arith.constant 0 : i32
    %while3A_872 = arith.constant 0 : i32
    %while3A_873 = arith.subi %select_n3A, %while3A : i32
    %while3A_874 = arith.addi %while3A, %while3A_873 : i32
    %while3A_875 = arith.constant 1 : i32
    %while3A_876 = arith.divsi %while3A_873, %while3A_875 : i32
    %while3A_877 = arith.muli %while3A_876, %while3A_875 : i32
    %while3A_878 = arith.addi %while3A, %while3A_877 : i32
    %while3A_879 = arith.constant 1 : i32
    %while3A_880 = scf.for %while3A_883 = %while3A to %while3A_878 step %while3A_879 iter_args(%while3A_884 = %while3A_872) -> (i32)  : i32 {
      %mul3A_885 = arith.constant 64 : i32
      %mul3A_886 = arith.muli %while3A_883, %mul3A_885 : i32
      %dma_start3A = arith.constant 0 : i32
      %dma_start3A_887 = arith.constant 0 : i32
      %dma_start3A_888 = tpu.memref_slice %arg20[%dma_start3A, %dma_start3A_887] : memref<64x1024xf32, #tpu.memory_space<vmem>> -> memref<64x512xf32, #tpu.memory_space<vmem>>
      %dma_start3A_889 = tpu.memref_slice %arg16[%mul3A_886] : memref<2128xi32, #tpu.memory_space<vmem>> -> memref<64xi32, #tpu.memory_space<vmem>>
      %dma_start3A_890 = arith.constant 0 : i32
      %dma_start3A_891 = arith.constant 0 : i32
      %dma_start3A_892 = tpu.memref_slice %arg2[%dma_start3A_890, %dma_start3A_891] : memref<32768x512xf32, #tpu.memory_space<hbm>> -> memref<32768x512xf32, #tpu.memory_space<hbm>>
      tpu.enqueue_indirect_dma source(%dma_start3A_892 : memref<32768x512xf32, #tpu.memory_space<hbm>>) target(%dma_start3A_888 : memref<64x512xf32, #tpu.memory_space<vmem>>) offsets(%dma_start3A_889 : memref<64xi32, #tpu.memory_space<vmem>>) semaphore(%arg22 : memref<!tpu.dma_semaphore, #tpu.memory_space<semaphore_mem>>)
      %dma_start3A_893 = arith.constant 0 : i32
      %dma_start3A_894 = arith.constant 512 : i32
      %dma_start3A_895 = tpu.memref_slice %arg20[%dma_start3A_893, %dma_start3A_894] : memref<64x1024xf32, #tpu.memory_space<vmem>> -> memref<64x512xf32, #tpu.memory_space<vmem>>
      %dma_start3A_896 = tpu.memref_slice %arg16[%mul3A_886] : memref<2128xi32, #tpu.memory_space<vmem>> -> memref<64xi32, #tpu.memory_space<vmem>>
      %dma_start3A_897 = arith.constant 0 : i32
      %dma_start3A_898 = arith.constant 0 : i32
      %dma_start3A_899 = tpu.memref_slice %arg3[%dma_start3A_897, %dma_start3A_898] : memref<32768x512xf32, #tpu.memory_space<hbm>> -> memref<32768x512xf32, #tpu.memory_space<hbm>>
      tpu.enqueue_indirect_dma source(%dma_start3A_899 : memref<32768x512xf32, #tpu.memory_space<hbm>>) target(%dma_start3A_895 : memref<64x512xf32, #tpu.memory_space<vmem>>) offsets(%dma_start3A_896 : memref<64xi32, #tpu.memory_space<vmem>>) semaphore(%arg22 : memref<!tpu.dma_semaphore, #tpu.memory_space<semaphore_mem>>)
      %dma_start3A_900 = tpu.memref_slice %arg17[%mul3A_886] : memref<2128xi32, #tpu.memory_space<vmem>> -> memref<64xi32, #tpu.memory_space<vmem>>
      %dma_start3A_901 = arith.constant 0 : i32
      %dma_start3A_902 = arith.constant 0 : i32
      %dma_start3A_903 = tpu.memref_slice %arg4[%dma_start3A_901, %dma_start3A_902] : memref<128x512xf32, #tpu.memory_space<hbm>> -> memref<128x512xf32, #tpu.memory_space<hbm>>
      tpu.enqueue_indirect_dma source(%dma_start3A_903 : memref<128x512xf32, #tpu.memory_space<hbm>>) target(%arg21 : memref<64x512xf32, #tpu.memory_space<vmem>>) offsets(%dma_start3A_900 : memref<64xi32, #tpu.memory_space<vmem>>) semaphore(%arg22 : memref<!tpu.dma_semaphore, #tpu.memory_space<semaphore_mem>>)
      %dma_wait3A = arith.constant 0 : i32
      %dma_wait3A_904 = arith.constant 0 : i32
      %dma_wait3A_905 = tpu.memref_slice %arg20[%dma_wait3A, %dma_wait3A_904] : memref<64x1024xf32, #tpu.memory_space<vmem>> -> memref<64x512xf32, #tpu.memory_space<vmem>>
      %dma_wait3A_906 = tpu.memref_slice %arg16[%mul3A_886] : memref<2128xi32, #tpu.memory_space<vmem>> -> memref<64xi32, #tpu.memory_space<vmem>>
      %dma_wait3A_907 = arith.constant 0 : i32
      %dma_wait3A_908 = arith.constant 0 : i32
      %dma_wait3A_909 = tpu.memref_slice %arg2[%dma_wait3A_907, %dma_wait3A_908] : memref<32768x512xf32, #tpu.memory_space<hbm>> -> memref<32768x512xf32, #tpu.memory_space<hbm>>
      tpu.wait_indirect_dma semaphore(%arg22 : memref<!tpu.dma_semaphore, #tpu.memory_space<semaphore_mem>>) src(%dma_wait3A_909 : memref<32768x512xf32, #tpu.memory_space<hbm>>) dst(%dma_wait3A_905 : memref<64x512xf32, #tpu.memory_space<vmem>>)
      %dma_wait3A_910 = arith.constant 0 : i32
      %dma_wait3A_911 = arith.constant 512 : i32
      %dma_wait3A_912 = tpu.memref_slice %arg20[%dma_wait3A_910, %dma_wait3A_911] : memref<64x1024xf32, #tpu.memory_space<vmem>> -> memref<64x512xf32, #tpu.memory_space<vmem>>
      %dma_wait3A_913 = tpu.memref_slice %arg16[%mul3A_886] : memref<2128xi32, #tpu.memory_space<vmem>> -> memref<64xi32, #tpu.memory_space<vmem>>
      %dma_wait3A_914 = arith.constant 0 : i32
      %dma_wait3A_915 = arith.constant 0 : i32
      %dma_wait3A_916 = tpu.memref_slice %arg3[%dma_wait3A_914, %dma_wait3A_915] : memref<32768x512xf32, #tpu.memory_space<hbm>> -> memref<32768x512xf32, #tpu.memory_space<hbm>>
      tpu.wait_indirect_dma semaphore(%arg22 : memref<!tpu.dma_semaphore, #tpu.memory_space<semaphore_mem>>) src(%dma_wait3A_916 : memref<32768x512xf32, #tpu.memory_space<hbm>>) dst(%dma_wait3A_912 : memref<64x512xf32, #tpu.memory_space<vmem>>)
      %dma_wait3A_917 = tpu.memref_slice %arg17[%mul3A_886] : memref<2128xi32, #tpu.memory_space<vmem>> -> memref<64xi32, #tpu.memory_space<vmem>>
      %dma_wait3A_918 = arith.constant 0 : i32
      %dma_wait3A_919 = arith.constant 0 : i32
      %dma_wait3A_920 = tpu.memref_slice %arg4[%dma_wait3A_918, %dma_wait3A_919] : memref<128x512xf32, #tpu.memory_space<hbm>> -> memref<128x512xf32, #tpu.memory_space<hbm>>
      tpu.wait_indirect_dma semaphore(%arg22 : memref<!tpu.dma_semaphore, #tpu.memory_space<semaphore_mem>>) src(%dma_wait3A_920 : memref<128x512xf32, #tpu.memory_space<hbm>>) dst(%arg21 : memref<64x512xf32, #tpu.memory_space<vmem>>)
      %scan3A_921 = arith.constant 0 : i32
      %scan3A_922 = arith.constant 0 : i32
      %scan3A_923 = arith.constant 64 : i32
      %scan3A_924 = arith.addi %scan3A_922, %scan3A_923 : i32
      %scan3A_925 = arith.constant 1 : i32
      %scan3A_926 = scf.for %scan3A_941 = %scan3A_922 to %scan3A_924 step %scan3A_925 iter_args(%scan3A_942 = %scan3A_921) -> (i32)  : i32 {
        %get3A_943 = arith.index_cast %scan3A_941 : i32 to index
        %get3A_944 = arith.constant 512 : index
        %get3A_945 = tpu.vector_load %arg20[%get3A_943, %get3A_944] {strides = array<i32>} : memref<64x1024xf32, #tpu.memory_space<vmem>>, vector<16xf32>,
        %get3A_946 = arith.index_cast %scan3A_941 : i32 to index
        %get3A_947 = arith.constant 0 : index
        %get3A_948 = tpu.vector_load %arg21[%get3A_946, %get3A_947] {strides = array<i32>} : memref<64x512xf32, #tpu.memory_space<vmem>>, vector<16xf32>,
        %add3A_949 = arith.addf %get3A_945, %get3A_948 : vector<16xf32>
        %swap3A_950 = arith.index_cast %scan3A_941 : i32 to index
        %swap3A_951 = arith.constant 512 : index
        %swap3A_952 = tpu.vector_load %arg20[%swap3A_950, %swap3A_951] {strides = array<i32>} : memref<64x1024xf32, #tpu.memory_space<vmem>>, vector<16xf32>,
        tpu.vector_store %arg20[%swap3A_950, %swap3A_951], %add3A_949 {strides = array<i32>} : memref<64x1024xf32, #tpu.memory_space<vmem>>, vector<16xf32>,
        %get3A_953 = arith.index_cast %scan3A_941 : i32 to index
        %get3A_954 = arith.constant 528 : index
        %get3A_955 = tpu.vector_load %arg20[%get3A_953, %get3A_954] {strides = array<i32>} : memref<64x1024xf32, #tpu.memory_space<vmem>>, vector<16xf32>,
        %get3A_956 = arith.index_cast %scan3A_941 : i32 to index
        %get3A_957 = arith.constant 16 : index
        %get3A_958 = tpu.vector_load %arg21[%get3A_956, %get3A_957] {strides = array<i32>} : memref<64x512xf32, #tpu.memory_space<vmem>>, vector<16xf32>,
        %add3A_959 = arith.addf %get3A_955, %get3A_958 : vector<16xf32>
        %swap3A_960 = arith.index_cast %scan3A_941 : i32 to index
        %swap3A_961 = arith.constant 528 : index
        %swap3A_962 = tpu.vector_load %arg20[%swap3A_960, %swap3A_961] {strides = array<i32>} : memref<64x1024xf32, #tpu.memory_space<vmem>>, vector<16xf32>,
        tpu.vector_store %arg20[%swap3A_960, %swap3A_961], %add3A_959 {strides = array<i32>} : memref<64x1024xf32, #tpu.memory_space<vmem>>, vector<16xf32>,
        %get3A_963 = arith.index_cast %scan3A_941 : i32 to index
        %get3A_964 = arith.constant 544 : index
        %get3A_965 = tpu.vector_load %arg20[%get3A_963, %get3A_964] {strides = array<i32>} : memref<64x1024xf32, #tpu.memory_space<vmem>>, vector<16xf32>,
        %get3A_966 = arith.index_cast %scan3A_941 : i32 to index
        %get3A_967 = arith.constant 32 : index
        %get3A_968 = tpu.vector_load %arg21[%get3A_966, %get3A_967] {strides = array<i32>} : memref<64x512xf32, #tpu.memory_space<vmem>>, vector<16xf32>,
        %add3A_969 = arith.addf %get3A_965, %get3A_968 : vector<16xf32>
        %swap3A_970 = arith.index_cast %scan3A_941 : i32 to index
        %swap3A_971 = arith.constant 544 : index
        %swap3A_972 = tpu.vector_load %arg20[%swap3A_970, %swap3A_971] {strides = array<i32>} : memref<64x1024xf32, #tpu.memory_space<vmem>>, vector<16xf32>,
        tpu.vector_store %arg20[%swap3A_970, %swap3A_971], %add3A_969 {strides = array<i32>} : memref<64x1024xf32, #tpu.memory_space<vmem>>, vector<16xf32>,
        %get3A_973 = arith.index_cast %scan3A_941 : i32 to index
        %get3A_974 = arith.constant 560 : index
        %get3A_975 = tpu.vector_load %arg20[%get3A_973, %get3A_974] {strides = array<i32>} : memref<64x1024xf32, #tpu.memory_space<vmem>>, vector<16xf32>,
        %get3A_976 = arith.index_cast %scan3A_941 : i32 to index
        %get3A_977 = arith.constant 48 : index
        %get3A_978 = tpu.vector_load %arg21[%get3A_976, %get3A_977] {strides = array<i32>} : memref<64x512xf32, #tpu.memory_space<vmem>>, vector<16xf32>,
        %add3A_979 = arith.addf %get3A_975, %get3A_978 : vector<16xf32>
        %swap3A_980 = arith.index_cast %scan3A_941 : i32 to index
        %swap3A_981 = arith.constant 560 : index
        %swap3A_982 = tpu.vector_load %arg20[%swap3A_980, %swap3A_981] {strides = array<i32>} : memref<64x1024xf32, #tpu.memory_space<vmem>>, vector<16xf32>,
        tpu.vector_store %arg20[%swap3A_980, %swap3A_981], %add3A_979 {strides = array<i32>} : memref<64x1024xf32, #tpu.memory_space<vmem>>, vector<16xf32>,
        %get3A_983 = arith.index_cast %scan3A_941 : i32 to index
        %get3A_984 = arith.constant 576 : index
        %get3A_985 = tpu.vector_load %arg20[%get3A_983, %get3A_984] {strides = array<i32>} : memref<64x1024xf32, #tpu.memory_space<vmem>>, vector<16xf32>,
        %get3A_986 = arith.index_cast %scan3A_941 : i32 to index
        %get3A_987 = arith.constant 64 : index
        %get3A_988 = tpu.vector_load %arg21[%get3A_986, %get3A_987] {strides = array<i32>} : memref<64x512xf32, #tpu.memory_space<vmem>>, vector<16xf32>,
        %add3A_989 = arith.addf %get3A_985, %get3A_988 : vector<16xf32>
        %swap3A_990 = arith.index_cast %scan3A_941 : i32 to index
        %swap3A_991 = arith.constant 576 : index
        %swap3A_992 = tpu.vector_load %arg20[%swap3A_990, %swap3A_991] {strides = array<i32>} : memref<64x1024xf32, #tpu.memory_space<vmem>>, vector<16xf32>,
        tpu.vector_store %arg20[%swap3A_990, %swap3A_991], %add3A_989 {strides = array<i32>} : memref<64x1024xf32, #tpu.memory_space<vmem>>, vector<16xf32>,
        %get3A_993 = arith.index_cast %scan3A_941 : i32 to index
        %get3A_994 = arith.constant 592 : index
        %get3A_995 = tpu.vector_load %arg20[%get3A_993, %get3A_994] {strides = array<i32>} : memref<64x1024xf32, #tpu.memory_space<vmem>>, vector<16xf32>,
        %get3A_996 = arith.index_cast %scan3A_941 : i32 to index
        %get3A_997 = arith.constant 80 : index
        %get3A_998 = tpu.vector_load %arg21[%get3A_996, %get3A_997] {strides = array<i32>} : memref<64x512xf32, #tpu.memory_space<vmem>>, vector<16xf32>,
        %add3A_999 = arith.addf %get3A_995, %get3A_998 : vector<16xf32>
        %swap3A_1000 = arith.index_cast %scan3A_941 : i32 to index
        %swap3A_1001 = arith.constant 592 : index
        %swap3A_1002 = tpu.vector_load %arg20[%swap3A_1000, %swap3A_1001] {strides = array<i32>} : memref<64x1024xf32, #tpu.memory_space<vmem>>, vector<16xf32>,
        tpu.vector_store %arg20[%swap3A_1000, %swap3A_1001], %add3A_999 {strides = array<i32>} : memref<64x1024xf32, #tpu.memory_space<vmem>>, vector<16xf32>,
        %get3A_1003 = arith.index_cast %scan3A_941 : i32 to index
        %get3A_1004 = arith.constant 608 : index
        %get3A_1005 = tpu.vector_load %arg20[%get3A_1003, %get3A_1004] {strides = array<i32>} : memref<64x1024xf32, #tpu.memory_space<vmem>>, vector<16xf32>,
        %get3A_1006 = arith.index_cast %scan3A_941 : i32 to index
        %get3A_1007 = arith.constant 96 : index
        %get3A_1008 = tpu.vector_load %arg21[%get3A_1006, %get3A_1007] {strides = array<i32>} : memref<64x512xf32, #tpu.memory_space<vmem>>, vector<16xf32>,
        %add3A_1009 = arith.addf %get3A_1005, %get3A_1008 : vector<16xf32>
        %swap3A_1010 = arith.index_cast %scan3A_941 : i32 to index
        %swap3A_1011 = arith.constant 608 : index
        %swap3A_1012 = tpu.vector_load %arg20[%swap3A_1010, %swap3A_1011] {strides = array<i32>} : memref<64x1024xf32, #tpu.memory_space<vmem>>, vector<16xf32>,
        tpu.vector_store %arg20[%swap3A_1010, %swap3A_1011], %add3A_1009 {strides = array<i32>} : memref<64x1024xf32, #tpu.memory_space<vmem>>, vector<16xf32>,
        %get3A_1013 = arith.index_cast %scan3A_941 : i32 to index
        %get3A_1014 = arith.constant 624 : index
        %get3A_1015 = tpu.vector_load %arg20[%get3A_1013, %get3A_1014] {strides = array<i32>} : memref<64x1024xf32, #tpu.memory_space<vmem>>, vector<16xf32>,
        %get3A_1016 = arith.index_cast %scan3A_941 : i32 to index
        %get3A_1017 = arith.constant 112 : index
        %get3A_1018 = tpu.vector_load %arg21[%get3A_1016, %get3A_1017] {strides = array<i32>} : memref<64x512xf32, #tpu.memory_space<vmem>>, vector<16xf32>,
        %add3A_1019 = arith.addf %get3A_1015, %get3A_1018 : vector<16xf32>
        %swap3A_1020 = arith.index_cast %scan3A_941 : i32 to index
        %swap3A_1021 = arith.constant 624 : index
        %swap3A_1022 = tpu.vector_load %arg20[%swap3A_1020, %swap3A_1021] {strides = array<i32>} : memref<64x1024xf32, #tpu.memory_space<vmem>>, vector<16xf32>,
        tpu.vector_store %arg20[%swap3A_1020, %swap3A_1021], %add3A_1019 {strides = array<i32>} : memref<64x1024xf32, #tpu.memory_space<vmem>>, vector<16xf32>,
        %get3A_1023 = arith.index_cast %scan3A_941 : i32 to index
        %get3A_1024 = arith.constant 640 : index
        %get3A_1025 = tpu.vector_load %arg20[%get3A_1023, %get3A_1024] {strides = array<i32>} : memref<64x1024xf32, #tpu.memory_space<vmem>>, vector<16xf32>,
        %get3A_1026 = arith.index_cast %scan3A_941 : i32 to index
        %get3A_1027 = arith.constant 128 : index
        %get3A_1028 = tpu.vector_load %arg21[%get3A_1026, %get3A_1027] {strides = array<i32>} : memref<64x512xf32, #tpu.memory_space<vmem>>, vector<16xf32>,
        %add3A_1029 = arith.addf %get3A_1025, %get3A_1028 : vector<16xf32>
        %swap3A_1030 = arith.index_cast %scan3A_941 : i32 to index
        %swap3A_1031 = arith.constant 640 : index
        %swap3A_1032 = tpu.vector_load %arg20[%swap3A_1030, %swap3A_1031] {strides = array<i32>} : memref<64x1024xf32, #tpu.memory_space<vmem>>, vector<16xf32>,
        tpu.vector_store %arg20[%swap3A_1030, %swap3A_1031], %add3A_1029 {strides = array<i32>} : memref<64x1024xf32, #tpu.memory_space<vmem>>, vector<16xf32>,
        %get3A_1033 = arith.index_cast %scan3A_941 : i32 to index
        %get3A_1034 = arith.constant 656 : index
        %get3A_1035 = tpu.vector_load %arg20[%get3A_1033, %get3A_1034] {strides = array<i32>} : memref<64x1024xf32, #tpu.memory_space<vmem>>, vector<16xf32>,
        %get3A_1036 = arith.index_cast %scan3A_941 : i32 to index
        %get3A_1037 = arith.constant 144 : index
        %get3A_1038 = tpu.vector_load %arg21[%get3A_1036, %get3A_1037] {strides = array<i32>} : memref<64x512xf32, #tpu.memory_space<vmem>>, vector<16xf32>,
        %add3A_1039 = arith.addf %get3A_1035, %get3A_1038 : vector<16xf32>
        %swap3A_1040 = arith.index_cast %scan3A_941 : i32 to index
        %swap3A_1041 = arith.constant 656 : index
        %swap3A_1042 = tpu.vector_load %arg20[%swap3A_1040, %swap3A_1041] {strides = array<i32>} : memref<64x1024xf32, #tpu.memory_space<vmem>>, vector<16xf32>,
        tpu.vector_store %arg20[%swap3A_1040, %swap3A_1041], %add3A_1039 {strides = array<i32>} : memref<64x1024xf32, #tpu.memory_space<vmem>>, vector<16xf32>,
        %get3A_1043 = arith.index_cast %scan3A_941 : i32 to index
        %get3A_1044 = arith.constant 672 : index
        %get3A_1045 = tpu.vector_load %arg20[%get3A_1043, %get3A_1044] {strides = array<i32>} : memref<64x1024xf32, #tpu.memory_space<vmem>>, vector<16xf32>,
        %get3A_1046 = arith.index_cast %scan3A_941 : i32 to index
        %get3A_1047 = arith.constant 160 : index
        %get3A_1048 = tpu.vector_load %arg21[%get3A_1046, %get3A_1047] {strides = array<i32>} : memref<64x512xf32, #tpu.memory_space<vmem>>, vector<16xf32>,
        %add3A_1049 = arith.addf %get3A_1045, %get3A_1048 : vector<16xf32>
        %swap3A_1050 = arith.index_cast %scan3A_941 : i32 to index
        %swap3A_1051 = arith.constant 672 : index
        %swap3A_1052 = tpu.vector_load %arg20[%swap3A_1050, %swap3A_1051] {strides = array<i32>} : memref<64x1024xf32, #tpu.memory_space<vmem>>, vector<16xf32>,
        tpu.vector_store %arg20[%swap3A_1050, %swap3A_1051], %add3A_1049 {strides = array<i32>} : memref<64x1024xf32, #tpu.memory_space<vmem>>, vector<16xf32>,
        %get3A_1053 = arith.index_cast %scan3A_941 : i32 to index
        %get3A_1054 = arith.constant 688 : index
        %get3A_1055 = tpu.vector_load %arg20[%get3A_1053, %get3A_1054] {strides = array<i32>} : memref<64x1024xf32, #tpu.memory_space<vmem>>, vector<16xf32>,
        %get3A_1056 = arith.index_cast %scan3A_941 : i32 to index
        %get3A_1057 = arith.constant 176 : index
        %get3A_1058 = tpu.vector_load %arg21[%get3A_1056, %get3A_1057] {strides = array<i32>} : memref<64x512xf32, #tpu.memory_space<vmem>>, vector<16xf32>,
        %add3A_1059 = arith.addf %get3A_1055, %get3A_1058 : vector<16xf32>
        %swap3A_1060 = arith.index_cast %scan3A_941 : i32 to index
        %swap3A_1061 = arith.constant 688 : index
        %swap3A_1062 = tpu.vector_load %arg20[%swap3A_1060, %swap3A_1061] {strides = array<i32>} : memref<64x1024xf32, #tpu.memory_space<vmem>>, vector<16xf32>,
        tpu.vector_store %arg20[%swap3A_1060, %swap3A_1061], %add3A_1059 {strides = array<i32>} : memref<64x1024xf32, #tpu.memory_space<vmem>>, vector<16xf32>,
        %get3A_1063 = arith.index_cast %scan3A_941 : i32 to index
        %get3A_1064 = arith.constant 704 : index
        %get3A_1065 = tpu.vector_load %arg20[%get3A_1063, %get3A_1064] {strides = array<i32>} : memref<64x1024xf32, #tpu.memory_space<vmem>>, vector<16xf32>,
        %get3A_1066 = arith.index_cast %scan3A_941 : i32 to index
        %get3A_1067 = arith.constant 192 : index
        %get3A_1068 = tpu.vector_load %arg21[%get3A_1066, %get3A_1067] {strides = array<i32>} : memref<64x512xf32, #tpu.memory_space<vmem>>, vector<16xf32>,
        %add3A_1069 = arith.addf %get3A_1065, %get3A_1068 : vector<16xf32>
        %swap3A_1070 = arith.index_cast %scan3A_941 : i32 to index
        %swap3A_1071 = arith.constant 704 : index
        %swap3A_1072 = tpu.vector_load %arg20[%swap3A_1070, %swap3A_1071] {strides = array<i32>} : memref<64x1024xf32, #tpu.memory_space<vmem>>, vector<16xf32>,
        tpu.vector_store %arg20[%swap3A_1070, %swap3A_1071], %add3A_1069 {strides = array<i32>} : memref<64x1024xf32, #tpu.memory_space<vmem>>, vector<16xf32>,
        %get3A_1073 = arith.index_cast %scan3A_941 : i32 to index
        %get3A_1074 = arith.constant 720 : index
        %get3A_1075 = tpu.vector_load %arg20[%get3A_1073, %get3A_1074] {strides = array<i32>} : memref<64x1024xf32, #tpu.memory_space<vmem>>, vector<16xf32>,
        %get3A_1076 = arith.index_cast %scan3A_941 : i32 to index
        %get3A_1077 = arith.constant 208 : index
        %get3A_1078 = tpu.vector_load %arg21[%get3A_1076, %get3A_1077] {strides = array<i32>} : memref<64x512xf32, #tpu.memory_space<vmem>>, vector<16xf32>,
        %add3A_1079 = arith.addf %get3A_1075, %get3A_1078 : vector<16xf32>
        %swap3A_1080 = arith.index_cast %scan3A_941 : i32 to index
        %swap3A_1081 = arith.constant 720 : index
        %swap3A_1082 = tpu.vector_load %arg20[%swap3A_1080, %swap3A_1081] {strides = array<i32>} : memref<64x1024xf32, #tpu.memory_space<vmem>>, vector<16xf32>,
        tpu.vector_store %arg20[%swap3A_1080, %swap3A_1081], %add3A_1079 {strides = array<i32>} : memref<64x1024xf32, #tpu.memory_space<vmem>>, vector<16xf32>,
        %get3A_1083 = arith.index_cast %scan3A_941 : i32 to index
        %get3A_1084 = arith.constant 736 : index
        %get3A_1085 = tpu.vector_load %arg20[%get3A_1083, %get3A_1084] {strides = array<i32>} : memref<64x1024xf32, #tpu.memory_space<vmem>>, vector<16xf32>,
        %get3A_1086 = arith.index_cast %scan3A_941 : i32 to index
        %get3A_1087 = arith.constant 224 : index
        %get3A_1088 = tpu.vector_load %arg21[%get3A_1086, %get3A_1087] {strides = array<i32>} : memref<64x512xf32, #tpu.memory_space<vmem>>, vector<16xf32>,
        %add3A_1089 = arith.addf %get3A_1085, %get3A_1088 : vector<16xf32>
        %swap3A_1090 = arith.index_cast %scan3A_941 : i32 to index
        %swap3A_1091 = arith.constant 736 : index
        %swap3A_1092 = tpu.vector_load %arg20[%swap3A_1090, %swap3A_1091] {strides = array<i32>} : memref<64x1024xf32, #tpu.memory_space<vmem>>, vector<16xf32>,
        tpu.vector_store %arg20[%swap3A_1090, %swap3A_1091], %add3A_1089 {strides = array<i32>} : memref<64x1024xf32, #tpu.memory_space<vmem>>, vector<16xf32>,
        %get3A_1093 = arith.index_cast %scan3A_941 : i32 to index
        %get3A_1094 = arith.constant 752 : index
        %get3A_1095 = tpu.vector_load %arg20[%get3A_1093, %get3A_1094] {strides = array<i32>} : memref<64x1024xf32, #tpu.memory_space<vmem>>, vector<16xf32>,
        %get3A_1096 = arith.index_cast %scan3A_941 : i32 to index
        %get3A_1097 = arith.constant 240 : index
        %get3A_1098 = tpu.vector_load %arg21[%get3A_1096, %get3A_1097] {strides = array<i32>} : memref<64x512xf32, #tpu.memory_space<vmem>>, vector<16xf32>,
        %add3A_1099 = arith.addf %get3A_1095, %get3A_1098 : vector<16xf32>
        %swap3A_1100 = arith.index_cast %scan3A_941 : i32 to index
        %swap3A_1101 = arith.constant 752 : index
        %swap3A_1102 = tpu.vector_load %arg20[%swap3A_1100, %swap3A_1101] {strides = array<i32>} : memref<64x1024xf32, #tpu.memory_space<vmem>>, vector<16xf32>,
        tpu.vector_store %arg20[%swap3A_1100, %swap3A_1101], %add3A_1099 {strides = array<i32>} : memref<64x1024xf32, #tpu.memory_space<vmem>>, vector<16xf32>,
        %get3A_1103 = arith.index_cast %scan3A_941 : i32 to index
        %get3A_1104 = arith.constant 768 : index
        %get3A_1105 = tpu.vector_load %arg20[%get3A_1103, %get3A_1104] {strides = array<i32>} : memref<64x1024xf32, #tpu.memory_space<vmem>>, vector<16xf32>,
        %get3A_1106 = arith.index_cast %scan3A_941 : i32 to index
        %get3A_1107 = arith.constant 256 : index
        %get3A_1108 = tpu.vector_load %arg21[%get3A_1106, %get3A_1107] {strides = array<i32>} : memref<64x512xf32, #tpu.memory_space<vmem>>, vector<16xf32>,
        %add3A_1109 = arith.addf %get3A_1105, %get3A_1108 : vector<16xf32>
        %swap3A_1110 = arith.index_cast %scan3A_941 : i32 to index
        %swap3A_1111 = arith.constant 768 : index
        %swap3A_1112 = tpu.vector_load %arg20[%swap3A_1110, %swap3A_1111] {strides = array<i32>} : memref<64x1024xf32, #tpu.memory_space<vmem>>, vector<16xf32>,
        tpu.vector_store %arg20[%swap3A_1110, %swap3A_1111], %add3A_1109 {strides = array<i32>} : memref<64x1024xf32, #tpu.memory_space<vmem>>, vector<16xf32>,
        %get3A_1113 = arith.index_cast %scan3A_941 : i32 to index
        %get3A_1114 = arith.constant 784 : index
        %get3A_1115 = tpu.vector_load %arg20[%get3A_1113, %get3A_1114] {strides = array<i32>} : memref<64x1024xf32, #tpu.memory_space<vmem>>, vector<16xf32>,
        %get3A_1116 = arith.index_cast %scan3A_941 : i32 to index
        %get3A_1117 = arith.constant 272 : index
        %get3A_1118 = tpu.vector_load %arg21[%get3A_1116, %get3A_1117] {strides = array<i32>} : memref<64x512xf32, #tpu.memory_space<vmem>>, vector<16xf32>,
        %add3A_1119 = arith.addf %get3A_1115, %get3A_1118 : vector<16xf32>
        %swap3A_1120 = arith.index_cast %scan3A_941 : i32 to index
        %swap3A_1121 = arith.constant 784 : index
        %swap3A_1122 = tpu.vector_load %arg20[%swap3A_1120, %swap3A_1121] {strides = array<i32>} : memref<64x1024xf32, #tpu.memory_space<vmem>>, vector<16xf32>,
        tpu.vector_store %arg20[%swap3A_1120, %swap3A_1121], %add3A_1119 {strides = array<i32>} : memref<64x1024xf32, #tpu.memory_space<vmem>>, vector<16xf32>,
        %get3A_1123 = arith.index_cast %scan3A_941 : i32 to index
        %get3A_1124 = arith.constant 800 : index
        %get3A_1125 = tpu.vector_load %arg20[%get3A_1123, %get3A_1124] {strides = array<i32>} : memref<64x1024xf32, #tpu.memory_space<vmem>>, vector<16xf32>,
        %get3A_1126 = arith.index_cast %scan3A_941 : i32 to index
        %get3A_1127 = arith.constant 288 : index
        %get3A_1128 = tpu.vector_load %arg21[%get3A_1126, %get3A_1127] {strides = array<i32>} : memref<64x512xf32, #tpu.memory_space<vmem>>, vector<16xf32>,
        %add3A_1129 = arith.addf %get3A_1125, %get3A_1128 : vector<16xf32>
        %swap3A_1130 = arith.index_cast %scan3A_941 : i32 to index
        %swap3A_1131 = arith.constant 800 : index
        %swap3A_1132 = tpu.vector_load %arg20[%swap3A_1130, %swap3A_1131] {strides = array<i32>} : memref<64x1024xf32, #tpu.memory_space<vmem>>, vector<16xf32>,
        tpu.vector_store %arg20[%swap3A_1130, %swap3A_1131], %add3A_1129 {strides = array<i32>} : memref<64x1024xf32, #tpu.memory_space<vmem>>, vector<16xf32>,
        %get3A_1133 = arith.index_cast %scan3A_941 : i32 to index
        %get3A_1134 = arith.constant 816 : index
        %get3A_1135 = tpu.vector_load %arg20[%get3A_1133, %get3A_1134] {strides = array<i32>} : memref<64x1024xf32, #tpu.memory_space<vmem>>, vector<16xf32>,
        %get3A_1136 = arith.index_cast %scan3A_941 : i32 to index
        %get3A_1137 = arith.constant 304 : index
        %get3A_1138 = tpu.vector_load %arg21[%get3A_1136, %get3A_1137] {strides = array<i32>} : memref<64x512xf32, #tpu.memory_space<vmem>>, vector<16xf32>,
        %add3A_1139 = arith.addf %get3A_1135, %get3A_1138 : vector<16xf32>
        %swap3A_1140 = arith.index_cast %scan3A_941 : i32 to index
        %swap3A_1141 = arith.constant 816 : index
        %swap3A_1142 = tpu.vector_load %arg20[%swap3A_1140, %swap3A_1141] {strides = array<i32>} : memref<64x1024xf32, #tpu.memory_space<vmem>>, vector<16xf32>,
        tpu.vector_store %arg20[%swap3A_1140, %swap3A_1141], %add3A_1139 {strides = array<i32>} : memref<64x1024xf32, #tpu.memory_space<vmem>>, vector<16xf32>,
        %get3A_1143 = arith.index_cast %scan3A_941 : i32 to index
        %get3A_1144 = arith.constant 832 : index
        %get3A_1145 = tpu.vector_load %arg20[%get3A_1143, %get3A_1144] {strides = array<i32>} : memref<64x1024xf32, #tpu.memory_space<vmem>>, vector<16xf32>,
        %get3A_1146 = arith.index_cast %scan3A_941 : i32 to index
        %get3A_1147 = arith.constant 320 : index
        %get3A_1148 = tpu.vector_load %arg21[%get3A_1146, %get3A_1147] {strides = array<i32>} : memref<64x512xf32, #tpu.memory_space<vmem>>, vector<16xf32>,
        %add3A_1149 = arith.addf %get3A_1145, %get3A_1148 : vector<16xf32>
        %swap3A_1150 = arith.index_cast %scan3A_941 : i32 to index
        %swap3A_1151 = arith.constant 832 : index
        %swap3A_1152 = tpu.vector_load %arg20[%swap3A_1150, %swap3A_1151] {strides = array<i32>} : memref<64x1024xf32, #tpu.memory_space<vmem>>, vector<16xf32>,
        tpu.vector_store %arg20[%swap3A_1150, %swap3A_1151], %add3A_1149 {strides = array<i32>} : memref<64x1024xf32, #tpu.memory_space<vmem>>, vector<16xf32>,
        %get3A_1153 = arith.index_cast %scan3A_941 : i32 to index
        %get3A_1154 = arith.constant 848 : index
        %get3A_1155 = tpu.vector_load %arg20[%get3A_1153, %get3A_1154] {strides = array<i32>} : memref<64x1024xf32, #tpu.memory_space<vmem>>, vector<16xf32>,
        %get3A_1156 = arith.index_cast %scan3A_941 : i32 to index
        %get3A_1157 = arith.constant 336 : index
        %get3A_1158 = tpu.vector_load %arg21[%get3A_1156, %get3A_1157] {strides = array<i32>} : memref<64x512xf32, #tpu.memory_space<vmem>>, vector<16xf32>,
        %add3A_1159 = arith.addf %get3A_1155, %get3A_1158 : vector<16xf32>
        %swap3A_1160 = arith.index_cast %scan3A_941 : i32 to index
        %swap3A_1161 = arith.constant 848 : index
        %swap3A_1162 = tpu.vector_load %arg20[%swap3A_1160, %swap3A_1161] {strides = array<i32>} : memref<64x1024xf32, #tpu.memory_space<vmem>>, vector<16xf32>,
        tpu.vector_store %arg20[%swap3A_1160, %swap3A_1161], %add3A_1159 {strides = array<i32>} : memref<64x1024xf32, #tpu.memory_space<vmem>>, vector<16xf32>,
        %get3A_1163 = arith.index_cast %scan3A_941 : i32 to index
        %get3A_1164 = arith.constant 864 : index
        %get3A_1165 = tpu.vector_load %arg20[%get3A_1163, %get3A_1164] {strides = array<i32>} : memref<64x1024xf32, #tpu.memory_space<vmem>>, vector<16xf32>,
        %get3A_1166 = arith.index_cast %scan3A_941 : i32 to index
        %get3A_1167 = arith.constant 352 : index
        %get3A_1168 = tpu.vector_load %arg21[%get3A_1166, %get3A_1167] {strides = array<i32>} : memref<64x512xf32, #tpu.memory_space<vmem>>, vector<16xf32>,
        %add3A_1169 = arith.addf %get3A_1165, %get3A_1168 : vector<16xf32>
        %swap3A_1170 = arith.index_cast %scan3A_941 : i32 to index
        %swap3A_1171 = arith.constant 864 : index
        %swap3A_1172 = tpu.vector_load %arg20[%swap3A_1170, %swap3A_1171] {strides = array<i32>} : memref<64x1024xf32, #tpu.memory_space<vmem>>, vector<16xf32>,
        tpu.vector_store %arg20[%swap3A_1170, %swap3A_1171], %add3A_1169 {strides = array<i32>} : memref<64x1024xf32, #tpu.memory_space<vmem>>, vector<16xf32>,
        %get3A_1173 = arith.index_cast %scan3A_941 : i32 to index
        %get3A_1174 = arith.constant 880 : index
        %get3A_1175 = tpu.vector_load %arg20[%get3A_1173, %get3A_1174] {strides = array<i32>} : memref<64x1024xf32, #tpu.memory_space<vmem>>, vector<16xf32>,
        %get3A_1176 = arith.index_cast %scan3A_941 : i32 to index
        %get3A_1177 = arith.constant 368 : index
        %get3A_1178 = tpu.vector_load %arg21[%get3A_1176, %get3A_1177] {strides = array<i32>} : memref<64x512xf32, #tpu.memory_space<vmem>>, vector<16xf32>,
        %add3A_1179 = arith.addf %get3A_1175, %get3A_1178 : vector<16xf32>
        %swap3A_1180 = arith.index_cast %scan3A_941 : i32 to index
        %swap3A_1181 = arith.constant 880 : index
        %swap3A_1182 = tpu.vector_load %arg20[%swap3A_1180, %swap3A_1181] {strides = array<i32>} : memref<64x1024xf32, #tpu.memory_space<vmem>>, vector<16xf32>,
        tpu.vector_store %arg20[%swap3A_1180, %swap3A_1181], %add3A_1179 {strides = array<i32>} : memref<64x1024xf32, #tpu.memory_space<vmem>>, vector<16xf32>,
        %get3A_1183 = arith.index_cast %scan3A_941 : i32 to index
        %get3A_1184 = arith.constant 896 : index
        %get3A_1185 = tpu.vector_load %arg20[%get3A_1183, %get3A_1184] {strides = array<i32>} : memref<64x1024xf32, #tpu.memory_space<vmem>>, vector<16xf32>,
        %get3A_1186 = arith.index_cast %scan3A_941 : i32 to index
        %get3A_1187 = arith.constant 384 : index
        %get3A_1188 = tpu.vector_load %arg21[%get3A_1186, %get3A_1187] {strides = array<i32>} : memref<64x512xf32, #tpu.memory_space<vmem>>, vector<16xf32>,
        %add3A_1189 = arith.addf %get3A_1185, %get3A_1188 : vector<16xf32>
        %swap3A_1190 = arith.index_cast %scan3A_941 : i32 to index
        %swap3A_1191 = arith.constant 896 : index
        %swap3A_1192 = tpu.vector_load %arg20[%swap3A_1190, %swap3A_1191] {strides = array<i32>} : memref<64x1024xf32, #tpu.memory_space<vmem>>, vector<16xf32>,
        tpu.vector_store %arg20[%swap3A_1190, %swap3A_1191], %add3A_1189 {strides = array<i32>} : memref<64x1024xf32, #tpu.memory_space<vmem>>, vector<16xf32>,
        %get3A_1193 = arith.index_cast %scan3A_941 : i32 to index
        %get3A_1194 = arith.constant 912 : index
        %get3A_1195 = tpu.vector_load %arg20[%get3A_1193, %get3A_1194] {strides = array<i32>} : memref<64x1024xf32, #tpu.memory_space<vmem>>, vector<16xf32>,
        %get3A_1196 = arith.index_cast %scan3A_941 : i32 to index
        %get3A_1197 = arith.constant 400 : index
        %get3A_1198 = tpu.vector_load %arg21[%get3A_1196, %get3A_1197] {strides = array<i32>} : memref<64x512xf32, #tpu.memory_space<vmem>>, vector<16xf32>,
        %add3A_1199 = arith.addf %get3A_1195, %get3A_1198 : vector<16xf32>
        %swap3A_1200 = arith.index_cast %scan3A_941 : i32 to index
        %swap3A_1201 = arith.constant 912 : index
        %swap3A_1202 = tpu.vector_load %arg20[%swap3A_1200, %swap3A_1201] {strides = array<i32>} : memref<64x1024xf32, #tpu.memory_space<vmem>>, vector<16xf32>,
        tpu.vector_store %arg20[%swap3A_1200, %swap3A_1201], %add3A_1199 {strides = array<i32>} : memref<64x1024xf32, #tpu.memory_space<vmem>>, vector<16xf32>,
        %get3A_1203 = arith.index_cast %scan3A_941 : i32 to index
        %get3A_1204 = arith.constant 928 : index
        %get3A_1205 = tpu.vector_load %arg20[%get3A_1203, %get3A_1204] {strides = array<i32>} : memref<64x1024xf32, #tpu.memory_space<vmem>>, vector<16xf32>,
        %get3A_1206 = arith.index_cast %scan3A_941 : i32 to index
        %get3A_1207 = arith.constant 416 : index
        %get3A_1208 = tpu.vector_load %arg21[%get3A_1206, %get3A_1207] {strides = array<i32>} : memref<64x512xf32, #tpu.memory_space<vmem>>, vector<16xf32>,
        %add3A_1209 = arith.addf %get3A_1205, %get3A_1208 : vector<16xf32>
        %swap3A_1210 = arith.index_cast %scan3A_941 : i32 to index
        %swap3A_1211 = arith.constant 928 : index
        %swap3A_1212 = tpu.vector_load %arg20[%swap3A_1210, %swap3A_1211] {strides = array<i32>} : memref<64x1024xf32, #tpu.memory_space<vmem>>, vector<16xf32>,
        tpu.vector_store %arg20[%swap3A_1210, %swap3A_1211], %add3A_1209 {strides = array<i32>} : memref<64x1024xf32, #tpu.memory_space<vmem>>, vector<16xf32>,
        %get3A_1213 = arith.index_cast %scan3A_941 : i32 to index
        %get3A_1214 = arith.constant 944 : index
        %get3A_1215 = tpu.vector_load %arg20[%get3A_1213, %get3A_1214] {strides = array<i32>} : memref<64x1024xf32, #tpu.memory_space<vmem>>, vector<16xf32>,
        %get3A_1216 = arith.index_cast %scan3A_941 : i32 to index
        %get3A_1217 = arith.constant 432 : index
        %get3A_1218 = tpu.vector_load %arg21[%get3A_1216, %get3A_1217] {strides = array<i32>} : memref<64x512xf32, #tpu.memory_space<vmem>>, vector<16xf32>,
        %add3A_1219 = arith.addf %get3A_1215, %get3A_1218 : vector<16xf32>
        %swap3A_1220 = arith.index_cast %scan3A_941 : i32 to index
        %swap3A_1221 = arith.constant 944 : index
        %swap3A_1222 = tpu.vector_load %arg20[%swap3A_1220, %swap3A_1221] {strides = array<i32>} : memref<64x1024xf32, #tpu.memory_space<vmem>>, vector<16xf32>,
        tpu.vector_store %arg20[%swap3A_1220, %swap3A_1221], %add3A_1219 {strides = array<i32>} : memref<64x1024xf32, #tpu.memory_space<vmem>>, vector<16xf32>,
        %get3A_1223 = arith.index_cast %scan3A_941 : i32 to index
        %get3A_1224 = arith.constant 960 : index
        %get3A_1225 = tpu.vector_load %arg20[%get3A_1223, %get3A_1224] {strides = array<i32>} : memref<64x1024xf32, #tpu.memory_space<vmem>>, vector<16xf32>,
        %get3A_1226 = arith.index_cast %scan3A_941 : i32 to index
        %get3A_1227 = arith.constant 448 : index
        %get3A_1228 = tpu.vector_load %arg21[%get3A_1226, %get3A_1227] {strides = array<i32>} : memref<64x512xf32, #tpu.memory_space<vmem>>, vector<16xf32>,
        %add3A_1229 = arith.addf %get3A_1225, %get3A_1228 : vector<16xf32>
        %swap3A_1230 = arith.index_cast %scan3A_941 : i32 to index
        %swap3A_1231 = arith.constant 960 : index
        %swap3A_1232 = tpu.vector_load %arg20[%swap3A_1230, %swap3A_1231] {strides = array<i32>} : memref<64x1024xf32, #tpu.memory_space<vmem>>, vector<16xf32>,
        tpu.vector_store %arg20[%swap3A_1230, %swap3A_1231], %add3A_1229 {strides = array<i32>} : memref<64x1024xf32, #tpu.memory_space<vmem>>, vector<16xf32>,
        %get3A_1233 = arith.index_cast %scan3A_941 : i32 to index
        %get3A_1234 = arith.constant 976 : index
        %get3A_1235 = tpu.vector_load %arg20[%get3A_1233, %get3A_1234] {strides = array<i32>} : memref<64x1024xf32, #tpu.memory_space<vmem>>, vector<16xf32>,
        %get3A_1236 = arith.index_cast %scan3A_941 : i32 to index
        %get3A_1237 = arith.constant 464 : index
        %get3A_1238 = tpu.vector_load %arg21[%get3A_1236, %get3A_1237] {strides = array<i32>} : memref<64x512xf32, #tpu.memory_space<vmem>>, vector<16xf32>,
        %add3A_1239 = arith.addf %get3A_1235, %get3A_1238 : vector<16xf32>
        %swap3A_1240 = arith.index_cast %scan3A_941 : i32 to index
        %swap3A_1241 = arith.constant 976 : index
        %swap3A_1242 = tpu.vector_load %arg20[%swap3A_1240, %swap3A_1241] {strides = array<i32>} : memref<64x1024xf32, #tpu.memory_space<vmem>>, vector<16xf32>,
        tpu.vector_store %arg20[%swap3A_1240, %swap3A_1241], %add3A_1239 {strides = array<i32>} : memref<64x1024xf32, #tpu.memory_space<vmem>>, vector<16xf32>,
        %get3A_1243 = arith.index_cast %scan3A_941 : i32 to index
        %get3A_1244 = arith.constant 992 : index
        %get3A_1245 = tpu.vector_load %arg20[%get3A_1243, %get3A_1244] {strides = array<i32>} : memref<64x1024xf32, #tpu.memory_space<vmem>>, vector<16xf32>,
        %get3A_1246 = arith.index_cast %scan3A_941 : i32 to index
        %get3A_1247 = arith.constant 480 : index
        %get3A_1248 = tpu.vector_load %arg21[%get3A_1246, %get3A_1247] {strides = array<i32>} : memref<64x512xf32, #tpu.memory_space<vmem>>, vector<16xf32>,
        %add3A_1249 = arith.addf %get3A_1245, %get3A_1248 : vector<16xf32>
        %swap3A_1250 = arith.index_cast %scan3A_941 : i32 to index
        %swap3A_1251 = arith.constant 992 : index
        %swap3A_1252 = tpu.vector_load %arg20[%swap3A_1250, %swap3A_1251] {strides = array<i32>} : memref<64x1024xf32, #tpu.memory_space<vmem>>, vector<16xf32>,
        tpu.vector_store %arg20[%swap3A_1250, %swap3A_1251], %add3A_1249 {strides = array<i32>} : memref<64x1024xf32, #tpu.memory_space<vmem>>, vector<16xf32>,
        %get3A_1253 = arith.index_cast %scan3A_941 : i32 to index
        %get3A_1254 = arith.constant 1008 : index
        %get3A_1255 = tpu.vector_load %arg20[%get3A_1253, %get3A_1254] {strides = array<i32>} : memref<64x1024xf32, #tpu.memory_space<vmem>>, vector<16xf32>,
        %get3A_1256 = arith.index_cast %scan3A_941 : i32 to index
        %get3A_1257 = arith.constant 496 : index
        %get3A_1258 = tpu.vector_load %arg21[%get3A_1256, %get3A_1257] {strides = array<i32>} : memref<64x512xf32, #tpu.memory_space<vmem>>, vector<16xf32>,
        %add3A_1259 = arith.addf %get3A_1255, %get3A_1258 : vector<16xf32>
        %swap3A_1260 = arith.index_cast %scan3A_941 : i32 to index
        %swap3A_1261 = arith.constant 1008 : index
        %swap3A_1262 = tpu.vector_load %arg20[%swap3A_1260, %swap3A_1261] {strides = array<i32>} : memref<64x1024xf32, #tpu.memory_space<vmem>>, vector<16xf32>,
        tpu.vector_store %arg20[%swap3A_1260, %swap3A_1261], %add3A_1259 {strides = array<i32>} : memref<64x1024xf32, #tpu.memory_space<vmem>>, vector<16xf32>,
        %scan3A_1263 = arith.constant 0 : i32
        scf.yield %scan3A_1263 : i32
      }
      %scan3A_927 = arith.constant 64 : i32
      %dma_start3A_928 = arith.constant 0 : i32
      %dma_start3A_929 = tpu.memref_slice %arg19[%while3A_883, %dma_start3A_928] : memref<32x64xi32, #tpu.memory_space<vmem>> -> memref<1x64xi32, #tpu.memory_space<vmem>>
      %dma_start3A_930 = tpu.memref_squeeze %dma_start3A_929 : memref<1x64xi32, #tpu.memory_space<vmem>> -> memref<64xi32, #tpu.memory_space<vmem>>
      %dma_start3A_931 = arith.constant 0 : i32
      %dma_start3A_932 = arith.constant 0 : i32
      %dma_start3A_933 = tpu.memref_slice %arg7[%dma_start3A_931, %dma_start3A_932] : memref<65536x1024xf32, #tpu.memory_space<hbm>> -> memref<65536x1024xf32, #tpu.memory_space<hbm>>
      tpu.enqueue_indirect_dma source(%arg20 : memref<64x1024xf32, #tpu.memory_space<vmem>>) target(%dma_start3A_933 : memref<65536x1024xf32, #tpu.memory_space<hbm>>) offsets(%dma_start3A_930 : memref<64xi32, #tpu.memory_space<vmem>>) semaphore(%arg23 : memref<!tpu.dma_semaphore, #tpu.memory_space<semaphore_mem>>)
      %dma_wait3A_934 = arith.constant 0 : i32
      %dma_wait3A_935 = tpu.memref_slice %arg19[%while3A_883, %dma_wait3A_934] : memref<32x64xi32, #tpu.memory_space<vmem>> -> memref<1x64xi32, #tpu.memory_space<vmem>>
      %dma_wait3A_936 = tpu.memref_squeeze %dma_wait3A_935 : memref<1x64xi32, #tpu.memory_space<vmem>> -> memref<64xi32, #tpu.memory_space<vmem>>
      %dma_wait3A_937 = arith.constant 0 : i32
      %dma_wait3A_938 = arith.constant 0 : i32
      %dma_wait3A_939 = tpu.memref_slice %arg7[%dma_wait3A_937, %dma_wait3A_938] : memref<65536x1024xf32, #tpu.memory_space<hbm>> -> memref<65536x1024xf32, #tpu.memory_space<hbm>>
      tpu.wait_indirect_dma semaphore(%arg23 : memref<!tpu.dma_semaphore, #tpu.memory_space<semaphore_mem>>) src(%arg20 : memref<64x1024xf32, #tpu.memory_space<vmem>>) dst(%dma_wait3A_939 : memref<65536x1024xf32, #tpu.memory_space<hbm>>)
      %while3A_940 = arith.constant 0 : i32
      scf.yield %while3A_940 : i32
    }
    %while3A_881 = arith.constant 1 : i32
    %while3A_882 = scf.for %while3A_883 = %while3A_878 to %while3A_874 step %while3A_881 iter_args(%while3A_884 = %while3A_880) -> (i32)  : i32 {
      %mul3A_885 = arith.constant 64 : i32
      %mul3A_886 = arith.muli %while3A_883, %mul3A_885 : i32
      %dma_start3A = arith.constant 0 : i32
      %dma_start3A_887 = arith.constant 0 : i32
      %dma_start3A_888 = tpu.memref_slice %arg20[%dma_start3A, %dma_start3A_887] : memref<64x1024xf32, #tpu.memory_space<vmem>> -> memref<64x512xf32, #tpu.memory_space<vmem>>
      %dma_start3A_889 = tpu.memref_slice %arg16[%mul3A_886] : memref<2128xi32, #tpu.memory_space<vmem>> -> memref<64xi32, #tpu.memory_space<vmem>>
      %dma_start3A_890 = arith.constant 0 : i32
      %dma_start3A_891 = arith.constant 0 : i32
      %dma_start3A_892 = tpu.memref_slice %arg2[%dma_start3A_890, %dma_start3A_891] : memref<32768x512xf32, #tpu.memory_space<hbm>> -> memref<32768x512xf32, #tpu.memory_space<hbm>>
      tpu.enqueue_indirect_dma source(%dma_start3A_892 : memref<32768x512xf32, #tpu.memory_space<hbm>>) target(%dma_start3A_888 : memref<64x512xf32, #tpu.memory_space<vmem>>) offsets(%dma_start3A_889 : memref<64xi32, #tpu.memory_space<vmem>>) semaphore(%arg22 : memref<!tpu.dma_semaphore, #tpu.memory_space<semaphore_mem>>)
      %dma_start3A_893 = arith.constant 0 : i32
      %dma_start3A_894 = arith.constant 512 : i32
      %dma_start3A_895 = tpu.memref_slice %arg20[%dma_start3A_893, %dma_start3A_894] : memref<64x1024xf32, #tpu.memory_space<vmem>> -> memref<64x512xf32, #tpu.memory_space<vmem>>
      %dma_start3A_896 = tpu.memref_slice %arg16[%mul3A_886] : memref<2128xi32, #tpu.memory_space<vmem>> -> memref<64xi32, #tpu.memory_space<vmem>>
      %dma_start3A_897 = arith.constant 0 : i32
      %dma_start3A_898 = arith.constant 0 : i32
      %dma_start3A_899 = tpu.memref_slice %arg3[%dma_start3A_897, %dma_start3A_898] : memref<32768x512xf32, #tpu.memory_space<hbm>> -> memref<32768x512xf32, #tpu.memory_space<hbm>>
      tpu.enqueue_indirect_dma source(%dma_start3A_899 : memref<32768x512xf32, #tpu.memory_space<hbm>>) target(%dma_start3A_895 : memref<64x512xf32, #tpu.memory_space<vmem>>) offsets(%dma_start3A_896 : memref<64xi32, #tpu.memory_space<vmem>>) semaphore(%arg22 : memref<!tpu.dma_semaphore, #tpu.memory_space<semaphore_mem>>)
      %dma_start3A_900 = tpu.memref_slice %arg17[%mul3A_886] : memref<2128xi32, #tpu.memory_space<vmem>> -> memref<64xi32, #tpu.memory_space<vmem>>
      %dma_start3A_901 = arith.constant 0 : i32
      %dma_start3A_902 = arith.constant 0 : i32
      %dma_start3A_903 = tpu.memref_slice %arg4[%dma_start3A_901, %dma_start3A_902] : memref<128x512xf32, #tpu.memory_space<hbm>> -> memref<128x512xf32, #tpu.memory_space<hbm>>
      tpu.enqueue_indirect_dma source(%dma_start3A_903 : memref<128x512xf32, #tpu.memory_space<hbm>>) target(%arg21 : memref<64x512xf32, #tpu.memory_space<vmem>>) offsets(%dma_start3A_900 : memref<64xi32, #tpu.memory_space<vmem>>) semaphore(%arg22 : memref<!tpu.dma_semaphore, #tpu.memory_space<semaphore_mem>>)
      %dma_wait3A = arith.constant 0 : i32
      %dma_wait3A_904 = arith.constant 0 : i32
      %dma_wait3A_905 = tpu.memref_slice %arg20[%dma_wait3A, %dma_wait3A_904] : memref<64x1024xf32, #tpu.memory_space<vmem>> -> memref<64x512xf32, #tpu.memory_space<vmem>>
      %dma_wait3A_906 = tpu.memref_slice %arg16[%mul3A_886] : memref<2128xi32, #tpu.memory_space<vmem>> -> memref<64xi32, #tpu.memory_space<vmem>>
      %dma_wait3A_907 = arith.constant 0 : i32
      %dma_wait3A_908 = arith.constant 0 : i32
      %dma_wait3A_909 = tpu.memref_slice %arg2[%dma_wait3A_907, %dma_wait3A_908] : memref<32768x512xf32, #tpu.memory_space<hbm>> -> memref<32768x512xf32, #tpu.memory_space<hbm>>
      tpu.wait_indirect_dma semaphore(%arg22 : memref<!tpu.dma_semaphore, #tpu.memory_space<semaphore_mem>>) src(%dma_wait3A_909 : memref<32768x512xf32, #tpu.memory_space<hbm>>) dst(%dma_wait3A_905 : memref<64x512xf32, #tpu.memory_space<vmem>>)
      %dma_wait3A_910 = arith.constant 0 : i32
      %dma_wait3A_911 = arith.constant 512 : i32
      %dma_wait3A_912 = tpu.memref_slice %arg20[%dma_wait3A_910, %dma_wait3A_911] : memref<64x1024xf32, #tpu.memory_space<vmem>> -> memref<64x512xf32, #tpu.memory_space<vmem>>
      %dma_wait3A_913 = tpu.memref_slice %arg16[%mul3A_886] : memref<2128xi32, #tpu.memory_space<vmem>> -> memref<64xi32, #tpu.memory_space<vmem>>
      %dma_wait3A_914 = arith.constant 0 : i32
      %dma_wait3A_915 = arith.constant 0 : i32
      %dma_wait3A_916 = tpu.memref_slice %arg3[%dma_wait3A_914, %dma_wait3A_915] : memref<32768x512xf32, #tpu.memory_space<hbm>> -> memref<32768x512xf32, #tpu.memory_space<hbm>>
      tpu.wait_indirect_dma semaphore(%arg22 : memref<!tpu.dma_semaphore, #tpu.memory_space<semaphore_mem>>) src(%dma_wait3A_916 : memref<32768x512xf32, #tpu.memory_space<hbm>>) dst(%dma_wait3A_912 : memref<64x512xf32, #tpu.memory_space<vmem>>)
      %dma_wait3A_917 = tpu.memref_slice %arg17[%mul3A_886] : memref<2128xi32, #tpu.memory_space<vmem>> -> memref<64xi32, #tpu.memory_space<vmem>>
      %dma_wait3A_918 = arith.constant 0 : i32
      %dma_wait3A_919 = arith.constant 0 : i32
      %dma_wait3A_920 = tpu.memref_slice %arg4[%dma_wait3A_918, %dma_wait3A_919] : memref<128x512xf32, #tpu.memory_space<hbm>> -> memref<128x512xf32, #tpu.memory_space<hbm>>
      tpu.wait_indirect_dma semaphore(%arg22 : memref<!tpu.dma_semaphore, #tpu.memory_space<semaphore_mem>>) src(%dma_wait3A_920 : memref<128x512xf32, #tpu.memory_space<hbm>>) dst(%arg21 : memref<64x512xf32, #tpu.memory_space<vmem>>)
      %scan3A_921 = arith.constant 0 : i32
      %scan3A_922 = arith.constant 0 : i32
      %scan3A_923 = arith.constant 64 : i32
      %scan3A_924 = arith.addi %scan3A_922, %scan3A_923 : i32
      %scan3A_925 = arith.constant 1 : i32
      %scan3A_926 = scf.for %scan3A_941 = %scan3A_922 to %scan3A_924 step %scan3A_925 iter_args(%scan3A_942 = %scan3A_921) -> (i32)  : i32 {
        %get3A_943 = arith.index_cast %scan3A_941 : i32 to index
        %get3A_944 = arith.constant 512 : index
        %get3A_945 = tpu.vector_load %arg20[%get3A_943, %get3A_944] {strides = array<i32>} : memref<64x1024xf32, #tpu.memory_space<vmem>>, vector<16xf32>,
        %get3A_946 = arith.index_cast %scan3A_941 : i32 to index
        %get3A_947 = arith.constant 0 : index
        %get3A_948 = tpu.vector_load %arg21[%get3A_946, %get3A_947] {strides = array<i32>} : memref<64x512xf32, #tpu.memory_space<vmem>>, vector<16xf32>,
        %add3A_949 = arith.addf %get3A_945, %get3A_948 : vector<16xf32>
        %swap3A_950 = arith.index_cast %scan3A_941 : i32 to index
        %swap3A_951 = arith.constant 512 : index
        %swap3A_952 = tpu.vector_load %arg20[%swap3A_950, %swap3A_951] {strides = array<i32>} : memref<64x1024xf32, #tpu.memory_space<vmem>>, vector<16xf32>,
        tpu.vector_store %arg20[%swap3A_950, %swap3A_951], %add3A_949 {strides = array<i32>} : memref<64x1024xf32, #tpu.memory_space<vmem>>, vector<16xf32>,
        %get3A_953 = arith.index_cast %scan3A_941 : i32 to index
        %get3A_954 = arith.constant 528 : index
        %get3A_955 = tpu.vector_load %arg20[%get3A_953, %get3A_954] {strides = array<i32>} : memref<64x1024xf32, #tpu.memory_space<vmem>>, vector<16xf32>,
        %get3A_956 = arith.index_cast %scan3A_941 : i32 to index
        %get3A_957 = arith.constant 16 : index
        %get3A_958 = tpu.vector_load %arg21[%get3A_956, %get3A_957] {strides = array<i32>} : memref<64x512xf32, #tpu.memory_space<vmem>>, vector<16xf32>,
        %add3A_959 = arith.addf %get3A_955, %get3A_958 : vector<16xf32>
        %swap3A_960 = arith.index_cast %scan3A_941 : i32 to index
        %swap3A_961 = arith.constant 528 : index
        %swap3A_962 = tpu.vector_load %arg20[%swap3A_960, %swap3A_961] {strides = array<i32>} : memref<64x1024xf32, #tpu.memory_space<vmem>>, vector<16xf32>,
        tpu.vector_store %arg20[%swap3A_960, %swap3A_961], %add3A_959 {strides = array<i32>} : memref<64x1024xf32, #tpu.memory_space<vmem>>, vector<16xf32>,
        %get3A_963 = arith.index_cast %scan3A_941 : i32 to index
        %get3A_964 = arith.constant 544 : index
        %get3A_965 = tpu.vector_load %arg20[%get3A_963, %get3A_964] {strides = array<i32>} : memref<64x1024xf32, #tpu.memory_space<vmem>>, vector<16xf32>,
        %get3A_966 = arith.index_cast %scan3A_941 : i32 to index
        %get3A_967 = arith.constant 32 : index
        %get3A_968 = tpu.vector_load %arg21[%get3A_966, %get3A_967] {strides = array<i32>} : memref<64x512xf32, #tpu.memory_space<vmem>>, vector<16xf32>,
        %add3A_969 = arith.addf %get3A_965, %get3A_968 : vector<16xf32>
        %swap3A_970 = arith.index_cast %scan3A_941 : i32 to index
        %swap3A_971 = arith.constant 544 : index
        %swap3A_972 = tpu.vector_load %arg20[%swap3A_970, %swap3A_971] {strides = array<i32>} : memref<64x1024xf32, #tpu.memory_space<vmem>>, vector<16xf32>,
        tpu.vector_store %arg20[%swap3A_970, %swap3A_971], %add3A_969 {strides = array<i32>} : memref<64x1024xf32, #tpu.memory_space<vmem>>, vector<16xf32>,
        %get3A_973 = arith.index_cast %scan3A_941 : i32 to index
        %get3A_974 = arith.constant 560 : index
        %get3A_975 = tpu.vector_load %arg20[%get3A_973, %get3A_974] {strides = array<i32>} : memref<64x1024xf32, #tpu.memory_space<vmem>>, vector<16xf32>,
        %get3A_976 = arith.index_cast %scan3A_941 : i32 to index
        %get3A_977 = arith.constant 48 : index
        %get3A_978 = tpu.vector_load %arg21[%get3A_976, %get3A_977] {strides = array<i32>} : memref<64x512xf32, #tpu.memory_space<vmem>>, vector<16xf32>,
        %add3A_979 = arith.addf %get3A_975, %get3A_978 : vector<16xf32>
        %swap3A_980 = arith.index_cast %scan3A_941 : i32 to index
        %swap3A_981 = arith.constant 560 : index
        %swap3A_982 = tpu.vector_load %arg20[%swap3A_980, %swap3A_981] {strides = array<i32>} : memref<64x1024xf32, #tpu.memory_space<vmem>>, vector<16xf32>,
        tpu.vector_store %arg20[%swap3A_980, %swap3A_981], %add3A_979 {strides = array<i32>} : memref<64x1024xf32, #tpu.memory_space<vmem>>, vector<16xf32>,
        %get3A_983 = arith.index_cast %scan3A_941 : i32 to index
        %get3A_984 = arith.constant 576 : index
        %get3A_985 = tpu.vector_load %arg20[%get3A_983, %get3A_984] {strides = array<i32>} : memref<64x1024xf32, #tpu.memory_space<vmem>>, vector<16xf32>,
        %get3A_986 = arith.index_cast %scan3A_941 : i32 to index
        %get3A_987 = arith.constant 64 : index
        %get3A_988 = tpu.vector_load %arg21[%get3A_986, %get3A_987] {strides = array<i32>} : memref<64x512xf32, #tpu.memory_space<vmem>>, vector<16xf32>,
        %add3A_989 = arith.addf %get3A_985, %get3A_988 : vector<16xf32>
        %swap3A_990 = arith.index_cast %scan3A_941 : i32 to index
        %swap3A_991 = arith.constant 576 : index
        %swap3A_992 = tpu.vector_load %arg20[%swap3A_990, %swap3A_991] {strides = array<i32>} : memref<64x1024xf32, #tpu.memory_space<vmem>>, vector<16xf32>,
        tpu.vector_store %arg20[%swap3A_990, %swap3A_991], %add3A_989 {strides = array<i32>} : memref<64x1024xf32, #tpu.memory_space<vmem>>, vector<16xf32>,
        %get3A_993 = arith.index_cast %scan3A_941 : i32 to index
        %get3A_994 = arith.constant 592 : index
        %get3A_995 = tpu.vector_load %arg20[%get3A_993, %get3A_994] {strides = array<i32>} : memref<64x1024xf32, #tpu.memory_space<vmem>>, vector<16xf32>,
        %get3A_996 = arith.index_cast %scan3A_941 : i32 to index
        %get3A_997 = arith.constant 80 : index
        %get3A_998 = tpu.vector_load %arg21[%get3A_996, %get3A_997] {strides = array<i32>} : memref<64x512xf32, #tpu.memory_space<vmem>>, vector<16xf32>,
        %add3A_999 = arith.addf %get3A_995, %get3A_998 : vector<16xf32>
        %swap3A_1000 = arith.index_cast %scan3A_941 : i32 to index
        %swap3A_1001 = arith.constant 592 : index
        %swap3A_1002 = tpu.vector_load %arg20[%swap3A_1000, %swap3A_1001] {strides = array<i32>} : memref<64x1024xf32, #tpu.memory_space<vmem>>, vector<16xf32>,
        tpu.vector_store %arg20[%swap3A_1000, %swap3A_1001], %add3A_999 {strides = array<i32>} : memref<64x1024xf32, #tpu.memory_space<vmem>>, vector<16xf32>,
        %get3A_1003 = arith.index_cast %scan3A_941 : i32 to index
        %get3A_1004 = arith.constant 608 : index
        %get3A_1005 = tpu.vector_load %arg20[%get3A_1003, %get3A_1004] {strides = array<i32>} : memref<64x1024xf32, #tpu.memory_space<vmem>>, vector<16xf32>,
        %get3A_1006 = arith.index_cast %scan3A_941 : i32 to index
        %get3A_1007 = arith.constant 96 : index
        %get3A_1008 = tpu.vector_load %arg21[%get3A_1006, %get3A_1007] {strides = array<i32>} : memref<64x512xf32, #tpu.memory_space<vmem>>, vector<16xf32>,
        %add3A_1009 = arith.addf %get3A_1005, %get3A_1008 : vector<16xf32>
        %swap3A_1010 = arith.index_cast %scan3A_941 : i32 to index
        %swap3A_1011 = arith.constant 608 : index
        %swap3A_1012 = tpu.vector_load %arg20[%swap3A_1010, %swap3A_1011] {strides = array<i32>} : memref<64x1024xf32, #tpu.memory_space<vmem>>, vector<16xf32>,
        tpu.vector_store %arg20[%swap3A_1010, %swap3A_1011], %add3A_1009 {strides = array<i32>} : memref<64x1024xf32, #tpu.memory_space<vmem>>, vector<16xf32>,
        %get3A_1013 = arith.index_cast %scan3A_941 : i32 to index
        %get3A_1014 = arith.constant 624 : index
        %get3A_1015 = tpu.vector_load %arg20[%get3A_1013, %get3A_1014] {strides = array<i32>} : memref<64x1024xf32, #tpu.memory_space<vmem>>, vector<16xf32>,
        %get3A_1016 = arith.index_cast %scan3A_941 : i32 to index
        %get3A_1017 = arith.constant 112 : index
        %get3A_1018 = tpu.vector_load %arg21[%get3A_1016, %get3A_1017] {strides = array<i32>} : memref<64x512xf32, #tpu.memory_space<vmem>>, vector<16xf32>,
        %add3A_1019 = arith.addf %get3A_1015, %get3A_1018 : vector<16xf32>
        %swap3A_1020 = arith.index_cast %scan3A_941 : i32 to index
        %swap3A_1021 = arith.constant 624 : index
        %swap3A_1022 = tpu.vector_load %arg20[%swap3A_1020, %swap3A_1021] {strides = array<i32>} : memref<64x1024xf32, #tpu.memory_space<vmem>>, vector<16xf32>,
        tpu.vector_store %arg20[%swap3A_1020, %swap3A_1021], %add3A_1019 {strides = array<i32>} : memref<64x1024xf32, #tpu.memory_space<vmem>>, vector<16xf32>,
        %get3A_1023 = arith.index_cast %scan3A_941 : i32 to index
        %get3A_1024 = arith.constant 640 : index
        %get3A_1025 = tpu.vector_load %arg20[%get3A_1023, %get3A_1024] {strides = array<i32>} : memref<64x1024xf32, #tpu.memory_space<vmem>>, vector<16xf32>,
        %get3A_1026 = arith.index_cast %scan3A_941 : i32 to index
        %get3A_1027 = arith.constant 128 : index
        %get3A_1028 = tpu.vector_load %arg21[%get3A_1026, %get3A_1027] {strides = array<i32>} : memref<64x512xf32, #tpu.memory_space<vmem>>, vector<16xf32>,
        %add3A_1029 = arith.addf %get3A_1025, %get3A_1028 : vector<16xf32>
        %swap3A_1030 = arith.index_cast %scan3A_941 : i32 to index
        %swap3A_1031 = arith.constant 640 : index
        %swap3A_1032 = tpu.vector_load %arg20[%swap3A_1030, %swap3A_1031] {strides = array<i32>} : memref<64x1024xf32, #tpu.memory_space<vmem>>, vector<16xf32>,
        tpu.vector_store %arg20[%swap3A_1030, %swap3A_1031], %add3A_1029 {strides = array<i32>} : memref<64x1024xf32, #tpu.memory_space<vmem>>, vector<16xf32>,
        %get3A_1033 = arith.index_cast %scan3A_941 : i32 to index
        %get3A_1034 = arith.constant 656 : index
        %get3A_1035 = tpu.vector_load %arg20[%get3A_1033, %get3A_1034] {strides = array<i32>} : memref<64x1024xf32, #tpu.memory_space<vmem>>, vector<16xf32>,
        %get3A_1036 = arith.index_cast %scan3A_941 : i32 to index
        %get3A_1037 = arith.constant 144 : index
        %get3A_1038 = tpu.vector_load %arg21[%get3A_1036, %get3A_1037] {strides = array<i32>} : memref<64x512xf32, #tpu.memory_space<vmem>>, vector<16xf32>,
        %add3A_1039 = arith.addf %get3A_1035, %get3A_1038 : vector<16xf32>
        %swap3A_1040 = arith.index_cast %scan3A_941 : i32 to index
        %swap3A_1041 = arith.constant 656 : index
        %swap3A_1042 = tpu.vector_load %arg20[%swap3A_1040, %swap3A_1041] {strides = array<i32>} : memref<64x1024xf32, #tpu.memory_space<vmem>>, vector<16xf32>,
        tpu.vector_store %arg20[%swap3A_1040, %swap3A_1041], %add3A_1039 {strides = array<i32>} : memref<64x1024xf32, #tpu.memory_space<vmem>>, vector<16xf32>,
        %get3A_1043 = arith.index_cast %scan3A_941 : i32 to index
        %get3A_1044 = arith.constant 672 : index
        %get3A_1045 = tpu.vector_load %arg20[%get3A_1043, %get3A_1044] {strides = array<i32>} : memref<64x1024xf32, #tpu.memory_space<vmem>>, vector<16xf32>,
        %get3A_1046 = arith.index_cast %scan3A_941 : i32 to index
        %get3A_1047 = arith.constant 160 : index
        %get3A_1048 = tpu.vector_load %arg21[%get3A_1046, %get3A_1047] {strides = array<i32>} : memref<64x512xf32, #tpu.memory_space<vmem>>, vector<16xf32>,
        %add3A_1049 = arith.addf %get3A_1045, %get3A_1048 : vector<16xf32>
        %swap3A_1050 = arith.index_cast %scan3A_941 : i32 to index
        %swap3A_1051 = arith.constant 672 : index
        %swap3A_1052 = tpu.vector_load %arg20[%swap3A_1050, %swap3A_1051] {strides = array<i32>} : memref<64x1024xf32, #tpu.memory_space<vmem>>, vector<16xf32>,
        tpu.vector_store %arg20[%swap3A_1050, %swap3A_1051], %add3A_1049 {strides = array<i32>} : memref<64x1024xf32, #tpu.memory_space<vmem>>, vector<16xf32>,
        %get3A_1053 = arith.index_cast %scan3A_941 : i32 to index
        %get3A_1054 = arith.constant 688 : index
        %get3A_1055 = tpu.vector_load %arg20[%get3A_1053, %get3A_1054] {strides = array<i32>} : memref<64x1024xf32, #tpu.memory_space<vmem>>, vector<16xf32>,
        %get3A_1056 = arith.index_cast %scan3A_941 : i32 to index
        %get3A_1057 = arith.constant 176 : index
        %get3A_1058 = tpu.vector_load %arg21[%get3A_1056, %get3A_1057] {strides = array<i32>} : memref<64x512xf32, #tpu.memory_space<vmem>>, vector<16xf32>,
        %add3A_1059 = arith.addf %get3A_1055, %get3A_1058 : vector<16xf32>
        %swap3A_1060 = arith.index_cast %scan3A_941 : i32 to index
        %swap3A_1061 = arith.constant 688 : index
        %swap3A_1062 = tpu.vector_load %arg20[%swap3A_1060, %swap3A_1061] {strides = array<i32>} : memref<64x1024xf32, #tpu.memory_space<vmem>>, vector<16xf32>,
        tpu.vector_store %arg20[%swap3A_1060, %swap3A_1061], %add3A_1059 {strides = array<i32>} : memref<64x1024xf32, #tpu.memory_space<vmem>>, vector<16xf32>,
        %get3A_1063 = arith.index_cast %scan3A_941 : i32 to index
        %get3A_1064 = arith.constant 704 : index
        %get3A_1065 = tpu.vector_load %arg20[%get3A_1063, %get3A_1064] {strides = array<i32>} : memref<64x1024xf32, #tpu.memory_space<vmem>>, vector<16xf32>,
        %get3A_1066 = arith.index_cast %scan3A_941 : i32 to index
        %get3A_1067 = arith.constant 192 : index
        %get3A_1068 = tpu.vector_load %arg21[%get3A_1066, %get3A_1067] {strides = array<i32>} : memref<64x512xf32, #tpu.memory_space<vmem>>, vector<16xf32>,
        %add3A_1069 = arith.addf %get3A_1065, %get3A_1068 : vector<16xf32>
        %swap3A_1070 = arith.index_cast %scan3A_941 : i32 to index
        %swap3A_1071 = arith.constant 704 : index
        %swap3A_1072 = tpu.vector_load %arg20[%swap3A_1070, %swap3A_1071] {strides = array<i32>} : memref<64x1024xf32, #tpu.memory_space<vmem>>, vector<16xf32>,
        tpu.vector_store %arg20[%swap3A_1070, %swap3A_1071], %add3A_1069 {strides = array<i32>} : memref<64x1024xf32, #tpu.memory_space<vmem>>, vector<16xf32>,
        %get3A_1073 = arith.index_cast %scan3A_941 : i32 to index
        %get3A_1074 = arith.constant 720 : index
        %get3A_1075 = tpu.vector_load %arg20[%get3A_1073, %get3A_1074] {strides = array<i32>} : memref<64x1024xf32, #tpu.memory_space<vmem>>, vector<16xf32>,
        %get3A_1076 = arith.index_cast %scan3A_941 : i32 to index
        %get3A_1077 = arith.constant 208 : index
        %get3A_1078 = tpu.vector_load %arg21[%get3A_1076, %get3A_1077] {strides = array<i32>} : memref<64x512xf32, #tpu.memory_space<vmem>>, vector<16xf32>,
        %add3A_1079 = arith.addf %get3A_1075, %get3A_1078 : vector<16xf32>
        %swap3A_1080 = arith.index_cast %scan3A_941 : i32 to index
        %swap3A_1081 = arith.constant 720 : index
        %swap3A_1082 = tpu.vector_load %arg20[%swap3A_1080, %swap3A_1081] {strides = array<i32>} : memref<64x1024xf32, #tpu.memory_space<vmem>>, vector<16xf32>,
        tpu.vector_store %arg20[%swap3A_1080, %swap3A_1081], %add3A_1079 {strides = array<i32>} : memref<64x1024xf32, #tpu.memory_space<vmem>>, vector<16xf32>,
        %get3A_1083 = arith.index_cast %scan3A_941 : i32 to index
        %get3A_1084 = arith.constant 736 : index
        %get3A_1085 = tpu.vector_load %arg20[%get3A_1083, %get3A_1084] {strides = array<i32>} : memref<64x1024xf32, #tpu.memory_space<vmem>>, vector<16xf32>,
        %get3A_1086 = arith.index_cast %scan3A_941 : i32 to index
        %get3A_1087 = arith.constant 224 : index
        %get3A_1088 = tpu.vector_load %arg21[%get3A_1086, %get3A_1087] {strides = array<i32>} : memref<64x512xf32, #tpu.memory_space<vmem>>, vector<16xf32>,
        %add3A_1089 = arith.addf %get3A_1085, %get3A_1088 : vector<16xf32>
        %swap3A_1090 = arith.index_cast %scan3A_941 : i32 to index
        %swap3A_1091 = arith.constant 736 : index
        %swap3A_1092 = tpu.vector_load %arg20[%swap3A_1090, %swap3A_1091] {strides = array<i32>} : memref<64x1024xf32, #tpu.memory_space<vmem>>, vector<16xf32>,
        tpu.vector_store %arg20[%swap3A_1090, %swap3A_1091], %add3A_1089 {strides = array<i32>} : memref<64x1024xf32, #tpu.memory_space<vmem>>, vector<16xf32>,
        %get3A_1093 = arith.index_cast %scan3A_941 : i32 to index
        %get3A_1094 = arith.constant 752 : index
        %get3A_1095 = tpu.vector_load %arg20[%get3A_1093, %get3A_1094] {strides = array<i32>} : memref<64x1024xf32, #tpu.memory_space<vmem>>, vector<16xf32>,
        %get3A_1096 = arith.index_cast %scan3A_941 : i32 to index
        %get3A_1097 = arith.constant 240 : index
        %get3A_1098 = tpu.vector_load %arg21[%get3A_1096, %get3A_1097] {strides = array<i32>} : memref<64x512xf32, #tpu.memory_space<vmem>>, vector<16xf32>,
        %add3A_1099 = arith.addf %get3A_1095, %get3A_1098 : vector<16xf32>
        %swap3A_1100 = arith.index_cast %scan3A_941 : i32 to index
        %swap3A_1101 = arith.constant 752 : index
        %swap3A_1102 = tpu.vector_load %arg20[%swap3A_1100, %swap3A_1101] {strides = array<i32>} : memref<64x1024xf32, #tpu.memory_space<vmem>>, vector<16xf32>,
        tpu.vector_store %arg20[%swap3A_1100, %swap3A_1101], %add3A_1099 {strides = array<i32>} : memref<64x1024xf32, #tpu.memory_space<vmem>>, vector<16xf32>,
        %get3A_1103 = arith.index_cast %scan3A_941 : i32 to index
        %get3A_1104 = arith.constant 768 : index
        %get3A_1105 = tpu.vector_load %arg20[%get3A_1103, %get3A_1104] {strides = array<i32>} : memref<64x1024xf32, #tpu.memory_space<vmem>>, vector<16xf32>,
        %get3A_1106 = arith.index_cast %scan3A_941 : i32 to index
        %get3A_1107 = arith.constant 256 : index
        %get3A_1108 = tpu.vector_load %arg21[%get3A_1106, %get3A_1107] {strides = array<i32>} : memref<64x512xf32, #tpu.memory_space<vmem>>, vector<16xf32>,
        %add3A_1109 = arith.addf %get3A_1105, %get3A_1108 : vector<16xf32>
        %swap3A_1110 = arith.index_cast %scan3A_941 : i32 to index
        %swap3A_1111 = arith.constant 768 : index
        %swap3A_1112 = tpu.vector_load %arg20[%swap3A_1110, %swap3A_1111] {strides = array<i32>} : memref<64x1024xf32, #tpu.memory_space<vmem>>, vector<16xf32>,
        tpu.vector_store %arg20[%swap3A_1110, %swap3A_1111], %add3A_1109 {strides = array<i32>} : memref<64x1024xf32, #tpu.memory_space<vmem>>, vector<16xf32>,
        %get3A_1113 = arith.index_cast %scan3A_941 : i32 to index
        %get3A_1114 = arith.constant 784 : index
        %get3A_1115 = tpu.vector_load %arg20[%get3A_1113, %get3A_1114] {strides = array<i32>} : memref<64x1024xf32, #tpu.memory_space<vmem>>, vector<16xf32>,
        %get3A_1116 = arith.index_cast %scan3A_941 : i32 to index
        %get3A_1117 = arith.constant 272 : index
        %get3A_1118 = tpu.vector_load %arg21[%get3A_1116, %get3A_1117] {strides = array<i32>} : memref<64x512xf32, #tpu.memory_space<vmem>>, vector<16xf32>,
        %add3A_1119 = arith.addf %get3A_1115, %get3A_1118 : vector<16xf32>
        %swap3A_1120 = arith.index_cast %scan3A_941 : i32 to index
        %swap3A_1121 = arith.constant 784 : index
        %swap3A_1122 = tpu.vector_load %arg20[%swap3A_1120, %swap3A_1121] {strides = array<i32>} : memref<64x1024xf32, #tpu.memory_space<vmem>>, vector<16xf32>,
        tpu.vector_store %arg20[%swap3A_1120, %swap3A_1121], %add3A_1119 {strides = array<i32>} : memref<64x1024xf32, #tpu.memory_space<vmem>>, vector<16xf32>,
        %get3A_1123 = arith.index_cast %scan3A_941 : i32 to index
        %get3A_1124 = arith.constant 800 : index
        %get3A_1125 = tpu.vector_load %arg20[%get3A_1123, %get3A_1124] {strides = array<i32>} : memref<64x1024xf32, #tpu.memory_space<vmem>>, vector<16xf32>,
        %get3A_1126 = arith.index_cast %scan3A_941 : i32 to index
        %get3A_1127 = arith.constant 288 : index
        %get3A_1128 = tpu.vector_load %arg21[%get3A_1126, %get3A_1127] {strides = array<i32>} : memref<64x512xf32, #tpu.memory_space<vmem>>, vector<16xf32>,
        %add3A_1129 = arith.addf %get3A_1125, %get3A_1128 : vector<16xf32>
        %swap3A_1130 = arith.index_cast %scan3A_941 : i32 to index
        %swap3A_1131 = arith.constant 800 : index
        %swap3A_1132 = tpu.vector_load %arg20[%swap3A_1130, %swap3A_1131] {strides = array<i32>} : memref<64x1024xf32, #tpu.memory_space<vmem>>, vector<16xf32>,
        tpu.vector_store %arg20[%swap3A_1130, %swap3A_1131], %add3A_1129 {strides = array<i32>} : memref<64x1024xf32, #tpu.memory_space<vmem>>, vector<16xf32>,
        %get3A_1133 = arith.index_cast %scan3A_941 : i32 to index
        %get3A_1134 = arith.constant 816 : index
        %get3A_1135 = tpu.vector_load %arg20[%get3A_1133, %get3A_1134] {strides = array<i32>} : memref<64x1024xf32, #tpu.memory_space<vmem>>, vector<16xf32>,
        %get3A_1136 = arith.index_cast %scan3A_941 : i32 to index
        %get3A_1137 = arith.constant 304 : index
        %get3A_1138 = tpu.vector_load %arg21[%get3A_1136, %get3A_1137] {strides = array<i32>} : memref<64x512xf32, #tpu.memory_space<vmem>>, vector<16xf32>,
        %add3A_1139 = arith.addf %get3A_1135, %get3A_1138 : vector<16xf32>
        %swap3A_1140 = arith.index_cast %scan3A_941 : i32 to index
        %swap3A_1141 = arith.constant 816 : index
        %swap3A_1142 = tpu.vector_load %arg20[%swap3A_1140, %swap3A_1141] {strides = array<i32>} : memref<64x1024xf32, #tpu.memory_space<vmem>>, vector<16xf32>,
        tpu.vector_store %arg20[%swap3A_1140, %swap3A_1141], %add3A_1139 {strides = array<i32>} : memref<64x1024xf32, #tpu.memory_space<vmem>>, vector<16xf32>,
        %get3A_1143 = arith.index_cast %scan3A_941 : i32 to index
        %get3A_1144 = arith.constant 832 : index
        %get3A_1145 = tpu.vector_load %arg20[%get3A_1143, %get3A_1144] {strides = array<i32>} : memref<64x1024xf32, #tpu.memory_space<vmem>>, vector<16xf32>,
        %get3A_1146 = arith.index_cast %scan3A_941 : i32 to index
        %get3A_1147 = arith.constant 320 : index
        %get3A_1148 = tpu.vector_load %arg21[%get3A_1146, %get3A_1147] {strides = array<i32>} : memref<64x512xf32, #tpu.memory_space<vmem>>, vector<16xf32>,
        %add3A_1149 = arith.addf %get3A_1145, %get3A_1148 : vector<16xf32>
        %swap3A_1150 = arith.index_cast %scan3A_941 : i32 to index
        %swap3A_1151 = arith.constant 832 : index
        %swap3A_1152 = tpu.vector_load %arg20[%swap3A_1150, %swap3A_1151] {strides = array<i32>} : memref<64x1024xf32, #tpu.memory_space<vmem>>, vector<16xf32>,
        tpu.vector_store %arg20[%swap3A_1150, %swap3A_1151], %add3A_1149 {strides = array<i32>} : memref<64x1024xf32, #tpu.memory_space<vmem>>, vector<16xf32>,
        %get3A_1153 = arith.index_cast %scan3A_941 : i32 to index
        %get3A_1154 = arith.constant 848 : index
        %get3A_1155 = tpu.vector_load %arg20[%get3A_1153, %get3A_1154] {strides = array<i32>} : memref<64x1024xf32, #tpu.memory_space<vmem>>, vector<16xf32>,
        %get3A_1156 = arith.index_cast %scan3A_941 : i32 to index
        %get3A_1157 = arith.constant 336 : index
        %get3A_1158 = tpu.vector_load %arg21[%get3A_1156, %get3A_1157] {strides = array<i32>} : memref<64x512xf32, #tpu.memory_space<vmem>>, vector<16xf32>,
        %add3A_1159 = arith.addf %get3A_1155, %get3A_1158 : vector<16xf32>
        %swap3A_1160 = arith.index_cast %scan3A_941 : i32 to index
        %swap3A_1161 = arith.constant 848 : index
        %swap3A_1162 = tpu.vector_load %arg20[%swap3A_1160, %swap3A_1161] {strides = array<i32>} : memref<64x1024xf32, #tpu.memory_space<vmem>>, vector<16xf32>,
        tpu.vector_store %arg20[%swap3A_1160, %swap3A_1161], %add3A_1159 {strides = array<i32>} : memref<64x1024xf32, #tpu.memory_space<vmem>>, vector<16xf32>,
        %get3A_1163 = arith.index_cast %scan3A_941 : i32 to index
        %get3A_1164 = arith.constant 864 : index
        %get3A_1165 = tpu.vector_load %arg20[%get3A_1163, %get3A_1164] {strides = array<i32>} : memref<64x1024xf32, #tpu.memory_space<vmem>>, vector<16xf32>,
        %get3A_1166 = arith.index_cast %scan3A_941 : i32 to index
        %get3A_1167 = arith.constant 352 : index
        %get3A_1168 = tpu.vector_load %arg21[%get3A_1166, %get3A_1167] {strides = array<i32>} : memref<64x512xf32, #tpu.memory_space<vmem>>, vector<16xf32>,
        %add3A_1169 = arith.addf %get3A_1165, %get3A_1168 : vector<16xf32>
        %swap3A_1170 = arith.index_cast %scan3A_941 : i32 to index
        %swap3A_1171 = arith.constant 864 : index
        %swap3A_1172 = tpu.vector_load %arg20[%swap3A_1170, %swap3A_1171] {strides = array<i32>} : memref<64x1024xf32, #tpu.memory_space<vmem>>, vector<16xf32>,
        tpu.vector_store %arg20[%swap3A_1170, %swap3A_1171], %add3A_1169 {strides = array<i32>} : memref<64x1024xf32, #tpu.memory_space<vmem>>, vector<16xf32>,
        %get3A_1173 = arith.index_cast %scan3A_941 : i32 to index
        %get3A_1174 = arith.constant 880 : index
        %get3A_1175 = tpu.vector_load %arg20[%get3A_1173, %get3A_1174] {strides = array<i32>} : memref<64x1024xf32, #tpu.memory_space<vmem>>, vector<16xf32>,
        %get3A_1176 = arith.index_cast %scan3A_941 : i32 to index
        %get3A_1177 = arith.constant 368 : index
        %get3A_1178 = tpu.vector_load %arg21[%get3A_1176, %get3A_1177] {strides = array<i32>} : memref<64x512xf32, #tpu.memory_space<vmem>>, vector<16xf32>,
        %add3A_1179 = arith.addf %get3A_1175, %get3A_1178 : vector<16xf32>
        %swap3A_1180 = arith.index_cast %scan3A_941 : i32 to index
        %swap3A_1181 = arith.constant 880 : index
        %swap3A_1182 = tpu.vector_load %arg20[%swap3A_1180, %swap3A_1181] {strides = array<i32>} : memref<64x1024xf32, #tpu.memory_space<vmem>>, vector<16xf32>,
        tpu.vector_store %arg20[%swap3A_1180, %swap3A_1181], %add3A_1179 {strides = array<i32>} : memref<64x1024xf32, #tpu.memory_space<vmem>>, vector<16xf32>,
        %get3A_1183 = arith.index_cast %scan3A_941 : i32 to index
        %get3A_1184 = arith.constant 896 : index
        %get3A_1185 = tpu.vector_load %arg20[%get3A_1183, %get3A_1184] {strides = array<i32>} : memref<64x1024xf32, #tpu.memory_space<vmem>>, vector<16xf32>,
        %get3A_1186 = arith.index_cast %scan3A_941 : i32 to index
        %get3A_1187 = arith.constant 384 : index
        %get3A_1188 = tpu.vector_load %arg21[%get3A_1186, %get3A_1187] {strides = array<i32>} : memref<64x512xf32, #tpu.memory_space<vmem>>, vector<16xf32>,
        %add3A_1189 = arith.addf %get3A_1185, %get3A_1188 : vector<16xf32>
        %swap3A_1190 = arith.index_cast %scan3A_941 : i32 to index
        %swap3A_1191 = arith.constant 896 : index
        %swap3A_1192 = tpu.vector_load %arg20[%swap3A_1190, %swap3A_1191] {strides = array<i32>} : memref<64x1024xf32, #tpu.memory_space<vmem>>, vector<16xf32>,
        tpu.vector_store %arg20[%swap3A_1190, %swap3A_1191], %add3A_1189 {strides = array<i32>} : memref<64x1024xf32, #tpu.memory_space<vmem>>, vector<16xf32>,
        %get3A_1193 = arith.index_cast %scan3A_941 : i32 to index
        %get3A_1194 = arith.constant 912 : index
        %get3A_1195 = tpu.vector_load %arg20[%get3A_1193, %get3A_1194] {strides = array<i32>} : memref<64x1024xf32, #tpu.memory_space<vmem>>, vector<16xf32>,
        %get3A_1196 = arith.index_cast %scan3A_941 : i32 to index
        %get3A_1197 = arith.constant 400 : index
        %get3A_1198 = tpu.vector_load %arg21[%get3A_1196, %get3A_1197] {strides = array<i32>} : memref<64x512xf32, #tpu.memory_space<vmem>>, vector<16xf32>,
        %add3A_1199 = arith.addf %get3A_1195, %get3A_1198 : vector<16xf32>
        %swap3A_1200 = arith.index_cast %scan3A_941 : i32 to index
        %swap3A_1201 = arith.constant 912 : index
        %swap3A_1202 = tpu.vector_load %arg20[%swap3A_1200, %swap3A_1201] {strides = array<i32>} : memref<64x1024xf32, #tpu.memory_space<vmem>>, vector<16xf32>,
        tpu.vector_store %arg20[%swap3A_1200, %swap3A_1201], %add3A_1199 {strides = array<i32>} : memref<64x1024xf32, #tpu.memory_space<vmem>>, vector<16xf32>,
        %get3A_1203 = arith.index_cast %scan3A_941 : i32 to index
        %get3A_1204 = arith.constant 928 : index
        %get3A_1205 = tpu.vector_load %arg20[%get3A_1203, %get3A_1204] {strides = array<i32>} : memref<64x1024xf32, #tpu.memory_space<vmem>>, vector<16xf32>,
        %get3A_1206 = arith.index_cast %scan3A_941 : i32 to index
        %get3A_1207 = arith.constant 416 : index
        %get3A_1208 = tpu.vector_load %arg21[%get3A_1206, %get3A_1207] {strides = array<i32>} : memref<64x512xf32, #tpu.memory_space<vmem>>, vector<16xf32>,
        %add3A_1209 = arith.addf %get3A_1205, %get3A_1208 : vector<16xf32>
        %swap3A_1210 = arith.index_cast %scan3A_941 : i32 to index
        %swap3A_1211 = arith.constant 928 : index
        %swap3A_1212 = tpu.vector_load %arg20[%swap3A_1210, %swap3A_1211] {strides = array<i32>} : memref<64x1024xf32, #tpu.memory_space<vmem>>, vector<16xf32>,
        tpu.vector_store %arg20[%swap3A_1210, %swap3A_1211], %add3A_1209 {strides = array<i32>} : memref<64x1024xf32, #tpu.memory_space<vmem>>, vector<16xf32>,
        %get3A_1213 = arith.index_cast %scan3A_941 : i32 to index
        %get3A_1214 = arith.constant 944 : index
        %get3A_1215 = tpu.vector_load %arg20[%get3A_1213, %get3A_1214] {strides = array<i32>} : memref<64x1024xf32, #tpu.memory_space<vmem>>, vector<16xf32>,
        %get3A_1216 = arith.index_cast %scan3A_941 : i32 to index
        %get3A_1217 = arith.constant 432 : index
        %get3A_1218 = tpu.vector_load %arg21[%get3A_1216, %get3A_1217] {strides = array<i32>} : memref<64x512xf32, #tpu.memory_space<vmem>>, vector<16xf32>,
        %add3A_1219 = arith.addf %get3A_1215, %get3A_1218 : vector<16xf32>
        %swap3A_1220 = arith.index_cast %scan3A_941 : i32 to index
        %swap3A_1221 = arith.constant 944 : index
        %swap3A_1222 = tpu.vector_load %arg20[%swap3A_1220, %swap3A_1221] {strides = array<i32>} : memref<64x1024xf32, #tpu.memory_space<vmem>>, vector<16xf32>,
        tpu.vector_store %arg20[%swap3A_1220, %swap3A_1221], %add3A_1219 {strides = array<i32>} : memref<64x1024xf32, #tpu.memory_space<vmem>>, vector<16xf32>,
        %get3A_1223 = arith.index_cast %scan3A_941 : i32 to index
        %get3A_1224 = arith.constant 960 : index
        %get3A_1225 = tpu.vector_load %arg20[%get3A_1223, %get3A_1224] {strides = array<i32>} : memref<64x1024xf32, #tpu.memory_space<vmem>>, vector<16xf32>,
        %get3A_1226 = arith.index_cast %scan3A_941 : i32 to index
        %get3A_1227 = arith.constant 448 : index
        %get3A_1228 = tpu.vector_load %arg21[%get3A_1226, %get3A_1227] {strides = array<i32>} : memref<64x512xf32, #tpu.memory_space<vmem>>, vector<16xf32>,
        %add3A_1229 = arith.addf %get3A_1225, %get3A_1228 : vector<16xf32>
        %swap3A_1230 = arith.index_cast %scan3A_941 : i32 to index
        %swap3A_1231 = arith.constant 960 : index
        %swap3A_1232 = tpu.vector_load %arg20[%swap3A_1230, %swap3A_1231] {strides = array<i32>} : memref<64x1024xf32, #tpu.memory_space<vmem>>, vector<16xf32>,
        tpu.vector_store %arg20[%swap3A_1230, %swap3A_1231], %add3A_1229 {strides = array<i32>} : memref<64x1024xf32, #tpu.memory_space<vmem>>, vector<16xf32>,
        %get3A_1233 = arith.index_cast %scan3A_941 : i32 to index
        %get3A_1234 = arith.constant 976 : index
        %get3A_1235 = tpu.vector_load %arg20[%get3A_1233, %get3A_1234] {strides = array<i32>} : memref<64x1024xf32, #tpu.memory_space<vmem>>, vector<16xf32>,
        %get3A_1236 = arith.index_cast %scan3A_941 : i32 to index
        %get3A_1237 = arith.constant 464 : index
        %get3A_1238 = tpu.vector_load %arg21[%get3A_1236, %get3A_1237] {strides = array<i32>} : memref<64x512xf32, #tpu.memory_space<vmem>>, vector<16xf32>,
        %add3A_1239 = arith.addf %get3A_1235, %get3A_1238 : vector<16xf32>
        %swap3A_1240 = arith.index_cast %scan3A_941 : i32 to index
        %swap3A_1241 = arith.constant 976 : index
        %swap3A_1242 = tpu.vector_load %arg20[%swap3A_1240, %swap3A_1241] {strides = array<i32>} : memref<64x1024xf32, #tpu.memory_space<vmem>>, vector<16xf32>,
        tpu.vector_store %arg20[%swap3A_1240, %swap3A_1241], %add3A_1239 {strides = array<i32>} : memref<64x1024xf32, #tpu.memory_space<vmem>>, vector<16xf32>,
        %get3A_1243 = arith.index_cast %scan3A_941 : i32 to index
        %get3A_1244 = arith.constant 992 : index
        %get3A_1245 = tpu.vector_load %arg20[%get3A_1243, %get3A_1244] {strides = array<i32>} : memref<64x1024xf32, #tpu.memory_space<vmem>>, vector<16xf32>,
        %get3A_1246 = arith.index_cast %scan3A_941 : i32 to index
        %get3A_1247 = arith.constant 480 : index
        %get3A_1248 = tpu.vector_load %arg21[%get3A_1246, %get3A_1247] {strides = array<i32>} : memref<64x512xf32, #tpu.memory_space<vmem>>, vector<16xf32>,
        %add3A_1249 = arith.addf %get3A_1245, %get3A_1248 : vector<16xf32>
        %swap3A_1250 = arith.index_cast %scan3A_941 : i32 to index
        %swap3A_1251 = arith.constant 992 : index
        %swap3A_1252 = tpu.vector_load %arg20[%swap3A_1250, %swap3A_1251] {strides = array<i32>} : memref<64x1024xf32, #tpu.memory_space<vmem>>, vector<16xf32>,
        tpu.vector_store %arg20[%swap3A_1250, %swap3A_1251], %add3A_1249 {strides = array<i32>} : memref<64x1024xf32, #tpu.memory_space<vmem>>, vector<16xf32>,
        %get3A_1253 = arith.index_cast %scan3A_941 : i32 to index
        %get3A_1254 = arith.constant 1008 : index
        %get3A_1255 = tpu.vector_load %arg20[%get3A_1253, %get3A_1254] {strides = array<i32>} : memref<64x1024xf32, #tpu.memory_space<vmem>>, vector<16xf32>,
        %get3A_1256 = arith.index_cast %scan3A_941 : i32 to index
        %get3A_1257 = arith.constant 496 : index
        %get3A_1258 = tpu.vector_load %arg21[%get3A_1256, %get3A_1257] {strides = array<i32>} : memref<64x512xf32, #tpu.memory_space<vmem>>, vector<16xf32>,
        %add3A_1259 = arith.addf %get3A_1255, %get3A_1258 : vector<16xf32>
        %swap3A_1260 = arith.index_cast %scan3A_941 : i32 to index
        %swap3A_1261 = arith.constant 1008 : index
        %swap3A_1262 = tpu.vector_load %arg20[%swap3A_1260, %swap3A_1261] {strides = array<i32>} : memref<64x1024xf32, #tpu.memory_space<vmem>>, vector<16xf32>,
        tpu.vector_store %arg20[%swap3A_1260, %swap3A_1261], %add3A_1259 {strides = array<i32>} : memref<64x1024xf32, #tpu.memory_space<vmem>>, vector<16xf32>,
        %scan3A_1263 = arith.constant 0 : i32
        scf.yield %scan3A_1263 : i32
      }
      %scan3A_927 = arith.constant 64 : i32
      %dma_start3A_928 = arith.constant 0 : i32
      %dma_start3A_929 = tpu.memref_slice %arg19[%while3A_883, %dma_start3A_928] : memref<32x64xi32, #tpu.memory_space<vmem>> -> memref<1x64xi32, #tpu.memory_space<vmem>>
      %dma_start3A_930 = tpu.memref_squeeze %dma_start3A_929 : memref<1x64xi32, #tpu.memory_space<vmem>> -> memref<64xi32, #tpu.memory_space<vmem>>
      %dma_start3A_931 = arith.constant 0 : i32
      %dma_start3A_932 = arith.constant 0 : i32
      %dma_start3A_933 = tpu.memref_slice %arg7[%dma_start3A_931, %dma_start3A_932] : memref<65536x1024xf32, #tpu.memory_space<hbm>> -> memref<65536x1024xf32, #tpu.memory_space<hbm>>
      tpu.enqueue_indirect_dma source(%arg20 : memref<64x1024xf32, #tpu.memory_space<vmem>>) target(%dma_start3A_933 : memref<65536x1024xf32, #tpu.memory_space<hbm>>) offsets(%dma_start3A_930 : memref<64xi32, #tpu.memory_space<vmem>>) semaphore(%arg23 : memref<!tpu.dma_semaphore, #tpu.memory_space<semaphore_mem>>)
      %dma_wait3A_934 = arith.constant 0 : i32
      %dma_wait3A_935 = tpu.memref_slice %arg19[%while3A_883, %dma_wait3A_934] : memref<32x64xi32, #tpu.memory_space<vmem>> -> memref<1x64xi32, #tpu.memory_space<vmem>>
      %dma_wait3A_936 = tpu.memref_squeeze %dma_wait3A_935 : memref<1x64xi32, #tpu.memory_space<vmem>> -> memref<64xi32, #tpu.memory_space<vmem>>
      %dma_wait3A_937 = arith.constant 0 : i32
      %dma_wait3A_938 = arith.constant 0 : i32
      %dma_wait3A_939 = tpu.memref_slice %arg7[%dma_wait3A_937, %dma_wait3A_938] : memref<65536x1024xf32, #tpu.memory_space<hbm>> -> memref<65536x1024xf32, #tpu.memory_space<hbm>>
      tpu.wait_indirect_dma semaphore(%arg23 : memref<!tpu.dma_semaphore, #tpu.memory_space<semaphore_mem>>) src(%arg20 : memref<64x1024xf32, #tpu.memory_space<vmem>>) dst(%dma_wait3A_939 : memref<65536x1024xf32, #tpu.memory_space<hbm>>)
      %while3A_940 = arith.constant 0 : i32
      scf.yield %while3A_940 : i32
    }
    return
  }
}

</mosaic_0001>

<sc_bundles>
// kernel: kernel.3.cloned.1.call-start
scs
__scs_entry_jumppad:
0x0: {  	(pc) =	sbr.rel $0x88, $3  }
0x1: {  	(tag) =	ssettag $0x0;
	lr =	simm.s32 $0x1  }
0x2: {  	[smem:$0x3F9B] =	sst lr;
	_ =	strace $0xD0000000  }
0x3: {  	_ = 	snop  }
0x4: {  	_ = 	snop  }
0x5: {  	_ = 	snop  }
0x6: {  	_ = 	snop  }
0x7: {  	_ = 	snop  }
__scs_overlays_trampoline_lowered:
0x8: {  	[smem:$0x3FAA] =	sst s0  }
0x9: {  	[smem:$0x3FAB] =	sst s1  }
0xa: {  	[smem:$0x3FAC] =	sst s2  }
0xb: {  	[smem:$0x3FAD] =	sst s3  }
0xc: {  	[smem:$0x3FAE] =	sst s4  }
0xd: {  	[smem:$0x3FAF] =	sst s5  }
0xe: {  	[smem:$0x3FB0] =	sst s6  }
0xf: {  	[smem:$0x3FB1] =	sst s7  }
0x10: {  	[smem:$0x3FB2] =	sst s8  }
0x11: {  	[smem:$0x3FB3] =	sst s9;
	s0 =	simm.s32 @!p0 $0x0  }
0x12: {  	s1 =	sld [smem:$0x3F99];
	s0 =	simm.s32 @p0 $0x1  }
0x13: {  	[smem:$0x3FB4] =	sst s0;
	s0 =	simm.s32 @!p1 $0x0  }
0x14: {  	s2 =	sld [smem:$0x3F98];
	s0 =	simm.s32 @p1 $0x1  }
0x15: {  	[smem:$0x3FB5] =	sst s0;
	s0 =	simm.s32 @!p2 $0x0  }
0x16: {  	s3 =	sld [smem:$0x3FDB];
	s0 =	simm.s32 @p2 $0x1  }
0x17: {  	s4 =	simm.s32 $0x1BF5;
	[smem:$0x3FB7] =	sst s0  }
0x18: {  	s0 =	sld [smem:$0x3F9A];
	_ =	swait.ge [sflag:s4], $0x0  }
0x19: {  	s7 =	sld [smem:$0x3F9B]  }
0x1a: {  	s8 =	sadd.s32 $0xFFFFE003, lr  }
0x1b: {  	s9 =	sadd.s32 $0xFFFFFEF7, lr;
	s5 =	simm.s32 $0xFFFFFFFF;
	p2 =	slt.u32 s8, $0xFFFFF086  }
0x1c: {  	p1 =	slt.u32 s9, $0xF7A;
	s5 =	simm.s32 @!p2 $0x0  }
0x1d: {  	s5 =	simm.s32 @p1 $0x1;
	p0 =	seq.s32 s7, s2  }
0x1e: {  	s7 =	smul.u32 @!p0 $0xF7A, s2;
	p2 =	seq.s32 @!p0 s5, $0x0  }
0x1f: {  	s9 =	smul.u32 $0xF7A, s1;
	s8 =	simm.s32 @!p0 $0x1BF5;
	p2 =	por !p2, p0  }
0x20: {  	[sflag:s8] =	ssyncset.s32 @!p0 $0xFFFFF086;
	s6 =	sadd.s32 @!p0 s3, s7;
	s7 =	simm.s32 @!p0 $0x108  }
0x21: {  	s3 =	sadd.s32 s3, s9;
	s6 =	sadd.s32 @!p0 $0x88, s6;
	s7 =	simm.s32 @p2 $0x1082  }
0x22: {  	[simem:s7], [sflag:s8] =	dma.local @!p0 [hbm:s6], $0xF7A  }
0x23: {  	s9 =	sor.u32 $0xD0000000, s2;
	s6 =	simm.s32 $0x108;
	_ =	swait.ge @!p0 [sflag:s8], $0x0  }
0x24: {  	s3 =	sadd.s32 $0x88, s3;
	s6 =	simm.s32 @!p1 $0x1082;
	[sflag:s4] =	ssyncset.s32 $0xFFFFF086  }
0x25: {  	[simem:s6], [sflag:s4] =	dma.local [hbm:s3], $0xF7A  }
0x26: {  	[smem:$0x3F9B] =	sst s1;
	(tag) =	ssettag s2;
	_ =	strace s9  }
0x27: {  	s1 =	sld [smem:$0x3FAB]  }
0x28: {  	s2 =	sld [smem:$0x3FAC]  }
0x29: {  	s4 =	sld [smem:$0x3FAE]  }
0x2a: {  	p0 =	seq.s32 s5, $0x0;
	s5 =	sld [smem:$0x3FAF]  }
0x2b: {  	s6 =	sld [smem:$0x3FB0]  }
0x2c: {  	s7 =	sld [smem:$0x3FB1]  }
0x2d: {  	s3 =	simm.s32 $0x108;
	s8 =	sld [smem:$0x3FB2]  }
0x2e: {  	s3 =	simm.s32 @!p0 $0x1082;
	s9 =	sld [smem:$0x3FB3]  }
0x2f: {  	lr =	sadd.s32 s0, s3;
	s0 =	sld [smem:$0x3FAA]  }
0x30: {  	s3 =	sld [smem:$0x3FAD]  }
0x31: {  	[smem:$0x3FB6] =	sst s10  }
0x32: {  	s10 =	sld [smem:$0x3FB4];
	_ =	sdelay $0x3  }
0x33: {  	p0 =	seq.s32 s10, $0x1;
	s10 =	sld [smem:$0x3FB6];
	_ =	sdelay $0x3  }
0x34: {  	[smem:$0x3FB6] =	sst s10  }
0x35: {  	s10 =	sld [smem:$0x3FB5];
	_ =	sdelay $0x3  }
0x36: {  	p1 =	seq.s32 s10, $0x1;
	s10 =	sld [smem:$0x3FB6];
	_ =	sdelay $0x3  }
0x37: {  	[smem:$0x3FB6] =	sst s10  }
0x38: {  	s10 =	sld [smem:$0x3FB7]  }
0x39: {  	_ = 	snop;
	(pc) =	sbr.ind lr, $3  }
0x3a: {  	_ = 	snop  }
0x3b: {  	_ = 	snop  }
0x3c: {  	p2 =	seq.s32 s10, $0x1;
	s10 =	sld [smem:$0x3FB6]  }
0x3d: {  	_ =	shalt  }
0x3e: {  	_ =	shalt  }
0x3f: {  	_ =	shalt  }
0x40: {  	_ =	shalt  }
0x41: {  	_ =	shalt  }
0x42: {  	_ =	shalt  }
0x43: {  	_ =	shalt  }
0x44: {  	_ =	shalt  }
0x45: {  	_ =	shalt  }
0x46: {  	_ =	shalt  }
0x47: {  	_ =	shalt  }
0x48: {  	_ =	shalt  }
0x49: {  	_ =	shalt  }
0x4a: {  	_ =	shalt  }
0x4b: {  	_ =	shalt  }
0x4c: {  	_ =	shalt  }
0x4d: {  	_ =	shalt  }
0x4e: {  	_ =	shalt  }
0x4f: {  	_ =	shalt  }
0x50: {  	_ =	shalt  }
0x51: {  	_ =	shalt  }
0x52: {  	_ =	shalt  }
0x53: {  	_ =	shalt  }
0x54: {  	_ =	shalt  }
0x55: {  	_ =	shalt  }
0x56: {  	_ =	shalt  }
0x57: {  	_ =	shalt  }
0x58: {  	_ =	shalt  }
0x59: {  	_ =	shalt  }
0x5a: {  	_ =	shalt  }
0x5b: {  	_ =	shalt  }
0x5c: {  	_ =	shalt  }
0x5d: {  	_ =	shalt  }
0x5e: {  	_ =	shalt  }
0x5f: {  	_ =	shalt  }
0x60: {  	_ =	shalt  }
0x61: {  	_ =	shalt  }
0x62: {  	_ =	shalt  }
0x63: {  	_ =	shalt  }
0x64: {  	_ =	shalt  }
0x65: {  	_ =	shalt  }
0x66: {  	_ =	shalt  }
0x67: {  	_ =	shalt  }
0x68: {  	_ =	shalt  }
0x69: {  	_ =	shalt  }
0x6a: {  	_ =	shalt  }
0x6b: {  	_ =	shalt  }
0x6c: {  	_ =	shalt  }
0x6d: {  	_ =	shalt  }
0x6e: {  	_ =	shalt  }
0x6f: {  	_ =	shalt  }
0x70: {  	_ =	shalt  }
0x71: {  	_ =	shalt  }
0x72: {  	_ =	shalt  }
0x73: {  	_ =	shalt  }
0x74: {  	_ =	shalt  }
0x75: {  	_ =	shalt  }
0x76: {  	_ =	shalt  }
0x77: {  	_ =	shalt  }
0x78: {  	_ =	shalt  }
0x79: {  	_ =	shalt  }
0x7a: {  	_ =	shalt  }
0x7b: {  	_ =	shalt  }
0x7c: {  	_ =	shalt  }
0x7d: {  	_ =	shalt  }
0x7e: {  	_ =	shalt  }
0x7f: {  	_ =	shalt  }
0x80: {  	_ =	shalt  }
0x81: {  	_ =	shalt  }
0x82: {  	_ =	shalt  }
0x83: {  	_ =	shalt  }
0x84: {  	_ =	shalt  }
0x85: {  	_ =	shalt  }
0x86: {  	_ =	shalt  }
0x87: {  	_ =	shalt  }
.Lfunc_end0:
.L_simem_size_0:
called_computation_lowered:
.L_overlay_start_0:
0x88: {  	s2 =	sld [smem:$0x3FD9]  }
0x89: {  	s3 =	sld [smem:$0x3FFE];
	_ =	sdelay $0x1  }
0x8a: {  	s1 =	srdreg.scid  }
0x8b: {  	s0 =	sand.u32 $0x1, s1  }
0x8c: {  	s18 =	sshll.u32 s0, $0xA;
	s2 =	sadd.s32 s3, s2  }
0x8d: {  	s2 =	sadd.s32 s2, s18  }
0x8e: {  	[smem:$0x3FC2] =	sst s2  }
0x8f: {  	_ = 	snop  }
0x90: {  	s2 =	sld [smem:$0x3FC9]  }
0x91: {  	s19 =	sld [smem:$0x3FC8]  }
0x92: {  	s4 =	sld [smem:$0x3FC7]  }
0x93: {  	s5 =	sld [smem:$0x3FC5]  }
0x94: {  	s6 =	sld [smem:$0x3FC4]  }
0x95: {  	s7 =	sld [smem:$0x3FD0];
	(tm) =	ssettm $0x1  }
0x96: {  	s8 =	sld [smem:$0x3FFB];
	_ =	sdelay $0x3  }
0x97: {  	_ =	strace s8  }
0x98: {  	s8 =	sld [smem:$0x3FFC];
	_ =	sdelay $0x3  }
0x99: {  	_ =	strace s8  }
0x9a: {  	s8 =	sld [smem:$0x3FFD];
	_ =	sdelay $0x3  }
0x9b: {  	_ =	strace s8  }
0x9c: {  	_ =	strace $0x8FFFFFFF  }
0x9d: {  	s20 =	sld [smem:$0x3FDB];
	_ =	sdelay $0x1  }
0x9e: {  	s9 =	simm.s32 $_scs_section_size  }
0x9f: {  	s10 =	simm.s32 $_size__tile_overlayer_lowered;
	s11 =	simm.s32 $_tile_overlayer_lowered  }
0xa0: {  	s23 =	simm.s32 $0x1BFF;
	s22 =	sshll.u32 s11, $0x1;
	s8 =	sadd.s32 s9, s20  }
0xa1: {  	s12 =	simm.s32 $0x0;
	s21 =	sshll.u32 s10, $0x1;
	s10 =	sadd.s32 s22, s8  }
0xa2: {  	[timem:s12], [sflag:s23] =	dma.local [hbm:s10], s21  }
0xa3: {  	_ =	swait.ge [sflag:s23], s21  }
0xa4: {  	s9 =	ssub.s32 $0x0, s21;
	[sflag:s23] =	ssyncset.done $0x0  }
0xa5: {  	[sflag:s23] =	ssyncadd.s32 s9;
	_ =	sdelay $0x1  }
0xa6: {  	s24 =	simm.s32 $0x1B8B  }
0xa7: {  	_ =	swait.ge [sflag:s24], $0x1  }
0xa8: {  	[sflag:s24] =	ssyncset.done $0x0  }
0xa9: {  	s25 =	simm.s32 $0x1B8E;
	[sflag:s24] =	ssyncadd.s32 $0xFFFFFFFF  }
0xaa: {  	s26 =	simm.s32 $execute0_lowered;
	[smem:$0x3FD2] =	sst s25  }
0xab: {  	s9 =	sshll.u32 s26, $0x1;
	_ =	strace $0x80000046;
	[dreg:$0x1] =	wrdreg $0xFFFFFFFF  }
0xac: {  	s28 =	simm.s32 $_size_execute0_lowered;
	s8 =	sadd.s32 s8, s9;
	[dreg:$0x0] =	wrdreg $0x0  }
0xad: {  	s9 =	sshll.u32 s28, $0x1;
	[dreg:$0x2] =	wrdreg s8  }
0xae: {  	[dreg:$0x3] =	wrdreg s9  }
0xaf: {  	[dreg:$0x4] =	wrdreg $0xC0  }
0xb0: {  	_ =	task [dreg:s12], $0x5FFFF  }
0xb1: {  	[dreg:$0x1] =	wrdreg $0xFFFFFFFF  }
0xb2: {  	[dreg:$0x0] =	wrdreg $0x60  }
0xb3: {  	[dreg:$0x2] =	wrdreg s2  }
0xb4: {  	[dreg:$0x3] =	wrdreg s19  }
0xb5: {  	[dreg:$0x4] =	wrdreg s4  }
0xb6: {  	[dreg:$0x5] =	wrdreg s5  }
0xb7: {  	[dreg:$0x6] =	wrdreg s6  }
0xb8: {  	[dreg:$0x7] =	wrdreg s7  }
0xb9: {  	[dreg:$0x8] =	wrdreg $0x9  }
0xba: {  	_ =	task.clear_ibuf [dreg:s12], $0x9FFFF;
	_ =	strace $0x90000046  }
0xbb: {  	s29 =	simm.s32 $0x9;
	_ =	strace $0x80000048  }
0xbc: {  	_ =	swait.ge [sflag:s29], $0x1  }
0xbd: {  	[sflag:s29] =	ssyncadd.s32 $0xFFFFFFFF  }
0xbe: {  	_ =	strace $0x90000048  }
0xbf: {  	_ =	sfence  }
0xc0: {  	s30 =	sld [smem:$0x0];
	_ =	sdelay $0x2  }
0xc1: {  	s31 =	sshll.u32 s1, $0xD;
	s1 =	sshrl.u32 s1, $0x2  }
0xc2: {  	s3 =	sand.u32 $0x4000, s31;
	s1 =	sadd.s32 s1, s30  }
0xc3: {  	s0 =	sor.u32 s3, s0;
	s1 =	sshll.u32 s1, $0x11  }
0xc4: {  	s0 =	sor.u32 s1, s0  }
0xc5: {  	s0 =	sadd.s32 $0x8F2B, s0  }
0xc6: {  	[sflag:s0] =	ssyncadd.remote.s32 $0x1  }
0xc7: {  	_ =	sfence.sel $0xFFFF  }
0xc8: {  	[dreg:$0x0] =	wrdreg $0xFFFFFFFF;
	(pc) =	sbr.abs _section_cstart, $3  }
0xc9: {  	[dreg:$0x1] =	wrdreg $0xFFFFFFFF  }
0xca: {  	_ =	task.clear_ibuf [dreg:s12], $0x2FFFF;
	_ =	strace $0x9FFFFFFF  }
0xcb: {  	(tm) =	ssettm $0x7FFFFFFF  }
tec
execute0_lowered:
.L_overlay_start_1:
0x0: {  	(tag) =	ssettag $0x1  }
0x1: {  	v1 =	vimm.s32 $0xFEDCBA9;
	v3 =	vimm.s32 $0x87654321;
	v2 =	vimm.s32 $0xFFFFFFFF  }
0x2: {  	v8 =	vimm.s32 $0xA9876543;
	v10 =	vimm.s32 $0x3210FEDC;
	v13 =	vimm.s32 $0x43210FED  }
0x3: {  	v14 =	vimm.s32 $0xCBA98765;
	v15 =	vimm.s32 $0x543210FE;
	v16 =	vimm.s32 $0x6543210F  }
0x4: {  	v17 =	vimm.s32 $0xEDCBA987;
	v18 =	vimm.s32 $0xFEDCBA98;
	v19 =	vimm.s32 $0x76543210  }
0x5: {  	vm0 =	vmmov $0xffff;
	v40 =	vimm.s32 $0x0;
	v4 =	vunpack.c.l.s4.s8 v1  }
0x6: {  	v5 =	vunpack.c.l.s4.s8 v3;
	v3 =	vlaneseq.u32;
	v8 =	vunpack.c.l.s4.s8 v8  }
0x7: {  	v11 =	vunpack.c.l.s4.s8 v10;
	v10 =	vimm.s32 $0xBA987654;
	v13 =	vunpack.c.l.s4.s8 v13  }
0x8: {  	v14 =	vunpack.c.l.s4.s8 v14;
	v15 =	vunpack.c.l.s4.s8 v15;
	v16 =	vunpack.c.l.s4.s8 v16  }
0x9: {  	v17 =	vunpack.c.l.s4.s8 v17;
	v18 =	vunpack.c.l.s4.s8 v18;
	v19 =	vunpack.c.l.s4.s8 v19  }
0xa: {  	v40 =	vsel vm0, $0xFFFFFFFF, v40;
	v12 =	vunpack.c.l.s4.s8 v10;
	v10 =	vadd.s32 $0x4, v3  }
0xb: {  	v35 =	vor.u32 $0x20, v3;
	v36 =	vor.u32 $0x30, v3;
	v37 =	vand.u32 $0x7, v3  }
0xc: {  	v38 =	vshrl.u32 v3, $0x3;
	v39 =	vor.u32 $0x8, v3;
	v21 =	vunpack.c.0.s8.s32 v4  }
0xd: {  	v4 =	vimm.s32 $0x10FEDCBA;
	v22 =	vunpack.c.0.s8.s32 v5;
	v5 =	vimm.s32 $0x210FEDCB  }
0xe: {  	s0 =	srdreg.scid;
	v26 =	vunpack.c.0.s8.s32 v8;
	v8 =	vadd.s32 $0x3, v3;
	v27 =	vunpack.c.0.s8.s32 v11  }
0xf: {  	s1 =	stileid.u32;
	s0 =	sand.u32 $0x1, s0;
	v29 =	vunpack.c.0.s8.s32 v13;
	v30 =	vunpack.c.0.s8.s32 v14;
	v14 =	vimm.s32 $0xDCBA9876  }
0x10: {  	s3 =	sshll.u32 s1, $0xC;
	s4 =	sshll.u32 s0, $0xB;
	v31 =	vunpack.c.0.s8.s32 v15;
	v33 =	vunpack.c.0.s8.s32 v16;
	v34 =	vunpack.c.0.s8.s32 v17  }
0x11: {  	s5 =	rddreg [dreg:$0x0];
	s1 =	sor.u32 s4, s3;
	v18 =	vunpack.c.0.s8.s32 v18;
	v19 =	vunpack.c.0.s8.s32 v19;
	v16 =	vadd.s32 $0x7, v3  }
0x12: {  	s2 =	rddreg [dreg:$0x1];
	v38 =	vmul.u32 $0x8, v38;
	v0 =	vmov s1;
	v6 =	vunpack.c.l.s4.s8 v4  }
0x13: {  	s23 =	rddreg [dreg:$0x2];
	s3 =	sadd.s32 $0x800, s1;
	v4 =	vimm.s32 $0x98765432;
	v9 =	vunpack.c.l.s4.s8 v5;
	v28 =	vunpack.c.0.s8.s32 v12  }
0x14: {  	s24 =	rddreg [dreg:$0x5];
	v12 =	vadd.s32 $0x5, v3;
	v14 =	vunpack.c.l.s4.s8 v14;
	v1 =	vmov s3  }
0x15: {  	s25 =	simm.s32 $0x0;
	s19 =	simm.s32 $0x1000;
	s20 =	simm.s32 $0x1880;
	v7 =	vunpack.c.l.s4.s8 v4;
	v4 =	vimm.s32 $0x0;
	v5 =	vcombine.low v22, v21  }
0x16: {  	s21 =	simm.s32 $0x2100;
	s8 =	simm.s32 $0x4300;
	s9 =	simm.s32 $0x4B80;
	v13 =	vcombine.low v30, v29;
	v17 =	vcombine.low v34, v33;
	v20 =	vand.u32 $0xF, v18  }
0x17: {  	s11 =	simm.s32 $0x6400;
	[smem:$0x7FF] =	sst s25;
	s28 =	sadd.s32 $0x100, s5;
	v18 =	vadd.s32 $0x8, v3;
	v21 =	vcombine.low v21, v22;
	v22 =	vadd.s32 $0xA, v3  }
0x18: {  	s2 =	sadd.s32 $0x100, s2;
	s29 =	sadd.s32 $0x100, s23;
	[dreg:$0x7] =	wrdreg s1;
	v29 =	vcombine.low v29, v30;
	v30 =	vadd.s32 $0xE, v3;
	v33 =	vcombine.low v33, v34  }
0x19: {  	s30 =	sadd.s32 $0x100, s24;
	_ =	strace $0x80000047;
	[dreg:$0x9] =	wrdreg s28;
	v34 =	vor.u32 $0x10, v3;
	v23 =	vunpack.c.0.s8.s32 v6;
	v6 =	vadd.s32 $0x2, v3  }
0x1a: {  	s31 =	sadd.s32 $0x200, s24;
	s23 =	simm.s32 $0x2980;
	[dreg:$0xa] =	wrdreg s2;
	v25 =	vunpack.c.0.s8.s32 v9;
	v11 =	vcombine.low v28, v27;
	v32 =	vunpack.c.0.s8.s32 v14  }
.Ltmp0:
0x1b: {  	s0 =	ssub.s32 $0x2, s0;
	[dreg:$0xb] =	wrdreg s29;
	v14 =	vadd.s32 $0x6, v3;
	v19 =	vcombine.low v20, v19;
	v20 =	vadd.s32 $0x9, v3;
	(pc) =	sbr.rel .LBB2_1-.Ltmp0, $4  }
0x1c: {  	s26 =	sshrl.u32 s0, $0x1;
	s4 =	simm.s32 $0x3A80;
	[dreg:$0xc] =	wrdreg s30;
	v27 =	vcombine.low v27, v28;
	v28 =	vadd.s32 $0xD, v3;
	v9 =	vcombine.low v26, v25  }
0x1d: {  	s0 =	ssub.s32 s0, s26;
	s1 =	sadd.s32 $0x300, s24;
	[dreg:$0xd] =	wrdreg s31;
	v24 =	vunpack.c.0.s8.s32 v7;
	v15 =	vcombine.low v32, v31;
	v25 =	vcombine.low v25, v26  }
0x1e: {  	s24 =	simm.s32 $0x3200;
	[dreg:$0xe] =	wrdreg s1;
	s0 =	smax.u32 s0, $0x1;
	v26 =	vadd.s32 $0xC, v3;
	v31 =	vcombine.low v31, v32;
	v32 =	vadd.s32 $0xF, v3  }
0x1f: {  	s2 =	simm.s32 $0x3;
	s1 =	simm.s32 $0x0;
	[tilespmem:$0x1FFF0] =	vst v40;
	[dreg:$0x8] =	wrdreg s0;
	v7 =	vcombine.low v24, v23;
	v23 =	vcombine.low v23, v24;
	v24 =	vadd.s32 $0xB, v3  }
.LBB2_21:
0x20: {  	s1 =	rddreg [dreg:$0xf]  }
0x21: {  	s0 =	rddreg [dreg:$0x8];
	s1 =	sadd.s32 $0x1, s1  }
0x22: {  	p0 =	sne.s32 s1, s0  }
.Ltmp1:
0x23: {  	_ = 	snop;
	(pc) =	sbr.rel @!p0 .LBB2_22-.Ltmp1, $3  }
0x24: {  	_ =	sdelay $0x1  }
0x25: {  	s2 =	simm.s32 $0x3  }
0x26: {  	s4 =	simm.s32 $0x3A80;
	s8 =	simm.s32 $0x4300;
	s9 =	simm.s32 $0x4B80  }
.LBB2_1:
0x27: {  	s0 =	simm.s32 $0x40;
	s3 =	simm.s32 $0x0  }
.LBB2_2:
0x28: {  	p0 =	sne.s32 s0, $0x1FC0;
	[tilespmem:s3+$0x2980] =	vst v2;
	s3 =	smov.u32 s0;
	s0 =	sadd.s32 $0x40, s0  }
.Ltmp2:
0x29: {  	(pc) =	sbr.rel @p0 .LBB2_2-.Ltmp2, $2  }
0x2a: {  	_ =	sdelay $0x2  }
0x2b: {  	s3 =	sshra.s32 s3, $0x2  }
.Ltmp3:
0x2c: {  	(pc) =	sbr.rel .LBB2_4-.Ltmp3, $3  }
0x2d: {  	_ =	sdelay $0x1  }
0x2e: {  	[dreg:$0xf] =	wrdreg s1  }
0x2f: {  	[tilespmem:s3+$0x2980] =	vst v2;
	s0 =	simm.s32 $0x0;
	s3 =	simm.s32 $0x0;
	s7 =	simm.s32 $0x0  }
.LBB2_8:
0x30: {  	s1 =	simm.s32 $0x1000;
	s17 =	simm.s32 $0x2100  }
.LBB2_13:
0x31: {  	v44 =	vperm.xlane v40, v5  }
0x32: {  	v45 =	vperm.xlane v40, v7;
	v50 =	vperm.xlane v40, v9  }
0x33: {  	vm0 =	vlt.s32 v43, v10;
	v51 =	vperm.xlane v40, v11;
	v52 =	vperm.xlane v40, v13  }
0x34: {  	vm1 =	vlt.s32 v43, v6;
	v53 =	vperm.xlane v40, v15;
	v54 =	vperm.xlane v40, v17  }
0x35: {  	vm13 =	vgt.s32 v43, v3;
	v55 =	vperm.xlane v40, v19;
	v56 =	vperm.xlane v40, v21  }
0x36: {  	v57 =	vperm.xlane v40, v23;
	v58 =	vperm.xlane v40, v25;
	vm12 =	vne.s32 v44, v40  }
0x37: {  	v59 =	vperm.xlane v40, v27;
	v60 =	vperm.xlane v40, v29;
	vm1 =	vmor vm1, vm12  }
0x38: {  	vm12 =	vlt.s32 v43, v8;
	vm1 =	vmand vm13, vm1;
	vm13 =	vne.s32 v45, v40  }
0x39: {  	vm15 =	vne.s32 v51, v40;
	vm12 =	vmor vm12, vm13;
	vm13 =	vne.s32 v50, v40  }
0x3a: {  	vm1 =	vmand vm1, vm12;
	vm0 =	vmor vm0, vm13;
	vm12 =	vlt.s32 v43, v12  }
0x3b: {  	vm0 =	vmand vm1, vm0;
	vm1 =	vmor vm12, vm15;
	vm12 =	vne.s32 v52, v40  }
0x3c: {  	vm13 =	vne.s32 v53, v40;
	vm0 =	vmand vm0, vm1;
	vm12 =	vmor vm11, vm12  }
0x3d: {  	vm15 =	vne.s32 v54, v40;
	vm1 =	vmor vm10, vm13;
	vm0 =	vmand vm0, vm12  }
0x3e: {  	vm13 =	vne.s32 v55, v40;
	vm12 =	vmor vm9, vm15;
	vm0 =	vmand vm0, vm1  }
0x3f: {  	vm15 =	vne.s32 v56, v40;
	vm1 =	vmor vm8, vm13;
	vm0 =	vmand vm0, vm12  }
0x40: {  	vm11 =	vne.s32 v57, v40;
	vm10 =	vmor vm7, vm15;
	vm0 =	vmand vm0, vm1  }
0x41: {  	vm12 =	vne.s32 v58, v40;
	vm1 =	vmor vm6, vm11;
	vm0 =	vmand vm0, vm10  }
0x42: {  	vm15 =	vne.s32 v59, v40;
	vm13 =	vmor vm5, vm12;
	vm0 =	vmand vm0, vm1  }
0x43: {  	vm9 =	vne.s32 v60, v40;
	vm8 =	vmor vm4, vm15;
	vm0 =	vmand vm0, vm13  }
0x44: {  	vm11 =	vne.s32 v42, v40;
	vm10 =	vmor vm3, vm9;
	vm0 =	vmand vm0, vm8  }
0x45: {  	vm12 =	vmor vm2, vm11;
	vm13 =	vne.s32 v41, v40;
	vm0 =	vmand vm0, vm10  }
0x46: {  	s1 =	sadd.s32 @p0 $0x10, s1;
	vm15 =	vmor vm14, vm13;
	vm0 =	vmand vm0, vm12  }
0x47: {  	s5 =	smov.u32 @p0 s1;
	s1 =	sadd.s32 @p0 $0x10, s17;
	vm0 =	vmand vm0, vm15  }
0x48: {  	v62 =	vld [tilespmem:s5+$0x0];
	s6 =	smov.u32 @p0 s1;
	v61 =	vnsel vm0, $0x800, v40  }
0x49: {  	v63 =	vld [tilespmem:s6+$0x0];
	_ =	sdelay $0x3  }
0x4a: {  	[tilespmem:v61+s23+$0x0] =	vst.idx.msk $0xffff, v62  }
0x4b: {  	[tilespmem:v61+s24+$0x0] =	vst.idx.msk $0xffff, v63  }
.LBB2_14:
0x4c: {  	s7 =	sadd.s32 $0x1, s7  }
0x4d: {  	p0 =	sne.s32 s7, $0x10  }
.Ltmp4:
0x4e: {  	_ = 	snop;
	(pc) =	sbr.rel @!p0 .LBB2_15-.Ltmp4, $2  }
0x4f: {  	_ =	sdelay $0x2  }
0x50: {  	s3 =	sadd.s32 $0x800, s3  }
.LBB2_4:
0x51: {  	s5 =	sshll.u32 s7, $0x8;
	s1 =	rddreg [dreg:$0x4]  }
0x52: {  	s6 =	sadd.s32 s1, s5  }
0x53: {  	[tilespmem:s0], [sflag:$0x3] =	stream.linear.gather [hbm4b:s6+s0], $0x800, $0x38;
	[tilespmem:$0x1E400] =	vst v63  }
0x54: {  	_ =	swait.ge [sflag:s2], $0x800  }
0x55: {  	[sflag:s2] =	ssyncset.done $0x0  }
0x56: {  	[sflag:s2] =	ssyncadd.s32 $0xFFFFF800  }
0x57: {  	s28 =	rddreg [dreg:$0x3]  }
0x58: {  	s30 =	simm.s32 $0x800;
	s5 =	sadd.s32 s28, s5  }
0x59: {  	[tilespmem:s30], [sflag:$0x3] =	stream.linear.gather [hbm4b:s5+s0], $0x800, $0x38;
	[tilespmem:$0x1E400] =	vst v63  }
0x5a: {  	_ =	swait.ge [sflag:s2], $0x800  }
0x5b: {  	[sflag:s2] =	ssyncset.done $0x0  }
0x5c: {  	s31 =	simm.s32 $0x0;
	[sflag:s2] =	ssyncadd.s32 $0xFFFFF800  }
0x5d: {  	v40 =	vld [tilespmem:s31+$0x0];
	_ =	sdelay $0x4  }
0x5e: {  	vm1 =	vge.s32 v40, v0;
	vm2 =	vlt.s32 v40, v1  }
0x5f: {  	vm1 =	vmand vm1, vm2  }
0x60: {  	v41 =	vsel vm1, $0x1, v4;
	v42 =	vmpcnt.ones.xlane vm1  }
0x61: {  	(xrf0) =	vadd.scan.msk.s32 $0xffff, v41  }
0x62: {  	(v2sf) =	vpush v42, $0x0;
	_ =	sdelay $0x1  }
0x63: {  	v61 =	vmov s0  }
0x64: {  	v41 =	vadd.s32 $0xFFFFFFFF, v61  }
0x65: {  	v41 =	vbroadcast v41, $0x0  }
0x66: {  	v62, _, _ =	vpop (xrf0)  }
0x67: {  	v41 =	vadd.s32 v62, v41  }
0x68: {  	v41 =	vnsel vm1, $0x800, v41  }
0x69: {  	v63 =	vld [tilespmem:s31+$0x800];
	_ =	sdelay $0x2  }
0x6a: {  	v43 =	vor.u32 s3, v3  }
0x6b: {  	v40 =	vsub.s32 v40, v0;
	[tilespmem:v41+s19+$0x0] =	vst.idx.msk $0xffff, v43  }
0x6c: {  	v42 =	vand.u32 $0x7F, v63;
	[tilespmem:v41+s20+$0x0] =	vst.idx.msk $0xffff, v40  }
0x6d: {  	s29 =	simm.s32 $0x80;
	s6 =	simm.s32 $0x10;
	[tilespmem:v41+s21+$0x0] =	vst.idx.msk $0xffff, v42  }
0x6e: {  	s16 =	simm.s32 $0x0;
	s5 =	smov.u32 s3;
	v40 =	vld [tilespmem:s6+$0x0];
	s17 =	spop (v2sf)  }
.LBB2_5:
0x6f: {  	s16 =	sadd.s32 s16, s17  }
0x70: {  	s5 =	sadd.s32 $0x10, s5;
	s17 =	smov.u32 s29;
	s30 =	sadd.s32 $0x40, s29  }
0x71: {  	p0 =	sne.s32 s29, $0x1FC0;
	v41 =	vmov s16  }
0x72: {  	v41 =	vadd.s32 $0xFFFFFFFF, v41;
	_ =	sdelay $0x1  }
0x73: {  	vm1 =	vge.s32 v40, v0;
	vm2 =	vlt.s32 v40, v1  }
0x74: {  	vm1 =	vmand vm1, vm2  }
0x75: {  	v42 =	vsel vm1, $0x1, v4;
	v43 =	vmpcnt.ones.xlane vm1  }
0x76: {  	(xrf0) =	vadd.scan.msk.s32 $0xffff, v42  }
0x77: {  	(v2sf) =	vpush v43, $0x0;
	_ =	sdelay $0x3  }
0x78: {  	v41 =	vbroadcast v41, $0x0  }
0x79: {  	v42, _, _ =	vpop (xrf0)  }
0x7a: {  	v41 =	vadd.s32 v42, v41  }
0x7b: {  	v41 =	vnsel vm1, $0x800, v41  }
0x7c: {  	v42 =	vld [tilespmem:s6+$0x800];
	_ =	sdelay $0x2  }
.Ltmp5:
0x7d: {  	v43 =	vor.u32 s5, v3;
	(pc) =	sbr.rel @p0 .LBB2_5-.Ltmp5, $4  }
0x7e: {  	v40 =	vsub.s32 v40, v0;
	[tilespmem:v41+s19+$0x0] =	vst.idx.msk $0xffff, v43  }
0x7f: {  	v42 =	vand.u32 $0x7F, v42;
	[tilespmem:v41+s20+$0x0] =	vst.idx.msk $0xffff, v40  }
0x80: {  	s6 =	sshra.s32 s17, $0x2;
	[tilespmem:v41+s21+$0x0] =	vst.idx.msk $0xffff, v42  }
0x81: {  	s29 =	smov.u32 s30;
	v40 =	vld [tilespmem:s6+$0x0];
	s17 =	spop (v2sf)  }
0x82: {  	_ =	sdelay $0x3  }
0x83: {  	vm1 =	vge.s32 v40, v0;
	vm2 =	vlt.s32 v40, v1  }
0x84: {  	vm1 =	vmand vm1, vm2  }
0x85: {  	v41 =	vmpcnt.ones.xlane vm1;
	_ =	sdelay $0x1  }
0x86: {  	(v2sf) =	vpush v41, $0x0;
	_ =	sdelay $0xc  }
0x87: {  	v60 =	vsel vm1, $0x1, v4  }
0x88: {  	(xrf0) =	vadd.scan.msk.s32 $0xffff, v60  }
0x89: {  	s16 =	sadd.s32 s16, s17;
	s29 =	spop (v2sf)  }
0x8a: {  	s17 =	sadd.s32 s16, s29  }
0x8b: {  	v61 =	vmov s16;
	s17 =	sadd.s32 $0xF, s17  }
0x8c: {  	v41 =	vadd.s32 $0xFFFFFFFF, v61;
	s30 =	sand.u32 $0xF, s17  }
0x8d: {  	v41 =	vbroadcast v41, $0x0;
	p1 =	slt.s32 s17, $0x1;
	p0 =	sne.s32 s30, $0x0;
	s30 =	sshra.s32 s17, $0x1F  }
0x8e: {  	v62 =	vld [tilespmem:s6+$0x800];
	v42, _, _ =	vpop (xrf0);
	s6 =	sshrl.u32 s30, $0x1C;
	p0 =	por !p1, !p0  }
0x8f: {  	v41 =	vadd.s32 v42, v41;
	s6 =	sadd.s32 s6, s17;
	p0 =	por !p0, !p0;
	s17 =	simm.s32 $0x1  }
0x90: {  	v41 =	vnsel vm1, $0x800, v41;
	s31 =	sshra.s32 s6, $0x4;
	s17 =	simm.s32 @!p0 $0x0  }
0x91: {  	s17 =	ssub.s32 s31, s17  }
0x92: {  	p0 =	slt.s32 s17, $0x1  }
.Ltmp6:
0x93: {  	s5 =	sadd.s32 $0x10, s5;
	(pc) =	sbr.rel @p0 .LBB2_14-.Ltmp6, $4  }
0x94: {  	v43 =	vor.u32 s5, v3  }
0x95: {  	v63 =	vsub.s32 v40, v0;
	[tilespmem:v41+s19+$0x0] =	vst.idx.msk $0xffff, v43  }
0x96: {  	v42 =	vand.u32 $0x7F, v62;
	[tilespmem:v41+s20+$0x0] =	vst.idx.msk $0xffff, v63  }
0x97: {  	[tilespmem:v41+s21+$0x0] =	vst.idx.msk $0xffff, v42  }
0x98: {  	s16 =	sadd.s32 s16, s29  }
0x99: {  	p0 =	slt.s32 s16, $0x10;
	s5 =	smov.u32 s16  }
0x9a: {  	s6 =	simm.s32 $0x1880;
	s5 =	simm.s32 @!p0 $0x10  }
0x9b: {  	p1 =	sne.s32 s17, $0x1;
	v40 =	vld [tilespmem:s6+$0x0];
	v43 =	vmov s5  }
.Ltmp7:
0x9c: {  	vm14 =	vlt.s32 v43, v34;
	(pc) =	sbr.rel @!p1 .LBB2_8-.Ltmp7, $4  }
0x9d: {  	vm4 =	vlt.s32 v43, v28;
	vm3 =	vlt.s32 v43, v30;
	vm2 =	vlt.s32 v43, v32  }
0x9e: {  	vm7 =	vlt.s32 v43, v22;
	vm6 =	vlt.s32 v43, v24;
	vm5 =	vlt.s32 v43, v26  }
0x9f: {  	s17 =	sadd.s32 $0xFFFFFFFF, s17;
	vm10 =	vlt.s32 v43, v16;
	vm9 =	vlt.s32 v43, v18;
	vm8 =	vlt.s32 v43, v20  }
0xa0: {  	s6 =	simm.s32 $0x2100;
	p0 =	por $0x0, $0x0;
	s5 =	simm.s32 $0x1000;
	vm11 =	vlt.s32 v43, v14;
	v42 =	vperm.xlane v40, v31;
	v41 =	vperm.xlane v40, v33  }
0xa1: {  	v44 =	vperm.xlane v40, v5;
	vm12 =	vlt.s32 v43, v6  }
0xa2: {  	v45 =	vperm.xlane v40, v7;
	vm0 =	vmmov vm14;
	vm14 =	vgt.s32 v43, v3  }
0xa3: {  	vm15 =	vlt.s32 v43, v8;
	v53 =	vperm.xlane v40, v9;
	vm13 =	vne.s32 v44, v40  }
0xa4: {  	v54 =	vperm.xlane v40, v11;
	vm12 =	vmor vm12, vm13;
	vm13 =	vne.s32 v45, v40  }
0xa5: {  	v55 =	vperm.xlane v40, v13;
	vm12 =	vmand vm14, vm12;
	vm13 =	vmor vm15, vm13  }
0xa6: {  	vm15 =	vlt.s32 v43, v10;
	vm12 =	vmand vm12, vm13;
	vm13 =	vne.s32 v53, v40  }
0xa7: {  	vm14 =	vlt.s32 v43, v12;
	vm13 =	vmor vm15, vm13;
	vm15 =	vne.s32 v54, v40  }
0xa8: {  	vm12 =	vmand vm12, vm13;
	vm13 =	vmor vm14, vm15  }
0xa9: {  	v56 =	vperm.xlane v40, v15;
	vm12 =	vmand vm12, vm13;
	vm13 =	vne.s32 v55, v40  }
0xaa: {  	v57 =	vperm.xlane v40, v27;
	v58 =	vperm.xlane v40, v29;
	vm11 =	vmor vm11, vm13  }
0xab: {  	v46 =	vperm.xlane v40, v17;
	vm11 =	vmand vm12, vm11;
	vm12 =	vne.s32 v56, v40  }
0xac: {  	v59 =	vperm.xlane v40, v23;
	v47 =	vperm.xlane v40, v19;
	vm10 =	vmor vm10, vm12  }
0xad: {  	v48 =	vperm.xlane v40, v21;
	vm10 =	vmand vm11, vm10;
	vm11 =	vne.s32 v46, v40  }
0xae: {  	v60 =	vperm.xlane v40, v25;
	vm9 =	vmor vm9, vm11;
	vm11 =	vne.s32 v47, v40  }
0xaf: {  	vm9 =	vmand vm10, vm9;
	vm8 =	vmor vm8, vm11;
	vm10 =	vne.s32 v48, v40  }
0xb0: {  	vm8 =	vmand vm9, vm8;
	vm7 =	vmor vm7, vm10;
	vm9 =	vne.s32 v59, v40  }
0xb1: {  	vm7 =	vmand vm8, vm7;
	vm6 =	vmor vm6, vm9;
	vm8 =	vne.s32 v60, v40  }
0xb2: {  	vm6 =	vmand vm7, vm6;
	vm5 =	vmor vm5, vm8;
	vm7 =	vne.s32 v57, v40  }
0xb3: {  	vm5 =	vmand vm6, vm5;
	vm4 =	vmor vm4, vm7;
	vm6 =	vne.s32 v58, v40  }
0xb4: {  	vm4 =	vmand vm5, vm4;
	vm3 =	vmor vm3, vm6;
	vm5 =	vne.s32 v42, v40  }
0xb5: {  	vm3 =	vmand vm4, vm3;
	vm2 =	vmor vm2, vm5;
	vm4 =	vne.s32 v41, v40  }
0xb6: {  	vm2 =	vmand vm3, vm2;
	vm1 =	vmor vm0, vm4  }
0xb7: {  	vm1 =	vmand vm2, vm1  }
0xb8: {  	v61 =	vld [tilespmem:s5+$0x0];
	v62 =	vnsel vm1, $0x800, v40  }
0xb9: {  	v63 =	vld [tilespmem:s6+$0x0];
	_ =	sdelay $0x2  }
0xba: {  	s16 =	sadd.s32 $0xFFFFFFF0, s16  }
0xbb: {  	p0 =	slt.s32 s16, $0x10;
	s29 =	smov.u32 s16;
	[tilespmem:v62+s23+$0x0] =	vst.idx.msk $0xffff, v61  }
0xbc: {  	s30 =	simm.s32 $0x1890;
	s29 =	simm.s32 @!p0 $0x10;
	[tilespmem:v62+s24+$0x0] =	vst.idx.msk $0xffff, v63  }
0xbd: {  	p1 =	sne.s32 s17, $0x1;
	v43 =	vmov s29;
	v40 =	vld [tilespmem:s30+$0x0]  }
.Ltmp8:
0xbe: {  	vm14 =	vlt.s32 v43, v34;
	(pc) =	sbr.rel @!p1 .LBB2_10-.Ltmp8, $4  }
0xbf: {  	vm11 =	vlt.s32 v43, v14;
	vm10 =	vlt.s32 v43, v16;
	vm9 =	vlt.s32 v43, v18  }
0xc0: {  	vm8 =	vlt.s32 v43, v20;
	vm7 =	vlt.s32 v43, v22;
	vm6 =	vlt.s32 v43, v24  }
0xc1: {  	s31 =	sadd.s32 $0xFFFFFFFF, s17;
	vm5 =	vlt.s32 v43, v26;
	vm4 =	vlt.s32 v43, v28;
	vm3 =	vlt.s32 v43, v30  }
0xc2: {  	s1 =	simm.s32 $0x1000;
	s17 =	simm.s32 $0x2100;
	p0 =	por $0x1, $0x1;
	vm2 =	vlt.s32 v43, v32;
	v42 =	vperm.xlane v40, v31;
	v41 =	vperm.xlane v40, v33  }
.LBB2_11:
0xc3: {  	v56 =	vperm.xlane v40, v27;
	v45 =	vperm.xlane v40, v29  }
0xc4: {  	v44 =	vimm.s32 $0x0;
	v46 =	vperm.xlane v40, v23;
	v47 =	vperm.xlane v40, v25  }
0xc5: {  	vm12 =	vlt.s32 v43, v12;
	v48 =	vperm.xlane v40, v19;
	v49 =	vperm.xlane v40, v21  }
0xc6: {  	vm13 =	vlt.s32 v43, v10;
	v50 =	vperm.xlane v40, v5;
	v51 =	vperm.xlane v40, v17  }
0xc7: {  	vm15 =	vlt.s32 v43, v8;
	v57 =	vperm.xlane v40, v7;
	v52 =	vperm.xlane v40, v15  }
0xc8: {  	vm0 =	vlt.s32 v43, v6;
	v58 =	vperm.xlane v40, v9;
	v53 =	vperm.xlane v40, v13  }
0xc9: {  	v59 =	vperm.xlane v40, v11;
	v44 =	vsel vm14, $0xFFFFFFFF, v44;
	vm1 =	vne.s32 v50, v40  }
0xca: {  	vm14 =	vgt.s32 v43, v3;
	vm0 =	vmor vm0, vm1;
	vm1 =	vne.s32 v57, v40  }
0xcb: {  	vm0 =	vmand vm14, vm0;
	vm1 =	vmor vm15, vm1;
	vm14 =	vne.s32 v58, v40  }
0xcc: {  	vm0 =	vmand vm0, vm1;
	vm1 =	vmor vm13, vm14;
	vm13 =	vne.s32 v59, v40  }
0xcd: {  	vm0 =	vmand vm0, vm1;
	vm1 =	vmor vm12, vm13;
	vm12 =	vne.s32 v53, v40  }
0xce: {  	vm0 =	vmand vm0, vm1;
	vm1 =	vmor vm11, vm12;
	vm11 =	vne.s32 v52, v40  }
0xcf: {  	vm0 =	vmand vm0, vm1;
	vm1 =	vmor vm10, vm11;
	vm10 =	vne.s32 v51, v40  }
0xd0: {  	vm0 =	vmand vm0, vm1;
	vm1 =	vmor vm9, vm10;
	vm9 =	vne.s32 v48, v40  }
0xd1: {  	vm0 =	vmand vm0, vm1;
	vm1 =	vmor vm8, vm9;
	vm8 =	vne.s32 v49, v40  }
0xd2: {  	[tilespmem:$0x1FFE0] =	vst v44;
	vm0 =	vmand vm0, vm1;
	vm1 =	vmor vm7, vm8;
	vm7 =	vne.s32 v46, v40  }
0xd3: {  	v60 =	vld [tilespmem:$0x1FFE0];
	vm0 =	vmand vm0, vm1;
	vm1 =	vmor vm6, vm7;
	vm6 =	vne.s32 v47, v40  }
0xd4: {  	vm0 =	vmand vm0, vm1;
	vm1 =	vmor vm5, vm6;
	vm5 =	vne.s32 v56, v40  }
0xd5: {  	vm0 =	vmand vm0, vm1;
	vm1 =	vmor vm4, vm5;
	vm4 =	vne.s32 v45, v40  }
0xd6: {  	vm0 =	vmand vm0, vm1;
	vm1 =	vmor vm3, vm4;
	vm3 =	vne.s32 v42, v40  }
0xd7: {  	vm0 =	vmand vm0, vm1;
	vm1 =	vmor vm2, vm3  }
0xd8: {  	vm2 =	vne.s32 v41, v40;
	vm0 =	vmand vm0, vm1;
	vm1 =	vnez.u8 v60  }
0xd9: {  	vm1 =	vmor vm1, vm2  }
0xda: {  	s1 =	sadd.s32 $0x10, s1;
	vm0 =	vmand vm0, vm1  }
0xdb: {  	s17 =	sadd.s32 $0x10, s17;
	v61 =	vld [tilespmem:s1+$0x0];
	v62 =	vnsel vm0, $0x800, v40  }
0xdc: {  	v63 =	vld [tilespmem:s17+$0x0];
	_ =	sdelay $0x2  }
0xdd: {  	s16 =	sadd.s32 $0xFFFFFFF0, s16  }
0xde: {  	p2 =	slt.s32 s16, $0x10;
	s29 =	smov.u32 s16;
	[tilespmem:v62+s23+$0x0] =	vst.idx.msk $0xffff, v61  }
0xdf: {  	s30 =	sadd.s32 $0x10, s30;
	s29 =	simm.s32 @!p2 $0x10;
	[tilespmem:v62+s24+$0x0] =	vst.idx.msk $0xffff, v63  }
0xe0: {  	p1 =	sne.s32 s31, $0x1;
	v43 =	vmov s29;
	v40 =	vld [tilespmem:s30+$0x0]  }
.Ltmp9:
0xe1: {  	vm14 =	vlt.s32 v43, v34;
	(pc) =	sbr.rel @p1 .LBB2_11-.Ltmp9, $4  }
0xe2: {  	vm11 =	vlt.s32 v43, v14;
	vm10 =	vlt.s32 v43, v16;
	vm9 =	vlt.s32 v43, v18  }
0xe3: {  	vm8 =	vlt.s32 v43, v20;
	vm7 =	vlt.s32 v43, v22;
	vm6 =	vlt.s32 v43, v24  }
0xe4: {  	vm5 =	vlt.s32 v43, v26;
	vm4 =	vlt.s32 v43, v28;
	vm3 =	vlt.s32 v43, v30  }
0xe5: {  	s31 =	sadd.s32 $0xFFFFFFFF, s31;
	vm2 =	vlt.s32 v43, v32;
	v42 =	vperm.xlane v40, v31;
	v41 =	vperm.xlane v40, v33  }
.Ltmp10:
0xe6: {  	(pc) =	sbr.rel .LBB2_13-.Ltmp10, $2  }
0xe7: {  	_ =	sdelay $0x2  }
0xe8: {  	s11 =	simm.s32 $0x6400  }
.LBB2_10:
.Ltmp11:
0xe9: {  	(pc) =	sbr.rel .LBB2_13-.Ltmp11, $2  }
0xea: {  	_ =	sdelay $0x2  }
0xeb: {  	s1 =	simm.s32 $0x1000;
	s17 =	simm.s32 $0x2100;
	s11 =	simm.s32 $0x6400  }
.LBB2_15:
0xec: {  	s0 =	simm.s32 $0x0  }
0xed: {  	v40 =	vld [tilespmem:s0+$0x2980];
	_ =	sdelay $0x4  }
0xee: {  	vm0 =	vgt.s32 v40, $0xFFFFFFFF  }
0xef: {  	v41 =	vsel vm0, $0x1, v4;
	v42 =	vmpcnt.ones.xlane vm0  }
0xf0: {  	(xrf0) =	vadd.scan.msk.s32 $0xffff, v41  }
0xf1: {  	(v2sf) =	vpush v42, $0x0  }
0xf2: {  	s1 =	simm.s32 $0x0  }
0xf3: {  	v61 =	vmov s1  }
0xf4: {  	v41 =	vadd.s32 $0xFFFFFFFF, v61  }
0xf5: {  	v41 =	vbroadcast v41, $0x0  }
0xf6: {  	v62, _, _ =	vpop (xrf0)  }
0xf7: {  	v41 =	vadd.s32 v62, v41  }
0xf8: {  	v41 =	vnsel vm0, $0x840, v41;
	_ =	sdelay $0x4  }
0xf9: {  	[tilespmem:v41+s4+$0x0] =	vst.idx.msk $0xffff, v40  }
0xfa: {  	v43 =	vld [tilespmem:s0+$0x3200];
	_ =	sdelay $0x1  }
0xfb: {  	s31 =	spop (v2sf)  }
0xfc: {  	s3 =	sadd.s32 $0x0, s31  }
0xfd: {  	s0 =	rddreg [dreg:$0x7];
	v63 =	vmov s3  }
0xfe: {  	s5 =	simm.s32 $0x40;
	s6 =	simm.s32 $0x80;
	v42 =	vor.u32 s0, v3;
	v40 =	vadd.s32 $0xFFFFFFFF, v63;
	[tilespmem:v41+s8+$0x0] =	vst.idx.msk $0xffff, v43  }
.LBB2_16:
0xff: {  	s1 =	sshra.s32 s5, $0x2  }
0x100: {  	[tilespmem:v41+s9+$0x0] =	vst.idx.msk $0xffff, v42;
	s0 =	sadd.s32 $0x10, s0;
	s5 =	smov.u32 s6;
	s7 =	sadd.s32 $0x40, s6  }
0x101: {  	p0 =	sne.s32 s6, $0x1FC0;
	v42 =	vld [tilespmem:s1+$0x2980];
	_ =	sdelay $0x4  }
0x102: {  	vm0 =	vgt.s32 v42, $0xFFFFFFFF  }
0x103: {  	v41 =	vsel vm0, $0x1, v4;
	v43 =	vmpcnt.ones.xlane vm0  }
0x104: {  	(xrf0) =	vadd.scan.msk.s32 $0xffff, v41  }
0x105: {  	(v2sf) =	vpush v43, $0x0;
	_ =	sdelay $0x3  }
0x106: {  	v40 =	vbroadcast v40, $0x0  }
0x107: {  	v41, _, _ =	vpop (xrf0)  }
0x108: {  	v40 =	vadd.s32 v41, v40  }
0x109: {  	v41 =	vnsel vm0, $0x840, v40;
	_ =	sdelay $0x4  }
0x10a: {  	[tilespmem:v41+s4+$0x0] =	vst.idx.msk $0xffff, v42  }
0x10b: {  	v43 =	vld [tilespmem:s1+$0x3200]  }
.Ltmp12:
0x10c: {  	(pc) =	sbr.rel @p0 .LBB2_16-.Ltmp12, $4  }
0x10d: {  	s1 =	spop (v2sf)  }
0x10e: {  	s3 =	sadd.s32 s3, s1  }
0x10f: {  	v40 =	vmov s3  }
0x110: {  	s6 =	smov.u32 s7;
	v42 =	vor.u32 s0, v3;
	v40 =	vadd.s32 $0xFFFFFFFF, v40;
	[tilespmem:v41+s8+$0x0] =	vst.idx.msk $0xffff, v43  }
0x111: {  	_ =	sdelay $0x3  }
0x112: {  	s1 =	sshra.s32 s5, $0x2;
	[tilespmem:v41+s9+$0x0] =	vst.idx.msk $0xffff, v42  }
0x113: {  	v41 =	vld [tilespmem:s1+$0x2980];
	_ =	sdelay $0x4  }
0x114: {  	vm0 =	vgt.s32 v41, $0xFFFFFFFF  }
0x115: {  	v45 =	vmpcnt.ones.xlane vm0;
	_ =	sdelay $0x1  }
0x116: {  	(v2sf) =	vpush v45, $0x0;
	_ =	sdelay $0x5  }
0x117: {  	v46 =	vsel vm0, $0x1, v4  }
0x118: {  	(xrf0) =	vadd.scan.msk.s32 $0xffff, v46;
	_ =	sdelay $0x4  }
0x119: {  	v40 =	vbroadcast v40, $0x0  }
0x11a: {  	v42, _, _ =	vpop (xrf0)  }
0x11b: {  	v40 =	vadd.s32 v42, v40  }
0x11c: {  	v40 =	vnsel vm0, $0x840, v40;
	s16 =	spop (v2sf)  }
0x11d: {  	s3 =	sadd.s32 s3, s16  }
0x11e: {  	s5 =	sadd.s32 $0x3F, s3  }
0x11f: {  	s6 =	sand.u32 $0x3F, s5  }
0x120: {  	s17 =	sshra.s32 s5, $0x1F;
	p1 =	slt.s32 s5, $0x1;
	p0 =	sne.s32 s6, $0x0  }
0x121: {  	[tilespmem:v40+s4+$0x0] =	vst.idx.msk $0xffff, v41;
	s6 =	sshrl.u32 s17, $0x1A;
	p0 =	por !p1, !p0  }
0x122: {  	v41 =	vld [tilespmem:s1+$0x3200];
	s18 =	sadd.s32 s6, s5;
	s5 =	simm.s32 $0x1;
	p0 =	por !p0, !p0  }
0x123: {  	s1 =	sshra.s32 s18, $0x6;
	s5 =	simm.s32 @!p0 $0x0  }
0x124: {  	s2 =	ssub.s32 s1, s5  }
0x125: {  	s1 =	sshll.u32 s2, $0x6  }
0x126: {  	s0 =	sadd.s32 $0x10, s0;
	s5 =	sadd.s32 $0xFFFFFFFF, s3;
	s1 =	ssub.s32 s1, s3  }
0x127: {  	v47 =	vor.u32 s0, v3;
	[tilespmem:v40+s8+$0x0] =	vst.idx.msk $0xffff, v41;
	p0 =	sgt.s32 s5, $0x0;
	v48 =	vmov s1  }
0x128: {  	v49 =	vadd.s32 s3, v3;
	[tilespmem:v40+s9+$0x0] =	vst.idx.msk $0xffff, v47;
	s5 =	simm.s32 @!p0 $0x0;
	vm0 =	vgt.s32 v48, v3  }
0x129: {  	v42 =	vld.msk [tilespmem:s5+$0x3A80 ss:$0x0], $0xffff;
	v40 =	vnsel vm0, $0x840, v49  }
0x12a: {  	s22 =	sadd.s32 $0x10, s3;
	v43 =	vld.msk [tilespmem:s5+$0x4300 ss:$0x0], $0xffff  }
0x12b: {  	v45 =	vadd.s32 s22, v3;
	v44 =	vld.msk [tilespmem:s5+$0x4B80 ss:$0x0], $0xffff;
	vm0 =	vgt.s32 v48, v34  }
0x12c: {  	v45 =	vnsel vm0, $0x840, v45  }
0x12d: {  	s25 =	sadd.s32 $0x20, s3  }
0x12e: {  	v46 =	vadd.s32 s25, v3;
	vm0 =	vgt.s32 v48, v35;
	[tilespmem:v40+s4+$0x0] =	vst.idx.msk $0xffff, v42  }
0x12f: {  	v46 =	vnsel vm0, $0x840, v46;
	[tilespmem:v40+s8+$0x0] =	vst.idx.msk $0xffff, v43  }
0x130: {  	s26 =	sadd.s32 $0x30, s3;
	[tilespmem:v40+s9+$0x0] =	vst.idx.msk $0xffff, v44  }
0x131: {  	v50 =	vadd.s32 s26, v3;
	vm0 =	vgt.s32 v48, v36;
	[tilespmem:v45+s4+$0x0] =	vst.idx.msk $0xffff, v42  }
0x132: {  	v40 =	vnsel vm0, $0x840, v50;
	[tilespmem:v45+s8+$0x0] =	vst.idx.msk $0xffff, v43  }
0x133: {  	[tilespmem:v45+s9+$0x0] =	vst.idx.msk $0xffff, v44  }
0x134: {  	[tilespmem:v46+s4+$0x0] =	vst.idx.msk $0xffff, v42  }
0x135: {  	[tilespmem:v46+s8+$0x0] =	vst.idx.msk $0xffff, v43  }
0x136: {  	[tilespmem:v46+s9+$0x0] =	vst.idx.msk $0xffff, v44  }
0x137: {  	[tilespmem:v40+s4+$0x0] =	vst.idx.msk $0xffff, v42  }
0x138: {  	[tilespmem:v40+s8+$0x0] =	vst.idx.msk $0xffff, v43  }
0x139: {  	[tilespmem:v40+s9+$0x0] =	vst.idx.msk $0xffff, v44  }
0x13a: {  	v40 =	vld [tilespmem:$0x4B80]  }
0x13b: {  	v51 =	vld [tilespmem:$0x4B90]  }
0x13c: {  	v42 =	vld [tilespmem:$0x4BA0]  }
0x13d: {  	v43 =	vld [tilespmem:$0x4BB0]  }
0x13e: {  	v44 =	vld [tilespmem:$0x4BC0]  }
0x13f: {  	v52 =	vld [tilespmem:$0x4BD0]  }
0x140: {  	v53 =	vld [tilespmem:$0x4BE0];
	[tilespmem:$0x5400] =	vst v40  }
0x141: {  	v54 =	vld [tilespmem:$0x4BF0];
	[tilespmem:$0x5410] =	vst v51  }
0x142: {  	v55 =	vld [tilespmem:$0x4C00];
	[tilespmem:$0x5420] =	vst v42  }
0x143: {  	v56 =	vld [tilespmem:$0x4C10];
	[tilespmem:$0x5430] =	vst v43  }
0x144: {  	v57 =	vld [tilespmem:$0x4C20];
	[tilespmem:$0x5480] =	vst v44  }
0x145: {  	v58 =	vld [tilespmem:$0x4C30];
	[tilespmem:$0x5490] =	vst v52  }
0x146: {  	v59 =	vld [tilespmem:$0x4C40];
	[tilespmem:$0x54A0] =	vst v53  }
0x147: {  	v60 =	vld [tilespmem:$0x4C50];
	[tilespmem:$0x54B0] =	vst v54  }
0x148: {  	v61 =	vld [tilespmem:$0x4C60];
	[tilespmem:$0x5500] =	vst v55  }
0x149: {  	v62 =	vld [tilespmem:$0x4C70];
	[tilespmem:$0x5510] =	vst v56  }
0x14a: {  	v63 =	vld [tilespmem:$0x4C80];
	[tilespmem:$0x5520] =	vst v57  }
0x14b: {  	v48 =	vld [tilespmem:$0x4C90];
	[tilespmem:$0x5530] =	vst v58  }
0x14c: {  	v49 =	vld [tilespmem:$0x4CA0];
	[tilespmem:$0x5580] =	vst v59  }
0x14d: {  	v50 =	vld [tilespmem:$0x4CB0];
	[tilespmem:$0x5590] =	vst v60  }
0x14e: {  	[tilespmem:$0x55A0] =	vst v61;
	v51 =	vld [tilespmem:$0x4CC0]  }
0x14f: {  	[tilespmem:$0x55B0] =	vst v62;
	v52 =	vld [tilespmem:$0x4CD0]  }
0x150: {  	[tilespmem:$0x5600] =	vst v63;
	v53 =	vld [tilespmem:$0x4CE0]  }
0x151: {  	[tilespmem:$0x5610] =	vst v48;
	v54 =	vld [tilespmem:$0x4CF0]  }
0x152: {  	[tilespmem:$0x5620] =	vst v49;
	v55 =	vld [tilespmem:$0x4D00]  }
0x153: {  	[tilespmem:$0x5630] =	vst v50;
	v56 =	vld [tilespmem:$0x4D10]  }
0x154: {  	v57 =	vld [tilespmem:$0x4D20];
	[tilespmem:$0x5680] =	vst v51  }
0x155: {  	v58 =	vld [tilespmem:$0x4D30];
	[tilespmem:$0x5690] =	vst v52  }
0x156: {  	v59 =	vld [tilespmem:$0x4D40];
	[tilespmem:$0x56A0] =	vst v53  }
0x157: {  	v60 =	vld [tilespmem:$0x4D50];
	[tilespmem:$0x56B0] =	vst v54  }
0x158: {  	v61 =	vld [tilespmem:$0x4D60];
	[tilespmem:$0x5700] =	vst v55  }
0x159: {  	v62 =	vld [tilespmem:$0x4D70];
	[tilespmem:$0x5710] =	vst v56  }
0x15a: {  	v63 =	vld [tilespmem:$0x4D80];
	[tilespmem:$0x5720] =	vst v57  }
0x15b: {  	v48 =	vld [tilespmem:$0x4D90];
	[tilespmem:$0x5730] =	vst v58  }
0x15c: {  	v49 =	vld [tilespmem:$0x4DA0];
	[tilespmem:$0x5780] =	vst v59  }
0x15d: {  	v50 =	vld [tilespmem:$0x4DB0];
	[tilespmem:$0x5790] =	vst v60  }
0x15e: {  	[tilespmem:$0x57A0] =	vst v61;
	v51 =	vld [tilespmem:$0x4DC0]  }
0x15f: {  	[tilespmem:$0x57B0] =	vst v62;
	v52 =	vld [tilespmem:$0x4DD0]  }
0x160: {  	[tilespmem:$0x5800] =	vst v63;
	v53 =	vld [tilespmem:$0x4DE0]  }
0x161: {  	[tilespmem:$0x5810] =	vst v48;
	v54 =	vld [tilespmem:$0x4DF0]  }
0x162: {  	[tilespmem:$0x5820] =	vst v49;
	v55 =	vld [tilespmem:$0x4E00]  }
0x163: {  	[tilespmem:$0x5830] =	vst v50;
	v56 =	vld [tilespmem:$0x4E10]  }
0x164: {  	v57 =	vld [tilespmem:$0x4E20];
	[tilespmem:$0x5880] =	vst v51  }
0x165: {  	v58 =	vld [tilespmem:$0x4E30];
	[tilespmem:$0x5890] =	vst v52  }
0x166: {  	v59 =	vld [tilespmem:$0x4E40];
	[tilespmem:$0x58A0] =	vst v53  }
0x167: {  	v60 =	vld [tilespmem:$0x4E50];
	[tilespmem:$0x58B0] =	vst v54  }
0x168: {  	v61 =	vld [tilespmem:$0x4E60];
	[tilespmem:$0x5900] =	vst v55  }
0x169: {  	v62 =	vld [tilespmem:$0x4E70];
	[tilespmem:$0x5910] =	vst v56  }
0x16a: {  	v63 =	vld [tilespmem:$0x4E80];
	[tilespmem:$0x5920] =	vst v57  }
0x16b: {  	v48 =	vld [tilespmem:$0x4E90];
	[tilespmem:$0x5930] =	vst v58  }
0x16c: {  	v49 =	vld [tilespmem:$0x4EA0];
	[tilespmem:$0x5980] =	vst v59  }
0x16d: {  	v50 =	vld [tilespmem:$0x4EB0];
	[tilespmem:$0x5990] =	vst v60  }
0x16e: {  	[tilespmem:$0x59A0] =	vst v61;
	v51 =	vld [tilespmem:$0x4EC0]  }
0x16f: {  	[tilespmem:$0x59B0] =	vst v62;
	v52 =	vld [tilespmem:$0x4ED0]  }
0x170: {  	[tilespmem:$0x5A00] =	vst v63;
	v53 =	vld [tilespmem:$0x4EE0]  }
0x171: {  	[tilespmem:$0x5A10] =	vst v48;
	v54 =	vld [tilespmem:$0x4EF0]  }
0x172: {  	[tilespmem:$0x5A20] =	vst v49;
	v55 =	vld [tilespmem:$0x4F00]  }
0x173: {  	[tilespmem:$0x5A30] =	vst v50;
	v56 =	vld [tilespmem:$0x4F10]  }
0x174: {  	v57 =	vld [tilespmem:$0x4F20];
	[tilespmem:$0x5A80] =	vst v51  }
0x175: {  	v58 =	vld [tilespmem:$0x4F30];
	[tilespmem:$0x5A90] =	vst v52  }
0x176: {  	v59 =	vld [tilespmem:$0x4F40];
	[tilespmem:$0x5AA0] =	vst v53  }
0x177: {  	v60 =	vld [tilespmem:$0x4F50];
	[tilespmem:$0x5AB0] =	vst v54  }
0x178: {  	v61 =	vld [tilespmem:$0x4F60];
	[tilespmem:$0x5B00] =	vst v55  }
0x179: {  	v62 =	vld [tilespmem:$0x4F70];
	[tilespmem:$0x5B10] =	vst v56  }
0x17a: {  	v63 =	vld [tilespmem:$0x4F80];
	[tilespmem:$0x5B20] =	vst v57  }
0x17b: {  	v48 =	vld [tilespmem:$0x4F90];
	[tilespmem:$0x5B30] =	vst v58  }
0x17c: {  	v49 =	vld [tilespmem:$0x4FA0];
	[tilespmem:$0x5B80] =	vst v59  }
0x17d: {  	v50 =	vld [tilespmem:$0x4FB0];
	[tilespmem:$0x5B90] =	vst v60  }
0x17e: {  	[tilespmem:$0x5BA0] =	vst v61;
	v51 =	vld [tilespmem:$0x4FC0]  }
0x17f: {  	[tilespmem:$0x5BB0] =	vst v62;
	v52 =	vld [tilespmem:$0x4FD0]  }
0x180: {  	[tilespmem:$0x5C00] =	vst v63;
	v53 =	vld [tilespmem:$0x4FE0]  }
0x181: {  	[tilespmem:$0x5C10] =	vst v48;
	v54 =	vld [tilespmem:$0x4FF0]  }
0x182: {  	[tilespmem:$0x5C20] =	vst v49;
	v55 =	vld [tilespmem:$0x5000]  }
0x183: {  	[tilespmem:$0x5C30] =	vst v50;
	v56 =	vld [tilespmem:$0x5010]  }
0x184: {  	v57 =	vld [tilespmem:$0x5020];
	[tilespmem:$0x5C80] =	vst v51  }
0x185: {  	v58 =	vld [tilespmem:$0x5030];
	[tilespmem:$0x5C90] =	vst v52  }
0x186: {  	v59 =	vld [tilespmem:$0x5040];
	[tilespmem:$0x5CA0] =	vst v53  }
0x187: {  	v60 =	vld [tilespmem:$0x5050];
	[tilespmem:$0x5CB0] =	vst v54  }
0x188: {  	v61 =	vld [tilespmem:$0x5060];
	[tilespmem:$0x5D00] =	vst v55  }
0x189: {  	v62 =	vld [tilespmem:$0x5070];
	[tilespmem:$0x5D10] =	vst v56  }
0x18a: {  	v63 =	vld [tilespmem:$0x5080];
	[tilespmem:$0x5D20] =	vst v57  }
0x18b: {  	v48 =	vld [tilespmem:$0x5090];
	[tilespmem:$0x5D30] =	vst v58  }
0x18c: {  	v49 =	vld [tilespmem:$0x50A0];
	[tilespmem:$0x5D80] =	vst v59  }
0x18d: {  	v50 =	vld [tilespmem:$0x50B0];
	[tilespmem:$0x5D90] =	vst v60  }
0x18e: {  	[tilespmem:$0x5DA0] =	vst v61;
	v51 =	vld [tilespmem:$0x50C0]  }
0x18f: {  	[tilespmem:$0x5DB0] =	vst v62;
	v52 =	vld [tilespmem:$0x50D0]  }
0x190: {  	[tilespmem:$0x5E00] =	vst v63;
	v53 =	vld [tilespmem:$0x50E0]  }
0x191: {  	[tilespmem:$0x5E10] =	vst v48;
	v54 =	vld [tilespmem:$0x50F0]  }
0x192: {  	[tilespmem:$0x5E20] =	vst v49;
	v55 =	vld [tilespmem:$0x5100]  }
0x193: {  	[tilespmem:$0x5E30] =	vst v50;
	v56 =	vld [tilespmem:$0x5110]  }
0x194: {  	v57 =	vld [tilespmem:$0x5120];
	[tilespmem:$0x5E80] =	vst v51  }
0x195: {  	v58 =	vld [tilespmem:$0x5130];
	[tilespmem:$0x5E90] =	vst v52  }
0x196: {  	v59 =	vld [tilespmem:$0x5140];
	[tilespmem:$0x5EA0] =	vst v53  }
0x197: {  	v60 =	vld [tilespmem:$0x5150];
	[tilespmem:$0x5EB0] =	vst v54  }
0x198: {  	v61 =	vld [tilespmem:$0x5160];
	[tilespmem:$0x5F00] =	vst v55  }
0x199: {  	v62 =	vld [tilespmem:$0x5170];
	[tilespmem:$0x5F10] =	vst v56  }
0x19a: {  	v63 =	vld [tilespmem:$0x5180];
	[tilespmem:$0x5F20] =	vst v57  }
0x19b: {  	v48 =	vld [tilespmem:$0x5190];
	[tilespmem:$0x5F30] =	vst v58  }
0x19c: {  	v49 =	vld [tilespmem:$0x51A0];
	[tilespmem:$0x5F80] =	vst v59  }
0x19d: {  	v50 =	vld [tilespmem:$0x51B0];
	[tilespmem:$0x5F90] =	vst v60  }
0x19e: {  	[tilespmem:$0x5FA0] =	vst v61;
	v51 =	vld [tilespmem:$0x51C0]  }
0x19f: {  	[tilespmem:$0x5FB0] =	vst v62;
	v52 =	vld [tilespmem:$0x51D0]  }
0x1a0: {  	[tilespmem:$0x6000] =	vst v63;
	v53 =	vld [tilespmem:$0x51E0]  }
0x1a1: {  	[tilespmem:$0x6010] =	vst v48;
	v54 =	vld [tilespmem:$0x51F0]  }
0x1a2: {  	[tilespmem:$0x6020] =	vst v49;
	v55 =	vld [tilespmem:$0x5200]  }
0x1a3: {  	[tilespmem:$0x6030] =	vst v50;
	v56 =	vld [tilespmem:$0x5210]  }
0x1a4: {  	v57 =	vld [tilespmem:$0x5220];
	[tilespmem:$0x6080] =	vst v51  }
0x1a5: {  	v58 =	vld [tilespmem:$0x5230];
	[tilespmem:$0x6090] =	vst v52  }
0x1a6: {  	v59 =	vld [tilespmem:$0x5240];
	[tilespmem:$0x60A0] =	vst v53  }
0x1a7: {  	v60 =	vld [tilespmem:$0x5250];
	[tilespmem:$0x60B0] =	vst v54  }
0x1a8: {  	v61 =	vld [tilespmem:$0x5260];
	[tilespmem:$0x6100] =	vst v55  }
0x1a9: {  	v62 =	vld [tilespmem:$0x5270];
	[tilespmem:$0x6110] =	vst v56  }
0x1aa: {  	v63 =	vld [tilespmem:$0x5280];
	[tilespmem:$0x6120] =	vst v57  }
0x1ab: {  	v48 =	vld [tilespmem:$0x5290];
	[tilespmem:$0x6130] =	vst v58  }
0x1ac: {  	v49 =	vld [tilespmem:$0x52A0];
	[tilespmem:$0x6180] =	vst v59  }
0x1ad: {  	v50 =	vld [tilespmem:$0x52B0];
	[tilespmem:$0x6190] =	vst v60  }
0x1ae: {  	[tilespmem:$0x61A0] =	vst v61;
	v51 =	vld [tilespmem:$0x52C0]  }
0x1af: {  	[tilespmem:$0x61B0] =	vst v62;
	v52 =	vld [tilespmem:$0x52D0]  }
0x1b0: {  	[tilespmem:$0x6200] =	vst v63;
	v53 =	vld [tilespmem:$0x52E0]  }
0x1b1: {  	[tilespmem:$0x6210] =	vst v48;
	v54 =	vld [tilespmem:$0x52F0]  }
0x1b2: {  	[tilespmem:$0x6220] =	vst v49;
	v55 =	vld [tilespmem:$0x5300]  }
0x1b3: {  	[tilespmem:$0x6230] =	vst v50;
	v56 =	vld [tilespmem:$0x5310]  }
0x1b4: {  	v57 =	vld [tilespmem:$0x5320];
	[tilespmem:$0x6280] =	vst v51  }
0x1b5: {  	v58 =	vld [tilespmem:$0x5330];
	[tilespmem:$0x6290] =	vst v52  }
0x1b6: {  	v59 =	vld [tilespmem:$0x5340];
	[tilespmem:$0x62A0] =	vst v53  }
0x1b7: {  	v60 =	vld [tilespmem:$0x5350];
	[tilespmem:$0x62B0] =	vst v54  }
0x1b8: {  	s29 =	simm.s32 $0xA400;
	s30 =	simm.s32 $0xAC00;
	v61 =	vld [tilespmem:$0x5360];
	[tilespmem:$0x6300] =	vst v55  }
0x1b9: {  	s7 =	simm.s32 $0xC400;
	s31 =	simm.s32 $0xCC00;
	s10 =	simm.s32 $0x12C00;
	v62 =	vld [tilespmem:$0x5370];
	[tilespmem:$0x6310] =	vst v56  }
0x1ba: {  	s14 =	simm.s32 $0xBC00;
	s15 =	simm.s32 $0xD400;
	p0 =	slt.s32 s2, $0x1;
	v63 =	vld [tilespmem:$0x1FFF0];
	[tilespmem:$0x6320] =	vst v57  }
.Ltmp13:
0x1bb: {  	s28 =	simm.s32 $0x13C00;
	s0 =	simm.s32 $0x13400;
	[tilespmem:$0x6330] =	vst v58;
	(pc) =	sbr.rel @p0 .LBB2_21-.Ltmp13, $4  }
0x1bc: {  	s26 =	simm.s32 $0x0;
	s22 =	simm.s32 $0x10C00;
	s25 =	simm.s32 $0xF400;
	[tilespmem:$0x6380] =	vst v59  }
0x1bd: {  	s17 =	simm.s32 $0x8C00;
	s6 =	simm.s32 $0x8400;
	s18 =	simm.s32 $0x12400;
	[tilespmem:$0x6390] =	vst v60  }
0x1be: {  	[dreg:$0x10] =	wrdreg s2;
	s2 =	simm.s32 $0xE400;
	s5 =	simm.s32 $0x6C00;
	[tilespmem:$0x63A0] =	vst v61  }
0x1bf: {  	s4 =	simm.s32 $0xEC00;
	s8 =	simm.s32 $0x10400;
	s9 =	simm.s32 $0xDC00;
	[tilespmem:$0x63B0] =	vst v62;
	vm0 =	vnez.u8 v63  }
.LBB2_18:
0x1c0: {  	s3 =	sshll.u32 s26, $0x6  }
0x1c1: {  	v40 =	vld [tilespmem:s3+$0x3A80];
	_ =	sdelay $0x4  }
0x1c2: {  	v41 =	vshll.u32 v40, $0x2  }
0x1c3: {  	v40 =	vand.u32 $0x7, v40;
	v41 =	vand.u32 $0xFFFFFFE0, v41  }
0x1c4: {  	v40 =	vor.u32 v40, v41  }
0x1c5: {  	v41 =	vperm.xlane v40, v37;
	_ =	sdelay $0x1  }
0x1c6: {  	v41 =	vadd.s32 v38, v41;
	_ =	sdelay $0x1  }
0x1c7: {  	v40 =	vperm.xlane v40, v39  }
0x1c8: {  	[dreg:$0x11] =	wrdreg s26  }
0x1c9: {  	s1 =	rddreg [dreg:$0x0];
	s26 =	simm.s32 $0x0;
	v40 =	vadd.s32 v38, v40  }
0x1ca: {  	[tilespmem:s11], [sflag:$0x1] =	stream.indirect_vreg.gather [hbm4b:s1+s26], $0x80, v41, vm0, $0xb8;
	[tilespmem:$0x1E400] =	vst v63  }
0x1cb: {  	s11 =	rddreg [dreg:$0x9]  }
0x1cc: {  	[tilespmem:s5], [sflag:$0x1] =	stream.indirect_vreg.gather [hbm4b:s11+s26], $0x80, v41, vm0, $0xb8;
	[tilespmem:$0x1E400] =	vst v63  }
0x1cd: {  	_ = 	snop  }
0x1ce: {  	[tilespmem:s6], [sflag:$0x1] =	stream.indirect_vreg.gather [hbm4b:s1+s26], $0x80, v40, vm0, $0xb8;
	[tilespmem:$0x1E400] =	vst v63  }
0x1cf: {  	_ = 	snop  }
0x1d0: {  	[tilespmem:s17], [sflag:$0x1] =	stream.indirect_vreg.gather [hbm4b:s11+s26], $0x80, v40, vm0, $0xb8;
	[tilespmem:$0x1E400] =	vst v63  }
0x1d1: {  	v40 =	vld [tilespmem:s3+$0x3A90];
	_ =	sdelay $0x4  }
0x1d2: {  	v49 =	vshll.u32 v40, $0x2  }
0x1d3: {  	v40 =	vand.u32 $0x7, v40;
	v41 =	vand.u32 $0xFFFFFFE0, v49  }
0x1d4: {  	v40 =	vor.u32 v40, v41  }
0x1d5: {  	v41 =	vperm.xlane v40, v37;
	_ =	sdelay $0x1  }
0x1d6: {  	v41 =	vadd.s32 v38, v41;
	_ =	sdelay $0x1  }
0x1d7: {  	v40 =	vperm.xlane v40, v39;
	_ =	sdelay $0x1  }
0x1d8: {  	v40 =	vadd.s32 v38, v40  }
0x1d9: {  	[tilespmem:s29], [sflag:$0x1] =	stream.indirect_vreg.gather [hbm4b:s1+s26], $0x80, v41, vm0, $0xb8;
	[tilespmem:$0x1E400] =	vst v63  }
0x1da: {  	_ = 	snop  }
0x1db: {  	[tilespmem:s30], [sflag:$0x1] =	stream.indirect_vreg.gather [hbm4b:s11+s26], $0x80, v41, vm0, $0xb8;
	[tilespmem:$0x1E400] =	vst v63  }
0x1dc: {  	_ = 	snop  }
0x1dd: {  	[tilespmem:s7], [sflag:$0x1] =	stream.indirect_vreg.gather [hbm4b:s1+s26], $0x80, v40, vm0, $0xb8;
	[tilespmem:$0x1E400] =	vst v63  }
0x1de: {  	_ = 	snop  }
0x1df: {  	[tilespmem:s31], [sflag:$0x1] =	stream.indirect_vreg.gather [hbm4b:s11+s26], $0x80, v40, vm0, $0xb8;
	[tilespmem:$0x1E400] =	vst v63  }
0x1e0: {  	v40 =	vld [tilespmem:s3+$0x3AA0];
	_ =	sdelay $0x4  }
0x1e1: {  	v50 =	vshll.u32 v40, $0x2  }
0x1e2: {  	v40 =	vand.u32 $0x7, v40;
	v41 =	vand.u32 $0xFFFFFFE0, v50  }
0x1e3: {  	v40 =	vor.u32 v40, v41  }
0x1e4: {  	v41 =	vperm.xlane v40, v37;
	_ =	sdelay $0x1  }
0x1e5: {  	v41 =	vadd.s32 v38, v41;
	_ =	sdelay $0x1  }
0x1e6: {  	v40 =	vperm.xlane v40, v39;
	_ =	sdelay $0x1  }
0x1e7: {  	v40 =	vadd.s32 v38, v40  }
0x1e8: {  	[tilespmem:s2], [sflag:$0x1] =	stream.indirect_vreg.gather [hbm4b:s1+s26], $0x80, v41, vm0, $0xb8;
	[tilespmem:$0x1E400] =	vst v63  }
0x1e9: {  	_ = 	snop  }
0x1ea: {  	[tilespmem:s4], [sflag:$0x1] =	stream.indirect_vreg.gather [hbm4b:s11+s26], $0x80, v41, vm0, $0xb8;
	[tilespmem:$0x1E400] =	vst v63  }
0x1eb: {  	_ = 	snop  }
0x1ec: {  	[tilespmem:s8], [sflag:$0x1] =	stream.indirect_vreg.gather [hbm4b:s1+s26], $0x80, v40, vm0, $0xb8;
	[tilespmem:$0x1E400] =	vst v63  }
0x1ed: {  	_ = 	snop  }
0x1ee: {  	[tilespmem:s22], [sflag:$0x1] =	stream.indirect_vreg.gather [hbm4b:s11+s26], $0x80, v40, vm0, $0xb8;
	[tilespmem:$0x1E400] =	vst v63  }
0x1ef: {  	v40 =	vld [tilespmem:s3+$0x3AB0];
	_ =	sdelay $0x4  }
0x1f0: {  	v51 =	vshll.u32 v40, $0x2  }
0x1f1: {  	v40 =	vand.u32 $0x7, v40;
	v41 =	vand.u32 $0xFFFFFFE0, v51  }
0x1f2: {  	v40 =	vor.u32 v40, v41  }
0x1f3: {  	v41 =	vperm.xlane v40, v37;
	_ =	sdelay $0x1  }
0x1f4: {  	v41 =	vadd.s32 v38, v41;
	_ =	sdelay $0x1  }
0x1f5: {  	v40 =	vperm.xlane v40, v39;
	_ =	sdelay $0x1  }
0x1f6: {  	v40 =	vadd.s32 v38, v40  }
0x1f7: {  	[tilespmem:s18], [sflag:$0x1] =	stream.indirect_vreg.gather [hbm4b:s1+s26], $0x80, v41, vm0, $0xb8;
	[tilespmem:$0x1E400] =	vst v63  }
0x1f8: {  	_ = 	snop  }
0x1f9: {  	[tilespmem:s10], [sflag:$0x1] =	stream.indirect_vreg.gather [hbm4b:s11+s26], $0x80, v41, vm0, $0xb8;
	[tilespmem:$0x1E400] =	vst v63  }
0x1fa: {  	s12 =	simm.s32 $0x14400  }
0x1fb: {  	[tilespmem:s12], [sflag:$0x1] =	stream.indirect_vreg.gather [hbm4b:s1+s26], $0x80, v40, vm0, $0xb8;
	[tilespmem:$0x1E400] =	vst v63  }
0x1fc: {  	s13 =	simm.s32 $0x14C00  }
0x1fd: {  	[tilespmem:s13], [sflag:$0x1] =	stream.indirect_vreg.gather [hbm4b:s11+s26], $0x80, v40, vm0, $0xb8;
	[tilespmem:$0x1E400] =	vst v63  }
0x1fe: {  	v40 =	vld [tilespmem:s3+$0x3A80];
	_ =	sdelay $0x4  }
0x1ff: {  	v52 =	vshll.u32 v40, $0x2  }
0x200: {  	v40 =	vand.u32 $0x7, v40;
	v41 =	vand.u32 $0xFFFFFFE0, v52  }
0x201: {  	v40 =	vor.u32 v40, v41  }
0x202: {  	v41 =	vperm.xlane v40, v37;
	_ =	sdelay $0x1  }
0x203: {  	v41 =	vadd.s32 v38, v41;
	_ =	sdelay $0x1  }
0x204: {  	v40 =	vperm.xlane v40, v39;
	_ =	sdelay $0x1  }
0x205: {  	s4 =	simm.s32 $0x7400;
	s18 =	rddreg [dreg:$0x1];
	v40 =	vadd.s32 v38, v40  }
0x206: {  	[tilespmem:s4], [sflag:$0x1] =	stream.indirect_vreg.gather [hbm4b:s18+s26], $0x80, v41, vm0, $0xb8;
	[tilespmem:$0x1E400] =	vst v63  }
0x207: {  	s7 =	simm.s32 $0x7C00;
	s31 =	rddreg [dreg:$0xa]  }
0x208: {  	[tilespmem:s7], [sflag:$0x1] =	stream.indirect_vreg.gather [hbm4b:s31+s26], $0x80, v41, vm0, $0xb8;
	[tilespmem:$0x1E400] =	vst v63  }
0x209: {  	s8 =	simm.s32 $0x9400  }
0x20a: {  	[tilespmem:s8], [sflag:$0x1] =	stream.indirect_vreg.gather [hbm4b:s18+s26], $0x80, v40, vm0, $0xb8;
	[tilespmem:$0x1E400] =	vst v63  }
0x20b: {  	s10 =	simm.s32 $0x9C00  }
0x20c: {  	[tilespmem:s10], [sflag:$0x1] =	stream.indirect_vreg.gather [hbm4b:s31+s26], $0x80, v40, vm0, $0xb8;
	[tilespmem:$0x1E400] =	vst v63  }
0x20d: {  	v40 =	vld [tilespmem:s3+$0x3A90];
	_ =	sdelay $0x4  }
0x20e: {  	v53 =	vshll.u32 v40, $0x2  }
0x20f: {  	v40 =	vand.u32 $0x7, v40;
	v41 =	vand.u32 $0xFFFFFFE0, v53  }
0x210: {  	v40 =	vor.u32 v40, v41  }
0x211: {  	v41 =	vperm.xlane v40, v37;
	_ =	sdelay $0x1  }
0x212: {  	v41 =	vadd.s32 v38, v41;
	_ =	sdelay $0x1  }
0x213: {  	v40 =	vperm.xlane v40, v39;
	_ =	sdelay $0x1  }
0x214: {  	s22 =	simm.s32 $0xB400;
	v40 =	vadd.s32 v38, v40  }
0x215: {  	[tilespmem:s22], [sflag:$0x1] =	stream.indirect_vreg.gather [hbm4b:s18+s26], $0x80, v41, vm0, $0xb8;
	[tilespmem:$0x1E400] =	vst v63  }
0x216: {  	_ = 	snop  }
0x217: {  	[tilespmem:s14], [sflag:$0x1] =	stream.indirect_vreg.gather [hbm4b:s31+s26], $0x80, v41, vm0, $0xb8;
	[tilespmem:$0x1E400] =	vst v63  }
0x218: {  	_ = 	snop  }
0x219: {  	[tilespmem:s15], [sflag:$0x1] =	stream.indirect_vreg.gather [hbm4b:s18+s26], $0x80, v40, vm0, $0xb8;
	[tilespmem:$0x1E400] =	vst v63  }
0x21a: {  	_ = 	snop  }
0x21b: {  	[tilespmem:s9], [sflag:$0x1] =	stream.indirect_vreg.gather [hbm4b:s31+s26], $0x80, v40, vm0, $0xb8;
	[tilespmem:$0x1E400] =	vst v63  }
0x21c: {  	v40 =	vld [tilespmem:s3+$0x3AA0];
	_ =	sdelay $0x4  }
0x21d: {  	v54 =	vshll.u32 v40, $0x2  }
0x21e: {  	v40 =	vand.u32 $0x7, v40;
	v41 =	vand.u32 $0xFFFFFFE0, v54  }
0x21f: {  	v40 =	vor.u32 v40, v41  }
0x220: {  	v41 =	vperm.xlane v40, v37;
	_ =	sdelay $0x1  }
0x221: {  	v41 =	vadd.s32 v38, v41;
	_ =	sdelay $0x1  }
0x222: {  	v40 =	vperm.xlane v40, v39;
	_ =	sdelay $0x1  }
0x223: {  	v40 =	vadd.s32 v38, v40  }
0x224: {  	[tilespmem:s25], [sflag:$0x1] =	stream.indirect_vreg.gather [hbm4b:s18+s26], $0x80, v41, vm0, $0xb8;
	[tilespmem:$0x1E400] =	vst v63  }
0x225: {  	s6 =	simm.s32 $0xFC00  }
0x226: {  	[tilespmem:s6], [sflag:$0x1] =	stream.indirect_vreg.gather [hbm4b:s31+s26], $0x80, v41, vm0, $0xb8;
	[tilespmem:$0x1E400] =	vst v63  }
0x227: {  	s9 =	simm.s32 $0x11400  }
0x228: {  	[tilespmem:s9], [sflag:$0x1] =	stream.indirect_vreg.gather [hbm4b:s18+s26], $0x80, v40, vm0, $0xb8;
	[tilespmem:$0x1E400] =	vst v63  }
0x229: {  	s11 =	simm.s32 $0x11C00  }
0x22a: {  	[tilespmem:s11], [sflag:$0x1] =	stream.indirect_vreg.gather [hbm4b:s31+s26], $0x80, v40, vm0, $0xb8;
	[tilespmem:$0x1E400] =	vst v63  }
0x22b: {  	v40 =	vld [tilespmem:s3+$0x3AB0];
	_ =	sdelay $0x4  }
0x22c: {  	v55 =	vshll.u32 v40, $0x2  }
0x22d: {  	v40 =	vand.u32 $0x7, v40;
	v41 =	vand.u32 $0xFFFFFFE0, v55  }
0x22e: {  	v40 =	vor.u32 v40, v41  }
0x22f: {  	v41 =	vperm.xlane v40, v37;
	_ =	sdelay $0x1  }
0x230: {  	v41 =	vadd.s32 v38, v41;
	_ =	sdelay $0x1  }
0x231: {  	v40 =	vperm.xlane v40, v39;
	_ =	sdelay $0x1  }
0x232: {  	v40 =	vadd.s32 v38, v40  }
0x233: {  	[tilespmem:s0], [sflag:$0x1] =	stream.indirect_vreg.gather [hbm4b:s18+s26], $0x80, v41, vm0, $0xb8;
	[tilespmem:$0x1E400] =	vst v63  }
0x234: {  	_ = 	snop  }
0x235: {  	[tilespmem:s28], [sflag:$0x1] =	stream.indirect_vreg.gather [hbm4b:s31+s26], $0x80, v41, vm0, $0xb8;
	[tilespmem:$0x1E400] =	vst v63  }
0x236: {  	s16 =	simm.s32 $0x15400  }
0x237: {  	[tilespmem:s16], [sflag:$0x1] =	stream.indirect_vreg.gather [hbm4b:s18+s26], $0x80, v40, vm0, $0xb8;
	[tilespmem:$0x1E400] =	vst v63  }
0x238: {  	s12 =	simm.s32 $0x15C00  }
0x239: {  	[tilespmem:s12], [sflag:$0x1] =	stream.indirect_vreg.gather [hbm4b:s31+s26], $0x80, v40, vm0, $0xb8;
	[tilespmem:$0x1E400] =	vst v63  }
0x23a: {  	v40 =	vld [tilespmem:s3+$0x4300];
	_ =	sdelay $0x4  }
0x23b: {  	v56 =	vshll.u32 v40, $0x2  }
0x23c: {  	v40 =	vand.u32 $0x7, v40;
	v41 =	vand.u32 $0xFFFFFFE0, v56  }
0x23d: {  	v40 =	vor.u32 v40, v41  }
0x23e: {  	v41 =	vperm.xlane v40, v37;
	_ =	sdelay $0x1  }
0x23f: {  	v41 =	vadd.s32 v38, v41;
	_ =	sdelay $0x1  }
0x240: {  	v40 =	vperm.xlane v40, v39;
	_ =	sdelay $0x1  }
0x241: {  	s1 =	rddreg [dreg:$0x2];
	s13 =	simm.s32 $0x16400;
	v40 =	vadd.s32 v38, v40  }
0x242: {  	[tilespmem:s13], [sflag:$0x1] =	stream.indirect_vreg.gather [hbm4b:s1+s26], $0x80, v41, vm0, $0xb8;
	[tilespmem:$0x1E400] =	vst v63  }
0x243: {  	s2 =	rddreg [dreg:$0xb];
	s14 =	simm.s32 $0x16C00  }
0x244: {  	[tilespmem:s14], [sflag:$0x1] =	stream.indirect_vreg.gather [hbm4b:s2+s26], $0x80, v41, vm0, $0xb8;
	[tilespmem:$0x1E400] =	vst v63  }
0x245: {  	s15 =	simm.s32 $0x17400  }
0x246: {  	[tilespmem:s15], [sflag:$0x1] =	stream.indirect_vreg.gather [hbm4b:s1+s26], $0x80, v40, vm0, $0xb8;
	[tilespmem:$0x1E400] =	vst v63  }
0x247: {  	s16 =	simm.s32 $0x17C00  }
0x248: {  	[tilespmem:s16], [sflag:$0x1] =	stream.indirect_vreg.gather [hbm4b:s2+s26], $0x80, v40, vm0, $0xb8;
	[tilespmem:$0x1E400] =	vst v63  }
0x249: {  	v40 =	vld [tilespmem:s3+$0x4310];
	_ =	sdelay $0x4  }
0x24a: {  	v57 =	vshll.u32 v40, $0x2  }
0x24b: {  	v40 =	vand.u32 $0x7, v40;
	v41 =	vand.u32 $0xFFFFFFE0, v57  }
0x24c: {  	v40 =	vor.u32 v40, v41  }
0x24d: {  	v41 =	vperm.xlane v40, v37;
	_ =	sdelay $0x1  }
0x24e: {  	v41 =	vadd.s32 v38, v41;
	_ =	sdelay $0x1  }
0x24f: {  	v40 =	vperm.xlane v40, v39;
	_ =	sdelay $0x1  }
0x250: {  	s17 =	simm.s32 $0x18400;
	v40 =	vadd.s32 v38, v40  }
0x251: {  	[tilespmem:s17], [sflag:$0x1] =	stream.indirect_vreg.gather [hbm4b:s1+s26], $0x80, v41, vm0, $0xb8;
	[tilespmem:$0x1E400] =	vst v63  }
0x252: {  	s18 =	simm.s32 $0x18C00  }
0x253: {  	[tilespmem:s18], [sflag:$0x1] =	stream.indirect_vreg.gather [hbm4b:s2+s26], $0x80, v41, vm0, $0xb8;
	[tilespmem:$0x1E400] =	vst v63  }
0x254: {  	s25 =	simm.s32 $0x19400  }
0x255: {  	[tilespmem:s25], [sflag:$0x1] =	stream.indirect_vreg.gather [hbm4b:s1+s26], $0x80, v40, vm0, $0xb8;
	[tilespmem:$0x1E400] =	vst v63  }
0x256: {  	s31 =	simm.s32 $0x19C00  }
0x257: {  	[tilespmem:s31], [sflag:$0x1] =	stream.indirect_vreg.gather [hbm4b:s2+s26], $0x80, v40, vm0, $0xb8;
	[tilespmem:$0x1E400] =	vst v63  }
0x258: {  	v40 =	vld [tilespmem:s3+$0x4320];
	_ =	sdelay $0x4  }
0x259: {  	v58 =	vshll.u32 v40, $0x2  }
0x25a: {  	v40 =	vand.u32 $0x7, v40;
	v41 =	vand.u32 $0xFFFFFFE0, v58  }
0x25b: {  	v40 =	vor.u32 v40, v41  }
0x25c: {  	v41 =	vperm.xlane v40, v37;
	_ =	sdelay $0x1  }
0x25d: {  	v41 =	vadd.s32 v38, v41;
	_ =	sdelay $0x1  }
0x25e: {  	v40 =	vperm.xlane v40, v39;
	_ =	sdelay $0x1  }
0x25f: {  	s5 =	simm.s32 $0x1A400;
	v40 =	vadd.s32 v38, v40  }
0x260: {  	[tilespmem:s5], [sflag:$0x1] =	stream.indirect_vreg.gather [hbm4b:s1+s26], $0x80, v41, vm0, $0xb8;
	[tilespmem:$0x1E400] =	vst v63  }
0x261: {  	s6 =	simm.s32 $0x1AC00  }
0x262: {  	[tilespmem:s6], [sflag:$0x1] =	stream.indirect_vreg.gather [hbm4b:s2+s26], $0x80, v41, vm0, $0xb8;
	[tilespmem:$0x1E400] =	vst v63  }
0x263: {  	s9 =	simm.s32 $0x1B400  }
0x264: {  	[tilespmem:s9], [sflag:$0x1] =	stream.indirect_vreg.gather [hbm4b:s1+s26], $0x80, v40, vm0, $0xb8;
	[tilespmem:$0x1E400] =	vst v63  }
0x265: {  	s11 =	simm.s32 $0x1BC00  }
0x266: {  	[tilespmem:s11], [sflag:$0x1] =	stream.indirect_vreg.gather [hbm4b:s2+s26], $0x80, v40, vm0, $0xb8;
	[tilespmem:$0x1E400] =	vst v63  }
0x267: {  	v40 =	vld [tilespmem:s3+$0x4330];
	_ =	sdelay $0x4  }
0x268: {  	v59 =	vshll.u32 v40, $0x2  }
0x269: {  	v40 =	vand.u32 $0x7, v40;
	v41 =	vand.u32 $0xFFFFFFE0, v59  }
0x26a: {  	v40 =	vor.u32 v40, v41  }
0x26b: {  	v41 =	vperm.xlane v40, v37;
	_ =	sdelay $0x1  }
0x26c: {  	v41 =	vadd.s32 v38, v41;
	_ =	sdelay $0x1  }
0x26d: {  	v40 =	vperm.xlane v40, v39;
	_ =	sdelay $0x1  }
0x26e: {  	s12 =	simm.s32 $0x1C400;
	v40 =	vadd.s32 v38, v40  }
0x26f: {  	[tilespmem:s12], [sflag:$0x1] =	stream.indirect_vreg.gather [hbm4b:s1+s26], $0x80, v41, vm0, $0xb8;
	[tilespmem:$0x1E400] =	vst v63  }
0x270: {  	s13 =	simm.s32 $0x1CC00  }
0x271: {  	[tilespmem:s13], [sflag:$0x1] =	stream.indirect_vreg.gather [hbm4b:s2+s26], $0x80, v41, vm0, $0xb8;
	[tilespmem:$0x1E400] =	vst v63  }
0x272: {  	s14 =	simm.s32 $0x1D400  }
0x273: {  	[tilespmem:s14], [sflag:$0x1] =	stream.indirect_vreg.gather [hbm4b:s1+s26], $0x80, v40, vm0, $0xb8;
	[tilespmem:$0x1E400] =	vst v63  }
0x274: {  	s15 =	simm.s32 $0x1DC00;
	s16 =	simm.s32 $0x1  }
0x275: {  	[tilespmem:s15], [sflag:$0x1] =	stream.indirect_vreg.gather [hbm4b:s2+s26], $0x80, v40, vm0, $0xb8;
	[tilespmem:$0x1E400] =	vst v63  }
0x276: {  	_ =	swait.ge [sflag:s16], $0x8000  }
0x277: {  	[sflag:s16] =	ssyncset.done $0x0  }
0x278: {  	[sflag:s16] =	ssyncadd.s32 $0xFFFF8000  }
0x279: {  	_ =	swait.ge [sflag:s16], $0x8000  }
0x27a: {  	[sflag:s16] =	ssyncset.done $0x0  }
0x27b: {  	[sflag:s16] =	ssyncadd.s32 $0xFFFF8000  }
0x27c: {  	s17 =	simm.s32 $0x0;
	s18 =	sand.u32 $0x380, s26;
	_ =	swait.ge [sflag:s16], $0x8000  }
0x27d: {  	s25 =	simm.s32 $0x0;
	s1 =	sand.u32 $0x3FFFE000, s17;
	[sflag:s16] =	ssyncset.done $0x0  }
0x27e: {  	s3 =	sor.u32 s18, s1;
	s26 =	sand.u32 $0x3FFFF000, s25;
	[sflag:s16] =	ssyncadd.s32 $0xFFFF8000  }
0x27f: {  	s1 =	sor.u32 s18, s26;
	v60 =	vld [tilespmem:s3+$0x7400]  }
0x280: {  	v61 =	vld [tilespmem:s1+$0x16400];
	_ =	sdelay $0x4  }
0x281: {  	v40 =	vadd.f32 v61, v60;
	_ =	sdelay $0x1  }
0x282: {  	s5 =	sadd.s32 $0x16400, s1;
	v62 =	vld [tilespmem:s3+$0x7410];
	[tilespmem:s3+$0x7400] =	vst v40  }
0x283: {  	v63 =	vld [tilespmem:s5+$0x10];
	_ =	sdelay $0x4  }
0x284: {  	v40 =	vadd.f32 v63, v62;
	_ =	sdelay $0x1  }
0x285: {  	v44 =	vld [tilespmem:s3+$0x7420];
	[tilespmem:s3+$0x7410] =	vst v40  }
0x286: {  	v45 =	vld [tilespmem:s5+$0x20];
	_ =	sdelay $0x4  }
0x287: {  	v40 =	vadd.f32 v45, v44;
	_ =	sdelay $0x1  }
0x288: {  	v46 =	vld [tilespmem:s3+$0x7430];
	[tilespmem:s3+$0x7420] =	vst v40  }
0x289: {  	v47 =	vld [tilespmem:s5+$0x30];
	_ =	sdelay $0x4  }
0x28a: {  	v40 =	vadd.f32 v47, v46;
	_ =	sdelay $0x1  }
0x28b: {  	v48 =	vld [tilespmem:s3+$0x7440];
	[tilespmem:s3+$0x7430] =	vst v40  }
0x28c: {  	v49 =	vld [tilespmem:s5+$0x40];
	_ =	sdelay $0x4  }
0x28d: {  	v40 =	vadd.f32 v49, v48;
	_ =	sdelay $0x1  }
0x28e: {  	v50 =	vld [tilespmem:s3+$0x7450];
	[tilespmem:s3+$0x7440] =	vst v40  }
0x28f: {  	v51 =	vld [tilespmem:s5+$0x50];
	_ =	sdelay $0x4  }
0x290: {  	v40 =	vadd.f32 v51, v50;
	_ =	sdelay $0x1  }
0x291: {  	v52 =	vld [tilespmem:s3+$0x7460];
	[tilespmem:s3+$0x7450] =	vst v40  }
0x292: {  	v53 =	vld [tilespmem:s5+$0x60];
	_ =	sdelay $0x4  }
0x293: {  	v40 =	vadd.f32 v53, v52;
	_ =	sdelay $0x1  }
0x294: {  	v54 =	vld [tilespmem:s3+$0x7470];
	[tilespmem:s3+$0x7460] =	vst v40  }
0x295: {  	v55 =	vld [tilespmem:s5+$0x70];
	_ =	sdelay $0x4  }
0x296: {  	v40 =	vadd.f32 v55, v54;
	_ =	sdelay $0x1  }
0x297: {  	v56 =	vld [tilespmem:s3+$0x7800];
	[tilespmem:s3+$0x7470] =	vst v40  }
0x298: {  	v57 =	vld [tilespmem:s5+$0x400];
	_ =	sdelay $0x4  }
0x299: {  	v40 =	vadd.f32 v57, v56;
	_ =	sdelay $0x1  }
0x29a: {  	v58 =	vld [tilespmem:s3+$0x7810];
	[tilespmem:s3+$0x7800] =	vst v40  }
0x29b: {  	v59 =	vld [tilespmem:s5+$0x410];
	_ =	sdelay $0x4  }
0x29c: {  	v40 =	vadd.f32 v59, v58;
	_ =	sdelay $0x1  }
0x29d: {  	v60 =	vld [tilespmem:s3+$0x7820];
	[tilespmem:s3+$0x7810] =	vst v40  }
0x29e: {  	v61 =	vld [tilespmem:s5+$0x420];
	_ =	sdelay $0x4  }
0x29f: {  	v40 =	vadd.f32 v61, v60;
	_ =	sdelay $0x1  }
0x2a0: {  	v62 =	vld [tilespmem:s3+$0x7830];
	[tilespmem:s3+$0x7820] =	vst v40  }
0x2a1: {  	v63 =	vld [tilespmem:s5+$0x430];
	_ =	sdelay $0x4  }
0x2a2: {  	v40 =	vadd.f32 v63, v62;
	_ =	sdelay $0x1  }
0x2a3: {  	v44 =	vld [tilespmem:s3+$0x7840];
	[tilespmem:s3+$0x7830] =	vst v40  }
0x2a4: {  	v45 =	vld [tilespmem:s5+$0x440];
	_ =	sdelay $0x4  }
0x2a5: {  	v40 =	vadd.f32 v45, v44;
	_ =	sdelay $0x1  }
0x2a6: {  	v46 =	vld [tilespmem:s3+$0x7850];
	[tilespmem:s3+$0x7840] =	vst v40  }
0x2a7: {  	v47 =	vld [tilespmem:s5+$0x450];
	_ =	sdelay $0x4  }
0x2a8: {  	v40 =	vadd.f32 v47, v46;
	_ =	sdelay $0x1  }
0x2a9: {  	v48 =	vld [tilespmem:s3+$0x7860];
	[tilespmem:s3+$0x7850] =	vst v40  }
0x2aa: {  	v49 =	vld [tilespmem:s5+$0x460];
	_ =	sdelay $0x4  }
0x2ab: {  	v40 =	vadd.f32 v49, v48;
	_ =	sdelay $0x1  }
0x2ac: {  	v50 =	vld [tilespmem:s3+$0x7870];
	[tilespmem:s3+$0x7860] =	vst v40  }
0x2ad: {  	v51 =	vld [tilespmem:s5+$0x470];
	_ =	sdelay $0x4  }
0x2ae: {  	v40 =	vadd.f32 v51, v50;
	_ =	sdelay $0x1  }
0x2af: {  	v52 =	vld [tilespmem:s3+$0x7C00];
	[tilespmem:s3+$0x7870] =	vst v40  }
0x2b0: {  	v53 =	vld [tilespmem:s5+$0x800];
	_ =	sdelay $0x4  }
0x2b1: {  	v40 =	vadd.f32 v53, v52;
	_ =	sdelay $0x1  }
0x2b2: {  	v54 =	vld [tilespmem:s3+$0x7C10];
	[tilespmem:s3+$0x7C00] =	vst v40  }
0x2b3: {  	v55 =	vld [tilespmem:s5+$0x810];
	_ =	sdelay $0x4  }
0x2b4: {  	v40 =	vadd.f32 v55, v54;
	_ =	sdelay $0x1  }
0x2b5: {  	v56 =	vld [tilespmem:s3+$0x7C20];
	[tilespmem:s3+$0x7C10] =	vst v40  }
0x2b6: {  	v57 =	vld [tilespmem:s5+$0x820];
	_ =	sdelay $0x4  }
0x2b7: {  	v40 =	vadd.f32 v57, v56;
	_ =	sdelay $0x1  }
0x2b8: {  	v58 =	vld [tilespmem:s3+$0x7C30];
	[tilespmem:s3+$0x7C20] =	vst v40  }
0x2b9: {  	v59 =	vld [tilespmem:s5+$0x830];
	_ =	sdelay $0x4  }
0x2ba: {  	v40 =	vadd.f32 v59, v58;
	_ =	sdelay $0x1  }
0x2bb: {  	v60 =	vld [tilespmem:s3+$0x7C40];
	[tilespmem:s3+$0x7C30] =	vst v40  }
0x2bc: {  	v61 =	vld [tilespmem:s5+$0x840];
	_ =	sdelay $0x4  }
0x2bd: {  	v40 =	vadd.f32 v61, v60;
	_ =	sdelay $0x1  }
0x2be: {  	v62 =	vld [tilespmem:s3+$0x7C50];
	[tilespmem:s3+$0x7C40] =	vst v40  }
0x2bf: {  	v63 =	vld [tilespmem:s5+$0x850];
	_ =	sdelay $0x4  }
0x2c0: {  	v40 =	vadd.f32 v63, v62;
	_ =	sdelay $0x1  }
0x2c1: {  	v44 =	vld [tilespmem:s3+$0x7C60];
	[tilespmem:s3+$0x7C50] =	vst v40  }
0x2c2: {  	v45 =	vld [tilespmem:s5+$0x860];
	_ =	sdelay $0x4  }
0x2c3: {  	v40 =	vadd.f32 v45, v44;
	_ =	sdelay $0x1  }
0x2c4: {  	v46 =	vld [tilespmem:s3+$0x7C70];
	[tilespmem:s3+$0x7C60] =	vst v40  }
0x2c5: {  	v47 =	vld [tilespmem:s5+$0x870];
	_ =	sdelay $0x4  }
0x2c6: {  	v40 =	vadd.f32 v47, v46;
	_ =	sdelay $0x1  }
0x2c7: {  	v48 =	vld [tilespmem:s3+$0x8000];
	[tilespmem:s3+$0x7C70] =	vst v40  }
0x2c8: {  	v49 =	vld [tilespmem:s5+$0xC00];
	_ =	sdelay $0x4  }
0x2c9: {  	v40 =	vadd.f32 v49, v48;
	_ =	sdelay $0x1  }
0x2ca: {  	v50 =	vld [tilespmem:s3+$0x8010];
	[tilespmem:s3+$0x8000] =	vst v40  }
0x2cb: {  	v51 =	vld [tilespmem:s5+$0xC10];
	_ =	sdelay $0x4  }
0x2cc: {  	v40 =	vadd.f32 v51, v50;
	_ =	sdelay $0x1  }
0x2cd: {  	v52 =	vld [tilespmem:s3+$0x8020];
	[tilespmem:s3+$0x8010] =	vst v40  }
0x2ce: {  	v53 =	vld [tilespmem:s5+$0xC20];
	_ =	sdelay $0x4  }
0x2cf: {  	v40 =	vadd.f32 v53, v52;
	_ =	sdelay $0x1  }
0x2d0: {  	v54 =	vld [tilespmem:s3+$0x8030];
	[tilespmem:s3+$0x8020] =	vst v40  }
0x2d1: {  	v55 =	vld [tilespmem:s5+$0xC30];
	_ =	sdelay $0x4  }
0x2d2: {  	v40 =	vadd.f32 v55, v54;
	_ =	sdelay $0x1  }
0x2d3: {  	v56 =	vld [tilespmem:s3+$0x8040];
	[tilespmem:s3+$0x8030] =	vst v40  }
0x2d4: {  	v57 =	vld [tilespmem:s5+$0xC40];
	_ =	sdelay $0x4  }
0x2d5: {  	v40 =	vadd.f32 v57, v56;
	_ =	sdelay $0x1  }
0x2d6: {  	v58 =	vld [tilespmem:s3+$0x8050];
	[tilespmem:s3+$0x8040] =	vst v40  }
0x2d7: {  	v59 =	vld [tilespmem:s5+$0xC50];
	_ =	sdelay $0x4  }
0x2d8: {  	v40 =	vadd.f32 v59, v58;
	_ =	sdelay $0x1  }
0x2d9: {  	v60 =	vld [tilespmem:s3+$0x8060];
	[tilespmem:s3+$0x8050] =	vst v40  }
0x2da: {  	v61 =	vld [tilespmem:s5+$0xC60];
	_ =	sdelay $0x4  }
0x2db: {  	v40 =	vadd.f32 v61, v60;
	_ =	sdelay $0x1  }
0x2dc: {  	v62 =	vld [tilespmem:s3+$0x8070];
	[tilespmem:s3+$0x8060] =	vst v40  }
0x2dd: {  	v63 =	vld [tilespmem:s5+$0xC70];
	_ =	sdelay $0x1  }
0x2de: {  	s30 =	simm.s32 $0x200;
	s28 =	simm.s32 $0x11400;
	s31 =	simm.s32 $0x400  }
0x2df: {  	s29 =	sand.u32 $0x3FFFE000, s31;
	s6 =	simm.s32 $0x2;
	s9 =	simm.s32 $0xF400  }
0x2e0: {  	s14 =	simm.s32 $0xD400;
	s15 =	simm.s32 $0xDC00;
	s5 =	simm.s32 $0x80  }
0x2e1: {  	s25 =	simm.s32 $0xFC00;
	s18 =	simm.s32 $0xBC00;
	s17 =	sand.u32 $0x380, s5;
	v40 =	vadd.f32 v63, v62  }
.LBB2_19:
0x2e2: {  	p0 =	sne.s32 s6, $0x3F;
	s1 =	sor.u32 s17, s29;
	s29 =	sand.u32 $0x3FFFF000, s30  }
0x2e3: {  	v41 =	vld [tilespmem:s1+$0x7400];
	s17 =	sor.u32 s17, s29;
	[tilespmem:s3+$0x8070] =	vst v40;
	s3 =	smov.u32 s1  }
0x2e4: {  	v40 =	vld [tilespmem:s17+$0x16400];
	_ =	sdelay $0x4  }
0x2e5: {  	v40 =	vadd.f32 v40, v41;
	_ =	sdelay $0x1  }
0x2e6: {  	s17 =	sadd.s32 $0x16400, s17;
	[tilespmem:s3+$0x7400] =	vst v40;
	v40 =	vld [tilespmem:s3+$0x7410]  }
0x2e7: {  	v41 =	vld [tilespmem:s17+$0x10];
	_ =	sdelay $0x4  }
0x2e8: {  	v40 =	vadd.f32 v41, v40;
	_ =	sdelay $0x1  }
0x2e9: {  	[tilespmem:s3+$0x7410] =	vst v40;
	v40 =	vld [tilespmem:s3+$0x7420]  }
0x2ea: {  	v41 =	vld [tilespmem:s17+$0x20];
	_ =	sdelay $0x4  }
0x2eb: {  	v40 =	vadd.f32 v41, v40;
	_ =	sdelay $0x1  }
0x2ec: {  	[tilespmem:s3+$0x7420] =	vst v40;
	v40 =	vld [tilespmem:s3+$0x7430]  }
0x2ed: {  	v41 =	vld [tilespmem:s17+$0x30];
	_ =	sdelay $0x4  }
0x2ee: {  	v40 =	vadd.f32 v41, v40;
	_ =	sdelay $0x1  }
0x2ef: {  	[tilespmem:s3+$0x7430] =	vst v40;
	v40 =	vld [tilespmem:s3+$0x7440]  }
0x2f0: {  	v41 =	vld [tilespmem:s17+$0x40];
	_ =	sdelay $0x4  }
0x2f1: {  	v40 =	vadd.f32 v41, v40;
	_ =	sdelay $0x1  }
0x2f2: {  	[tilespmem:s3+$0x7440] =	vst v40;
	v40 =	vld [tilespmem:s3+$0x7450]  }
0x2f3: {  	v41 =	vld [tilespmem:s17+$0x50];
	_ =	sdelay $0x4  }
0x2f4: {  	v40 =	vadd.f32 v41, v40;
	_ =	sdelay $0x1  }
0x2f5: {  	[tilespmem:s3+$0x7450] =	vst v40;
	v40 =	vld [tilespmem:s3+$0x7460]  }
0x2f6: {  	v41 =	vld [tilespmem:s17+$0x60];
	_ =	sdelay $0x4  }
0x2f7: {  	v40 =	vadd.f32 v41, v40;
	_ =	sdelay $0x1  }
0x2f8: {  	[tilespmem:s3+$0x7460] =	vst v40;
	v40 =	vld [tilespmem:s3+$0x7470]  }
0x2f9: {  	v41 =	vld [tilespmem:s17+$0x70];
	_ =	sdelay $0x4  }
0x2fa: {  	v40 =	vadd.f32 v41, v40;
	_ =	sdelay $0x1  }
0x2fb: {  	[tilespmem:s3+$0x7470] =	vst v40;
	v40 =	vld [tilespmem:s3+$0x7800]  }
0x2fc: {  	v41 =	vld [tilespmem:s17+$0x400];
	_ =	sdelay $0x4  }
0x2fd: {  	v40 =	vadd.f32 v41, v40;
	_ =	sdelay $0x1  }
0x2fe: {  	[tilespmem:s3+$0x7800] =	vst v40;
	v40 =	vld [tilespmem:s3+$0x7810]  }
0x2ff: {  	v41 =	vld [tilespmem:s17+$0x410];
	_ =	sdelay $0x4  }
0x300: {  	v40 =	vadd.f32 v41, v40;
	_ =	sdelay $0x1  }
0x301: {  	[tilespmem:s3+$0x7810] =	vst v40;
	v40 =	vld [tilespmem:s3+$0x7820]  }
0x302: {  	v41 =	vld [tilespmem:s17+$0x420];
	_ =	sdelay $0x4  }
0x303: {  	v40 =	vadd.f32 v41, v40;
	_ =	sdelay $0x1  }
0x304: {  	[tilespmem:s3+$0x7820] =	vst v40;
	v40 =	vld [tilespmem:s3+$0x7830]  }
0x305: {  	v41 =	vld [tilespmem:s17+$0x430];
	_ =	sdelay $0x4  }
0x306: {  	v40 =	vadd.f32 v41, v40;
	_ =	sdelay $0x1  }
0x307: {  	[tilespmem:s3+$0x7830] =	vst v40;
	v40 =	vld [tilespmem:s3+$0x7840]  }
0x308: {  	v41 =	vld [tilespmem:s17+$0x440];
	_ =	sdelay $0x4  }
0x309: {  	v40 =	vadd.f32 v41, v40;
	_ =	sdelay $0x1  }
0x30a: {  	[tilespmem:s3+$0x7840] =	vst v40;
	v40 =	vld [tilespmem:s3+$0x7850]  }
0x30b: {  	v41 =	vld [tilespmem:s17+$0x450];
	_ =	sdelay $0x4  }
0x30c: {  	v40 =	vadd.f32 v41, v40;
	_ =	sdelay $0x1  }
0x30d: {  	[tilespmem:s3+$0x7850] =	vst v40;
	v40 =	vld [tilespmem:s3+$0x7860]  }
0x30e: {  	v41 =	vld [tilespmem:s17+$0x460];
	_ =	sdelay $0x4  }
0x30f: {  	v40 =	vadd.f32 v41, v40;
	_ =	sdelay $0x1  }
0x310: {  	[tilespmem:s3+$0x7860] =	vst v40;
	v40 =	vld [tilespmem:s3+$0x7870]  }
0x311: {  	v41 =	vld [tilespmem:s17+$0x470];
	_ =	sdelay $0x4  }
0x312: {  	v40 =	vadd.f32 v41, v40;
	_ =	sdelay $0x1  }
0x313: {  	[tilespmem:s3+$0x7870] =	vst v40;
	v40 =	vld [tilespmem:s3+$0x7C00]  }
0x314: {  	v41 =	vld [tilespmem:s17+$0x800];
	_ =	sdelay $0x4  }
0x315: {  	v40 =	vadd.f32 v41, v40;
	_ =	sdelay $0x1  }
0x316: {  	[tilespmem:s3+$0x7C00] =	vst v40;
	v40 =	vld [tilespmem:s3+$0x7C10]  }
0x317: {  	v41 =	vld [tilespmem:s17+$0x810];
	_ =	sdelay $0x4  }
0x318: {  	v40 =	vadd.f32 v41, v40;
	_ =	sdelay $0x1  }
0x319: {  	[tilespmem:s3+$0x7C10] =	vst v40;
	v40 =	vld [tilespmem:s3+$0x7C20]  }
0x31a: {  	v41 =	vld [tilespmem:s17+$0x820];
	_ =	sdelay $0x4  }
0x31b: {  	v40 =	vadd.f32 v41, v40;
	_ =	sdelay $0x1  }
0x31c: {  	[tilespmem:s3+$0x7C20] =	vst v40;
	v40 =	vld [tilespmem:s3+$0x7C30]  }
0x31d: {  	v41 =	vld [tilespmem:s17+$0x830];
	_ =	sdelay $0x4  }
0x31e: {  	v40 =	vadd.f32 v41, v40;
	_ =	sdelay $0x1  }
0x31f: {  	[tilespmem:s3+$0x7C30] =	vst v40;
	v40 =	vld [tilespmem:s3+$0x7C40]  }
0x320: {  	v41 =	vld [tilespmem:s17+$0x840];
	_ =	sdelay $0x4  }
0x321: {  	v40 =	vadd.f32 v41, v40;
	_ =	sdelay $0x1  }
0x322: {  	[tilespmem:s3+$0x7C40] =	vst v40;
	v40 =	vld [tilespmem:s3+$0x7C50]  }
0x323: {  	v41 =	vld [tilespmem:s17+$0x850];
	_ =	sdelay $0x4  }
0x324: {  	v40 =	vadd.f32 v41, v40;
	_ =	sdelay $0x1  }
0x325: {  	[tilespmem:s3+$0x7C50] =	vst v40;
	v40 =	vld [tilespmem:s3+$0x7C60]  }
0x326: {  	v41 =	vld [tilespmem:s17+$0x860];
	_ =	sdelay $0x4  }
0x327: {  	v40 =	vadd.f32 v41, v40;
	_ =	sdelay $0x1  }
0x328: {  	[tilespmem:s3+$0x7C60] =	vst v40;
	v40 =	vld [tilespmem:s3+$0x7C70]  }
0x329: {  	v41 =	vld [tilespmem:s17+$0x870];
	_ =	sdelay $0x4  }
0x32a: {  	v40 =	vadd.f32 v41, v40;
	_ =	sdelay $0x1  }
0x32b: {  	[tilespmem:s3+$0x7C70] =	vst v40;
	v40 =	vld [tilespmem:s3+$0x8000]  }
0x32c: {  	v41 =	vld [tilespmem:s17+$0xC00];
	_ =	sdelay $0x4  }
0x32d: {  	v40 =	vadd.f32 v41, v40;
	_ =	sdelay $0x1  }
0x32e: {  	[tilespmem:s3+$0x8000] =	vst v40;
	v40 =	vld [tilespmem:s3+$0x8010]  }
0x32f: {  	v41 =	vld [tilespmem:s17+$0xC10];
	_ =	sdelay $0x4  }
0x330: {  	v40 =	vadd.f32 v41, v40;
	_ =	sdelay $0x1  }
0x331: {  	[tilespmem:s3+$0x8010] =	vst v40;
	v40 =	vld [tilespmem:s3+$0x8020]  }
0x332: {  	v41 =	vld [tilespmem:s17+$0xC20];
	_ =	sdelay $0x4  }
0x333: {  	v40 =	vadd.f32 v41, v40;
	_ =	sdelay $0x1  }
0x334: {  	[tilespmem:s3+$0x8020] =	vst v40;
	v40 =	vld [tilespmem:s3+$0x8030]  }
0x335: {  	v41 =	vld [tilespmem:s17+$0xC30];
	_ =	sdelay $0x4  }
0x336: {  	v40 =	vadd.f32 v41, v40;
	_ =	sdelay $0x1  }
0x337: {  	[tilespmem:s3+$0x8030] =	vst v40;
	v40 =	vld [tilespmem:s3+$0x8040]  }
0x338: {  	v41 =	vld [tilespmem:s17+$0xC40];
	_ =	sdelay $0x4  }
0x339: {  	v40 =	vadd.f32 v41, v40;
	_ =	sdelay $0x1  }
0x33a: {  	[tilespmem:s3+$0x8040] =	vst v40;
	v40 =	vld [tilespmem:s3+$0x8050]  }
0x33b: {  	v41 =	vld [tilespmem:s17+$0xC50];
	_ =	sdelay $0x4  }
0x33c: {  	v40 =	vadd.f32 v41, v40;
	_ =	sdelay $0x1  }
0x33d: {  	[tilespmem:s3+$0x8050] =	vst v40;
	v40 =	vld [tilespmem:s3+$0x8060]  }
0x33e: {  	v41 =	vld [tilespmem:s17+$0xC60];
	_ =	sdelay $0x4  }
0x33f: {  	v40 =	vadd.f32 v41, v40;
	_ =	sdelay $0x1  }
0x340: {  	[tilespmem:s3+$0x8060] =	vst v40;
	v40 =	vld [tilespmem:s3+$0x8070]  }
0x341: {  	v41 =	vld [tilespmem:s17+$0xC70]  }
.Ltmp14:
0x342: {  	(pc) =	sbr.rel @p0 .LBB2_19-.Ltmp14, $4  }
0x343: {  	_ = 	snop  }
0x344: {  	s5 =	sadd.s32 $0x80, s5  }
0x345: {  	s1 =	sshll.u32 s6, $0xA;
	s17 =	sand.u32 $0x380, s5  }
0x346: {  	s30 =	sshll.u32 s6, $0x9;
	s6 =	sadd.s32 $0x1, s6;
	s29 =	sand.u32 $0x3FFFE000, s1;
	v40 =	vadd.f32 v41, v40  }
0x347: {  	s5 =	sor.u32 s17, s29;
	s1 =	sand.u32 $0x3FFFF000, s30  }
0x348: {  	s1 =	sor.u32 s17, s1;
	[tilespmem:s3+$0x8070] =	vst v40;
	v57 =	vld [tilespmem:s5+$0x7400]  }
0x349: {  	v41 =	vld [tilespmem:s1+$0x16400];
	_ =	sdelay $0x4  }
0x34a: {  	v40 =	vadd.f32 v41, v57;
	_ =	sdelay $0x1  }
0x34b: {  	v58 =	vld [tilespmem:s5+$0x7410];
	s16 =	sadd.s32 $0x16400, s1;
	[tilespmem:s5+$0x7400] =	vst v40  }
0x34c: {  	v59 =	vld [tilespmem:s16+$0x10];
	_ =	sdelay $0x4  }
0x34d: {  	v40 =	vadd.f32 v59, v58;
	_ =	sdelay $0x1  }
0x34e: {  	v60 =	vld [tilespmem:s5+$0x7420];
	[tilespmem:s5+$0x7410] =	vst v40  }
0x34f: {  	v61 =	vld [tilespmem:s16+$0x20];
	_ =	sdelay $0x4  }
0x350: {  	v40 =	vadd.f32 v61, v60;
	_ =	sdelay $0x1  }
0x351: {  	v62 =	vld [tilespmem:s5+$0x7430];
	[tilespmem:s5+$0x7420] =	vst v40  }
0x352: {  	v63 =	vld [tilespmem:s16+$0x30];
	_ =	sdelay $0x4  }
0x353: {  	v40 =	vadd.f32 v63, v62;
	_ =	sdelay $0x1  }
0x354: {  	v44 =	vld [tilespmem:s5+$0x7440];
	[tilespmem:s5+$0x7430] =	vst v40  }
0x355: {  	v45 =	vld [tilespmem:s16+$0x40];
	_ =	sdelay $0x4  }
0x356: {  	v40 =	vadd.f32 v45, v44;
	_ =	sdelay $0x1  }
0x357: {  	v46 =	vld [tilespmem:s5+$0x7450];
	[tilespmem:s5+$0x7440] =	vst v40  }
0x358: {  	v47 =	vld [tilespmem:s16+$0x50];
	_ =	sdelay $0x4  }
0x359: {  	v40 =	vadd.f32 v47, v46;
	_ =	sdelay $0x1  }
0x35a: {  	v48 =	vld [tilespmem:s5+$0x7460];
	[tilespmem:s5+$0x7450] =	vst v40  }
0x35b: {  	v49 =	vld [tilespmem:s16+$0x60];
	_ =	sdelay $0x4  }
0x35c: {  	v40 =	vadd.f32 v49, v48;
	_ =	sdelay $0x1  }
0x35d: {  	v50 =	vld [tilespmem:s5+$0x7470];
	[tilespmem:s5+$0x7460] =	vst v40  }
0x35e: {  	v51 =	vld [tilespmem:s16+$0x70];
	_ =	sdelay $0x4  }
0x35f: {  	v40 =	vadd.f32 v51, v50;
	_ =	sdelay $0x1  }
0x360: {  	v52 =	vld [tilespmem:s5+$0x7800];
	[tilespmem:s5+$0x7470] =	vst v40  }
0x361: {  	v53 =	vld [tilespmem:s16+$0x400];
	_ =	sdelay $0x4  }
0x362: {  	v40 =	vadd.f32 v53, v52;
	_ =	sdelay $0x1  }
0x363: {  	v54 =	vld [tilespmem:s5+$0x7810];
	[tilespmem:s5+$0x7800] =	vst v40  }
0x364: {  	v55 =	vld [tilespmem:s16+$0x410];
	_ =	sdelay $0x4  }
0x365: {  	v40 =	vadd.f32 v55, v54;
	_ =	sdelay $0x1  }
0x366: {  	v56 =	vld [tilespmem:s5+$0x7820];
	[tilespmem:s5+$0x7810] =	vst v40  }
0x367: {  	v57 =	vld [tilespmem:s16+$0x420];
	_ =	sdelay $0x4  }
0x368: {  	v40 =	vadd.f32 v57, v56;
	_ =	sdelay $0x1  }
0x369: {  	v58 =	vld [tilespmem:s5+$0x7830];
	[tilespmem:s5+$0x7820] =	vst v40  }
0x36a: {  	v59 =	vld [tilespmem:s16+$0x430];
	_ =	sdelay $0x4  }
0x36b: {  	v40 =	vadd.f32 v59, v58;
	_ =	sdelay $0x1  }
0x36c: {  	v60 =	vld [tilespmem:s5+$0x7840];
	[tilespmem:s5+$0x7830] =	vst v40  }
0x36d: {  	v61 =	vld [tilespmem:s16+$0x440];
	_ =	sdelay $0x4  }
0x36e: {  	v40 =	vadd.f32 v61, v60;
	_ =	sdelay $0x1  }
0x36f: {  	v62 =	vld [tilespmem:s5+$0x7850];
	[tilespmem:s5+$0x7840] =	vst v40  }
0x370: {  	v63 =	vld [tilespmem:s16+$0x450];
	_ =	sdelay $0x4  }
0x371: {  	v40 =	vadd.f32 v63, v62;
	_ =	sdelay $0x1  }
0x372: {  	v44 =	vld [tilespmem:s5+$0x7860];
	[tilespmem:s5+$0x7850] =	vst v40  }
0x373: {  	v45 =	vld [tilespmem:s16+$0x460];
	_ =	sdelay $0x4  }
0x374: {  	v40 =	vadd.f32 v45, v44;
	_ =	sdelay $0x1  }
0x375: {  	v46 =	vld [tilespmem:s5+$0x7870];
	[tilespmem:s5+$0x7860] =	vst v40  }
0x376: {  	v47 =	vld [tilespmem:s16+$0x470];
	_ =	sdelay $0x4  }
0x377: {  	v40 =	vadd.f32 v47, v46;
	_ =	sdelay $0x1  }
0x378: {  	v48 =	vld [tilespmem:s5+$0x7C00];
	[tilespmem:s5+$0x7870] =	vst v40  }
0x379: {  	v49 =	vld [tilespmem:s16+$0x800];
	_ =	sdelay $0x4  }
0x37a: {  	v40 =	vadd.f32 v49, v48;
	_ =	sdelay $0x1  }
0x37b: {  	v50 =	vld [tilespmem:s5+$0x7C10];
	[tilespmem:s5+$0x7C00] =	vst v40  }
0x37c: {  	v51 =	vld [tilespmem:s16+$0x810];
	_ =	sdelay $0x4  }
0x37d: {  	v40 =	vadd.f32 v51, v50;
	_ =	sdelay $0x1  }
0x37e: {  	v52 =	vld [tilespmem:s5+$0x7C20];
	[tilespmem:s5+$0x7C10] =	vst v40  }
0x37f: {  	v53 =	vld [tilespmem:s16+$0x820];
	_ =	sdelay $0x4  }
0x380: {  	v40 =	vadd.f32 v53, v52;
	_ =	sdelay $0x1  }
0x381: {  	v54 =	vld [tilespmem:s5+$0x7C30];
	[tilespmem:s5+$0x7C20] =	vst v40  }
0x382: {  	v55 =	vld [tilespmem:s16+$0x830];
	_ =	sdelay $0x4  }
0x383: {  	v40 =	vadd.f32 v55, v54;
	_ =	sdelay $0x1  }
0x384: {  	v56 =	vld [tilespmem:s5+$0x7C40];
	[tilespmem:s5+$0x7C30] =	vst v40  }
0x385: {  	v57 =	vld [tilespmem:s16+$0x840];
	_ =	sdelay $0x4  }
0x386: {  	v40 =	vadd.f32 v57, v56;
	_ =	sdelay $0x1  }
0x387: {  	v58 =	vld [tilespmem:s5+$0x7C50];
	[tilespmem:s5+$0x7C40] =	vst v40  }
0x388: {  	v59 =	vld [tilespmem:s16+$0x850];
	_ =	sdelay $0x4  }
0x389: {  	v40 =	vadd.f32 v59, v58;
	_ =	sdelay $0x1  }
0x38a: {  	v60 =	vld [tilespmem:s5+$0x7C60];
	[tilespmem:s5+$0x7C50] =	vst v40  }
0x38b: {  	v61 =	vld [tilespmem:s16+$0x860];
	_ =	sdelay $0x4  }
0x38c: {  	v40 =	vadd.f32 v61, v60;
	_ =	sdelay $0x1  }
0x38d: {  	v62 =	vld [tilespmem:s5+$0x7C70];
	[tilespmem:s5+$0x7C60] =	vst v40  }
0x38e: {  	v63 =	vld [tilespmem:s16+$0x870];
	_ =	sdelay $0x4  }
0x38f: {  	v40 =	vadd.f32 v63, v62;
	_ =	sdelay $0x1  }
0x390: {  	v44 =	vld [tilespmem:s5+$0x8000];
	[tilespmem:s5+$0x7C70] =	vst v40  }
0x391: {  	v45 =	vld [tilespmem:s16+$0xC00];
	_ =	sdelay $0x4  }
0x392: {  	v40 =	vadd.f32 v45, v44;
	_ =	sdelay $0x1  }
0x393: {  	v46 =	vld [tilespmem:s5+$0x8010];
	[tilespmem:s5+$0x8000] =	vst v40  }
0x394: {  	v47 =	vld [tilespmem:s16+$0xC10];
	_ =	sdelay $0x4  }
0x395: {  	v40 =	vadd.f32 v47, v46;
	_ =	sdelay $0x1  }
0x396: {  	v48 =	vld [tilespmem:s5+$0x8020];
	[tilespmem:s5+$0x8010] =	vst v40  }
0x397: {  	v49 =	vld [tilespmem:s16+$0xC20];
	_ =	sdelay $0x4  }
0x398: {  	v40 =	vadd.f32 v49, v48;
	_ =	sdelay $0x1  }
0x399: {  	v50 =	vld [tilespmem:s5+$0x8030];
	[tilespmem:s5+$0x8020] =	vst v40  }
0x39a: {  	v51 =	vld [tilespmem:s16+$0xC30];
	_ =	sdelay $0x4  }
0x39b: {  	v40 =	vadd.f32 v51, v50;
	_ =	sdelay $0x1  }
0x39c: {  	v52 =	vld [tilespmem:s5+$0x8040];
	[tilespmem:s5+$0x8030] =	vst v40  }
0x39d: {  	v53 =	vld [tilespmem:s16+$0xC40];
	_ =	sdelay $0x4  }
0x39e: {  	v40 =	vadd.f32 v53, v52;
	_ =	sdelay $0x1  }
0x39f: {  	v54 =	vld [tilespmem:s5+$0x8050];
	[tilespmem:s5+$0x8040] =	vst v40  }
0x3a0: {  	v55 =	vld [tilespmem:s16+$0xC50];
	_ =	sdelay $0x4  }
0x3a1: {  	v40 =	vadd.f32 v55, v54;
	_ =	sdelay $0x1  }
0x3a2: {  	v56 =	vld [tilespmem:s5+$0x8060];
	[tilespmem:s5+$0x8050] =	vst v40  }
0x3a3: {  	v57 =	vld [tilespmem:s16+$0xC60];
	_ =	sdelay $0x4  }
0x3a4: {  	v40 =	vadd.f32 v57, v56;
	_ =	sdelay $0x1  }
0x3a5: {  	v58 =	vld [tilespmem:s5+$0x8070];
	[tilespmem:s5+$0x8060] =	vst v40  }
0x3a6: {  	v59 =	vld [tilespmem:s16+$0xC70];
	_ =	sdelay $0x4  }
0x3a7: {  	s26 =	rddreg [dreg:$0x11];
	v40 =	vadd.f32 v59, v58  }
0x3a8: {  	s17 =	sshll.u32 s26, $0x9  }
0x3a9: {  	s1 =	sshra.s32 s17, $0x2;
	[tilespmem:s5+$0x8070] =	vst v40  }
0x3aa: {  	v40 =	vld [tilespmem:s1+$0x5400];
	_ =	sdelay $0x4  }
0x3ab: {  	v60 =	vshll.u32 v40, $0x3  }
0x3ac: {  	v40 =	vand.u32 $0x7, v40;
	v41 =	vand.u32 $0xFFFFFFC0, v60  }
0x3ad: {  	v40 =	vor.u32 v40, v41  }
0x3ae: {  	v41 =	vperm.xlane v40, v37;
	_ =	sdelay $0x1  }
0x3af: {  	v41 =	vadd.s32 v38, v41;
	_ =	sdelay $0x3  }
0x3b0: {  	s0 =	simm.s32 $0x6400;
	s3 =	rddreg [dreg:$0x5];
	s16 =	simm.s32 $0x0  }
0x3b1: {  	[hbm4b:s3+s16] =	stream.indirect_vreg.scatter [tilespmem:s0], [sflag:$0x2], $0x80, v41, vm0, $0xb8;
	[tilespmem:$0x1E400] =	vst v63  }
0x3b2: {  	s12 =	rddreg [dreg:$0xc];
	s5 =	simm.s32 $0x6C00;
	v40 =	vperm.xlane v40, v39  }
0x3b3: {  	[hbm4b:s12+s16] =	stream.indirect_vreg.scatter [tilespmem:s5], [sflag:$0x2], $0x80, v41, vm0, $0xb8;
	[tilespmem:$0x1E400] =	vst v63  }
0x3b4: {  	s11 =	rddreg [dreg:$0xd];
	v40 =	vadd.s32 v38, v40  }
0x3b5: {  	[hbm4b:s11+s16] =	stream.indirect_vreg.scatter [tilespmem:s4], [sflag:$0x2], $0x80, v41, vm0, $0xb8;
	[tilespmem:$0x1E400] =	vst v63  }
0x3b6: {  	s13 =	rddreg [dreg:$0xe]  }
0x3b7: {  	[hbm4b:s13+s16] =	stream.indirect_vreg.scatter [tilespmem:s7], [sflag:$0x2], $0x80, v41, vm0, $0xb8;
	[tilespmem:$0x1E400] =	vst v63  }
0x3b8: {  	s6 =	simm.s32 $0x8400  }
0x3b9: {  	[hbm4b:s3+s16] =	stream.indirect_vreg.scatter [tilespmem:s6], [sflag:$0x2], $0x80, v40, vm0, $0xb8;
	[tilespmem:$0x1E400] =	vst v63  }
0x3ba: {  	s17 =	simm.s32 $0x8C00  }
0x3bb: {  	[hbm4b:s12+s16] =	stream.indirect_vreg.scatter [tilespmem:s17], [sflag:$0x2], $0x80, v40, vm0, $0xb8;
	[tilespmem:$0x1E400] =	vst v63  }
0x3bc: {  	_ = 	snop  }
0x3bd: {  	[hbm4b:s11+s16] =	stream.indirect_vreg.scatter [tilespmem:s8], [sflag:$0x2], $0x80, v40, vm0, $0xb8;
	[tilespmem:$0x1E400] =	vst v63  }
0x3be: {  	_ = 	snop  }
0x3bf: {  	[hbm4b:s13+s16] =	stream.indirect_vreg.scatter [tilespmem:s10], [sflag:$0x2], $0x80, v40, vm0, $0xb8;
	[tilespmem:$0x1E400] =	vst v63  }
0x3c0: {  	v40 =	vld [tilespmem:s1+$0x5410];
	_ =	sdelay $0x4  }
0x3c1: {  	v61 =	vshll.u32 v40, $0x3  }
0x3c2: {  	v40 =	vand.u32 $0x7, v40;
	v41 =	vand.u32 $0xFFFFFFC0, v61  }
0x3c3: {  	v40 =	vor.u32 v40, v41  }
0x3c4: {  	v41 =	vperm.xlane v40, v37;
	_ =	sdelay $0x1  }
0x3c5: {  	v41 =	vadd.s32 v38, v41;
	_ =	sdelay $0x3  }
0x3c6: {  	s29 =	simm.s32 $0xA400  }
0x3c7: {  	[hbm4b:s3+s16] =	stream.indirect_vreg.scatter [tilespmem:s29], [sflag:$0x2], $0x80, v41, vm0, $0xb8;
	[tilespmem:$0x1E400] =	vst v63  }
0x3c8: {  	s30 =	simm.s32 $0xAC00;
	v40 =	vperm.xlane v40, v39  }
0x3c9: {  	[hbm4b:s12+s16] =	stream.indirect_vreg.scatter [tilespmem:s30], [sflag:$0x2], $0x80, v41, vm0, $0xb8;
	[tilespmem:$0x1E400] =	vst v63  }
0x3ca: {  	v40 =	vadd.s32 v38, v40  }
0x3cb: {  	[hbm4b:s11+s16] =	stream.indirect_vreg.scatter [tilespmem:s22], [sflag:$0x2], $0x80, v41, vm0, $0xb8;
	[tilespmem:$0x1E400] =	vst v63  }
0x3cc: {  	_ = 	snop  }
0x3cd: {  	[hbm4b:s13+s16] =	stream.indirect_vreg.scatter [tilespmem:s18], [sflag:$0x2], $0x80, v41, vm0, $0xb8;
	[tilespmem:$0x1E400] =	vst v63  }
0x3ce: {  	s7 =	simm.s32 $0xC400  }
0x3cf: {  	[hbm4b:s3+s16] =	stream.indirect_vreg.scatter [tilespmem:s7], [sflag:$0x2], $0x80, v40, vm0, $0xb8;
	[tilespmem:$0x1E400] =	vst v63  }
0x3d0: {  	s31 =	simm.s32 $0xCC00  }
0x3d1: {  	[hbm4b:s12+s16] =	stream.indirect_vreg.scatter [tilespmem:s31], [sflag:$0x2], $0x80, v40, vm0, $0xb8;
	[tilespmem:$0x1E400] =	vst v63  }
0x3d2: {  	_ = 	snop  }
0x3d3: {  	[hbm4b:s11+s16] =	stream.indirect_vreg.scatter [tilespmem:s14], [sflag:$0x2], $0x80, v40, vm0, $0xb8;
	[tilespmem:$0x1E400] =	vst v63  }
0x3d4: {  	_ = 	snop  }
0x3d5: {  	[hbm4b:s13+s16] =	stream.indirect_vreg.scatter [tilespmem:s15], [sflag:$0x2], $0x80, v40, vm0, $0xb8;
	[tilespmem:$0x1E400] =	vst v63  }
0x3d6: {  	v40 =	vld [tilespmem:s1+$0x5420];
	_ =	sdelay $0x4  }
0x3d7: {  	v62 =	vshll.u32 v40, $0x3  }
0x3d8: {  	v40 =	vand.u32 $0x7, v40;
	v41 =	vand.u32 $0xFFFFFFC0, v62  }
0x3d9: {  	v40 =	vor.u32 v40, v41  }
0x3da: {  	v41 =	vperm.xlane v40, v37;
	_ =	sdelay $0x1  }
0x3db: {  	v41 =	vadd.s32 v38, v41;
	_ =	sdelay $0x3  }
0x3dc: {  	s2 =	simm.s32 $0xE400  }
0x3dd: {  	[hbm4b:s3+s16] =	stream.indirect_vreg.scatter [tilespmem:s2], [sflag:$0x2], $0x80, v41, vm0, $0xb8;
	[tilespmem:$0x1E400] =	vst v63  }
0x3de: {  	s4 =	simm.s32 $0xEC00;
	v40 =	vperm.xlane v40, v39  }
0x3df: {  	[hbm4b:s12+s16] =	stream.indirect_vreg.scatter [tilespmem:s4], [sflag:$0x2], $0x80, v41, vm0, $0xb8;
	[tilespmem:$0x1E400] =	vst v63  }
0x3e0: {  	v40 =	vadd.s32 v38, v40  }
0x3e1: {  	[hbm4b:s11+s16] =	stream.indirect_vreg.scatter [tilespmem:s9], [sflag:$0x2], $0x80, v41, vm0, $0xb8;
	[tilespmem:$0x1E400] =	vst v63  }
0x3e2: {  	_ = 	snop  }
0x3e3: {  	[hbm4b:s13+s16] =	stream.indirect_vreg.scatter [tilespmem:s25], [sflag:$0x2], $0x80, v41, vm0, $0xb8;
	[tilespmem:$0x1E400] =	vst v63  }
0x3e4: {  	s8 =	simm.s32 $0x10400  }
0x3e5: {  	[hbm4b:s3+s16] =	stream.indirect_vreg.scatter [tilespmem:s8], [sflag:$0x2], $0x80, v40, vm0, $0xb8;
	[tilespmem:$0x1E400] =	vst v63  }
0x3e6: {  	s22 =	simm.s32 $0x10C00  }
0x3e7: {  	[hbm4b:s12+s16] =	stream.indirect_vreg.scatter [tilespmem:s22], [sflag:$0x2], $0x80, v40, vm0, $0xb8;
	[tilespmem:$0x1E400] =	vst v63  }
0x3e8: {  	_ = 	snop  }
0x3e9: {  	[hbm4b:s11+s16] =	stream.indirect_vreg.scatter [tilespmem:s28], [sflag:$0x2], $0x80, v40, vm0, $0xb8;
	[tilespmem:$0x1E400] =	vst v63  }
0x3ea: {  	s25 =	simm.s32 $0x11C00  }
0x3eb: {  	[hbm4b:s13+s16] =	stream.indirect_vreg.scatter [tilespmem:s25], [sflag:$0x2], $0x80, v40, vm0, $0xb8;
	[tilespmem:$0x1E400] =	vst v63  }
0x3ec: {  	v40 =	vld [tilespmem:s1+$0x5430];
	_ =	sdelay $0x4  }
0x3ed: {  	v63 =	vshll.u32 v40, $0x3  }
0x3ee: {  	v40 =	vand.u32 $0x7, v40;
	v41 =	vand.u32 $0xFFFFFFC0, v63  }
0x3ef: {  	v40 =	vor.u32 v40, v41  }
0x3f0: {  	v41 =	vperm.xlane v40, v37;
	_ =	sdelay $0x1  }
0x3f1: {  	v41 =	vadd.s32 v38, v41;
	_ =	sdelay $0x3  }
0x3f2: {  	s18 =	simm.s32 $0x12400  }
0x3f3: {  	[hbm4b:s3+s16] =	stream.indirect_vreg.scatter [tilespmem:s18], [sflag:$0x2], $0x80, v41, vm0, $0xb8;
	[tilespmem:$0x1E400] =	vst v63  }
0x3f4: {  	s10 =	simm.s32 $0x12C00;
	v40 =	vperm.xlane v40, v39  }
0x3f5: {  	[hbm4b:s12+s16] =	stream.indirect_vreg.scatter [tilespmem:s10], [sflag:$0x2], $0x80, v41, vm0, $0xb8;
	[tilespmem:$0x1E400] =	vst v63  }
0x3f6: {  	s0 =	simm.s32 $0x13400;
	v40 =	vadd.s32 v38, v40  }
0x3f7: {  	[hbm4b:s11+s16] =	stream.indirect_vreg.scatter [tilespmem:s0], [sflag:$0x2], $0x80, v41, vm0, $0xb8;
	[tilespmem:$0x1E400] =	vst v63  }
0x3f8: {  	s28 =	simm.s32 $0x13C00  }
0x3f9: {  	[hbm4b:s13+s16] =	stream.indirect_vreg.scatter [tilespmem:s28], [sflag:$0x2], $0x80, v41, vm0, $0xb8;
	[tilespmem:$0x1E400] =	vst v63  }
0x3fa: {  	s1 =	simm.s32 $0x14400  }
0x3fb: {  	[hbm4b:s3+s16] =	stream.indirect_vreg.scatter [tilespmem:s1], [sflag:$0x2], $0x80, v40, vm0, $0xb8;
	[tilespmem:$0x1E400] =	vst v63  }
0x3fc: {  	s3 =	simm.s32 $0x14C00  }
0x3fd: {  	[hbm4b:s12+s16] =	stream.indirect_vreg.scatter [tilespmem:s3], [sflag:$0x2], $0x80, v40, vm0, $0xb8;
	[tilespmem:$0x1E400] =	vst v63  }
0x3fe: {  	s3 =	simm.s32 $0x15400  }
0x3ff: {  	[hbm4b:s11+s16] =	stream.indirect_vreg.scatter [tilespmem:s3], [sflag:$0x2], $0x80, v40, vm0, $0xb8;
	[tilespmem:$0x1E400] =	vst v63  }
0x400: {  	s12 =	simm.s32 $0x15C00  }
0x401: {  	[hbm4b:s13+s16] =	stream.indirect_vreg.scatter [tilespmem:s12], [sflag:$0x2], $0x80, v40, vm0, $0xb8;
	[tilespmem:$0x1E400] =	vst v63  }
0x402: {  	s13 =	simm.s32 $0x2  }
0x403: {  	_ =	swait.ge [sflag:s13], $0x10000  }
0x404: {  	s26 =	sadd.s32 $0x1, s26;
	s16 =	rddreg [dreg:$0x10]  }
0x405: {  	p0 =	sne.s32 s26, s16  }
.Ltmp15:
0x406: {  	_ = 	snop;
	(pc) =	sbr.rel @p0 .LBB2_18-.Ltmp15, $4  }
.Ltmp16:
0x407: {  	_ = 	snop;
	(pc) =	sbr.rel @!p0 .LBB2_21-.Ltmp16, $4  }
0x408: {  	s14 =	simm.s32 $0xBC00  }
0x409: {  	s15 =	simm.s32 $0xD400;
	s9 =	simm.s32 $0xDC00;
	[sflag:s13] =	ssyncset.done $0x0  }
0x40a: {  	s25 =	simm.s32 $0xF400;
	s11 =	simm.s32 $0x6400;
	[sflag:s13] =	ssyncadd.s32 $0xFFFF0000  }
0x40b: {  	_ = 	snop  }
.LBB2_22:
0x40c: {  	_ =	sfence.sel $0x180000  }
0x40d: {  	[bflag:$0x0] =	sbarrier.arrive $0xFFFF  }
0x40e: {  	_ =	strace $0x90000047  }
0x40f: {  	s0 =	stileid.u32;
	[bflag:$0x2] =	sbarrier.arrive $0xFFFF  }
0x410: {  	p0 =	sne.s32 s0, $0x0;
	s0 =	rddreg [dreg:$0x6]  }
0x411: {  	s0 =	sadd.s32 @!p0 $0x100000, s0  }
0x412: {  	[sflag:s0] =	ssyncadd.tile.s32 @!p0 $0x1;
	_ =	shalt  }
.Lfunc_end2:
_tile_overlayer_lowered:
.L_overlay_start_2:
0x413: {  	(tag) =	ssettag $0x2  }
0x414: {  	s0 =	rddreg [dreg:$0x0];
	s2 =	stileid.u32  }
0x415: {  	s1 =	rddreg [dreg:$0x1];
	p0 =	sne.s32 s2, $0x0  }
0x416: {  	s3 =	rddreg [dreg:$0x2];
	[bflag:$0x3] =	sbarrier.arrive $0xFFFF;
	s2 =	simm.s32 @!p0 $0x1C03  }
0x417: {  	[timem:s3], [sflag:s2] =	dma.local @!p0 [hbm:s0], s1  }
0x418: {  	s0 =	simm.s32 @!p0 $0x3  }
0x419: {  	_ =	swait.ge @!p0 [sflag:s0], s1  }
0x41a: {  	s1 =	ssub.s32 @!p0 $0x0, s1;
	[sflag:s0] =	ssyncset.done @!p0 $0x0  }
0x41b: {  	[sflag:s0] =	ssyncadd.s32 @!p0 s1  }
0x41c: {  	[bflag:$0x3] =	sbarrier.arrive $0xFFFF  }
0x41d: {  	_ =	shalt  }

</sc_bundles>
